<compile_context>
chip_gen: v7x
topology: tpu7x:2x2x1
jax: 0.10.2.dev20260603
libtpu: 0.0.44.dev20260713+nightly
codegen_flags: <defaults>
</compile_context>

<pallas_src>
import functools

import jax
import jax.numpy as jnp
from jax import lax
from jax.experimental import pallas as pl
from jax.experimental.pallas import tpu as pltpu
from jax.experimental.pallas import tpu_sc as plsc

N_NODES = 10000
NP = 10240
N_EDGES = 320000
D = 128
NC, NS = 2, 16
NW = NC * NS
C = 128
EPT = 10240
K = EPT // C
KH = K // 2
CE = 80
XK = N_NODES // CE
XPER = -(-XK // NW)
RN = NP // NS
REP = 256

_mesh = plsc.VectorSubcoreMesh(core_axis_name="c", subcore_axis_name="s")


@functools.partial(
    pl.kernel,
    out_type=jax.ShapeDtypeStruct((NC, NP, D), jnp.float32),
    mesh=_mesh,
    scratch_types=[
        pltpu.VMEM((KH, C), jnp.int32),
        pltpu.VMEM((KH, C), jnp.int32),
        pltpu.VMEM((C, D), jnp.float32),
        pltpu.VMEM((C, D), jnp.float32),
        pltpu.VMEM_SHARED((NP, D), jnp.float32),
        pltpu.SemaphoreType.DMA,
        pltpu.SemaphoreType.DMA,
    ],
)
def _sc_scatter(table_hbm, init_hbm, z_hbm, rows_hbm, cols_hbm, out_hbm,
                row_v, col_v, msg0_v, msg1_v, acc, sem0, sem1):
    c = lax.axis_index("c")
    s = lax.axis_index("s")
    wid = s * NC + c

    @pl.when(c == 0)
    def _():
        pltpu.sync_copy(init_hbm.at[pl.ds(s * RN, RN)], acc.at[pl.ds(s * RN, RN)])

    @pl.when(c == 1)
    def _():
        pltpu.sync_copy(z_hbm.at[pl.ds(s * RN, RN)], acc.at[pl.ds(s * RN, RN)])

    plsc.subcore_barrier()

    for hh in range(2):
        pltpu.sync_copy(rows_hbm.at[wid, hh], row_v)
        pltpu.sync_copy(cols_hbm.at[wid, hh], col_v)
        pltpu.async_copy(table_hbm.at[row_v.at[0]], msg0_v, sem0)

        @pl.loop(0, KH, step=2)
        def _(j):
            pltpu.make_async_copy(table_hbm.at[row_v.at[j]], msg0_v, sem0).wait()
            pltpu.async_copy(table_hbm.at[row_v.at[j + 1]], msg1_v, sem1)
            pltpu.sync_copy(msg0_v, acc.at[col_v.at[j]], add=True)
            pltpu.make_async_copy(table_hbm.at[row_v.at[j + 1]], msg1_v, sem1).wait()

            @pl.when(j + 2 < KH)
            def _():
                pltpu.async_copy(table_hbm.at[row_v.at[j + 2]], msg0_v, sem0)

            pltpu.sync_copy(msg1_v, acc.at[col_v.at[j + 1]], add=True)

    plsc.subcore_barrier()
    pltpu.sync_copy(acc.at[pl.ds(s * RN, RN)], out_hbm.at[c, pl.ds(s * RN, RN)])


@functools.partial(
    pl.kernel,
    out_type=jax.ShapeDtypeStruct((NP, D), jnp.float32),
    mesh=_mesh,
    scratch_types=[
        pltpu.VMEM((1, CE), jnp.int32),
        pltpu.VMEM((CE, D), jnp.float32),
        pltpu.SemaphoreType.DMA,
    ],
)
def _sc_embed(cx_hbm, xtab_hbm, h0_out, xidx_v, xrow_v, sem):
    c = lax.axis_index("c")
    s = lax.axis_index("s")
    wid = s * NC + c
    lo = wid * XPER
    hi = jnp.minimum(lo + XPER, XK)

    @pl.loop(lo, hi)
    def _(j):
        pltpu.sync_copy(cx_hbm.at[j], xidx_v)
        pltpu.async_copy(xtab_hbm.at[xidx_v.at[0]], xrow_v, sem).wait()
        pltpu.sync_copy(xrow_v, h0_out.at[pl.ds(j * CE, CE)])


def _mlp_layer(S, cnt, ec, w1l, b1l, w2l, b2l, relu_out, first):
    R = 1024
    grid = (NP // R,)

    def body(s_ref, c_ref, ec_ref, w1_ref, b1_ref, w2_ref, b2_ref, *o_refs):
        agg = s_ref[0] + s_ref[1]
        if first:
            cb = c_ref[0] + c_ref[1]
            o_refs[1][...] = cb
        else:
            cb = c_ref[...]
        agg = agg + jnp.dot(cb, ec_ref[...], preferred_element_type=jnp.float32)
        hmid = jnp.dot(agg, w1_ref[...], preferred_element_type=jnp.float32)
        hmid = jnp.maximum(hmid + b1_ref[...], 0.0)
        out = jnp.dot(hmid, w2_ref[...], preferred_element_type=jnp.float32)
        out = out + b2_ref[...]
        if relu_out:
            out = jnp.maximum(out, 0.0)
        o_refs[0][...] = out

    cnt_spec = (pl.BlockSpec((NC, R, D), lambda i: (0, i, 0)) if first
                else pl.BlockSpec((R, D), lambda i: (i, 0)))
    out_specs = pl.BlockSpec((R, D), lambda i: (i, 0))
    out_shape = jax.ShapeDtypeStruct((NP, D), jnp.float32)
    if first:
        out_specs = [out_specs, pl.BlockSpec((R, D), lambda i: (i, 0))]
        out_shape = [out_shape, jax.ShapeDtypeStruct((NP, D), jnp.float32)]
    return pl.pallas_call(
        body,
        grid=grid,
        in_specs=[
            pl.BlockSpec((NC, R, D), lambda i: (0, i, 0)),
            cnt_spec,
            pl.BlockSpec((D, D), lambda i: (0, 0)),
            pl.BlockSpec((D, 2 * D), lambda i: (0, 0)),
            pl.BlockSpec((1, 2 * D), lambda i: (0, 0)),
            pl.BlockSpec((2 * D, D), lambda i: (0, 0)),
            pl.BlockSpec((1, D), lambda i: (0, 0)),
        ],
        out_specs=out_specs,
        out_shape=out_shape,
    )(S, cnt, ec, w1l, b1l.reshape(1, 2 * D), w2l, b2l.reshape(1, D))


def kernel(x, edge_index, edge_attr, xemb1, xemb2, eemb1, eemb2, w1, b1, w2, b2):
    npad = EPT - N_EDGES // NW
    ar = jnp.arange(npad, dtype=jnp.int32)
    drow = jnp.broadcast_to(ar % N_NODES, (NW, npad))
    dcol = jnp.broadcast_to(N_NODES + ar, (NW, npad))
    dcomb = jnp.broadcast_to((ar % REP) * 24, (NW, npad))

    def _pad(a, d):
        return jnp.concatenate([a.reshape(NW, N_EDGES // NW), d],
                               axis=1).reshape(NW, 2, KH, C)

    row = _pad(edge_index[0], drow)
    col = _pad(edge_index[1], dcol)
    rep = jnp.arange(N_EDGES, dtype=jnp.int32) % REP
    comb = _pad(edge_attr[:, 0] * 3 + edge_attr[:, 1] + 24 * rep, dcomb)
    cx = (x[:, 0] * 3 + x[:, 1]).reshape(XK, 1, CE)

    xtab = (xemb1[:, None, :] + xemb2[None, :, :]).reshape(-1, D)
    onehot = jnp.tile(jnp.eye(24, D, dtype=jnp.float32), (REP, 1))
    selfloop = jnp.zeros((NP, D), jnp.float32).at[:, 12].set(1.0)
    z128 = jnp.zeros((NP, D), jnp.float32)
    ec = (eemb1[:, :, None, :] + eemb2[:, None, :, :]).reshape(5, 18, D)
    ecp = jnp.zeros((5, D, D), jnp.float32).at[:, :18].set(ec)

    h = _sc_embed(cx, xtab)
    cnt = _sc_scatter(onehot, selfloop, z128, comb, col)
    nl = w1.shape[0]
    for l in range(nl):
        S = _sc_scatter(h, h, z128, row, col)
        if l == 0:
            h, cnt = _mlp_layer(S, cnt, ecp[l], w1[l], b1[l], w2[l], b2[l],
                                True, True)
        else:
            h = _mlp_layer(S, cnt, ecp[l], w1[l], b1[l], w2[l], b2[l],
                           l < nl - 1, False)
    return h[:N_NODES]

# --- scband reference (transcript-rebuilt; emitter-appended) ---
"""Pipeline reference for scband-gnn-79482664780161 (READ-ONLY COPY).

The authoritative reference and input builder live on the scoring server;
editing this copy changes nothing except your own understanding.
"""

import jax, jax.numpy as jnp
import numpy as np

NUM_LAYER = 5
EMB_DIM = 128
N_NODES = 10000
N_EDGES = 320000
NUM_BOND_TYPE = 6
NUM_BOND_DIRECTION = 3
NUM_ATOM_TYPE = 120
NUM_CHIRALITY_TAG = 3


def setup_inputs(seed: int = 0):
    key = jax.random.key(seed)
    ks = jax.random.split(key, 11)
    x = jax.random.randint(ks[0], (N_NODES, 2), 0, 3)
    edge_index = jax.random.randint(ks[1], (2, N_EDGES), 0, N_NODES)
    edge_attr = jax.random.randint(ks[2], (N_EDGES, 2), 0, 3)
    s = 0.1
    xemb1 = jax.random.normal(ks[3], (NUM_ATOM_TYPE, EMB_DIM), dtype=jnp.float32) * s
    xemb2 = jax.random.normal(ks[4], (NUM_CHIRALITY_TAG, EMB_DIM), dtype=jnp.float32) * s
    eemb1 = jax.random.normal(ks[5], (NUM_LAYER, NUM_BOND_TYPE, EMB_DIM), dtype=jnp.float32) * s
    eemb2 = jax.random.normal(ks[6], (NUM_LAYER, NUM_BOND_DIRECTION, EMB_DIM), dtype=jnp.float32) * s
    w1 = jax.random.normal(ks[7], (NUM_LAYER, EMB_DIM, 2 * EMB_DIM), dtype=jnp.float32) * s
    b1 = jnp.zeros((NUM_LAYER, 2 * EMB_DIM), dtype=jnp.float32)
    w2 = jax.random.normal(ks[8], (NUM_LAYER, 2 * EMB_DIM, EMB_DIM), dtype=jnp.float32) * s
    b2 = jnp.zeros((NUM_LAYER, EMB_DIM), dtype=jnp.float32)
    return {"x": x, "edge_index": edge_index, "edge_attr": edge_attr,
            "xemb1": xemb1, "xemb2": xemb2, "eemb1": eemb1, "eemb2": eemb2,
            "w1": w1, "b1": b1, "w2": w2, "b2": b2}


def reference(x, edge_index, edge_attr, xemb1, xemb2, eemb1, eemb2, w1, b1, w2, b2):
    N = x.shape[0]
    # input node embedding: atom type + chirality tag
    h = xemb1[x[:, 0]] + xemb2[x[:, 1]]
    # add self loops
    loop = jnp.arange(N, dtype=edge_index.dtype)
    ei = jnp.concatenate([edge_index, jnp.stack([loop, loop])], axis=1)
    sl_attr = jnp.concatenate([jnp.full((N, 1), 4, dtype=edge_attr.dtype),
                               jnp.zeros((N, 1), dtype=edge_attr.dtype)], axis=1)
    ea = jnp.concatenate([edge_attr, sl_attr], axis=0)
    row, col = ei[0], ei[1]
    for l in range(NUM_LAYER):
        # GINConv layer l
        eemb = eemb1[l][ea[:, 0]] + eemb2[l][ea[:, 1]]
        msg = h[row] + eemb
        agg = jax.ops.segment_sum(msg, col, num_segments=N)
        hmid = jax.nn.relu(agg @ w1[l] + b1[l])
        h_new = hmid @ w2[l] + b2[l]
        # dropout with drop_ratio=0 is identity; ReLU on all but last layer (JK='last')
        if l < NUM_LAYER - 1:
            h_new = jax.nn.relu(h_new)
        h = h_new
    return h

if __name__ == "__main__":
    import jax
    _d = setup_inputs()
    print(jax.jit(kernel)(*tuple(_d.values())))

</pallas_src>

<mosaic_0001>
#map = affine_map<(d0, d1) -> (0, 0)>
#map1 = affine_map<(d0, d1) -> (0, 0, 0, 0)>
#map2 = affine_map<(d0, d1) -> (0, 0, 0)>
module attributes {stable_mosaic.version = 14 : i64} {
  func.func @_sc_scatter(%arg0: i32, %arg1: i32, %arg2: memref<10240x128xf32, #tpu.memory_space<hbm>>, %arg3: memref<10240x128xf32, #tpu.memory_space<hbm>>, %arg4: memref<10240x128xf32, #tpu.memory_space<hbm>>, %arg5: memref<32x2x40x128xi32, #tpu.memory_space<hbm>>, %arg6: memref<32x2x40x128xi32, #tpu.memory_space<hbm>>, %arg7: memref<2x10240x128xf32, #tpu.memory_space<hbm>>, %arg8: memref<40x128xi32, #tpu.memory_space<vmem>>, %arg9: memref<40x128xi32, #tpu.memory_space<vmem>>, %arg10: memref<128x128xf32, #tpu.memory_space<vmem>>, %arg11: memref<128x128xf32, #tpu.memory_space<vmem>>, %arg12: memref<10240x128xf32, #tpu.memory_space<vmem_shared>>, %arg13: memref<!tpu.dma_semaphore, #tpu.memory_space<semaphore_mem>>, %arg14: memref<!tpu.dma_semaphore, #tpu.memory_space<semaphore_mem>>) attributes {dimension_semantics = [#tpu.dimension_semantics<core_parallel>, #tpu.dimension_semantics<subcore_parallel>], iteration_bounds = array<i64: 2, 16>, scalar_prefetch = 0 : i64, scratch_operands = 7 : i64, tpu.core_type = #tpu.core_type<sc_vector_subcore>, window_params = [{transform_indices = #map}, {transform_indices = #map}, {transform_indices = #map}, {transform_indices = #map1}, {transform_indices = #map1}, {transform_indices = #map2}]} {
    %mul3A = arith.constant 2 : i32
    %mul3A_0 = arith.muli %arg1, %mul3A : i32
    %add3A = arith.addi %mul3A_0, %arg0 : i32
    %eq3A = arith.constant 0 : i32
    %eq3A_1 = arith.cmpi eq, %arg0, %eq3A : i32
    %convert_element_type3A = arith.extui %eq3A_1 : i1 to i32
    %cond3A = arith.constant 0 : i32
    %cond3A_2 = arith.cmpi ne, %convert_element_type3A, %cond3A : i32
    scf.if %cond3A_2 {
      %mul3A_38 = arith.constant 640 : i32
      %mul3A_39 = arith.muli %arg1, %mul3A_38 : i32
      %mul3A_40 = arith.constant 640 : i32
      %mul3A_41 = arith.muli %arg1, %mul3A_40 : i32
      "tpu.region"() ({
        %run_scoped3A_42 = tpu.sem_alloc : memref<!tpu.dma_semaphore, #tpu.memory_space<semaphore_mem>>
        %dma_start3A_43 = arith.constant 0 : i32
        %dma_start3A_44 = tpu.memref_slice %arg12[%mul3A_41, %dma_start3A_43] : memref<10240x128xf32, #tpu.memory_space<vmem_shared>> -> memref<640x128xf32, #tpu.memory_space<vmem_shared>>
        %dma_start3A_45 = arith.constant 0 : i32
        %dma_start3A_46 = tpu.memref_slice %arg3[%mul3A_39, %dma_start3A_45] : memref<10240x128xf32, #tpu.memory_space<hbm>> -> memref<640x128xf32, #tpu.memory_space<hbm>>
        tpu.enqueue_dma source(%dma_start3A_46 : memref<640x128xf32, #tpu.memory_space<hbm>>) target(%dma_start3A_44 : memref<640x128xf32, #tpu.memory_space<vmem_shared>>) target_semaphore(%run_scoped3A_42 : memref<!tpu.dma_semaphore, #tpu.memory_space<semaphore_mem>>)
        %dma_wait3A = arith.constant 0 : i32
        %dma_wait3A_47 = tpu.memref_slice %arg12[%mul3A_41, %dma_wait3A] : memref<10240x128xf32, #tpu.memory_space<vmem_shared>> -> memref<640x128xf32, #tpu.memory_space<vmem_shared>>
        %dma_wait3A_48 = arith.constant 0 : i32
        %dma_wait3A_49 = tpu.memref_slice %arg3[%mul3A_39, %dma_wait3A_48] : memref<10240x128xf32, #tpu.memory_space<hbm>> -> memref<640x128xf32, #tpu.memory_space<hbm>>
        tpu.wait_dma2 semaphore(%run_scoped3A_42 : memref<!tpu.dma_semaphore, #tpu.memory_space<semaphore_mem>>) src(%dma_wait3A_49 : memref<640x128xf32, #tpu.memory_space<hbm>>) dst(%dma_wait3A_47 : memref<640x128xf32, #tpu.memory_space<vmem_shared>>)
        tpu.yield
      }) : () -> ()
    } else {
    }
    %eq3A_3 = arith.constant 1 : i32
    %eq3A_4 = arith.cmpi eq, %arg0, %eq3A_3 : i32
    %convert_element_type3A_5 = arith.extui %eq3A_4 : i1 to i32
    %cond3A_6 = arith.constant 0 : i32
    %cond3A_7 = arith.cmpi ne, %convert_element_type3A_5, %cond3A_6 : i32
    scf.if %cond3A_7 {
      %mul3A_38 = arith.constant 640 : i32
      %mul3A_39 = arith.muli %arg1, %mul3A_38 : i32
      %mul3A_40 = arith.constant 640 : i32
      %mul3A_41 = arith.muli %arg1, %mul3A_40 : i32
      "tpu.region"() ({
        %run_scoped3A_42 = tpu.sem_alloc : memref<!tpu.dma_semaphore, #tpu.memory_space<semaphore_mem>>
        %dma_start3A_43 = arith.constant 0 : i32
        %dma_start3A_44 = tpu.memref_slice %arg12[%mul3A_41, %dma_start3A_43] : memref<10240x128xf32, #tpu.memory_space<vmem_shared>> -> memref<640x128xf32, #tpu.memory_space<vmem_shared>>
        %dma_start3A_45 = arith.constant 0 : i32
        %dma_start3A_46 = tpu.memref_slice %arg4[%mul3A_39, %dma_start3A_45] : memref<10240x128xf32, #tpu.memory_space<hbm>> -> memref<640x128xf32, #tpu.memory_space<hbm>>
        tpu.enqueue_dma source(%dma_start3A_46 : memref<640x128xf32, #tpu.memory_space<hbm>>) target(%dma_start3A_44 : memref<640x128xf32, #tpu.memory_space<vmem_shared>>) target_semaphore(%run_scoped3A_42 : memref<!tpu.dma_semaphore, #tpu.memory_space<semaphore_mem>>)
        %dma_wait3A = arith.constant 0 : i32
        %dma_wait3A_47 = tpu.memref_slice %arg12[%mul3A_41, %dma_wait3A] : memref<10240x128xf32, #tpu.memory_space<vmem_shared>> -> memref<640x128xf32, #tpu.memory_space<vmem_shared>>
        %dma_wait3A_48 = arith.constant 0 : i32
        %dma_wait3A_49 = tpu.memref_slice %arg4[%mul3A_39, %dma_wait3A_48] : memref<10240x128xf32, #tpu.memory_space<hbm>> -> memref<640x128xf32, #tpu.memory_space<hbm>>
        tpu.wait_dma2 semaphore(%run_scoped3A_42 : memref<!tpu.dma_semaphore, #tpu.memory_space<semaphore_mem>>) src(%dma_wait3A_49 : memref<640x128xf32, #tpu.memory_space<hbm>>) dst(%dma_wait3A_47 : memref<640x128xf32, #tpu.memory_space<vmem_shared>>)
        tpu.yield
      }) : () -> ()
    } else {
    }
    %barrier3A = arith.constant 0 : index
    tpu.barrier barrier_id(%barrier3A)
    %run_scoped3A = arith.constant 0 : i32
    "tpu.region"() ({
      %run_scoped3A_38 = tpu.sem_alloc : memref<!tpu.dma_semaphore, #tpu.memory_space<semaphore_mem>>
      %dma_start3A_39 = arith.constant 0 : i32
      %dma_start3A_40 = arith.constant 0 : i32
      %dma_start3A_41 = tpu.memref_slice %arg5[%add3A, %run_scoped3A, %dma_start3A_39, %dma_start3A_40] : memref<32x2x40x128xi32, #tpu.memory_space<hbm>> -> memref<1x1x40x128xi32, #tpu.memory_space<hbm>>
      %dma_start3A_42 = tpu.memref_squeeze %dma_start3A_41 : memref<1x1x40x128xi32, #tpu.memory_space<hbm>> -> memref<40x128xi32, #tpu.memory_space<hbm>>
      %dma_start3A_43 = arith.constant 0 : i32
      %dma_start3A_44 = arith.constant 0 : i32
      %dma_start3A_45 = tpu.memref_slice %arg5[%add3A, %run_scoped3A, %dma_start3A_43, %dma_start3A_44] : memref<32x2x40x128xi32, #tpu.memory_space<hbm>> -> memref<1x1x40x128xi32, #tpu.memory_space<hbm>>
      %dma_start3A_46 = tpu.memref_squeeze %dma_start3A_45 : memref<1x1x40x128xi32, #tpu.memory_space<hbm>> -> memref<40x128xi32, #tpu.memory_space<hbm>>
      tpu.enqueue_dma source(%dma_start3A_46 : memref<40x128xi32, #tpu.memory_space<hbm>>) target(%arg8 : memref<40x128xi32, #tpu.memory_space<vmem>>) target_semaphore(%run_scoped3A_38 : memref<!tpu.dma_semaphore, #tpu.memory_space<semaphore_mem>>)
      %dma_wait3A = arith.constant 0 : i32
      %dma_wait3A_47 = arith.constant 0 : i32
      %dma_wait3A_48 = tpu.memref_slice %arg5[%add3A, %run_scoped3A, %dma_wait3A, %dma_wait3A_47] : memref<32x2x40x128xi32, #tpu.memory_space<hbm>> -> memref<1x1x40x128xi32, #tpu.memory_space<hbm>>
      %dma_wait3A_49 = tpu.memref_squeeze %dma_wait3A_48 : memref<1x1x40x128xi32, #tpu.memory_space<hbm>> -> memref<40x128xi32, #tpu.memory_space<hbm>>
      %dma_wait3A_50 = arith.constant 0 : i32
      %dma_wait3A_51 = arith.constant 0 : i32
      %dma_wait3A_52 = tpu.memref_slice %arg5[%add3A, %run_scoped3A, %dma_wait3A_50, %dma_wait3A_51] : memref<32x2x40x128xi32, #tpu.memory_space<hbm>> -> memref<1x1x40x128xi32, #tpu.memory_space<hbm>>
      %dma_wait3A_53 = tpu.memref_squeeze %dma_wait3A_52 : memref<1x1x40x128xi32, #tpu.memory_space<hbm>> -> memref<40x128xi32, #tpu.memory_space<hbm>>
      tpu.wait_dma2 semaphore(%run_scoped3A_38 : memref<!tpu.dma_semaphore, #tpu.memory_space<semaphore_mem>>) src(%dma_wait3A_53 : memref<40x128xi32, #tpu.memory_space<hbm>>) dst(%arg8 : memref<40x128xi32, #tpu.memory_space<vmem>>)
      tpu.yield
    }) : () -> ()
    %run_scoped3A_8 = arith.constant 0 : i32
    "tpu.region"() ({
      %run_scoped3A_38 = tpu.sem_alloc : memref<!tpu.dma_semaphore, #tpu.memory_space<semaphore_mem>>
      %dma_start3A_39 = arith.constant 0 : i32
      %dma_start3A_40 = arith.constant 0 : i32
      %dma_start3A_41 = tpu.memref_slice %arg6[%add3A, %run_scoped3A_8, %dma_start3A_39, %dma_start3A_40] : memref<32x2x40x128xi32, #tpu.memory_space<hbm>> -> memref<1x1x40x128xi32, #tpu.memory_space<hbm>>
      %dma_start3A_42 = tpu.memref_squeeze %dma_start3A_41 : memref<1x1x40x128xi32, #tpu.memory_space<hbm>> -> memref<40x128xi32, #tpu.memory_space<hbm>>
      %dma_start3A_43 = arith.constant 0 : i32
      %dma_start3A_44 = arith.constant 0 : i32
      %dma_start3A_45 = tpu.memref_slice %arg6[%add3A, %run_scoped3A_8, %dma_start3A_43, %dma_start3A_44] : memref<32x2x40x128xi32, #tpu.memory_space<hbm>> -> memref<1x1x40x128xi32, #tpu.memory_space<hbm>>
      %dma_start3A_46 = tpu.memref_squeeze %dma_start3A_45 : memref<1x1x40x128xi32, #tpu.memory_space<hbm>> -> memref<40x128xi32, #tpu.memory_space<hbm>>
      tpu.enqueue_dma source(%dma_start3A_46 : memref<40x128xi32, #tpu.memory_space<hbm>>) target(%arg9 : memref<40x128xi32, #tpu.memory_space<vmem>>) target_semaphore(%run_scoped3A_38 : memref<!tpu.dma_semaphore, #tpu.memory_space<semaphore_mem>>)
      %dma_wait3A = arith.constant 0 : i32
      %dma_wait3A_47 = arith.constant 0 : i32
      %dma_wait3A_48 = tpu.memref_slice %arg6[%add3A, %run_scoped3A_8, %dma_wait3A, %dma_wait3A_47] : memref<32x2x40x128xi32, #tpu.memory_space<hbm>> -> memref<1x1x40x128xi32, #tpu.memory_space<hbm>>
      %dma_wait3A_49 = tpu.memref_squeeze %dma_wait3A_48 : memref<1x1x40x128xi32, #tpu.memory_space<hbm>> -> memref<40x128xi32, #tpu.memory_space<hbm>>
      %dma_wait3A_50 = arith.constant 0 : i32
      %dma_wait3A_51 = arith.constant 0 : i32
      %dma_wait3A_52 = tpu.memref_slice %arg6[%add3A, %run_scoped3A_8, %dma_wait3A_50, %dma_wait3A_51] : memref<32x2x40x128xi32, #tpu.memory_space<hbm>> -> memref<1x1x40x128xi32, #tpu.memory_space<hbm>>
      %dma_wait3A_53 = tpu.memref_squeeze %dma_wait3A_52 : memref<1x1x40x128xi32, #tpu.memory_space<hbm>> -> memref<40x128xi32, #tpu.memory_space<hbm>>
      tpu.wait_dma2 semaphore(%run_scoped3A_38 : memref<!tpu.dma_semaphore, #tpu.memory_space<semaphore_mem>>) src(%dma_wait3A_53 : memref<40x128xi32, #tpu.memory_space<hbm>>) dst(%arg9 : memref<40x128xi32, #tpu.memory_space<vmem>>)
      tpu.yield
    }) : () -> ()
    %dma_start3A = arith.constant 0 : i32
    %dma_start3A_9 = arith.constant 0 : i32
    %dma_start3A_10 = tpu.memref_slice %arg8[%dma_start3A, %dma_start3A_9] : memref<40x128xi32, #tpu.memory_space<vmem>> -> memref<1x128xi32, #tpu.memory_space<vmem>>
    %dma_start3A_11 = tpu.memref_squeeze %dma_start3A_10 : memref<1x128xi32, #tpu.memory_space<vmem>> -> memref<128xi32, #tpu.memory_space<vmem>>
    %dma_start3A_12 = arith.constant 0 : i32
    %dma_start3A_13 = arith.constant 0 : i32
    %dma_start3A_14 = tpu.memref_slice %arg2[%dma_start3A_12, %dma_start3A_13] : memref<10240x128xf32, #tpu.memory_space<hbm>> -> memref<10240x128xf32, #tpu.memory_space<hbm>>
    tpu.enqueue_indirect_dma source(%dma_start3A_14 : memref<10240x128xf32, #tpu.memory_space<hbm>>) target(%arg10 : memref<128x128xf32, #tpu.memory_space<vmem>>) offsets(%dma_start3A_11 : memref<128xi32, #tpu.memory_space<vmem>>) semaphore(%arg13 : memref<!tpu.dma_semaphore, #tpu.memory_space<semaphore_mem>>)
    %scan3A = arith.constant 0 : i32
    %scan3A_15 = arith.constant 20 : i32
    %scan3A_16 = arith.addi %scan3A, %scan3A_15 : i32
    %scan3A_17 = arith.constant 1 : i32
    scf.for %scan3A_38 = %scan3A to %scan3A_16 step %scan3A_17  : i32 {
      %mul3A_39 = arith.constant 2 : i32
      %mul3A_40 = arith.muli %scan3A_38, %mul3A_39 : i32
      %add3A_41 = arith.constant 0 : i32
      %add3A_42 = arith.addi %add3A_41, %mul3A_40 : i32
      %dma_wait3A = arith.constant 0 : i32
      %dma_wait3A_43 = tpu.memref_slice %arg8[%add3A_42, %dma_wait3A] : memref<40x128xi32, #tpu.memory_space<vmem>> -> memref<1x128xi32, #tpu.memory_space<vmem>>
      %dma_wait3A_44 = tpu.memref_squeeze %dma_wait3A_43 : memref<1x128xi32, #tpu.memory_space<vmem>> -> memref<128xi32, #tpu.memory_space<vmem>>
      %dma_wait3A_45 = arith.constant 0 : i32
      %dma_wait3A_46 = arith.constant 0 : i32
      %dma_wait3A_47 = tpu.memref_slice %arg2[%dma_wait3A_45, %dma_wait3A_46] : memref<10240x128xf32, #tpu.memory_space<hbm>> -> memref<10240x128xf32, #tpu.memory_space<hbm>>
      tpu.wait_indirect_dma semaphore(%arg13 : memref<!tpu.dma_semaphore, #tpu.memory_space<semaphore_mem>>) src(%dma_wait3A_47 : memref<10240x128xf32, #tpu.memory_space<hbm>>) dst(%arg10 : memref<128x128xf32, #tpu.memory_space<vmem>>)
      %add3A_48 = arith.constant 1 : i32
      %add3A_49 = arith.addi %add3A_42, %add3A_48 : i32
      %dma_start3A_50 = arith.constant 0 : i32
      %dma_start3A_51 = tpu.memref_slice %arg8[%add3A_49, %dma_start3A_50] : memref<40x128xi32, #tpu.memory_space<vmem>> -> memref<1x128xi32, #tpu.memory_space<vmem>>
      %dma_start3A_52 = tpu.memref_squeeze %dma_start3A_51 : memref<1x128xi32, #tpu.memory_space<vmem>> -> memref<128xi32, #tpu.memory_space<vmem>>
      %dma_start3A_53 = arith.constant 0 : i32
      %dma_start3A_54 = arith.constant 0 : i32
      %dma_start3A_55 = tpu.memref_slice %arg2[%dma_start3A_53, %dma_start3A_54] : memref<10240x128xf32, #tpu.memory_space<hbm>> -> memref<10240x128xf32, #tpu.memory_space<hbm>>
      tpu.enqueue_indirect_dma source(%dma_start3A_55 : memref<10240x128xf32, #tpu.memory_space<hbm>>) target(%arg11 : memref<128x128xf32, #tpu.memory_space<vmem>>) offsets(%dma_start3A_52 : memref<128xi32, #tpu.memory_space<vmem>>) semaphore(%arg14 : memref<!tpu.dma_semaphore, #tpu.memory_space<semaphore_mem>>)
      "tpu.region"() ({
        %run_scoped3A_72 = tpu.sem_alloc : memref<!tpu.dma_semaphore, #tpu.memory_space<semaphore_mem>>
        %dma_start3A_73 = arith.constant 0 : i32
        %dma_start3A_74 = tpu.memref_slice %arg9[%add3A_42, %dma_start3A_73] : memref<40x128xi32, #tpu.memory_space<vmem>> -> memref<1x128xi32, #tpu.memory_space<vmem>>
        %dma_start3A_75 = tpu.memref_squeeze %dma_start3A_74 : memref<1x128xi32, #tpu.memory_space<vmem>> -> memref<128xi32, #tpu.memory_space<vmem>>
        %dma_start3A_76 = arith.constant 0 : i32
        %dma_start3A_77 = arith.constant 0 : i32
        %dma_start3A_78 = tpu.memref_slice %arg12[%dma_start3A_76, %dma_start3A_77] : memref<10240x128xf32, #tpu.memory_space<vmem_shared>> -> memref<10240x128xf32, #tpu.memory_space<vmem_shared>>
        tpu.enqueue_indirect_dma source(%arg10 : memref<128x128xf32, #tpu.memory_space<vmem>>) target(%dma_start3A_78 : memref<10240x128xf32, #tpu.memory_space<vmem_shared>>) offsets(%dma_start3A_75 : memref<128xi32, #tpu.memory_space<vmem>>) semaphore(%run_scoped3A_72 : memref<!tpu.dma_semaphore, #tpu.memory_space<semaphore_mem>>) {add = true}
        %dma_wait3A_79 = arith.constant 0 : i32
        %dma_wait3A_80 = tpu.memref_slice %arg9[%add3A_42, %dma_wait3A_79] : memref<40x128xi32, #tpu.memory_space<vmem>> -> memref<1x128xi32, #tpu.memory_space<vmem>>
        %dma_wait3A_81 = tpu.memref_squeeze %dma_wait3A_80 : memref<1x128xi32, #tpu.memory_space<vmem>> -> memref<128xi32, #tpu.memory_space<vmem>>
        %dma_wait3A_82 = arith.constant 0 : i32
        %dma_wait3A_83 = arith.constant 0 : i32
        %dma_wait3A_84 = tpu.memref_slice %arg12[%dma_wait3A_82, %dma_wait3A_83] : memref<10240x128xf32, #tpu.memory_space<vmem_shared>> -> memref<10240x128xf32, #tpu.memory_space<vmem_shared>>
        tpu.wait_indirect_dma semaphore(%run_scoped3A_72 : memref<!tpu.dma_semaphore, #tpu.memory_space<semaphore_mem>>) src(%arg10 : memref<128x128xf32, #tpu.memory_space<vmem>>) dst(%dma_wait3A_84 : memref<10240x128xf32, #tpu.memory_space<vmem_shared>>)
        tpu.yield
      }) : () -> ()
      %add3A_56 = arith.constant 1 : i32
      %add3A_57 = arith.addi %add3A_42, %add3A_56 : i32
      %dma_wait3A_58 = arith.constant 0 : i32
      %dma_wait3A_59 = tpu.memref_slice %arg8[%add3A_57, %dma_wait3A_58] : memref<40x128xi32, #tpu.memory_space<vmem>> -> memref<1x128xi32, #tpu.memory_space<vmem>>
      %dma_wait3A_60 = tpu.memref_squeeze %dma_wait3A_59 : memref<1x128xi32, #tpu.memory_space<vmem>> -> memref<128xi32, #tpu.memory_space<vmem>>
      %dma_wait3A_61 = arith.constant 0 : i32
      %dma_wait3A_62 = arith.constant 0 : i32
      %dma_wait3A_63 = tpu.memref_slice %arg2[%dma_wait3A_61, %dma_wait3A_62] : memref<10240x128xf32, #tpu.memory_space<hbm>> -> memref<10240x128xf32, #tpu.memory_space<hbm>>
      tpu.wait_indirect_dma semaphore(%arg14 : memref<!tpu.dma_semaphore, #tpu.memory_space<semaphore_mem>>) src(%dma_wait3A_63 : memref<10240x128xf32, #tpu.memory_space<hbm>>) dst(%arg11 : memref<128x128xf32, #tpu.memory_space<vmem>>)
      %add3A_64 = arith.constant 2 : i32
      %add3A_65 = arith.addi %add3A_42, %add3A_64 : i32
      %lt3A = arith.constant 40 : i32
      %lt3A_66 = arith.cmpi slt, %add3A_65, %lt3A : i32
      %convert_element_type3A_67 = arith.extui %lt3A_66 : i1 to i32
      %cond3A_68 = arith.constant 0 : i32
      %cond3A_69 = arith.cmpi ne, %convert_element_type3A_67, %cond3A_68 : i32
      scf.if %cond3A_69 {
        %add3A_72 = arith.constant 2 : i32
        %add3A_73 = arith.addi %add3A_42, %add3A_72 : i32
        %dma_start3A_74 = arith.constant 0 : i32
        %dma_start3A_75 = tpu.memref_slice %arg8[%add3A_73, %dma_start3A_74] : memref<40x128xi32, #tpu.memory_space<vmem>> -> memref<1x128xi32, #tpu.memory_space<vmem>>
        %dma_start3A_76 = tpu.memref_squeeze %dma_start3A_75 : memref<1x128xi32, #tpu.memory_space<vmem>> -> memref<128xi32, #tpu.memory_space<vmem>>
        %dma_start3A_77 = arith.constant 0 : i32
        %dma_start3A_78 = arith.constant 0 : i32
        %dma_start3A_79 = tpu.memref_slice %arg2[%dma_start3A_77, %dma_start3A_78] : memref<10240x128xf32, #tpu.memory_space<hbm>> -> memref<10240x128xf32, #tpu.memory_space<hbm>>
        tpu.enqueue_indirect_dma source(%dma_start3A_79 : memref<10240x128xf32, #tpu.memory_space<hbm>>) target(%arg10 : memref<128x128xf32, #tpu.memory_space<vmem>>) offsets(%dma_start3A_76 : memref<128xi32, #tpu.memory_space<vmem>>) semaphore(%arg13 : memref<!tpu.dma_semaphore, #tpu.memory_space<semaphore_mem>>)
      } else {
      }
      %add3A_70 = arith.constant 1 : i32
      %add3A_71 = arith.addi %add3A_42, %add3A_70 : i32
      "tpu.region"() ({
        %run_scoped3A_72 = tpu.sem_alloc : memref<!tpu.dma_semaphore, #tpu.memory_space<semaphore_mem>>
        %dma_start3A_73 = arith.constant 0 : i32
        %dma_start3A_74 = tpu.memref_slice %arg9[%add3A_71, %dma_start3A_73] : memref<40x128xi32, #tpu.memory_space<vmem>> -> memref<1x128xi32, #tpu.memory_space<vmem>>
        %dma_start3A_75 = tpu.memref_squeeze %dma_start3A_74 : memref<1x128xi32, #tpu.memory_space<vmem>> -> memref<128xi32, #tpu.memory_space<vmem>>
        %dma_start3A_76 = arith.constant 0 : i32
        %dma_start3A_77 = arith.constant 0 : i32
        %dma_start3A_78 = tpu.memref_slice %arg12[%dma_start3A_76, %dma_start3A_77] : memref<10240x128xf32, #tpu.memory_space<vmem_shared>> -> memref<10240x128xf32, #tpu.memory_space<vmem_shared>>
        tpu.enqueue_indirect_dma source(%arg11 : memref<128x128xf32, #tpu.memory_space<vmem>>) target(%dma_start3A_78 : memref<10240x128xf32, #tpu.memory_space<vmem_shared>>) offsets(%dma_start3A_75 : memref<128xi32, #tpu.memory_space<vmem>>) semaphore(%run_scoped3A_72 : memref<!tpu.dma_semaphore, #tpu.memory_space<semaphore_mem>>) {add = true}
        %dma_wait3A_79 = arith.constant 0 : i32
        %dma_wait3A_80 = tpu.memref_slice %arg9[%add3A_71, %dma_wait3A_79] : memref<40x128xi32, #tpu.memory_space<vmem>> -> memref<1x128xi32, #tpu.memory_space<vmem>>
        %dma_wait3A_81 = tpu.memref_squeeze %dma_wait3A_80 : memref<1x128xi32, #tpu.memory_space<vmem>> -> memref<128xi32, #tpu.memory_space<vmem>>
        %dma_wait3A_82 = arith.constant 0 : i32
        %dma_wait3A_83 = arith.constant 0 : i32
        %dma_wait3A_84 = tpu.memref_slice %arg12[%dma_wait3A_82, %dma_wait3A_83] : memref<10240x128xf32, #tpu.memory_space<vmem_shared>> -> memref<10240x128xf32, #tpu.memory_space<vmem_shared>>
        tpu.wait_indirect_dma semaphore(%run_scoped3A_72 : memref<!tpu.dma_semaphore, #tpu.memory_space<semaphore_mem>>) src(%arg11 : memref<128x128xf32, #tpu.memory_space<vmem>>) dst(%dma_wait3A_84 : memref<10240x128xf32, #tpu.memory_space<vmem_shared>>)
        tpu.yield
      }) : () -> ()
    }
    %scan3A_18 = arith.constant 20 : i32
    %run_scoped3A_19 = arith.constant 1 : i32
    "tpu.region"() ({
      %run_scoped3A_38 = tpu.sem_alloc : memref<!tpu.dma_semaphore, #tpu.memory_space<semaphore_mem>>
      %dma_start3A_39 = arith.constant 0 : i32
      %dma_start3A_40 = arith.constant 0 : i32
      %dma_start3A_41 = tpu.memref_slice %arg5[%add3A, %run_scoped3A_19, %dma_start3A_39, %dma_start3A_40] : memref<32x2x40x128xi32, #tpu.memory_space<hbm>> -> memref<1x1x40x128xi32, #tpu.memory_space<hbm>>
      %dma_start3A_42 = tpu.memref_squeeze %dma_start3A_41 : memref<1x1x40x128xi32, #tpu.memory_space<hbm>> -> memref<40x128xi32, #tpu.memory_space<hbm>>
      %dma_start3A_43 = arith.constant 0 : i32
      %dma_start3A_44 = arith.constant 0 : i32
      %dma_start3A_45 = tpu.memref_slice %arg5[%add3A, %run_scoped3A_19, %dma_start3A_43, %dma_start3A_44] : memref<32x2x40x128xi32, #tpu.memory_space<hbm>> -> memref<1x1x40x128xi32, #tpu.memory_space<hbm>>
      %dma_start3A_46 = tpu.memref_squeeze %dma_start3A_45 : memref<1x1x40x128xi32, #tpu.memory_space<hbm>> -> memref<40x128xi32, #tpu.memory_space<hbm>>
      tpu.enqueue_dma source(%dma_start3A_46 : memref<40x128xi32, #tpu.memory_space<hbm>>) target(%arg8 : memref<40x128xi32, #tpu.memory_space<vmem>>) target_semaphore(%run_scoped3A_38 : memref<!tpu.dma_semaphore, #tpu.memory_space<semaphore_mem>>)
      %dma_wait3A = arith.constant 0 : i32
      %dma_wait3A_47 = arith.constant 0 : i32
      %dma_wait3A_48 = tpu.memref_slice %arg5[%add3A, %run_scoped3A_19, %dma_wait3A, %dma_wait3A_47] : memref<32x2x40x128xi32, #tpu.memory_space<hbm>> -> memref<1x1x40x128xi32, #tpu.memory_space<hbm>>
      %dma_wait3A_49 = tpu.memref_squeeze %dma_wait3A_48 : memref<1x1x40x128xi32, #tpu.memory_space<hbm>> -> memref<40x128xi32, #tpu.memory_space<hbm>>
      %dma_wait3A_50 = arith.constant 0 : i32
      %dma_wait3A_51 = arith.constant 0 : i32
      %dma_wait3A_52 = tpu.memref_slice %arg5[%add3A, %run_scoped3A_19, %dma_wait3A_50, %dma_wait3A_51] : memref<32x2x40x128xi32, #tpu.memory_space<hbm>> -> memref<1x1x40x128xi32, #tpu.memory_space<hbm>>
      %dma_wait3A_53 = tpu.memref_squeeze %dma_wait3A_52 : memref<1x1x40x128xi32, #tpu.memory_space<hbm>> -> memref<40x128xi32, #tpu.memory_space<hbm>>
      tpu.wait_dma2 semaphore(%run_scoped3A_38 : memref<!tpu.dma_semaphore, #tpu.memory_space<semaphore_mem>>) src(%dma_wait3A_53 : memref<40x128xi32, #tpu.memory_space<hbm>>) dst(%arg8 : memref<40x128xi32, #tpu.memory_space<vmem>>)
      tpu.yield
    }) : () -> ()
    %run_scoped3A_20 = arith.constant 1 : i32
    "tpu.region"() ({
      %run_scoped3A_38 = tpu.sem_alloc : memref<!tpu.dma_semaphore, #tpu.memory_space<semaphore_mem>>
      %dma_start3A_39 = arith.constant 0 : i32
      %dma_start3A_40 = arith.constant 0 : i32
      %dma_start3A_41 = tpu.memref_slice %arg6[%add3A, %run_scoped3A_20, %dma_start3A_39, %dma_start3A_40] : memref<32x2x40x128xi32, #tpu.memory_space<hbm>> -> memref<1x1x40x128xi32, #tpu.memory_space<hbm>>
      %dma_start3A_42 = tpu.memref_squeeze %dma_start3A_41 : memref<1x1x40x128xi32, #tpu.memory_space<hbm>> -> memref<40x128xi32, #tpu.memory_space<hbm>>
      %dma_start3A_43 = arith.constant 0 : i32
      %dma_start3A_44 = arith.constant 0 : i32
      %dma_start3A_45 = tpu.memref_slice %arg6[%add3A, %run_scoped3A_20, %dma_start3A_43, %dma_start3A_44] : memref<32x2x40x128xi32, #tpu.memory_space<hbm>> -> memref<1x1x40x128xi32, #tpu.memory_space<hbm>>
      %dma_start3A_46 = tpu.memref_squeeze %dma_start3A_45 : memref<1x1x40x128xi32, #tpu.memory_space<hbm>> -> memref<40x128xi32, #tpu.memory_space<hbm>>
      tpu.enqueue_dma source(%dma_start3A_46 : memref<40x128xi32, #tpu.memory_space<hbm>>) target(%arg9 : memref<40x128xi32, #tpu.memory_space<vmem>>) target_semaphore(%run_scoped3A_38 : memref<!tpu.dma_semaphore, #tpu.memory_space<semaphore_mem>>)
      %dma_wait3A = arith.constant 0 : i32
      %dma_wait3A_47 = arith.constant 0 : i32
      %dma_wait3A_48 = tpu.memref_slice %arg6[%add3A, %run_scoped3A_20, %dma_wait3A, %dma_wait3A_47] : memref<32x2x40x128xi32, #tpu.memory_space<hbm>> -> memref<1x1x40x128xi32, #tpu.memory_space<hbm>>
      %dma_wait3A_49 = tpu.memref_squeeze %dma_wait3A_48 : memref<1x1x40x128xi32, #tpu.memory_space<hbm>> -> memref<40x128xi32, #tpu.memory_space<hbm>>
      %dma_wait3A_50 = arith.constant 0 : i32
      %dma_wait3A_51 = arith.constant 0 : i32
      %dma_wait3A_52 = tpu.memref_slice %arg6[%add3A, %run_scoped3A_20, %dma_wait3A_50, %dma_wait3A_51] : memref<32x2x40x128xi32, #tpu.memory_space<hbm>> -> memref<1x1x40x128xi32, #tpu.memory_space<hbm>>
      %dma_wait3A_53 = tpu.memref_squeeze %dma_wait3A_52 : memref<1x1x40x128xi32, #tpu.memory_space<hbm>> -> memref<40x128xi32, #tpu.memory_space<hbm>>
      tpu.wait_dma2 semaphore(%run_scoped3A_38 : memref<!tpu.dma_semaphore, #tpu.memory_space<semaphore_mem>>) src(%dma_wait3A_53 : memref<40x128xi32, #tpu.memory_space<hbm>>) dst(%arg9 : memref<40x128xi32, #tpu.memory_space<vmem>>)
      tpu.yield
    }) : () -> ()
    %dma_start3A_21 = arith.constant 0 : i32
    %dma_start3A_22 = arith.constant 0 : i32
    %dma_start3A_23 = tpu.memref_slice %arg8[%dma_start3A_21, %dma_start3A_22] : memref<40x128xi32, #tpu.memory_space<vmem>> -> memref<1x128xi32, #tpu.memory_space<vmem>>
    %dma_start3A_24 = tpu.memref_squeeze %dma_start3A_23 : memref<1x128xi32, #tpu.memory_space<vmem>> -> memref<128xi32, #tpu.memory_space<vmem>>
    %dma_start3A_25 = arith.constant 0 : i32
    %dma_start3A_26 = arith.constant 0 : i32
    %dma_start3A_27 = tpu.memref_slice %arg2[%dma_start3A_25, %dma_start3A_26] : memref<10240x128xf32, #tpu.memory_space<hbm>> -> memref<10240x128xf32, #tpu.memory_space<hbm>>
    tpu.enqueue_indirect_dma source(%dma_start3A_27 : memref<10240x128xf32, #tpu.memory_space<hbm>>) target(%arg10 : memref<128x128xf32, #tpu.memory_space<vmem>>) offsets(%dma_start3A_24 : memref<128xi32, #tpu.memory_space<vmem>>) semaphore(%arg13 : memref<!tpu.dma_semaphore, #tpu.memory_space<semaphore_mem>>)
    %scan3A_28 = arith.constant 0 : i32
    %scan3A_29 = arith.constant 20 : i32
    %scan3A_30 = arith.addi %scan3A_28, %scan3A_29 : i32
    %scan3A_31 = arith.constant 1 : i32
    scf.for %scan3A_38 = %scan3A_28 to %scan3A_30 step %scan3A_31  : i32 {
      %mul3A_39 = arith.constant 2 : i32
      %mul3A_40 = arith.muli %scan3A_38, %mul3A_39 : i32
      %add3A_41 = arith.constant 0 : i32
      %add3A_42 = arith.addi %add3A_41, %mul3A_40 : i32
      %dma_wait3A = arith.constant 0 : i32
      %dma_wait3A_43 = tpu.memref_slice %arg8[%add3A_42, %dma_wait3A] : memref<40x128xi32, #tpu.memory_space<vmem>> -> memref<1x128xi32, #tpu.memory_space<vmem>>
      %dma_wait3A_44 = tpu.memref_squeeze %dma_wait3A_43 : memref<1x128xi32, #tpu.memory_space<vmem>> -> memref<128xi32, #tpu.memory_space<vmem>>
      %dma_wait3A_45 = arith.constant 0 : i32
      %dma_wait3A_46 = arith.constant 0 : i32
      %dma_wait3A_47 = tpu.memref_slice %arg2[%dma_wait3A_45, %dma_wait3A_46] : memref<10240x128xf32, #tpu.memory_space<hbm>> -> memref<10240x128xf32, #tpu.memory_space<hbm>>
      tpu.wait_indirect_dma semaphore(%arg13 : memref<!tpu.dma_semaphore, #tpu.memory_space<semaphore_mem>>) src(%dma_wait3A_47 : memref<10240x128xf32, #tpu.memory_space<hbm>>) dst(%arg10 : memref<128x128xf32, #tpu.memory_space<vmem>>)
      %add3A_48 = arith.constant 1 : i32
      %add3A_49 = arith.addi %add3A_42, %add3A_48 : i32
      %dma_start3A_50 = arith.constant 0 : i32
      %dma_start3A_51 = tpu.memref_slice %arg8[%add3A_49, %dma_start3A_50] : memref<40x128xi32, #tpu.memory_space<vmem>> -> memref<1x128xi32, #tpu.memory_space<vmem>>
      %dma_start3A_52 = tpu.memref_squeeze %dma_start3A_51 : memref<1x128xi32, #tpu.memory_space<vmem>> -> memref<128xi32, #tpu.memory_space<vmem>>
      %dma_start3A_53 = arith.constant 0 : i32
      %dma_start3A_54 = arith.constant 0 : i32
      %dma_start3A_55 = tpu.memref_slice %arg2[%dma_start3A_53, %dma_start3A_54] : memref<10240x128xf32, #tpu.memory_space<hbm>> -> memref<10240x128xf32, #tpu.memory_space<hbm>>
      tpu.enqueue_indirect_dma source(%dma_start3A_55 : memref<10240x128xf32, #tpu.memory_space<hbm>>) target(%arg11 : memref<128x128xf32, #tpu.memory_space<vmem>>) offsets(%dma_start3A_52 : memref<128xi32, #tpu.memory_space<vmem>>) semaphore(%arg14 : memref<!tpu.dma_semaphore, #tpu.memory_space<semaphore_mem>>)
      "tpu.region"() ({
        %run_scoped3A_72 = tpu.sem_alloc : memref<!tpu.dma_semaphore, #tpu.memory_space<semaphore_mem>>
        %dma_start3A_73 = arith.constant 0 : i32
        %dma_start3A_74 = tpu.memref_slice %arg9[%add3A_42, %dma_start3A_73] : memref<40x128xi32, #tpu.memory_space<vmem>> -> memref<1x128xi32, #tpu.memory_space<vmem>>
        %dma_start3A_75 = tpu.memref_squeeze %dma_start3A_74 : memref<1x128xi32, #tpu.memory_space<vmem>> -> memref<128xi32, #tpu.memory_space<vmem>>
        %dma_start3A_76 = arith.constant 0 : i32
        %dma_start3A_77 = arith.constant 0 : i32
        %dma_start3A_78 = tpu.memref_slice %arg12[%dma_start3A_76, %dma_start3A_77] : memref<10240x128xf32, #tpu.memory_space<vmem_shared>> -> memref<10240x128xf32, #tpu.memory_space<vmem_shared>>
        tpu.enqueue_indirect_dma source(%arg10 : memref<128x128xf32, #tpu.memory_space<vmem>>) target(%dma_start3A_78 : memref<10240x128xf32, #tpu.memory_space<vmem_shared>>) offsets(%dma_start3A_75 : memref<128xi32, #tpu.memory_space<vmem>>) semaphore(%run_scoped3A_72 : memref<!tpu.dma_semaphore, #tpu.memory_space<semaphore_mem>>) {add = true}
        %dma_wait3A_79 = arith.constant 0 : i32
        %dma_wait3A_80 = tpu.memref_slice %arg9[%add3A_42, %dma_wait3A_79] : memref<40x128xi32, #tpu.memory_space<vmem>> -> memref<1x128xi32, #tpu.memory_space<vmem>>
        %dma_wait3A_81 = tpu.memref_squeeze %dma_wait3A_80 : memref<1x128xi32, #tpu.memory_space<vmem>> -> memref<128xi32, #tpu.memory_space<vmem>>
        %dma_wait3A_82 = arith.constant 0 : i32
        %dma_wait3A_83 = arith.constant 0 : i32
        %dma_wait3A_84 = tpu.memref_slice %arg12[%dma_wait3A_82, %dma_wait3A_83] : memref<10240x128xf32, #tpu.memory_space<vmem_shared>> -> memref<10240x128xf32, #tpu.memory_space<vmem_shared>>
        tpu.wait_indirect_dma semaphore(%run_scoped3A_72 : memref<!tpu.dma_semaphore, #tpu.memory_space<semaphore_mem>>) src(%arg10 : memref<128x128xf32, #tpu.memory_space<vmem>>) dst(%dma_wait3A_84 : memref<10240x128xf32, #tpu.memory_space<vmem_shared>>)
        tpu.yield
      }) : () -> ()
      %add3A_56 = arith.constant 1 : i32
      %add3A_57 = arith.addi %add3A_42, %add3A_56 : i32
      %dma_wait3A_58 = arith.constant 0 : i32
      %dma_wait3A_59 = tpu.memref_slice %arg8[%add3A_57, %dma_wait3A_58] : memref<40x128xi32, #tpu.memory_space<vmem>> -> memref<1x128xi32, #tpu.memory_space<vmem>>
      %dma_wait3A_60 = tpu.memref_squeeze %dma_wait3A_59 : memref<1x128xi32, #tpu.memory_space<vmem>> -> memref<128xi32, #tpu.memory_space<vmem>>
      %dma_wait3A_61 = arith.constant 0 : i32
      %dma_wait3A_62 = arith.constant 0 : i32
      %dma_wait3A_63 = tpu.memref_slice %arg2[%dma_wait3A_61, %dma_wait3A_62] : memref<10240x128xf32, #tpu.memory_space<hbm>> -> memref<10240x128xf32, #tpu.memory_space<hbm>>
      tpu.wait_indirect_dma semaphore(%arg14 : memref<!tpu.dma_semaphore, #tpu.memory_space<semaphore_mem>>) src(%dma_wait3A_63 : memref<10240x128xf32, #tpu.memory_space<hbm>>) dst(%arg11 : memref<128x128xf32, #tpu.memory_space<vmem>>)
      %add3A_64 = arith.constant 2 : i32
      %add3A_65 = arith.addi %add3A_42, %add3A_64 : i32
      %lt3A = arith.constant 40 : i32
      %lt3A_66 = arith.cmpi slt, %add3A_65, %lt3A : i32
      %convert_element_type3A_67 = arith.extui %lt3A_66 : i1 to i32
      %cond3A_68 = arith.constant 0 : i32
      %cond3A_69 = arith.cmpi ne, %convert_element_type3A_67, %cond3A_68 : i32
      scf.if %cond3A_69 {
        %add3A_72 = arith.constant 2 : i32
        %add3A_73 = arith.addi %add3A_42, %add3A_72 : i32
        %dma_start3A_74 = arith.constant 0 : i32
        %dma_start3A_75 = tpu.memref_slice %arg8[%add3A_73, %dma_start3A_74] : memref<40x128xi32, #tpu.memory_space<vmem>> -> memref<1x128xi32, #tpu.memory_space<vmem>>
        %dma_start3A_76 = tpu.memref_squeeze %dma_start3A_75 : memref<1x128xi32, #tpu.memory_space<vmem>> -> memref<128xi32, #tpu.memory_space<vmem>>
        %dma_start3A_77 = arith.constant 0 : i32
        %dma_start3A_78 = arith.constant 0 : i32
        %dma_start3A_79 = tpu.memref_slice %arg2[%dma_start3A_77, %dma_start3A_78] : memref<10240x128xf32, #tpu.memory_space<hbm>> -> memref<10240x128xf32, #tpu.memory_space<hbm>>
        tpu.enqueue_indirect_dma source(%dma_start3A_79 : memref<10240x128xf32, #tpu.memory_space<hbm>>) target(%arg10 : memref<128x128xf32, #tpu.memory_space<vmem>>) offsets(%dma_start3A_76 : memref<128xi32, #tpu.memory_space<vmem>>) semaphore(%arg13 : memref<!tpu.dma_semaphore, #tpu.memory_space<semaphore_mem>>)
      } else {
      }
      %add3A_70 = arith.constant 1 : i32
      %add3A_71 = arith.addi %add3A_42, %add3A_70 : i32
      "tpu.region"() ({
        %run_scoped3A_72 = tpu.sem_alloc : memref<!tpu.dma_semaphore, #tpu.memory_space<semaphore_mem>>
        %dma_start3A_73 = arith.constant 0 : i32
        %dma_start3A_74 = tpu.memref_slice %arg9[%add3A_71, %dma_start3A_73] : memref<40x128xi32, #tpu.memory_space<vmem>> -> memref<1x128xi32, #tpu.memory_space<vmem>>
        %dma_start3A_75 = tpu.memref_squeeze %dma_start3A_74 : memref<1x128xi32, #tpu.memory_space<vmem>> -> memref<128xi32, #tpu.memory_space<vmem>>
        %dma_start3A_76 = arith.constant 0 : i32
        %dma_start3A_77 = arith.constant 0 : i32
        %dma_start3A_78 = tpu.memref_slice %arg12[%dma_start3A_76, %dma_start3A_77] : memref<10240x128xf32, #tpu.memory_space<vmem_shared>> -> memref<10240x128xf32, #tpu.memory_space<vmem_shared>>
        tpu.enqueue_indirect_dma source(%arg11 : memref<128x128xf32, #tpu.memory_space<vmem>>) target(%dma_start3A_78 : memref<10240x128xf32, #tpu.memory_space<vmem_shared>>) offsets(%dma_start3A_75 : memref<128xi32, #tpu.memory_space<vmem>>) semaphore(%run_scoped3A_72 : memref<!tpu.dma_semaphore, #tpu.memory_space<semaphore_mem>>) {add = true}
        %dma_wait3A_79 = arith.constant 0 : i32
        %dma_wait3A_80 = tpu.memref_slice %arg9[%add3A_71, %dma_wait3A_79] : memref<40x128xi32, #tpu.memory_space<vmem>> -> memref<1x128xi32, #tpu.memory_space<vmem>>
        %dma_wait3A_81 = tpu.memref_squeeze %dma_wait3A_80 : memref<1x128xi32, #tpu.memory_space<vmem>> -> memref<128xi32, #tpu.memory_space<vmem>>
        %dma_wait3A_82 = arith.constant 0 : i32
        %dma_wait3A_83 = arith.constant 0 : i32
        %dma_wait3A_84 = tpu.memref_slice %arg12[%dma_wait3A_82, %dma_wait3A_83] : memref<10240x128xf32, #tpu.memory_space<vmem_shared>> -> memref<10240x128xf32, #tpu.memory_space<vmem_shared>>
        tpu.wait_indirect_dma semaphore(%run_scoped3A_72 : memref<!tpu.dma_semaphore, #tpu.memory_space<semaphore_mem>>) src(%arg11 : memref<128x128xf32, #tpu.memory_space<vmem>>) dst(%dma_wait3A_84 : memref<10240x128xf32, #tpu.memory_space<vmem_shared>>)
        tpu.yield
      }) : () -> ()
    }
    %scan3A_32 = arith.constant 20 : i32
    %barrier3A_33 = arith.constant 0 : index
    tpu.barrier barrier_id(%barrier3A_33)
    %mul3A_34 = arith.constant 640 : i32
    %mul3A_35 = arith.muli %arg1, %mul3A_34 : i32
    %mul3A_36 = arith.constant 640 : i32
    %mul3A_37 = arith.muli %arg1, %mul3A_36 : i32
    "tpu.region"() ({
      %run_scoped3A_38 = tpu.sem_alloc : memref<!tpu.dma_semaphore, #tpu.memory_space<semaphore_mem>>
      %dma_start3A_39 = arith.constant 0 : i32
      %dma_start3A_40 = tpu.memref_slice %arg7[%arg0, %mul3A_37, %dma_start3A_39] : memref<2x10240x128xf32, #tpu.memory_space<hbm>> -> memref<1x640x128xf32, #tpu.memory_space<hbm>>
      %dma_start3A_41 = tpu.memref_squeeze %dma_start3A_40 : memref<1x640x128xf32, #tpu.memory_space<hbm>> -> memref<640x128xf32, #tpu.memory_space<hbm>>
      %dma_start3A_42 = arith.constant 0 : i32
      %dma_start3A_43 = tpu.memref_slice %arg12[%mul3A_35, %dma_start3A_42] : memref<10240x128xf32, #tpu.memory_space<vmem_shared>> -> memref<640x128xf32, #tpu.memory_space<vmem_shared>>
      tpu.enqueue_dma source(%dma_start3A_43 : memref<640x128xf32, #tpu.memory_space<vmem_shared>>) target(%dma_start3A_41 : memref<640x128xf32, #tpu.memory_space<hbm>>) target_semaphore(%run_scoped3A_38 : memref<!tpu.dma_semaphore, #tpu.memory_space<semaphore_mem>>)
      %dma_wait3A = arith.constant 0 : i32
      %dma_wait3A_44 = tpu.memref_slice %arg7[%arg0, %mul3A_37, %dma_wait3A] : memref<2x10240x128xf32, #tpu.memory_space<hbm>> -> memref<1x640x128xf32, #tpu.memory_space<hbm>>
      %dma_wait3A_45 = tpu.memref_squeeze %dma_wait3A_44 : memref<1x640x128xf32, #tpu.memory_space<hbm>> -> memref<640x128xf32, #tpu.memory_space<hbm>>
      %dma_wait3A_46 = arith.constant 0 : i32
      %dma_wait3A_47 = tpu.memref_slice %arg12[%mul3A_35, %dma_wait3A_46] : memref<10240x128xf32, #tpu.memory_space<vmem_shared>> -> memref<640x128xf32, #tpu.memory_space<vmem_shared>>
      tpu.wait_dma2 semaphore(%run_scoped3A_38 : memref<!tpu.dma_semaphore, #tpu.memory_space<semaphore_mem>>) src(%dma_wait3A_47 : memref<640x128xf32, #tpu.memory_space<vmem_shared>>) dst(%dma_wait3A_45 : memref<640x128xf32, #tpu.memory_space<hbm>>)
      tpu.yield
    }) : () -> ()
    return
  }
}

#map = affine_map<(d0, d1) -> (0, 0)>
#map1 = affine_map<(d0, d1) -> (0, 0, 0, 0)>
#map2 = affine_map<(d0, d1) -> (0, 0, 0)>
module attributes {stable_mosaic.version = 14 : i64} {
  func.func @_sc_scatter(%arg0: i32, %arg1: i32, %arg2: memref<10240x128xf32, #tpu.memory_space<hbm>>, %arg3: memref<10240x128xf32, #tpu.memory_space<hbm>>, %arg4: memref<10240x128xf32, #tpu.memory_space<hbm>>, %arg5: memref<32x2x40x128xi32, #tpu.memory_space<hbm>>, %arg6: memref<32x2x40x128xi32, #tpu.memory_space<hbm>>, %arg7: memref<2x10240x128xf32, #tpu.memory_space<hbm>>, %arg8: memref<40x128xi32, #tpu.memory_space<vmem>>, %arg9: memref<40x128xi32, #tpu.memory_space<vmem>>, %arg10: memref<128x128xf32, #tpu.memory_space<vmem>>, %arg11: memref<128x128xf32, #tpu.memory_space<vmem>>, %arg12: memref<10240x128xf32, #tpu.memory_space<vmem_shared>>, %arg13: memref<!tpu.dma_semaphore, #tpu.memory_space<semaphore_mem>>, %arg14: memref<!tpu.dma_semaphore, #tpu.memory_space<semaphore_mem>>) attributes {dimension_semantics = [#tpu.dimension_semantics<core_parallel>, #tpu.dimension_semantics<subcore_parallel>], iteration_bounds = array<i64: 2, 16>, scalar_prefetch = 0 : i64, scratch_operands = 7 : i64, tpu.core_type = #tpu.core_type<sc_vector_subcore>, window_params = [{transform_indices = #map}, {transform_indices = #map}, {transform_indices = #map}, {transform_indices = #map1}, {transform_indices = #map1}, {transform_indices = #map2}]} {
    %mul3A = arith.constant 2 : i32
    %mul3A_0 = arith.muli %arg1, %mul3A : i32
    %add3A = arith.addi %mul3A_0, %arg0 : i32
    %eq3A = arith.constant 0 : i32
    %eq3A_1 = arith.cmpi eq, %arg0, %eq3A : i32
    %convert_element_type3A = arith.extui %eq3A_1 : i1 to i32
    %cond3A = arith.constant 0 : i32
    %cond3A_2 = arith.cmpi ne, %convert_element_type3A, %cond3A : i32
    scf.if %cond3A_2 {
      %mul3A_38 = arith.constant 640 : i32
      %mul3A_39 = arith.muli %arg1, %mul3A_38 : i32
      %mul3A_40 = arith.constant 640 : i32
      %mul3A_41 = arith.muli %arg1, %mul3A_40 : i32
      "tpu.region"() ({
        %run_scoped3A_42 = tpu.sem_alloc : memref<!tpu.dma_semaphore, #tpu.memory_space<semaphore_mem>>
        %dma_start3A_43 = arith.constant 0 : i32
        %dma_start3A_44 = tpu.memref_slice %arg12[%mul3A_41, %dma_start3A_43] : memref<10240x128xf32, #tpu.memory_space<vmem_shared>> -> memref<640x128xf32, #tpu.memory_space<vmem_shared>>
        %dma_start3A_45 = arith.constant 0 : i32
        %dma_start3A_46 = tpu.memref_slice %arg3[%mul3A_39, %dma_start3A_45] : memref<10240x128xf32, #tpu.memory_space<hbm>> -> memref<640x128xf32, #tpu.memory_space<hbm>>
        tpu.enqueue_dma source(%dma_start3A_46 : memref<640x128xf32, #tpu.memory_space<hbm>>) target(%dma_start3A_44 : memref<640x128xf32, #tpu.memory_space<vmem_shared>>) target_semaphore(%run_scoped3A_42 : memref<!tpu.dma_semaphore, #tpu.memory_space<semaphore_mem>>)
        %dma_wait3A = arith.constant 0 : i32
        %dma_wait3A_47 = tpu.memref_slice %arg12[%mul3A_41, %dma_wait3A] : memref<10240x128xf32, #tpu.memory_space<vmem_shared>> -> memref<640x128xf32, #tpu.memory_space<vmem_shared>>
        %dma_wait3A_48 = arith.constant 0 : i32
        %dma_wait3A_49 = tpu.memref_slice %arg3[%mul3A_39, %dma_wait3A_48] : memref<10240x128xf32, #tpu.memory_space<hbm>> -> memref<640x128xf32, #tpu.memory_space<hbm>>
        tpu.wait_dma2 semaphore(%run_scoped3A_42 : memref<!tpu.dma_semaphore, #tpu.memory_space<semaphore_mem>>) src(%dma_wait3A_49 : memref<640x128xf32, #tpu.memory_space<hbm>>) dst(%dma_wait3A_47 : memref<640x128xf32, #tpu.memory_space<vmem_shared>>)
        tpu.yield
      }) : () -> ()
    } else {
    }
    %eq3A_3 = arith.constant 1 : i32
    %eq3A_4 = arith.cmpi eq, %arg0, %eq3A_3 : i32
    %convert_element_type3A_5 = arith.extui %eq3A_4 : i1 to i32
    %cond3A_6 = arith.constant 0 : i32
    %cond3A_7 = arith.cmpi ne, %convert_element_type3A_5, %cond3A_6 : i32
    scf.if %cond3A_7 {
      %mul3A_38 = arith.constant 640 : i32
      %mul3A_39 = arith.muli %arg1, %mul3A_38 : i32
      %mul3A_40 = arith.constant 640 : i32
      %mul3A_41 = arith.muli %arg1, %mul3A_40 : i32
      "tpu.region"() ({
        %run_scoped3A_42 = tpu.sem_alloc : memref<!tpu.dma_semaphore, #tpu.memory_space<semaphore_mem>>
        %dma_start3A_43 = arith.constant 0 : i32
        %dma_start3A_44 = tpu.memref_slice %arg12[%mul3A_41, %dma_start3A_43] : memref<10240x128xf32, #tpu.memory_space<vmem_shared>> -> memref<640x128xf32, #tpu.memory_space<vmem_shared>>
        %dma_start3A_45 = arith.constant 0 : i32
        %dma_start3A_46 = tpu.memref_slice %arg4[%mul3A_39, %dma_start3A_45] : memref<10240x128xf32, #tpu.memory_space<hbm>> -> memref<640x128xf32, #tpu.memory_space<hbm>>
        tpu.enqueue_dma source(%dma_start3A_46 : memref<640x128xf32, #tpu.memory_space<hbm>>) target(%dma_start3A_44 : memref<640x128xf32, #tpu.memory_space<vmem_shared>>) target_semaphore(%run_scoped3A_42 : memref<!tpu.dma_semaphore, #tpu.memory_space<semaphore_mem>>)
        %dma_wait3A = arith.constant 0 : i32
        %dma_wait3A_47 = tpu.memref_slice %arg12[%mul3A_41, %dma_wait3A] : memref<10240x128xf32, #tpu.memory_space<vmem_shared>> -> memref<640x128xf32, #tpu.memory_space<vmem_shared>>
        %dma_wait3A_48 = arith.constant 0 : i32
        %dma_wait3A_49 = tpu.memref_slice %arg4[%mul3A_39, %dma_wait3A_48] : memref<10240x128xf32, #tpu.memory_space<hbm>> -> memref<640x128xf32, #tpu.memory_space<hbm>>
        tpu.wait_dma2 semaphore(%run_scoped3A_42 : memref<!tpu.dma_semaphore, #tpu.memory_space<semaphore_mem>>) src(%dma_wait3A_49 : memref<640x128xf32, #tpu.memory_space<hbm>>) dst(%dma_wait3A_47 : memref<640x128xf32, #tpu.memory_space<vmem_shared>>)
        tpu.yield
      }) : () -> ()
    } else {
    }
    %barrier3A = arith.constant 0 : index
    tpu.barrier barrier_id(%barrier3A)
    %run_scoped3A = arith.constant 0 : i32
    "tpu.region"() ({
      %run_scoped3A_38 = tpu.sem_alloc : memref<!tpu.dma_semaphore, #tpu.memory_space<semaphore_mem>>
      %dma_start3A_39 = arith.constant 0 : i32
      %dma_start3A_40 = arith.constant 0 : i32
      %dma_start3A_41 = tpu.memref_slice %arg5[%add3A, %run_scoped3A, %dma_start3A_39, %dma_start3A_40] : memref<32x2x40x128xi32, #tpu.memory_space<hbm>> -> memref<1x1x40x128xi32, #tpu.memory_space<hbm>>
      %dma_start3A_42 = tpu.memref_squeeze %dma_start3A_41 : memref<1x1x40x128xi32, #tpu.memory_space<hbm>> -> memref<40x128xi32, #tpu.memory_space<hbm>>
      %dma_start3A_43 = arith.constant 0 : i32
      %dma_start3A_44 = arith.constant 0 : i32
      %dma_start3A_45 = tpu.memref_slice %arg5[%add3A, %run_scoped3A, %dma_start3A_43, %dma_start3A_44] : memref<32x2x40x128xi32, #tpu.memory_space<hbm>> -> memref<1x1x40x128xi32, #tpu.memory_space<hbm>>
      %dma_start3A_46 = tpu.memref_squeeze %dma_start3A_45 : memref<1x1x40x128xi32, #tpu.memory_space<hbm>> -> memref<40x128xi32, #tpu.memory_space<hbm>>
      tpu.enqueue_dma source(%dma_start3A_46 : memref<40x128xi32, #tpu.memory_space<hbm>>) target(%arg8 : memref<40x128xi32, #tpu.memory_space<vmem>>) target_semaphore(%run_scoped3A_38 : memref<!tpu.dma_semaphore, #tpu.memory_space<semaphore_mem>>)
      %dma_wait3A = arith.constant 0 : i32
      %dma_wait3A_47 = arith.constant 0 : i32
      %dma_wait3A_48 = tpu.memref_slice %arg5[%add3A, %run_scoped3A, %dma_wait3A, %dma_wait3A_47] : memref<32x2x40x128xi32, #tpu.memory_space<hbm>> -> memref<1x1x40x128xi32, #tpu.memory_space<hbm>>
      %dma_wait3A_49 = tpu.memref_squeeze %dma_wait3A_48 : memref<1x1x40x128xi32, #tpu.memory_space<hbm>> -> memref<40x128xi32, #tpu.memory_space<hbm>>
      %dma_wait3A_50 = arith.constant 0 : i32
      %dma_wait3A_51 = arith.constant 0 : i32
      %dma_wait3A_52 = tpu.memref_slice %arg5[%add3A, %run_scoped3A, %dma_wait3A_50, %dma_wait3A_51] : memref<32x2x40x128xi32, #tpu.memory_space<hbm>> -> memref<1x1x40x128xi32, #tpu.memory_space<hbm>>
      %dma_wait3A_53 = tpu.memref_squeeze %dma_wait3A_52 : memref<1x1x40x128xi32, #tpu.memory_space<hbm>> -> memref<40x128xi32, #tpu.memory_space<hbm>>
      tpu.wait_dma2 semaphore(%run_scoped3A_38 : memref<!tpu.dma_semaphore, #tpu.memory_space<semaphore_mem>>) src(%dma_wait3A_53 : memref<40x128xi32, #tpu.memory_space<hbm>>) dst(%arg8 : memref<40x128xi32, #tpu.memory_space<vmem>>)
      tpu.yield
    }) : () -> ()
    %run_scoped3A_8 = arith.constant 0 : i32
    "tpu.region"() ({
      %run_scoped3A_38 = tpu.sem_alloc : memref<!tpu.dma_semaphore, #tpu.memory_space<semaphore_mem>>
      %dma_start3A_39 = arith.constant 0 : i32
      %dma_start3A_40 = arith.constant 0 : i32
      %dma_start3A_41 = tpu.memref_slice %arg6[%add3A, %run_scoped3A_8, %dma_start3A_39, %dma_start3A_40] : memref<32x2x40x128xi32, #tpu.memory_space<hbm>> -> memref<1x1x40x128xi32, #tpu.memory_space<hbm>>
      %dma_start3A_42 = tpu.memref_squeeze %dma_start3A_41 : memref<1x1x40x128xi32, #tpu.memory_space<hbm>> -> memref<40x128xi32, #tpu.memory_space<hbm>>
      %dma_start3A_43 = arith.constant 0 : i32
      %dma_start3A_44 = arith.constant 0 : i32
      %dma_start3A_45 = tpu.memref_slice %arg6[%add3A, %run_scoped3A_8, %dma_start3A_43, %dma_start3A_44] : memref<32x2x40x128xi32, #tpu.memory_space<hbm>> -> memref<1x1x40x128xi32, #tpu.memory_space<hbm>>
      %dma_start3A_46 = tpu.memref_squeeze %dma_start3A_45 : memref<1x1x40x128xi32, #tpu.memory_space<hbm>> -> memref<40x128xi32, #tpu.memory_space<hbm>>
      tpu.enqueue_dma source(%dma_start3A_46 : memref<40x128xi32, #tpu.memory_space<hbm>>) target(%arg9 : memref<40x128xi32, #tpu.memory_space<vmem>>) target_semaphore(%run_scoped3A_38 : memref<!tpu.dma_semaphore, #tpu.memory_space<semaphore_mem>>)
      %dma_wait3A = arith.constant 0 : i32
      %dma_wait3A_47 = arith.constant 0 : i32
      %dma_wait3A_48 = tpu.memref_slice %arg6[%add3A, %run_scoped3A_8, %dma_wait3A, %dma_wait3A_47] : memref<32x2x40x128xi32, #tpu.memory_space<hbm>> -> memref<1x1x40x128xi32, #tpu.memory_space<hbm>>
      %dma_wait3A_49 = tpu.memref_squeeze %dma_wait3A_48 : memref<1x1x40x128xi32, #tpu.memory_space<hbm>> -> memref<40x128xi32, #tpu.memory_space<hbm>>
      %dma_wait3A_50 = arith.constant 0 : i32
      %dma_wait3A_51 = arith.constant 0 : i32
      %dma_wait3A_52 = tpu.memref_slice %arg6[%add3A, %run_scoped3A_8, %dma_wait3A_50, %dma_wait3A_51] : memref<32x2x40x128xi32, #tpu.memory_space<hbm>> -> memref<1x1x40x128xi32, #tpu.memory_space<hbm>>
      %dma_wait3A_53 = tpu.memref_squeeze %dma_wait3A_52 : memref<1x1x40x128xi32, #tpu.memory_space<hbm>> -> memref<40x128xi32, #tpu.memory_space<hbm>>
      tpu.wait_dma2 semaphore(%run_scoped3A_38 : memref<!tpu.dma_semaphore, #tpu.memory_space<semaphore_mem>>) src(%dma_wait3A_53 : memref<40x128xi32, #tpu.memory_space<hbm>>) dst(%arg9 : memref<40x128xi32, #tpu.memory_space<vmem>>)
      tpu.yield
    }) : () -> ()
    %dma_start3A = arith.constant 0 : i32
    %dma_start3A_9 = arith.constant 0 : i32
    %dma_start3A_10 = tpu.memref_slice %arg8[%dma_start3A, %dma_start3A_9] : memref<40x128xi32, #tpu.memory_space<vmem>> -> memref<1x128xi32, #tpu.memory_space<vmem>>
    %dma_start3A_11 = tpu.memref_squeeze %dma_start3A_10 : memref<1x128xi32, #tpu.memory_space<vmem>> -> memref<128xi32, #tpu.memory_space<vmem>>
    %dma_start3A_12 = arith.constant 0 : i32
    %dma_start3A_13 = arith.constant 0 : i32
    %dma_start3A_14 = tpu.memref_slice %arg2[%dma_start3A_12, %dma_start3A_13] : memref<10240x128xf32, #tpu.memory_space<hbm>> -> memref<10240x128xf32, #tpu.memory_space<hbm>>
    tpu.enqueue_indirect_dma source(%dma_start3A_14 : memref<10240x128xf32, #tpu.memory_space<hbm>>) target(%arg10 : memref<128x128xf32, #tpu.memory_space<vmem>>) offsets(%dma_start3A_11 : memref<128xi32, #tpu.memory_space<vmem>>) semaphore(%arg13 : memref<!tpu.dma_semaphore, #tpu.memory_space<semaphore_mem>>)
    %scan3A = arith.constant 0 : i32
    %scan3A_15 = arith.constant 20 : i32
    %scan3A_16 = arith.addi %scan3A, %scan3A_15 : i32
    %scan3A_17 = arith.constant 1 : i32
    scf.for %scan3A_38 = %scan3A to %scan3A_16 step %scan3A_17  : i32 {
      %mul3A_39 = arith.constant 2 : i32
      %mul3A_40 = arith.muli %scan3A_38, %mul3A_39 : i32
      %add3A_41 = arith.constant 0 : i32
      %add3A_42 = arith.addi %add3A_41, %mul3A_40 : i32
      %dma_wait3A = arith.constant 0 : i32
      %dma_wait3A_43 = tpu.memref_slice %arg8[%add3A_42, %dma_wait3A] : memref<40x128xi32, #tpu.memory_space<vmem>> -> memref<1x128xi32, #tpu.memory_space<vmem>>
      %dma_wait3A_44 = tpu.memref_squeeze %dma_wait3A_43 : memref<1x128xi32, #tpu.memory_space<vmem>> -> memref<128xi32, #tpu.memory_space<vmem>>
      %dma_wait3A_45 = arith.constant 0 : i32
      %dma_wait3A_46 = arith.constant 0 : i32
      %dma_wait3A_47 = tpu.memref_slice %arg2[%dma_wait3A_45, %dma_wait3A_46] : memref<10240x128xf32, #tpu.memory_space<hbm>> -> memref<10240x128xf32, #tpu.memory_space<hbm>>
      tpu.wait_indirect_dma semaphore(%arg13 : memref<!tpu.dma_semaphore, #tpu.memory_space<semaphore_mem>>) src(%dma_wait3A_47 : memref<10240x128xf32, #tpu.memory_space<hbm>>) dst(%arg10 : memref<128x128xf32, #tpu.memory_space<vmem>>)
      %add3A_48 = arith.constant 1 : i32
      %add3A_49 = arith.addi %add3A_42, %add3A_48 : i32
      %dma_start3A_50 = arith.constant 0 : i32
      %dma_start3A_51 = tpu.memref_slice %arg8[%add3A_49, %dma_start3A_50] : memref<40x128xi32, #tpu.memory_space<vmem>> -> memref<1x128xi32, #tpu.memory_space<vmem>>
      %dma_start3A_52 = tpu.memref_squeeze %dma_start3A_51 : memref<1x128xi32, #tpu.memory_space<vmem>> -> memref<128xi32, #tpu.memory_space<vmem>>
      %dma_start3A_53 = arith.constant 0 : i32
      %dma_start3A_54 = arith.constant 0 : i32
      %dma_start3A_55 = tpu.memref_slice %arg2[%dma_start3A_53, %dma_start3A_54] : memref<10240x128xf32, #tpu.memory_space<hbm>> -> memref<10240x128xf32, #tpu.memory_space<hbm>>
      tpu.enqueue_indirect_dma source(%dma_start3A_55 : memref<10240x128xf32, #tpu.memory_space<hbm>>) target(%arg11 : memref<128x128xf32, #tpu.memory_space<vmem>>) offsets(%dma_start3A_52 : memref<128xi32, #tpu.memory_space<vmem>>) semaphore(%arg14 : memref<!tpu.dma_semaphore, #tpu.memory_space<semaphore_mem>>)
      "tpu.region"() ({
        %run_scoped3A_72 = tpu.sem_alloc : memref<!tpu.dma_semaphore, #tpu.memory_space<semaphore_mem>>
        %dma_start3A_73 = arith.constant 0 : i32
        %dma_start3A_74 = tpu.memref_slice %arg9[%add3A_42, %dma_start3A_73] : memref<40x128xi32, #tpu.memory_space<vmem>> -> memref<1x128xi32, #tpu.memory_space<vmem>>
        %dma_start3A_75 = tpu.memref_squeeze %dma_start3A_74 : memref<1x128xi32, #tpu.memory_space<vmem>> -> memref<128xi32, #tpu.memory_space<vmem>>
        %dma_start3A_76 = arith.constant 0 : i32
        %dma_start3A_77 = arith.constant 0 : i32
        %dma_start3A_78 = tpu.memref_slice %arg12[%dma_start3A_76, %dma_start3A_77] : memref<10240x128xf32, #tpu.memory_space<vmem_shared>> -> memref<10240x128xf32, #tpu.memory_space<vmem_shared>>
        tpu.enqueue_indirect_dma source(%arg10 : memref<128x128xf32, #tpu.memory_space<vmem>>) target(%dma_start3A_78 : memref<10240x128xf32, #tpu.memory_space<vmem_shared>>) offsets(%dma_start3A_75 : memref<128xi32, #tpu.memory_space<vmem>>) semaphore(%run_scoped3A_72 : memref<!tpu.dma_semaphore, #tpu.memory_space<semaphore_mem>>) {add = true}
        %dma_wait3A_79 = arith.constant 0 : i32
        %dma_wait3A_80 = tpu.memref_slice %arg9[%add3A_42, %dma_wait3A_79] : memref<40x128xi32, #tpu.memory_space<vmem>> -> memref<1x128xi32, #tpu.memory_space<vmem>>
        %dma_wait3A_81 = tpu.memref_squeeze %dma_wait3A_80 : memref<1x128xi32, #tpu.memory_space<vmem>> -> memref<128xi32, #tpu.memory_space<vmem>>
        %dma_wait3A_82 = arith.constant 0 : i32
        %dma_wait3A_83 = arith.constant 0 : i32
        %dma_wait3A_84 = tpu.memref_slice %arg12[%dma_wait3A_82, %dma_wait3A_83] : memref<10240x128xf32, #tpu.memory_space<vmem_shared>> -> memref<10240x128xf32, #tpu.memory_space<vmem_shared>>
        tpu.wait_indirect_dma semaphore(%run_scoped3A_72 : memref<!tpu.dma_semaphore, #tpu.memory_space<semaphore_mem>>) src(%arg10 : memref<128x128xf32, #tpu.memory_space<vmem>>) dst(%dma_wait3A_84 : memref<10240x128xf32, #tpu.memory_space<vmem_shared>>)
        tpu.yield
      }) : () -> ()
      %add3A_56 = arith.constant 1 : i32
      %add3A_57 = arith.addi %add3A_42, %add3A_56 : i32
      %dma_wait3A_58 = arith.constant 0 : i32
      %dma_wait3A_59 = tpu.memref_slice %arg8[%add3A_57, %dma_wait3A_58] : memref<40x128xi32, #tpu.memory_space<vmem>> -> memref<1x128xi32, #tpu.memory_space<vmem>>
      %dma_wait3A_60 = tpu.memref_squeeze %dma_wait3A_59 : memref<1x128xi32, #tpu.memory_space<vmem>> -> memref<128xi32, #tpu.memory_space<vmem>>
      %dma_wait3A_61 = arith.constant 0 : i32
      %dma_wait3A_62 = arith.constant 0 : i32
      %dma_wait3A_63 = tpu.memref_slice %arg2[%dma_wait3A_61, %dma_wait3A_62] : memref<10240x128xf32, #tpu.memory_space<hbm>> -> memref<10240x128xf32, #tpu.memory_space<hbm>>
      tpu.wait_indirect_dma semaphore(%arg14 : memref<!tpu.dma_semaphore, #tpu.memory_space<semaphore_mem>>) src(%dma_wait3A_63 : memref<10240x128xf32, #tpu.memory_space<hbm>>) dst(%arg11 : memref<128x128xf32, #tpu.memory_space<vmem>>)
      %add3A_64 = arith.constant 2 : i32
      %add3A_65 = arith.addi %add3A_42, %add3A_64 : i32
      %lt3A = arith.constant 40 : i32
      %lt3A_66 = arith.cmpi slt, %add3A_65, %lt3A : i32
      %convert_element_type3A_67 = arith.extui %lt3A_66 : i1 to i32
      %cond3A_68 = arith.constant 0 : i32
      %cond3A_69 = arith.cmpi ne, %convert_element_type3A_67, %cond3A_68 : i32
      scf.if %cond3A_69 {
        %add3A_72 = arith.constant 2 : i32
        %add3A_73 = arith.addi %add3A_42, %add3A_72 : i32
        %dma_start3A_74 = arith.constant 0 : i32
        %dma_start3A_75 = tpu.memref_slice %arg8[%add3A_73, %dma_start3A_74] : memref<40x128xi32, #tpu.memory_space<vmem>> -> memref<1x128xi32, #tpu.memory_space<vmem>>
        %dma_start3A_76 = tpu.memref_squeeze %dma_start3A_75 : memref<1x128xi32, #tpu.memory_space<vmem>> -> memref<128xi32, #tpu.memory_space<vmem>>
        %dma_start3A_77 = arith.constant 0 : i32
        %dma_start3A_78 = arith.constant 0 : i32
        %dma_start3A_79 = tpu.memref_slice %arg2[%dma_start3A_77, %dma_start3A_78] : memref<10240x128xf32, #tpu.memory_space<hbm>> -> memref<10240x128xf32, #tpu.memory_space<hbm>>
        tpu.enqueue_indirect_dma source(%dma_start3A_79 : memref<10240x128xf32, #tpu.memory_space<hbm>>) target(%arg10 : memref<128x128xf32, #tpu.memory_space<vmem>>) offsets(%dma_start3A_76 : memref<128xi32, #tpu.memory_space<vmem>>) semaphore(%arg13 : memref<!tpu.dma_semaphore, #tpu.memory_space<semaphore_mem>>)
      } else {
      }
      %add3A_70 = arith.constant 1 : i32
      %add3A_71 = arith.addi %add3A_42, %add3A_70 : i32
      "tpu.region"() ({
        %run_scoped3A_72 = tpu.sem_alloc : memref<!tpu.dma_semaphore, #tpu.memory_space<semaphore_mem>>
        %dma_start3A_73 = arith.constant 0 : i32
        %dma_start3A_74 = tpu.memref_slice %arg9[%add3A_71, %dma_start3A_73] : memref<40x128xi32, #tpu.memory_space<vmem>> -> memref<1x128xi32, #tpu.memory_space<vmem>>
        %dma_start3A_75 = tpu.memref_squeeze %dma_start3A_74 : memref<1x128xi32, #tpu.memory_space<vmem>> -> memref<128xi32, #tpu.memory_space<vmem>>
        %dma_start3A_76 = arith.constant 0 : i32
        %dma_start3A_77 = arith.constant 0 : i32
        %dma_start3A_78 = tpu.memref_slice %arg12[%dma_start3A_76, %dma_start3A_77] : memref<10240x128xf32, #tpu.memory_space<vmem_shared>> -> memref<10240x128xf32, #tpu.memory_space<vmem_shared>>
        tpu.enqueue_indirect_dma source(%arg11 : memref<128x128xf32, #tpu.memory_space<vmem>>) target(%dma_start3A_78 : memref<10240x128xf32, #tpu.memory_space<vmem_shared>>) offsets(%dma_start3A_75 : memref<128xi32, #tpu.memory_space<vmem>>) semaphore(%run_scoped3A_72 : memref<!tpu.dma_semaphore, #tpu.memory_space<semaphore_mem>>) {add = true}
        %dma_wait3A_79 = arith.constant 0 : i32
        %dma_wait3A_80 = tpu.memref_slice %arg9[%add3A_71, %dma_wait3A_79] : memref<40x128xi32, #tpu.memory_space<vmem>> -> memref<1x128xi32, #tpu.memory_space<vmem>>
        %dma_wait3A_81 = tpu.memref_squeeze %dma_wait3A_80 : memref<1x128xi32, #tpu.memory_space<vmem>> -> memref<128xi32, #tpu.memory_space<vmem>>
        %dma_wait3A_82 = arith.constant 0 : i32
        %dma_wait3A_83 = arith.constant 0 : i32
        %dma_wait3A_84 = tpu.memref_slice %arg12[%dma_wait3A_82, %dma_wait3A_83] : memref<10240x128xf32, #tpu.memory_space<vmem_shared>> -> memref<10240x128xf32, #tpu.memory_space<vmem_shared>>
        tpu.wait_indirect_dma semaphore(%run_scoped3A_72 : memref<!tpu.dma_semaphore, #tpu.memory_space<semaphore_mem>>) src(%arg11 : memref<128x128xf32, #tpu.memory_space<vmem>>) dst(%dma_wait3A_84 : memref<10240x128xf32, #tpu.memory_space<vmem_shared>>)
        tpu.yield
      }) : () -> ()
    }
    %scan3A_18 = arith.constant 20 : i32
    %run_scoped3A_19 = arith.constant 1 : i32
    "tpu.region"() ({
      %run_scoped3A_38 = tpu.sem_alloc : memref<!tpu.dma_semaphore, #tpu.memory_space<semaphore_mem>>
      %dma_start3A_39 = arith.constant 0 : i32
      %dma_start3A_40 = arith.constant 0 : i32
      %dma_start3A_41 = tpu.memref_slice %arg5[%add3A, %run_scoped3A_19, %dma_start3A_39, %dma_start3A_40] : memref<32x2x40x128xi32, #tpu.memory_space<hbm>> -> memref<1x1x40x128xi32, #tpu.memory_space<hbm>>
      %dma_start3A_42 = tpu.memref_squeeze %dma_start3A_41 : memref<1x1x40x128xi32, #tpu.memory_space<hbm>> -> memref<40x128xi32, #tpu.memory_space<hbm>>
      %dma_start3A_43 = arith.constant 0 : i32
      %dma_start3A_44 = arith.constant 0 : i32
      %dma_start3A_45 = tpu.memref_slice %arg5[%add3A, %run_scoped3A_19, %dma_start3A_43, %dma_start3A_44] : memref<32x2x40x128xi32, #tpu.memory_space<hbm>> -> memref<1x1x40x128xi32, #tpu.memory_space<hbm>>
      %dma_start3A_46 = tpu.memref_squeeze %dma_start3A_45 : memref<1x1x40x128xi32, #tpu.memory_space<hbm>> -> memref<40x128xi32, #tpu.memory_space<hbm>>
      tpu.enqueue_dma source(%dma_start3A_46 : memref<40x128xi32, #tpu.memory_space<hbm>>) target(%arg8 : memref<40x128xi32, #tpu.memory_space<vmem>>) target_semaphore(%run_scoped3A_38 : memref<!tpu.dma_semaphore, #tpu.memory_space<semaphore_mem>>)
      %dma_wait3A = arith.constant 0 : i32
      %dma_wait3A_47 = arith.constant 0 : i32
      %dma_wait3A_48 = tpu.memref_slice %arg5[%add3A, %run_scoped3A_19, %dma_wait3A, %dma_wait3A_47] : memref<32x2x40x128xi32, #tpu.memory_space<hbm>> -> memref<1x1x40x128xi32, #tpu.memory_space<hbm>>
      %dma_wait3A_49 = tpu.memref_squeeze %dma_wait3A_48 : memref<1x1x40x128xi32, #tpu.memory_space<hbm>> -> memref<40x128xi32, #tpu.memory_space<hbm>>
      %dma_wait3A_50 = arith.constant 0 : i32
      %dma_wait3A_51 = arith.constant 0 : i32
      %dma_wait3A_52 = tpu.memref_slice %arg5[%add3A, %run_scoped3A_19, %dma_wait3A_50, %dma_wait3A_51] : memref<32x2x40x128xi32, #tpu.memory_space<hbm>> -> memref<1x1x40x128xi32, #tpu.memory_space<hbm>>
      %dma_wait3A_53 = tpu.memref_squeeze %dma_wait3A_52 : memref<1x1x40x128xi32, #tpu.memory_space<hbm>> -> memref<40x128xi32, #tpu.memory_space<hbm>>
      tpu.wait_dma2 semaphore(%run_scoped3A_38 : memref<!tpu.dma_semaphore, #tpu.memory_space<semaphore_mem>>) src(%dma_wait3A_53 : memref<40x128xi32, #tpu.memory_space<hbm>>) dst(%arg8 : memref<40x128xi32, #tpu.memory_space<vmem>>)
      tpu.yield
    }) : () -> ()
    %run_scoped3A_20 = arith.constant 1 : i32
    "tpu.region"() ({
      %run_scoped3A_38 = tpu.sem_alloc : memref<!tpu.dma_semaphore, #tpu.memory_space<semaphore_mem>>
      %dma_start3A_39 = arith.constant 0 : i32
      %dma_start3A_40 = arith.constant 0 : i32
      %dma_start3A_41 = tpu.memref_slice %arg6[%add3A, %run_scoped3A_20, %dma_start3A_39, %dma_start3A_40] : memref<32x2x40x128xi32, #tpu.memory_space<hbm>> -> memref<1x1x40x128xi32, #tpu.memory_space<hbm>>
      %dma_start3A_42 = tpu.memref_squeeze %dma_start3A_41 : memref<1x1x40x128xi32, #tpu.memory_space<hbm>> -> memref<40x128xi32, #tpu.memory_space<hbm>>
      %dma_start3A_43 = arith.constant 0 : i32
      %dma_start3A_44 = arith.constant 0 : i32
      %dma_start3A_45 = tpu.memref_slice %arg6[%add3A, %run_scoped3A_20, %dma_start3A_43, %dma_start3A_44] : memref<32x2x40x128xi32, #tpu.memory_space<hbm>> -> memref<1x1x40x128xi32, #tpu.memory_space<hbm>>
      %dma_start3A_46 = tpu.memref_squeeze %dma_start3A_45 : memref<1x1x40x128xi32, #tpu.memory_space<hbm>> -> memref<40x128xi32, #tpu.memory_space<hbm>>
      tpu.enqueue_dma source(%dma_start3A_46 : memref<40x128xi32, #tpu.memory_space<hbm>>) target(%arg9 : memref<40x128xi32, #tpu.memory_space<vmem>>) target_semaphore(%run_scoped3A_38 : memref<!tpu.dma_semaphore, #tpu.memory_space<semaphore_mem>>)
      %dma_wait3A = arith.constant 0 : i32
      %dma_wait3A_47 = arith.constant 0 : i32
      %dma_wait3A_48 = tpu.memref_slice %arg6[%add3A, %run_scoped3A_20, %dma_wait3A, %dma_wait3A_47] : memref<32x2x40x128xi32, #tpu.memory_space<hbm>> -> memref<1x1x40x128xi32, #tpu.memory_space<hbm>>
      %dma_wait3A_49 = tpu.memref_squeeze %dma_wait3A_48 : memref<1x1x40x128xi32, #tpu.memory_space<hbm>> -> memref<40x128xi32, #tpu.memory_space<hbm>>
      %dma_wait3A_50 = arith.constant 0 : i32
      %dma_wait3A_51 = arith.constant 0 : i32
      %dma_wait3A_52 = tpu.memref_slice %arg6[%add3A, %run_scoped3A_20, %dma_wait3A_50, %dma_wait3A_51] : memref<32x2x40x128xi32, #tpu.memory_space<hbm>> -> memref<1x1x40x128xi32, #tpu.memory_space<hbm>>
      %dma_wait3A_53 = tpu.memref_squeeze %dma_wait3A_52 : memref<1x1x40x128xi32, #tpu.memory_space<hbm>> -> memref<40x128xi32, #tpu.memory_space<hbm>>
      tpu.wait_dma2 semaphore(%run_scoped3A_38 : memref<!tpu.dma_semaphore, #tpu.memory_space<semaphore_mem>>) src(%dma_wait3A_53 : memref<40x128xi32, #tpu.memory_space<hbm>>) dst(%arg9 : memref<40x128xi32, #tpu.memory_space<vmem>>)
      tpu.yield
    }) : () -> ()
    %dma_start3A_21 = arith.constant 0 : i32
    %dma_start3A_22 = arith.constant 0 : i32
    %dma_start3A_23 = tpu.memref_slice %arg8[%dma_start3A_21, %dma_start3A_22] : memref<40x128xi32, #tpu.memory_space<vmem>> -> memref<1x128xi32, #tpu.memory_space<vmem>>
    %dma_start3A_24 = tpu.memref_squeeze %dma_start3A_23 : memref<1x128xi32, #tpu.memory_space<vmem>> -> memref<128xi32, #tpu.memory_space<vmem>>
    %dma_start3A_25 = arith.constant 0 : i32
    %dma_start3A_26 = arith.constant 0 : i32
    %dma_start3A_27 = tpu.memref_slice %arg2[%dma_start3A_25, %dma_start3A_26] : memref<10240x128xf32, #tpu.memory_space<hbm>> -> memref<10240x128xf32, #tpu.memory_space<hbm>>
    tpu.enqueue_indirect_dma source(%dma_start3A_27 : memref<10240x128xf32, #tpu.memory_space<hbm>>) target(%arg10 : memref<128x128xf32, #tpu.memory_space<vmem>>) offsets(%dma_start3A_24 : memref<128xi32, #tpu.memory_space<vmem>>) semaphore(%arg13 : memref<!tpu.dma_semaphore, #tpu.memory_space<semaphore_mem>>)
    %scan3A_28 = arith.constant 0 : i32
    %scan3A_29 = arith.constant 20 : i32
    %scan3A_30 = arith.addi %scan3A_28, %scan3A_29 : i32
    %scan3A_31 = arith.constant 1 : i32
    scf.for %scan3A_38 = %scan3A_28 to %scan3A_30 step %scan3A_31  : i32 {
      %mul3A_39 = arith.constant 2 : i32
      %mul3A_40 = arith.muli %scan3A_38, %mul3A_39 : i32
      %add3A_41 = arith.constant 0 : i32
      %add3A_42 = arith.addi %add3A_41, %mul3A_40 : i32
      %dma_wait3A = arith.constant 0 : i32
      %dma_wait3A_43 = tpu.memref_slice %arg8[%add3A_42, %dma_wait3A] : memref<40x128xi32, #tpu.memory_space<vmem>> -> memref<1x128xi32, #tpu.memory_space<vmem>>
      %dma_wait3A_44 = tpu.memref_squeeze %dma_wait3A_43 : memref<1x128xi32, #tpu.memory_space<vmem>> -> memref<128xi32, #tpu.memory_space<vmem>>
      %dma_wait3A_45 = arith.constant 0 : i32
      %dma_wait3A_46 = arith.constant 0 : i32
      %dma_wait3A_47 = tpu.memref_slice %arg2[%dma_wait3A_45, %dma_wait3A_46] : memref<10240x128xf32, #tpu.memory_space<hbm>> -> memref<10240x128xf32, #tpu.memory_space<hbm>>
      tpu.wait_indirect_dma semaphore(%arg13 : memref<!tpu.dma_semaphore, #tpu.memory_space<semaphore_mem>>) src(%dma_wait3A_47 : memref<10240x128xf32, #tpu.memory_space<hbm>>) dst(%arg10 : memref<128x128xf32, #tpu.memory_space<vmem>>)
      %add3A_48 = arith.constant 1 : i32
      %add3A_49 = arith.addi %add3A_42, %add3A_48 : i32
      %dma_start3A_50 = arith.constant 0 : i32
      %dma_start3A_51 = tpu.memref_slice %arg8[%add3A_49, %dma_start3A_50] : memref<40x128xi32, #tpu.memory_space<vmem>> -> memref<1x128xi32, #tpu.memory_space<vmem>>
      %dma_start3A_52 = tpu.memref_squeeze %dma_start3A_51 : memref<1x128xi32, #tpu.memory_space<vmem>> -> memref<128xi32, #tpu.memory_space<vmem>>
      %dma_start3A_53 = arith.constant 0 : i32
      %dma_start3A_54 = arith.constant 0 : i32
      %dma_start3A_55 = tpu.memref_slice %arg2[%dma_start3A_53, %dma_start3A_54] : memref<10240x128xf32, #tpu.memory_space<hbm>> -> memref<10240x128xf32, #tpu.memory_space<hbm>>
      tpu.enqueue_indirect_dma source(%dma_start3A_55 : memref<10240x128xf32, #tpu.memory_space<hbm>>) target(%arg11 : memref<128x128xf32, #tpu.memory_space<vmem>>) offsets(%dma_start3A_52 : memref<128xi32, #tpu.memory_space<vmem>>) semaphore(%arg14 : memref<!tpu.dma_semaphore, #tpu.memory_space<semaphore_mem>>)
      "tpu.region"() ({
        %run_scoped3A_72 = tpu.sem_alloc : memref<!tpu.dma_semaphore, #tpu.memory_space<semaphore_mem>>
        %dma_start3A_73 = arith.constant 0 : i32
        %dma_start3A_74 = tpu.memref_slice %arg9[%add3A_42, %dma_start3A_73] : memref<40x128xi32, #tpu.memory_space<vmem>> -> memref<1x128xi32, #tpu.memory_space<vmem>>
        %dma_start3A_75 = tpu.memref_squeeze %dma_start3A_74 : memref<1x128xi32, #tpu.memory_space<vmem>> -> memref<128xi32, #tpu.memory_space<vmem>>
        %dma_start3A_76 = arith.constant 0 : i32
        %dma_start3A_77 = arith.constant 0 : i32
        %dma_start3A_78 = tpu.memref_slice %arg12[%dma_start3A_76, %dma_start3A_77] : memref<10240x128xf32, #tpu.memory_space<vmem_shared>> -> memref<10240x128xf32, #tpu.memory_space<vmem_shared>>
        tpu.enqueue_indirect_dma source(%arg10 : memref<128x128xf32, #tpu.memory_space<vmem>>) target(%dma_start3A_78 : memref<10240x128xf32, #tpu.memory_space<vmem_shared>>) offsets(%dma_start3A_75 : memref<128xi32, #tpu.memory_space<vmem>>) semaphore(%run_scoped3A_72 : memref<!tpu.dma_semaphore, #tpu.memory_space<semaphore_mem>>) {add = true}
        %dma_wait3A_79 = arith.constant 0 : i32
        %dma_wait3A_80 = tpu.memref_slice %arg9[%add3A_42, %dma_wait3A_79] : memref<40x128xi32, #tpu.memory_space<vmem>> -> memref<1x128xi32, #tpu.memory_space<vmem>>
        %dma_wait3A_81 = tpu.memref_squeeze %dma_wait3A_80 : memref<1x128xi32, #tpu.memory_space<vmem>> -> memref<128xi32, #tpu.memory_space<vmem>>
        %dma_wait3A_82 = arith.constant 0 : i32
        %dma_wait3A_83 = arith.constant 0 : i32
        %dma_wait3A_84 = tpu.memref_slice %arg12[%dma_wait3A_82, %dma_wait3A_83] : memref<10240x128xf32, #tpu.memory_space<vmem_shared>> -> memref<10240x128xf32, #tpu.memory_space<vmem_shared>>
        tpu.wait_indirect_dma semaphore(%run_scoped3A_72 : memref<!tpu.dma_semaphore, #tpu.memory_space<semaphore_mem>>) src(%arg10 : memref<128x128xf32, #tpu.memory_space<vmem>>) dst(%dma_wait3A_84 : memref<10240x128xf32, #tpu.memory_space<vmem_shared>>)
        tpu.yield
      }) : () -> ()
      %add3A_56 = arith.constant 1 : i32
      %add3A_57 = arith.addi %add3A_42, %add3A_56 : i32
      %dma_wait3A_58 = arith.constant 0 : i32
      %dma_wait3A_59 = tpu.memref_slice %arg8[%add3A_57, %dma_wait3A_58] : memref<40x128xi32, #tpu.memory_space<vmem>> -> memref<1x128xi32, #tpu.memory_space<vmem>>
      %dma_wait3A_60 = tpu.memref_squeeze %dma_wait3A_59 : memref<1x128xi32, #tpu.memory_space<vmem>> -> memref<128xi32, #tpu.memory_space<vmem>>
      %dma_wait3A_61 = arith.constant 0 : i32
      %dma_wait3A_62 = arith.constant 0 : i32
      %dma_wait3A_63 = tpu.memref_slice %arg2[%dma_wait3A_61, %dma_wait3A_62] : memref<10240x128xf32, #tpu.memory_space<hbm>> -> memref<10240x128xf32, #tpu.memory_space<hbm>>
      tpu.wait_indirect_dma semaphore(%arg14 : memref<!tpu.dma_semaphore, #tpu.memory_space<semaphore_mem>>) src(%dma_wait3A_63 : memref<10240x128xf32, #tpu.memory_space<hbm>>) dst(%arg11 : memref<128x128xf32, #tpu.memory_space<vmem>>)
      %add3A_64 = arith.constant 2 : i32
      %add3A_65 = arith.addi %add3A_42, %add3A_64 : i32
      %lt3A = arith.constant 40 : i32
      %lt3A_66 = arith.cmpi slt, %add3A_65, %lt3A : i32
      %convert_element_type3A_67 = arith.extui %lt3A_66 : i1 to i32
      %cond3A_68 = arith.constant 0 : i32
      %cond3A_69 = arith.cmpi ne, %convert_element_type3A_67, %cond3A_68 : i32
      scf.if %cond3A_69 {
        %add3A_72 = arith.constant 2 : i32
        %add3A_73 = arith.addi %add3A_42, %add3A_72 : i32
        %dma_start3A_74 = arith.constant 0 : i32
        %dma_start3A_75 = tpu.memref_slice %arg8[%add3A_73, %dma_start3A_74] : memref<40x128xi32, #tpu.memory_space<vmem>> -> memref<1x128xi32, #tpu.memory_space<vmem>>
        %dma_start3A_76 = tpu.memref_squeeze %dma_start3A_75 : memref<1x128xi32, #tpu.memory_space<vmem>> -> memref<128xi32, #tpu.memory_space<vmem>>
        %dma_start3A_77 = arith.constant 0 : i32
        %dma_start3A_78 = arith.constant 0 : i32
        %dma_start3A_79 = tpu.memref_slice %arg2[%dma_start3A_77, %dma_start3A_78] : memref<10240x128xf32, #tpu.memory_space<hbm>> -> memref<10240x128xf32, #tpu.memory_space<hbm>>
        tpu.enqueue_indirect_dma source(%dma_start3A_79 : memref<10240x128xf32, #tpu.memory_space<hbm>>) target(%arg10 : memref<128x128xf32, #tpu.memory_space<vmem>>) offsets(%dma_start3A_76 : memref<128xi32, #tpu.memory_space<vmem>>) semaphore(%arg13 : memref<!tpu.dma_semaphore, #tpu.memory_space<semaphore_mem>>)
      } else {
      }
      %add3A_70 = arith.constant 1 : i32
      %add3A_71 = arith.addi %add3A_42, %add3A_70 : i32
      "tpu.region"() ({
        %run_scoped3A_72 = tpu.sem_alloc : memref<!tpu.dma_semaphore, #tpu.memory_space<semaphore_mem>>
        %dma_start3A_73 = arith.constant 0 : i32
        %dma_start3A_74 = tpu.memref_slice %arg9[%add3A_71, %dma_start3A_73] : memref<40x128xi32, #tpu.memory_space<vmem>> -> memref<1x128xi32, #tpu.memory_space<vmem>>
        %dma_start3A_75 = tpu.memref_squeeze %dma_start3A_74 : memref<1x128xi32, #tpu.memory_space<vmem>> -> memref<128xi32, #tpu.memory_space<vmem>>
        %dma_start3A_76 = arith.constant 0 : i32
        %dma_start3A_77 = arith.constant 0 : i32
        %dma_start3A_78 = tpu.memref_slice %arg12[%dma_start3A_76, %dma_start3A_77] : memref<10240x128xf32, #tpu.memory_space<vmem_shared>> -> memref<10240x128xf32, #tpu.memory_space<vmem_shared>>
        tpu.enqueue_indirect_dma source(%arg11 : memref<128x128xf32, #tpu.memory_space<vmem>>) target(%dma_start3A_78 : memref<10240x128xf32, #tpu.memory_space<vmem_shared>>) offsets(%dma_start3A_75 : memref<128xi32, #tpu.memory_space<vmem>>) semaphore(%run_scoped3A_72 : memref<!tpu.dma_semaphore, #tpu.memory_space<semaphore_mem>>) {add = true}
        %dma_wait3A_79 = arith.constant 0 : i32
        %dma_wait3A_80 = tpu.memref_slice %arg9[%add3A_71, %dma_wait3A_79] : memref<40x128xi32, #tpu.memory_space<vmem>> -> memref<1x128xi32, #tpu.memory_space<vmem>>
        %dma_wait3A_81 = tpu.memref_squeeze %dma_wait3A_80 : memref<1x128xi32, #tpu.memory_space<vmem>> -> memref<128xi32, #tpu.memory_space<vmem>>
        %dma_wait3A_82 = arith.constant 0 : i32
        %dma_wait3A_83 = arith.constant 0 : i32
        %dma_wait3A_84 = tpu.memref_slice %arg12[%dma_wait3A_82, %dma_wait3A_83] : memref<10240x128xf32, #tpu.memory_space<vmem_shared>> -> memref<10240x128xf32, #tpu.memory_space<vmem_shared>>
        tpu.wait_indirect_dma semaphore(%run_scoped3A_72 : memref<!tpu.dma_semaphore, #tpu.memory_space<semaphore_mem>>) src(%arg11 : memref<128x128xf32, #tpu.memory_space<vmem>>) dst(%dma_wait3A_84 : memref<10240x128xf32, #tpu.memory_space<vmem_shared>>)
        tpu.yield
      }) : () -> ()
    }
    %scan3A_32 = arith.constant 20 : i32
    %barrier3A_33 = arith.constant 0 : index
    tpu.barrier barrier_id(%barrier3A_33)
    %mul3A_34 = arith.constant 640 : i32
    %mul3A_35 = arith.muli %arg1, %mul3A_34 : i32
    %mul3A_36 = arith.constant 640 : i32
    %mul3A_37 = arith.muli %arg1, %mul3A_36 : i32
    "tpu.region"() ({
      %run_scoped3A_38 = tpu.sem_alloc : memref<!tpu.dma_semaphore, #tpu.memory_space<semaphore_mem>>
      %dma_start3A_39 = arith.constant 0 : i32
      %dma_start3A_40 = tpu.memref_slice %arg7[%arg0, %mul3A_37, %dma_start3A_39] : memref<2x10240x128xf32, #tpu.memory_space<hbm>> -> memref<1x640x128xf32, #tpu.memory_space<hbm>>
      %dma_start3A_41 = tpu.memref_squeeze %dma_start3A_40 : memref<1x640x128xf32, #tpu.memory_space<hbm>> -> memref<640x128xf32, #tpu.memory_space<hbm>>
      %dma_start3A_42 = arith.constant 0 : i32
      %dma_start3A_43 = tpu.memref_slice %arg12[%mul3A_35, %dma_start3A_42] : memref<10240x128xf32, #tpu.memory_space<vmem_shared>> -> memref<640x128xf32, #tpu.memory_space<vmem_shared>>
      tpu.enqueue_dma source(%dma_start3A_43 : memref<640x128xf32, #tpu.memory_space<vmem_shared>>) target(%dma_start3A_41 : memref<640x128xf32, #tpu.memory_space<hbm>>) target_semaphore(%run_scoped3A_38 : memref<!tpu.dma_semaphore, #tpu.memory_space<semaphore_mem>>)
      %dma_wait3A = arith.constant 0 : i32
      %dma_wait3A_44 = tpu.memref_slice %arg7[%arg0, %mul3A_37, %dma_wait3A] : memref<2x10240x128xf32, #tpu.memory_space<hbm>> -> memref<1x640x128xf32, #tpu.memory_space<hbm>>
      %dma_wait3A_45 = tpu.memref_squeeze %dma_wait3A_44 : memref<1x640x128xf32, #tpu.memory_space<hbm>> -> memref<640x128xf32, #tpu.memory_space<hbm>>
      %dma_wait3A_46 = arith.constant 0 : i32
      %dma_wait3A_47 = tpu.memref_slice %arg12[%mul3A_35, %dma_wait3A_46] : memref<10240x128xf32, #tpu.memory_space<vmem_shared>> -> memref<640x128xf32, #tpu.memory_space<vmem_shared>>
      tpu.wait_dma2 semaphore(%run_scoped3A_38 : memref<!tpu.dma_semaphore, #tpu.memory_space<semaphore_mem>>) src(%dma_wait3A_47 : memref<640x128xf32, #tpu.memory_space<vmem_shared>>) dst(%dma_wait3A_45 : memref<640x128xf32, #tpu.memory_space<hbm>>)
      tpu.yield
    }) : () -> ()
    return
  }
}

#map = affine_map<(d0, d1) -> (0, 0)>
#map1 = affine_map<(d0, d1) -> (0, 0, 0, 0)>
#map2 = affine_map<(d0, d1) -> (0, 0, 0)>
module attributes {stable_mosaic.version = 14 : i64} {
  func.func @_sc_scatter(%arg0: i32, %arg1: i32, %arg2: memref<6144x128xf32, #tpu.memory_space<hbm>>, %arg3: memref<10240x128xf32, #tpu.memory_space<hbm>>, %arg4: memref<10240x128xf32, #tpu.memory_space<hbm>>, %arg5: memref<32x2x40x128xi32, #tpu.memory_space<hbm>>, %arg6: memref<32x2x40x128xi32, #tpu.memory_space<hbm>>, %arg7: memref<2x10240x128xf32, #tpu.memory_space<hbm>>, %arg8: memref<40x128xi32, #tpu.memory_space<vmem>>, %arg9: memref<40x128xi32, #tpu.memory_space<vmem>>, %arg10: memref<128x128xf32, #tpu.memory_space<vmem>>, %arg11: memref<128x128xf32, #tpu.memory_space<vmem>>, %arg12: memref<10240x128xf32, #tpu.memory_space<vmem_shared>>, %arg13: memref<!tpu.dma_semaphore, #tpu.memory_space<semaphore_mem>>, %arg14: memref<!tpu.dma_semaphore, #tpu.memory_space<semaphore_mem>>) attributes {dimension_semantics = [#tpu.dimension_semantics<core_parallel>, #tpu.dimension_semantics<subcore_parallel>], iteration_bounds = array<i64: 2, 16>, scalar_prefetch = 0 : i64, scratch_operands = 7 : i64, tpu.core_type = #tpu.core_type<sc_vector_subcore>, window_params = [{transform_indices = #map}, {transform_indices = #map}, {transform_indices = #map}, {transform_indices = #map1}, {transform_indices = #map1}, {transform_indices = #map2}]} {
    %mul3A = arith.constant 2 : i32
    %mul3A_0 = arith.muli %arg1, %mul3A : i32
    %add3A = arith.addi %mul3A_0, %arg0 : i32
    %eq3A = arith.constant 0 : i32
    %eq3A_1 = arith.cmpi eq, %arg0, %eq3A : i32
    %convert_element_type3A = arith.extui %eq3A_1 : i1 to i32
    %cond3A = arith.constant 0 : i32
    %cond3A_2 = arith.cmpi ne, %convert_element_type3A, %cond3A : i32
    scf.if %cond3A_2 {
      %mul3A_38 = arith.constant 640 : i32
      %mul3A_39 = arith.muli %arg1, %mul3A_38 : i32
      %mul3A_40 = arith.constant 640 : i32
      %mul3A_41 = arith.muli %arg1, %mul3A_40 : i32
      "tpu.region"() ({
        %run_scoped3A_42 = tpu.sem_alloc : memref<!tpu.dma_semaphore, #tpu.memory_space<semaphore_mem>>
        %dma_start3A_43 = arith.constant 0 : i32
        %dma_start3A_44 = tpu.memref_slice %arg12[%mul3A_41, %dma_start3A_43] : memref<10240x128xf32, #tpu.memory_space<vmem_shared>> -> memref<640x128xf32, #tpu.memory_space<vmem_shared>>
        %dma_start3A_45 = arith.constant 0 : i32
        %dma_start3A_46 = tpu.memref_slice %arg3[%mul3A_39, %dma_start3A_45] : memref<10240x128xf32, #tpu.memory_space<hbm>> -> memref<640x128xf32, #tpu.memory_space<hbm>>
        tpu.enqueue_dma source(%dma_start3A_46 : memref<640x128xf32, #tpu.memory_space<hbm>>) target(%dma_start3A_44 : memref<640x128xf32, #tpu.memory_space<vmem_shared>>) target_semaphore(%run_scoped3A_42 : memref<!tpu.dma_semaphore, #tpu.memory_space<semaphore_mem>>)
        %dma_wait3A = arith.constant 0 : i32
        %dma_wait3A_47 = tpu.memref_slice %arg12[%mul3A_41, %dma_wait3A] : memref<10240x128xf32, #tpu.memory_space<vmem_shared>> -> memref<640x128xf32, #tpu.memory_space<vmem_shared>>
        %dma_wait3A_48 = arith.constant 0 : i32
        %dma_wait3A_49 = tpu.memref_slice %arg3[%mul3A_39, %dma_wait3A_48] : memref<10240x128xf32, #tpu.memory_space<hbm>> -> memref<640x128xf32, #tpu.memory_space<hbm>>
        tpu.wait_dma2 semaphore(%run_scoped3A_42 : memref<!tpu.dma_semaphore, #tpu.memory_space<semaphore_mem>>) src(%dma_wait3A_49 : memref<640x128xf32, #tpu.memory_space<hbm>>) dst(%dma_wait3A_47 : memref<640x128xf32, #tpu.memory_space<vmem_shared>>)
        tpu.yield
      }) : () -> ()
    } else {
    }
    %eq3A_3 = arith.constant 1 : i32
    %eq3A_4 = arith.cmpi eq, %arg0, %eq3A_3 : i32
    %convert_element_type3A_5 = arith.extui %eq3A_4 : i1 to i32
    %cond3A_6 = arith.constant 0 : i32
    %cond3A_7 = arith.cmpi ne, %convert_element_type3A_5, %cond3A_6 : i32
    scf.if %cond3A_7 {
      %mul3A_38 = arith.constant 640 : i32
      %mul3A_39 = arith.muli %arg1, %mul3A_38 : i32
      %mul3A_40 = arith.constant 640 : i32
      %mul3A_41 = arith.muli %arg1, %mul3A_40 : i32
      "tpu.region"() ({
        %run_scoped3A_42 = tpu.sem_alloc : memref<!tpu.dma_semaphore, #tpu.memory_space<semaphore_mem>>
        %dma_start3A_43 = arith.constant 0 : i32
        %dma_start3A_44 = tpu.memref_slice %arg12[%mul3A_41, %dma_start3A_43] : memref<10240x128xf32, #tpu.memory_space<vmem_shared>> -> memref<640x128xf32, #tpu.memory_space<vmem_shared>>
        %dma_start3A_45 = arith.constant 0 : i32
        %dma_start3A_46 = tpu.memref_slice %arg4[%mul3A_39, %dma_start3A_45] : memref<10240x128xf32, #tpu.memory_space<hbm>> -> memref<640x128xf32, #tpu.memory_space<hbm>>
        tpu.enqueue_dma source(%dma_start3A_46 : memref<640x128xf32, #tpu.memory_space<hbm>>) target(%dma_start3A_44 : memref<640x128xf32, #tpu.memory_space<vmem_shared>>) target_semaphore(%run_scoped3A_42 : memref<!tpu.dma_semaphore, #tpu.memory_space<semaphore_mem>>)
        %dma_wait3A = arith.constant 0 : i32
        %dma_wait3A_47 = tpu.memref_slice %arg12[%mul3A_41, %dma_wait3A] : memref<10240x128xf32, #tpu.memory_space<vmem_shared>> -> memref<640x128xf32, #tpu.memory_space<vmem_shared>>
        %dma_wait3A_48 = arith.constant 0 : i32
        %dma_wait3A_49 = tpu.memref_slice %arg4[%mul3A_39, %dma_wait3A_48] : memref<10240x128xf32, #tpu.memory_space<hbm>> -> memref<640x128xf32, #tpu.memory_space<hbm>>
        tpu.wait_dma2 semaphore(%run_scoped3A_42 : memref<!tpu.dma_semaphore, #tpu.memory_space<semaphore_mem>>) src(%dma_wait3A_49 : memref<640x128xf32, #tpu.memory_space<hbm>>) dst(%dma_wait3A_47 : memref<640x128xf32, #tpu.memory_space<vmem_shared>>)
        tpu.yield
      }) : () -> ()
    } else {
    }
    %barrier3A = arith.constant 0 : index
    tpu.barrier barrier_id(%barrier3A)
    %run_scoped3A = arith.constant 0 : i32
    "tpu.region"() ({
      %run_scoped3A_38 = tpu.sem_alloc : memref<!tpu.dma_semaphore, #tpu.memory_space<semaphore_mem>>
      %dma_start3A_39 = arith.constant 0 : i32
      %dma_start3A_40 = arith.constant 0 : i32
      %dma_start3A_41 = tpu.memref_slice %arg5[%add3A, %run_scoped3A, %dma_start3A_39, %dma_start3A_40] : memref<32x2x40x128xi32, #tpu.memory_space<hbm>> -> memref<1x1x40x128xi32, #tpu.memory_space<hbm>>
      %dma_start3A_42 = tpu.memref_squeeze %dma_start3A_41 : memref<1x1x40x128xi32, #tpu.memory_space<hbm>> -> memref<40x128xi32, #tpu.memory_space<hbm>>
      %dma_start3A_43 = arith.constant 0 : i32
      %dma_start3A_44 = arith.constant 0 : i32
      %dma_start3A_45 = tpu.memref_slice %arg5[%add3A, %run_scoped3A, %dma_start3A_43, %dma_start3A_44] : memref<32x2x40x128xi32, #tpu.memory_space<hbm>> -> memref<1x1x40x128xi32, #tpu.memory_space<hbm>>
      %dma_start3A_46 = tpu.memref_squeeze %dma_start3A_45 : memref<1x1x40x128xi32, #tpu.memory_space<hbm>> -> memref<40x128xi32, #tpu.memory_space<hbm>>
      tpu.enqueue_dma source(%dma_start3A_46 : memref<40x128xi32, #tpu.memory_space<hbm>>) target(%arg8 : memref<40x128xi32, #tpu.memory_space<vmem>>) target_semaphore(%run_scoped3A_38 : memref<!tpu.dma_semaphore, #tpu.memory_space<semaphore_mem>>)
      %dma_wait3A = arith.constant 0 : i32
      %dma_wait3A_47 = arith.constant 0 : i32
      %dma_wait3A_48 = tpu.memref_slice %arg5[%add3A, %run_scoped3A, %dma_wait3A, %dma_wait3A_47] : memref<32x2x40x128xi32, #tpu.memory_space<hbm>> -> memref<1x1x40x128xi32, #tpu.memory_space<hbm>>
      %dma_wait3A_49 = tpu.memref_squeeze %dma_wait3A_48 : memref<1x1x40x128xi32, #tpu.memory_space<hbm>> -> memref<40x128xi32, #tpu.memory_space<hbm>>
      %dma_wait3A_50 = arith.constant 0 : i32
      %dma_wait3A_51 = arith.constant 0 : i32
      %dma_wait3A_52 = tpu.memref_slice %arg5[%add3A, %run_scoped3A, %dma_wait3A_50, %dma_wait3A_51] : memref<32x2x40x128xi32, #tpu.memory_space<hbm>> -> memref<1x1x40x128xi32, #tpu.memory_space<hbm>>
      %dma_wait3A_53 = tpu.memref_squeeze %dma_wait3A_52 : memref<1x1x40x128xi32, #tpu.memory_space<hbm>> -> memref<40x128xi32, #tpu.memory_space<hbm>>
      tpu.wait_dma2 semaphore(%run_scoped3A_38 : memref<!tpu.dma_semaphore, #tpu.memory_space<semaphore_mem>>) src(%dma_wait3A_53 : memref<40x128xi32, #tpu.memory_space<hbm>>) dst(%arg8 : memref<40x128xi32, #tpu.memory_space<vmem>>)
      tpu.yield
    }) : () -> ()
    %run_scoped3A_8 = arith.constant 0 : i32
    "tpu.region"() ({
      %run_scoped3A_38 = tpu.sem_alloc : memref<!tpu.dma_semaphore, #tpu.memory_space<semaphore_mem>>
      %dma_start3A_39 = arith.constant 0 : i32
      %dma_start3A_40 = arith.constant 0 : i32
      %dma_start3A_41 = tpu.memref_slice %arg6[%add3A, %run_scoped3A_8, %dma_start3A_39, %dma_start3A_40] : memref<32x2x40x128xi32, #tpu.memory_space<hbm>> -> memref<1x1x40x128xi32, #tpu.memory_space<hbm>>
      %dma_start3A_42 = tpu.memref_squeeze %dma_start3A_41 : memref<1x1x40x128xi32, #tpu.memory_space<hbm>> -> memref<40x128xi32, #tpu.memory_space<hbm>>
      %dma_start3A_43 = arith.constant 0 : i32
      %dma_start3A_44 = arith.constant 0 : i32
      %dma_start3A_45 = tpu.memref_slice %arg6[%add3A, %run_scoped3A_8, %dma_start3A_43, %dma_start3A_44] : memref<32x2x40x128xi32, #tpu.memory_space<hbm>> -> memref<1x1x40x128xi32, #tpu.memory_space<hbm>>
      %dma_start3A_46 = tpu.memref_squeeze %dma_start3A_45 : memref<1x1x40x128xi32, #tpu.memory_space<hbm>> -> memref<40x128xi32, #tpu.memory_space<hbm>>
      tpu.enqueue_dma source(%dma_start3A_46 : memref<40x128xi32, #tpu.memory_space<hbm>>) target(%arg9 : memref<40x128xi32, #tpu.memory_space<vmem>>) target_semaphore(%run_scoped3A_38 : memref<!tpu.dma_semaphore, #tpu.memory_space<semaphore_mem>>)
      %dma_wait3A = arith.constant 0 : i32
      %dma_wait3A_47 = arith.constant 0 : i32
      %dma_wait3A_48 = tpu.memref_slice %arg6[%add3A, %run_scoped3A_8, %dma_wait3A, %dma_wait3A_47] : memref<32x2x40x128xi32, #tpu.memory_space<hbm>> -> memref<1x1x40x128xi32, #tpu.memory_space<hbm>>
      %dma_wait3A_49 = tpu.memref_squeeze %dma_wait3A_48 : memref<1x1x40x128xi32, #tpu.memory_space<hbm>> -> memref<40x128xi32, #tpu.memory_space<hbm>>
      %dma_wait3A_50 = arith.constant 0 : i32
      %dma_wait3A_51 = arith.constant 0 : i32
      %dma_wait3A_52 = tpu.memref_slice %arg6[%add3A, %run_scoped3A_8, %dma_wait3A_50, %dma_wait3A_51] : memref<32x2x40x128xi32, #tpu.memory_space<hbm>> -> memref<1x1x40x128xi32, #tpu.memory_space<hbm>>
      %dma_wait3A_53 = tpu.memref_squeeze %dma_wait3A_52 : memref<1x1x40x128xi32, #tpu.memory_space<hbm>> -> memref<40x128xi32, #tpu.memory_space<hbm>>
      tpu.wait_dma2 semaphore(%run_scoped3A_38 : memref<!tpu.dma_semaphore, #tpu.memory_space<semaphore_mem>>) src(%dma_wait3A_53 : memref<40x128xi32, #tpu.memory_space<hbm>>) dst(%arg9 : memref<40x128xi32, #tpu.memory_space<vmem>>)
      tpu.yield
    }) : () -> ()
    %dma_start3A = arith.constant 0 : i32
    %dma_start3A_9 = arith.constant 0 : i32
    %dma_start3A_10 = tpu.memref_slice %arg8[%dma_start3A, %dma_start3A_9] : memref<40x128xi32, #tpu.memory_space<vmem>> -> memref<1x128xi32, #tpu.memory_space<vmem>>
    %dma_start3A_11 = tpu.memref_squeeze %dma_start3A_10 : memref<1x128xi32, #tpu.memory_space<vmem>> -> memref<128xi32, #tpu.memory_space<vmem>>
    %dma_start3A_12 = arith.constant 0 : i32
    %dma_start3A_13 = arith.constant 0 : i32
    %dma_start3A_14 = tpu.memref_slice %arg2[%dma_start3A_12, %dma_start3A_13] : memref<6144x128xf32, #tpu.memory_space<hbm>> -> memref<6144x128xf32, #tpu.memory_space<hbm>>
    tpu.enqueue_indirect_dma source(%dma_start3A_14 : memref<6144x128xf32, #tpu.memory_space<hbm>>) target(%arg10 : memref<128x128xf32, #tpu.memory_space<vmem>>) offsets(%dma_start3A_11 : memref<128xi32, #tpu.memory_space<vmem>>) semaphore(%arg13 : memref<!tpu.dma_semaphore, #tpu.memory_space<semaphore_mem>>)
    %scan3A = arith.constant 0 : i32
    %scan3A_15 = arith.constant 20 : i32
    %scan3A_16 = arith.addi %scan3A, %scan3A_15 : i32
    %scan3A_17 = arith.constant 1 : i32
    scf.for %scan3A_38 = %scan3A to %scan3A_16 step %scan3A_17  : i32 {
      %mul3A_39 = arith.constant 2 : i32
      %mul3A_40 = arith.muli %scan3A_38, %mul3A_39 : i32
      %add3A_41 = arith.constant 0 : i32
      %add3A_42 = arith.addi %add3A_41, %mul3A_40 : i32
      %dma_wait3A = arith.constant 0 : i32
      %dma_wait3A_43 = tpu.memref_slice %arg8[%add3A_42, %dma_wait3A] : memref<40x128xi32, #tpu.memory_space<vmem>> -> memref<1x128xi32, #tpu.memory_space<vmem>>
      %dma_wait3A_44 = tpu.memref_squeeze %dma_wait3A_43 : memref<1x128xi32, #tpu.memory_space<vmem>> -> memref<128xi32, #tpu.memory_space<vmem>>
      %dma_wait3A_45 = arith.constant 0 : i32
      %dma_wait3A_46 = arith.constant 0 : i32
      %dma_wait3A_47 = tpu.memref_slice %arg2[%dma_wait3A_45, %dma_wait3A_46] : memref<6144x128xf32, #tpu.memory_space<hbm>> -> memref<6144x128xf32, #tpu.memory_space<hbm>>
      tpu.wait_indirect_dma semaphore(%arg13 : memref<!tpu.dma_semaphore, #tpu.memory_space<semaphore_mem>>) src(%dma_wait3A_47 : memref<6144x128xf32, #tpu.memory_space<hbm>>) dst(%arg10 : memref<128x128xf32, #tpu.memory_space<vmem>>)
      %add3A_48 = arith.constant 1 : i32
      %add3A_49 = arith.addi %add3A_42, %add3A_48 : i32
      %dma_start3A_50 = arith.constant 0 : i32
      %dma_start3A_51 = tpu.memref_slice %arg8[%add3A_49, %dma_start3A_50] : memref<40x128xi32, #tpu.memory_space<vmem>> -> memref<1x128xi32, #tpu.memory_space<vmem>>
      %dma_start3A_52 = tpu.memref_squeeze %dma_start3A_51 : memref<1x128xi32, #tpu.memory_space<vmem>> -> memref<128xi32, #tpu.memory_space<vmem>>
      %dma_start3A_53 = arith.constant 0 : i32
      %dma_start3A_54 = arith.constant 0 : i32
      %dma_start3A_55 = tpu.memref_slice %arg2[%dma_start3A_53, %dma_start3A_54] : memref<6144x128xf32, #tpu.memory_space<hbm>> -> memref<6144x128xf32, #tpu.memory_space<hbm>>
      tpu.enqueue_indirect_dma source(%dma_start3A_55 : memref<6144x128xf32, #tpu.memory_space<hbm>>) target(%arg11 : memref<128x128xf32, #tpu.memory_space<vmem>>) offsets(%dma_start3A_52 : memref<128xi32, #tpu.memory_space<vmem>>) semaphore(%arg14 : memref<!tpu.dma_semaphore, #tpu.memory_space<semaphore_mem>>)
      "tpu.region"() ({
        %run_scoped3A_72 = tpu.sem_alloc : memref<!tpu.dma_semaphore, #tpu.memory_space<semaphore_mem>>
        %dma_start3A_73 = arith.constant 0 : i32
        %dma_start3A_74 = tpu.memref_slice %arg9[%add3A_42, %dma_start3A_73] : memref<40x128xi32, #tpu.memory_space<vmem>> -> memref<1x128xi32, #tpu.memory_space<vmem>>
        %dma_start3A_75 = tpu.memref_squeeze %dma_start3A_74 : memref<1x128xi32, #tpu.memory_space<vmem>> -> memref<128xi32, #tpu.memory_space<vmem>>
        %dma_start3A_76 = arith.constant 0 : i32
        %dma_start3A_77 = arith.constant 0 : i32
        %dma_start3A_78 = tpu.memref_slice %arg12[%dma_start3A_76, %dma_start3A_77] : memref<10240x128xf32, #tpu.memory_space<vmem_shared>> -> memref<10240x128xf32, #tpu.memory_space<vmem_shared>>
        tpu.enqueue_indirect_dma source(%arg10 : memref<128x128xf32, #tpu.memory_space<vmem>>) target(%dma_start3A_78 : memref<10240x128xf32, #tpu.memory_space<vmem_shared>>) offsets(%dma_start3A_75 : memref<128xi32, #tpu.memory_space<vmem>>) semaphore(%run_scoped3A_72 : memref<!tpu.dma_semaphore, #tpu.memory_space<semaphore_mem>>) {add = true}
        %dma_wait3A_79 = arith.constant 0 : i32
        %dma_wait3A_80 = tpu.memref_slice %arg9[%add3A_42, %dma_wait3A_79] : memref<40x128xi32, #tpu.memory_space<vmem>> -> memref<1x128xi32, #tpu.memory_space<vmem>>
        %dma_wait3A_81 = tpu.memref_squeeze %dma_wait3A_80 : memref<1x128xi32, #tpu.memory_space<vmem>> -> memref<128xi32, #tpu.memory_space<vmem>>
        %dma_wait3A_82 = arith.constant 0 : i32
        %dma_wait3A_83 = arith.constant 0 : i32
        %dma_wait3A_84 = tpu.memref_slice %arg12[%dma_wait3A_82, %dma_wait3A_83] : memref<10240x128xf32, #tpu.memory_space<vmem_shared>> -> memref<10240x128xf32, #tpu.memory_space<vmem_shared>>
        tpu.wait_indirect_dma semaphore(%run_scoped3A_72 : memref<!tpu.dma_semaphore, #tpu.memory_space<semaphore_mem>>) src(%arg10 : memref<128x128xf32, #tpu.memory_space<vmem>>) dst(%dma_wait3A_84 : memref<10240x128xf32, #tpu.memory_space<vmem_shared>>)
        tpu.yield
      }) : () -> ()
      %add3A_56 = arith.constant 1 : i32
      %add3A_57 = arith.addi %add3A_42, %add3A_56 : i32
      %dma_wait3A_58 = arith.constant 0 : i32
      %dma_wait3A_59 = tpu.memref_slice %arg8[%add3A_57, %dma_wait3A_58] : memref<40x128xi32, #tpu.memory_space<vmem>> -> memref<1x128xi32, #tpu.memory_space<vmem>>
      %dma_wait3A_60 = tpu.memref_squeeze %dma_wait3A_59 : memref<1x128xi32, #tpu.memory_space<vmem>> -> memref<128xi32, #tpu.memory_space<vmem>>
      %dma_wait3A_61 = arith.constant 0 : i32
      %dma_wait3A_62 = arith.constant 0 : i32
      %dma_wait3A_63 = tpu.memref_slice %arg2[%dma_wait3A_61, %dma_wait3A_62] : memref<6144x128xf32, #tpu.memory_space<hbm>> -> memref<6144x128xf32, #tpu.memory_space<hbm>>
      tpu.wait_indirect_dma semaphore(%arg14 : memref<!tpu.dma_semaphore, #tpu.memory_space<semaphore_mem>>) src(%dma_wait3A_63 : memref<6144x128xf32, #tpu.memory_space<hbm>>) dst(%arg11 : memref<128x128xf32, #tpu.memory_space<vmem>>)
      %add3A_64 = arith.constant 2 : i32
      %add3A_65 = arith.addi %add3A_42, %add3A_64 : i32
      %lt3A = arith.constant 40 : i32
      %lt3A_66 = arith.cmpi slt, %add3A_65, %lt3A : i32
      %convert_element_type3A_67 = arith.extui %lt3A_66 : i1 to i32
      %cond3A_68 = arith.constant 0 : i32
      %cond3A_69 = arith.cmpi ne, %convert_element_type3A_67, %cond3A_68 : i32
      scf.if %cond3A_69 {
        %add3A_72 = arith.constant 2 : i32
        %add3A_73 = arith.addi %add3A_42, %add3A_72 : i32
        %dma_start3A_74 = arith.constant 0 : i32
        %dma_start3A_75 = tpu.memref_slice %arg8[%add3A_73, %dma_start3A_74] : memref<40x128xi32, #tpu.memory_space<vmem>> -> memref<1x128xi32, #tpu.memory_space<vmem>>
        %dma_start3A_76 = tpu.memref_squeeze %dma_start3A_75 : memref<1x128xi32, #tpu.memory_space<vmem>> -> memref<128xi32, #tpu.memory_space<vmem>>
        %dma_start3A_77 = arith.constant 0 : i32
        %dma_start3A_78 = arith.constant 0 : i32
        %dma_start3A_79 = tpu.memref_slice %arg2[%dma_start3A_77, %dma_start3A_78] : memref<6144x128xf32, #tpu.memory_space<hbm>> -> memref<6144x128xf32, #tpu.memory_space<hbm>>
        tpu.enqueue_indirect_dma source(%dma_start3A_79 : memref<6144x128xf32, #tpu.memory_space<hbm>>) target(%arg10 : memref<128x128xf32, #tpu.memory_space<vmem>>) offsets(%dma_start3A_76 : memref<128xi32, #tpu.memory_space<vmem>>) semaphore(%arg13 : memref<!tpu.dma_semaphore, #tpu.memory_space<semaphore_mem>>)
      } else {
      }
      %add3A_70 = arith.constant 1 : i32
      %add3A_71 = arith.addi %add3A_42, %add3A_70 : i32
      "tpu.region"() ({
        %run_scoped3A_72 = tpu.sem_alloc : memref<!tpu.dma_semaphore, #tpu.memory_space<semaphore_mem>>
        %dma_start3A_73 = arith.constant 0 : i32
        %dma_start3A_74 = tpu.memref_slice %arg9[%add3A_71, %dma_start3A_73] : memref<40x128xi32, #tpu.memory_space<vmem>> -> memref<1x128xi32, #tpu.memory_space<vmem>>
        %dma_start3A_75 = tpu.memref_squeeze %dma_start3A_74 : memref<1x128xi32, #tpu.memory_space<vmem>> -> memref<128xi32, #tpu.memory_space<vmem>>
        %dma_start3A_76 = arith.constant 0 : i32
        %dma_start3A_77 = arith.constant 0 : i32
        %dma_start3A_78 = tpu.memref_slice %arg12[%dma_start3A_76, %dma_start3A_77] : memref<10240x128xf32, #tpu.memory_space<vmem_shared>> -> memref<10240x128xf32, #tpu.memory_space<vmem_shared>>
        tpu.enqueue_indirect_dma source(%arg11 : memref<128x128xf32, #tpu.memory_space<vmem>>) target(%dma_start3A_78 : memref<10240x128xf32, #tpu.memory_space<vmem_shared>>) offsets(%dma_start3A_75 : memref<128xi32, #tpu.memory_space<vmem>>) semaphore(%run_scoped3A_72 : memref<!tpu.dma_semaphore, #tpu.memory_space<semaphore_mem>>) {add = true}
        %dma_wait3A_79 = arith.constant 0 : i32
        %dma_wait3A_80 = tpu.memref_slice %arg9[%add3A_71, %dma_wait3A_79] : memref<40x128xi32, #tpu.memory_space<vmem>> -> memref<1x128xi32, #tpu.memory_space<vmem>>
        %dma_wait3A_81 = tpu.memref_squeeze %dma_wait3A_80 : memref<1x128xi32, #tpu.memory_space<vmem>> -> memref<128xi32, #tpu.memory_space<vmem>>
        %dma_wait3A_82 = arith.constant 0 : i32
        %dma_wait3A_83 = arith.constant 0 : i32
        %dma_wait3A_84 = tpu.memref_slice %arg12[%dma_wait3A_82, %dma_wait3A_83] : memref<10240x128xf32, #tpu.memory_space<vmem_shared>> -> memref<10240x128xf32, #tpu.memory_space<vmem_shared>>
        tpu.wait_indirect_dma semaphore(%run_scoped3A_72 : memref<!tpu.dma_semaphore, #tpu.memory_space<semaphore_mem>>) src(%arg11 : memref<128x128xf32, #tpu.memory_space<vmem>>) dst(%dma_wait3A_84 : memref<10240x128xf32, #tpu.memory_space<vmem_shared>>)
        tpu.yield
      }) : () -> ()
    }
    %scan3A_18 = arith.constant 20 : i32
    %run_scoped3A_19 = arith.constant 1 : i32
    "tpu.region"() ({
      %run_scoped3A_38 = tpu.sem_alloc : memref<!tpu.dma_semaphore, #tpu.memory_space<semaphore_mem>>
      %dma_start3A_39 = arith.constant 0 : i32
      %dma_start3A_40 = arith.constant 0 : i32
      %dma_start3A_41 = tpu.memref_slice %arg5[%add3A, %run_scoped3A_19, %dma_start3A_39, %dma_start3A_40] : memref<32x2x40x128xi32, #tpu.memory_space<hbm>> -> memref<1x1x40x128xi32, #tpu.memory_space<hbm>>
      %dma_start3A_42 = tpu.memref_squeeze %dma_start3A_41 : memref<1x1x40x128xi32, #tpu.memory_space<hbm>> -> memref<40x128xi32, #tpu.memory_space<hbm>>
      %dma_start3A_43 = arith.constant 0 : i32
      %dma_start3A_44 = arith.constant 0 : i32
      %dma_start3A_45 = tpu.memref_slice %arg5[%add3A, %run_scoped3A_19, %dma_start3A_43, %dma_start3A_44] : memref<32x2x40x128xi32, #tpu.memory_space<hbm>> -> memref<1x1x40x128xi32, #tpu.memory_space<hbm>>
      %dma_start3A_46 = tpu.memref_squeeze %dma_start3A_45 : memref<1x1x40x128xi32, #tpu.memory_space<hbm>> -> memref<40x128xi32, #tpu.memory_space<hbm>>
      tpu.enqueue_dma source(%dma_start3A_46 : memref<40x128xi32, #tpu.memory_space<hbm>>) target(%arg8 : memref<40x128xi32, #tpu.memory_space<vmem>>) target_semaphore(%run_scoped3A_38 : memref<!tpu.dma_semaphore, #tpu.memory_space<semaphore_mem>>)
      %dma_wait3A = arith.constant 0 : i32
      %dma_wait3A_47 = arith.constant 0 : i32
      %dma_wait3A_48 = tpu.memref_slice %arg5[%add3A, %run_scoped3A_19, %dma_wait3A, %dma_wait3A_47] : memref<32x2x40x128xi32, #tpu.memory_space<hbm>> -> memref<1x1x40x128xi32, #tpu.memory_space<hbm>>
      %dma_wait3A_49 = tpu.memref_squeeze %dma_wait3A_48 : memref<1x1x40x128xi32, #tpu.memory_space<hbm>> -> memref<40x128xi32, #tpu.memory_space<hbm>>
      %dma_wait3A_50 = arith.constant 0 : i32
      %dma_wait3A_51 = arith.constant 0 : i32
      %dma_wait3A_52 = tpu.memref_slice %arg5[%add3A, %run_scoped3A_19, %dma_wait3A_50, %dma_wait3A_51] : memref<32x2x40x128xi32, #tpu.memory_space<hbm>> -> memref<1x1x40x128xi32, #tpu.memory_space<hbm>>
      %dma_wait3A_53 = tpu.memref_squeeze %dma_wait3A_52 : memref<1x1x40x128xi32, #tpu.memory_space<hbm>> -> memref<40x128xi32, #tpu.memory_space<hbm>>
      tpu.wait_dma2 semaphore(%run_scoped3A_38 : memref<!tpu.dma_semaphore, #tpu.memory_space<semaphore_mem>>) src(%dma_wait3A_53 : memref<40x128xi32, #tpu.memory_space<hbm>>) dst(%arg8 : memref<40x128xi32, #tpu.memory_space<vmem>>)
      tpu.yield
    }) : () -> ()
    %run_scoped3A_20 = arith.constant 1 : i32
    "tpu.region"() ({
      %run_scoped3A_38 = tpu.sem_alloc : memref<!tpu.dma_semaphore, #tpu.memory_space<semaphore_mem>>
      %dma_start3A_39 = arith.constant 0 : i32
      %dma_start3A_40 = arith.constant 0 : i32
      %dma_start3A_41 = tpu.memref_slice %arg6[%add3A, %run_scoped3A_20, %dma_start3A_39, %dma_start3A_40] : memref<32x2x40x128xi32, #tpu.memory_space<hbm>> -> memref<1x1x40x128xi32, #tpu.memory_space<hbm>>
      %dma_start3A_42 = tpu.memref_squeeze %dma_start3A_41 : memref<1x1x40x128xi32, #tpu.memory_space<hbm>> -> memref<40x128xi32, #tpu.memory_space<hbm>>
      %dma_start3A_43 = arith.constant 0 : i32
      %dma_start3A_44 = arith.constant 0 : i32
      %dma_start3A_45 = tpu.memref_slice %arg6[%add3A, %run_scoped3A_20, %dma_start3A_43, %dma_start3A_44] : memref<32x2x40x128xi32, #tpu.memory_space<hbm>> -> memref<1x1x40x128xi32, #tpu.memory_space<hbm>>
      %dma_start3A_46 = tpu.memref_squeeze %dma_start3A_45 : memref<1x1x40x128xi32, #tpu.memory_space<hbm>> -> memref<40x128xi32, #tpu.memory_space<hbm>>
      tpu.enqueue_dma source(%dma_start3A_46 : memref<40x128xi32, #tpu.memory_space<hbm>>) target(%arg9 : memref<40x128xi32, #tpu.memory_space<vmem>>) target_semaphore(%run_scoped3A_38 : memref<!tpu.dma_semaphore, #tpu.memory_space<semaphore_mem>>)
      %dma_wait3A = arith.constant 0 : i32
      %dma_wait3A_47 = arith.constant 0 : i32
      %dma_wait3A_48 = tpu.memref_slice %arg6[%add3A, %run_scoped3A_20, %dma_wait3A, %dma_wait3A_47] : memref<32x2x40x128xi32, #tpu.memory_space<hbm>> -> memref<1x1x40x128xi32, #tpu.memory_space<hbm>>
      %dma_wait3A_49 = tpu.memref_squeeze %dma_wait3A_48 : memref<1x1x40x128xi32, #tpu.memory_space<hbm>> -> memref<40x128xi32, #tpu.memory_space<hbm>>
      %dma_wait3A_50 = arith.constant 0 : i32
      %dma_wait3A_51 = arith.constant 0 : i32
      %dma_wait3A_52 = tpu.memref_slice %arg6[%add3A, %run_scoped3A_20, %dma_wait3A_50, %dma_wait3A_51] : memref<32x2x40x128xi32, #tpu.memory_space<hbm>> -> memref<1x1x40x128xi32, #tpu.memory_space<hbm>>
      %dma_wait3A_53 = tpu.memref_squeeze %dma_wait3A_52 : memref<1x1x40x128xi32, #tpu.memory_space<hbm>> -> memref<40x128xi32, #tpu.memory_space<hbm>>
      tpu.wait_dma2 semaphore(%run_scoped3A_38 : memref<!tpu.dma_semaphore, #tpu.memory_space<semaphore_mem>>) src(%dma_wait3A_53 : memref<40x128xi32, #tpu.memory_space<hbm>>) dst(%arg9 : memref<40x128xi32, #tpu.memory_space<vmem>>)
      tpu.yield
    }) : () -> ()
    %dma_start3A_21 = arith.constant 0 : i32
    %dma_start3A_22 = arith.constant 0 : i32
    %dma_start3A_23 = tpu.memref_slice %arg8[%dma_start3A_21, %dma_start3A_22] : memref<40x128xi32, #tpu.memory_space<vmem>> -> memref<1x128xi32, #tpu.memory_space<vmem>>
    %dma_start3A_24 = tpu.memref_squeeze %dma_start3A_23 : memref<1x128xi32, #tpu.memory_space<vmem>> -> memref<128xi32, #tpu.memory_space<vmem>>
    %dma_start3A_25 = arith.constant 0 : i32
    %dma_start3A_26 = arith.constant 0 : i32
    %dma_start3A_27 = tpu.memref_slice %arg2[%dma_start3A_25, %dma_start3A_26] : memref<6144x128xf32, #tpu.memory_space<hbm>> -> memref<6144x128xf32, #tpu.memory_space<hbm>>
    tpu.enqueue_indirect_dma source(%dma_start3A_27 : memref<6144x128xf32, #tpu.memory_space<hbm>>) target(%arg10 : memref<128x128xf32, #tpu.memory_space<vmem>>) offsets(%dma_start3A_24 : memref<128xi32, #tpu.memory_space<vmem>>) semaphore(%arg13 : memref<!tpu.dma_semaphore, #tpu.memory_space<semaphore_mem>>)
    %scan3A_28 = arith.constant 0 : i32
    %scan3A_29 = arith.constant 20 : i32
    %scan3A_30 = arith.addi %scan3A_28, %scan3A_29 : i32
    %scan3A_31 = arith.constant 1 : i32
    scf.for %scan3A_38 = %scan3A_28 to %scan3A_30 step %scan3A_31  : i32 {
      %mul3A_39 = arith.constant 2 : i32
      %mul3A_40 = arith.muli %scan3A_38, %mul3A_39 : i32
      %add3A_41 = arith.constant 0 : i32
      %add3A_42 = arith.addi %add3A_41, %mul3A_40 : i32
      %dma_wait3A = arith.constant 0 : i32
      %dma_wait3A_43 = tpu.memref_slice %arg8[%add3A_42, %dma_wait3A] : memref<40x128xi32, #tpu.memory_space<vmem>> -> memref<1x128xi32, #tpu.memory_space<vmem>>
      %dma_wait3A_44 = tpu.memref_squeeze %dma_wait3A_43 : memref<1x128xi32, #tpu.memory_space<vmem>> -> memref<128xi32, #tpu.memory_space<vmem>>
      %dma_wait3A_45 = arith.constant 0 : i32
      %dma_wait3A_46 = arith.constant 0 : i32
      %dma_wait3A_47 = tpu.memref_slice %arg2[%dma_wait3A_45, %dma_wait3A_46] : memref<6144x128xf32, #tpu.memory_space<hbm>> -> memref<6144x128xf32, #tpu.memory_space<hbm>>
      tpu.wait_indirect_dma semaphore(%arg13 : memref<!tpu.dma_semaphore, #tpu.memory_space<semaphore_mem>>) src(%dma_wait3A_47 : memref<6144x128xf32, #tpu.memory_space<hbm>>) dst(%arg10 : memref<128x128xf32, #tpu.memory_space<vmem>>)
      %add3A_48 = arith.constant 1 : i32
      %add3A_49 = arith.addi %add3A_42, %add3A_48 : i32
      %dma_start3A_50 = arith.constant 0 : i32
      %dma_start3A_51 = tpu.memref_slice %arg8[%add3A_49, %dma_start3A_50] : memref<40x128xi32, #tpu.memory_space<vmem>> -> memref<1x128xi32, #tpu.memory_space<vmem>>
      %dma_start3A_52 = tpu.memref_squeeze %dma_start3A_51 : memref<1x128xi32, #tpu.memory_space<vmem>> -> memref<128xi32, #tpu.memory_space<vmem>>
      %dma_start3A_53 = arith.constant 0 : i32
      %dma_start3A_54 = arith.constant 0 : i32
      %dma_start3A_55 = tpu.memref_slice %arg2[%dma_start3A_53, %dma_start3A_54] : memref<6144x128xf32, #tpu.memory_space<hbm>> -> memref<6144x128xf32, #tpu.memory_space<hbm>>
      tpu.enqueue_indirect_dma source(%dma_start3A_55 : memref<6144x128xf32, #tpu.memory_space<hbm>>) target(%arg11 : memref<128x128xf32, #tpu.memory_space<vmem>>) offsets(%dma_start3A_52 : memref<128xi32, #tpu.memory_space<vmem>>) semaphore(%arg14 : memref<!tpu.dma_semaphore, #tpu.memory_space<semaphore_mem>>)
      "tpu.region"() ({
        %run_scoped3A_72 = tpu.sem_alloc : memref<!tpu.dma_semaphore, #tpu.memory_space<semaphore_mem>>
        %dma_start3A_73 = arith.constant 0 : i32
        %dma_start3A_74 = tpu.memref_slice %arg9[%add3A_42, %dma_start3A_73] : memref<40x128xi32, #tpu.memory_space<vmem>> -> memref<1x128xi32, #tpu.memory_space<vmem>>
        %dma_start3A_75 = tpu.memref_squeeze %dma_start3A_74 : memref<1x128xi32, #tpu.memory_space<vmem>> -> memref<128xi32, #tpu.memory_space<vmem>>
        %dma_start3A_76 = arith.constant 0 : i32
        %dma_start3A_77 = arith.constant 0 : i32
        %dma_start3A_78 = tpu.memref_slice %arg12[%dma_start3A_76, %dma_start3A_77] : memref<10240x128xf32, #tpu.memory_space<vmem_shared>> -> memref<10240x128xf32, #tpu.memory_space<vmem_shared>>
        tpu.enqueue_indirect_dma source(%arg10 : memref<128x128xf32, #tpu.memory_space<vmem>>) target(%dma_start3A_78 : memref<10240x128xf32, #tpu.memory_space<vmem_shared>>) offsets(%dma_start3A_75 : memref<128xi32, #tpu.memory_space<vmem>>) semaphore(%run_scoped3A_72 : memref<!tpu.dma_semaphore, #tpu.memory_space<semaphore_mem>>) {add = true}
        %dma_wait3A_79 = arith.constant 0 : i32
        %dma_wait3A_80 = tpu.memref_slice %arg9[%add3A_42, %dma_wait3A_79] : memref<40x128xi32, #tpu.memory_space<vmem>> -> memref<1x128xi32, #tpu.memory_space<vmem>>
        %dma_wait3A_81 = tpu.memref_squeeze %dma_wait3A_80 : memref<1x128xi32, #tpu.memory_space<vmem>> -> memref<128xi32, #tpu.memory_space<vmem>>
        %dma_wait3A_82 = arith.constant 0 : i32
        %dma_wait3A_83 = arith.constant 0 : i32
        %dma_wait3A_84 = tpu.memref_slice %arg12[%dma_wait3A_82, %dma_wait3A_83] : memref<10240x128xf32, #tpu.memory_space<vmem_shared>> -> memref<10240x128xf32, #tpu.memory_space<vmem_shared>>
        tpu.wait_indirect_dma semaphore(%run_scoped3A_72 : memref<!tpu.dma_semaphore, #tpu.memory_space<semaphore_mem>>) src(%arg10 : memref<128x128xf32, #tpu.memory_space<vmem>>) dst(%dma_wait3A_84 : memref<10240x128xf32, #tpu.memory_space<vmem_shared>>)
        tpu.yield
      }) : () -> ()
      %add3A_56 = arith.constant 1 : i32
      %add3A_57 = arith.addi %add3A_42, %add3A_56 : i32
      %dma_wait3A_58 = arith.constant 0 : i32
      %dma_wait3A_59 = tpu.memref_slice %arg8[%add3A_57, %dma_wait3A_58] : memref<40x128xi32, #tpu.memory_space<vmem>> -> memref<1x128xi32, #tpu.memory_space<vmem>>
      %dma_wait3A_60 = tpu.memref_squeeze %dma_wait3A_59 : memref<1x128xi32, #tpu.memory_space<vmem>> -> memref<128xi32, #tpu.memory_space<vmem>>
      %dma_wait3A_61 = arith.constant 0 : i32
      %dma_wait3A_62 = arith.constant 0 : i32
      %dma_wait3A_63 = tpu.memref_slice %arg2[%dma_wait3A_61, %dma_wait3A_62] : memref<6144x128xf32, #tpu.memory_space<hbm>> -> memref<6144x128xf32, #tpu.memory_space<hbm>>
      tpu.wait_indirect_dma semaphore(%arg14 : memref<!tpu.dma_semaphore, #tpu.memory_space<semaphore_mem>>) src(%dma_wait3A_63 : memref<6144x128xf32, #tpu.memory_space<hbm>>) dst(%arg11 : memref<128x128xf32, #tpu.memory_space<vmem>>)
      %add3A_64 = arith.constant 2 : i32
      %add3A_65 = arith.addi %add3A_42, %add3A_64 : i32
      %lt3A = arith.constant 40 : i32
      %lt3A_66 = arith.cmpi slt, %add3A_65, %lt3A : i32
      %convert_element_type3A_67 = arith.extui %lt3A_66 : i1 to i32
      %cond3A_68 = arith.constant 0 : i32
      %cond3A_69 = arith.cmpi ne, %convert_element_type3A_67, %cond3A_68 : i32
      scf.if %cond3A_69 {
        %add3A_72 = arith.constant 2 : i32
        %add3A_73 = arith.addi %add3A_42, %add3A_72 : i32
        %dma_start3A_74 = arith.constant 0 : i32
        %dma_start3A_75 = tpu.memref_slice %arg8[%add3A_73, %dma_start3A_74] : memref<40x128xi32, #tpu.memory_space<vmem>> -> memref<1x128xi32, #tpu.memory_space<vmem>>
        %dma_start3A_76 = tpu.memref_squeeze %dma_start3A_75 : memref<1x128xi32, #tpu.memory_space<vmem>> -> memref<128xi32, #tpu.memory_space<vmem>>
        %dma_start3A_77 = arith.constant 0 : i32
        %dma_start3A_78 = arith.constant 0 : i32
        %dma_start3A_79 = tpu.memref_slice %arg2[%dma_start3A_77, %dma_start3A_78] : memref<6144x128xf32, #tpu.memory_space<hbm>> -> memref<6144x128xf32, #tpu.memory_space<hbm>>
        tpu.enqueue_indirect_dma source(%dma_start3A_79 : memref<6144x128xf32, #tpu.memory_space<hbm>>) target(%arg10 : memref<128x128xf32, #tpu.memory_space<vmem>>) offsets(%dma_start3A_76 : memref<128xi32, #tpu.memory_space<vmem>>) semaphore(%arg13 : memref<!tpu.dma_semaphore, #tpu.memory_space<semaphore_mem>>)
      } else {
      }
      %add3A_70 = arith.constant 1 : i32
      %add3A_71 = arith.addi %add3A_42, %add3A_70 : i32
      "tpu.region"() ({
        %run_scoped3A_72 = tpu.sem_alloc : memref<!tpu.dma_semaphore, #tpu.memory_space<semaphore_mem>>
        %dma_start3A_73 = arith.constant 0 : i32
        %dma_start3A_74 = tpu.memref_slice %arg9[%add3A_71, %dma_start3A_73] : memref<40x128xi32, #tpu.memory_space<vmem>> -> memref<1x128xi32, #tpu.memory_space<vmem>>
        %dma_start3A_75 = tpu.memref_squeeze %dma_start3A_74 : memref<1x128xi32, #tpu.memory_space<vmem>> -> memref<128xi32, #tpu.memory_space<vmem>>
        %dma_start3A_76 = arith.constant 0 : i32
        %dma_start3A_77 = arith.constant 0 : i32
        %dma_start3A_78 = tpu.memref_slice %arg12[%dma_start3A_76, %dma_start3A_77] : memref<10240x128xf32, #tpu.memory_space<vmem_shared>> -> memref<10240x128xf32, #tpu.memory_space<vmem_shared>>
        tpu.enqueue_indirect_dma source(%arg11 : memref<128x128xf32, #tpu.memory_space<vmem>>) target(%dma_start3A_78 : memref<10240x128xf32, #tpu.memory_space<vmem_shared>>) offsets(%dma_start3A_75 : memref<128xi32, #tpu.memory_space<vmem>>) semaphore(%run_scoped3A_72 : memref<!tpu.dma_semaphore, #tpu.memory_space<semaphore_mem>>) {add = true}
        %dma_wait3A_79 = arith.constant 0 : i32
        %dma_wait3A_80 = tpu.memref_slice %arg9[%add3A_71, %dma_wait3A_79] : memref<40x128xi32, #tpu.memory_space<vmem>> -> memref<1x128xi32, #tpu.memory_space<vmem>>
        %dma_wait3A_81 = tpu.memref_squeeze %dma_wait3A_80 : memref<1x128xi32, #tpu.memory_space<vmem>> -> memref<128xi32, #tpu.memory_space<vmem>>
        %dma_wait3A_82 = arith.constant 0 : i32
        %dma_wait3A_83 = arith.constant 0 : i32
        %dma_wait3A_84 = tpu.memref_slice %arg12[%dma_wait3A_82, %dma_wait3A_83] : memref<10240x128xf32, #tpu.memory_space<vmem_shared>> -> memref<10240x128xf32, #tpu.memory_space<vmem_shared>>
        tpu.wait_indirect_dma semaphore(%run_scoped3A_72 : memref<!tpu.dma_semaphore, #tpu.memory_space<semaphore_mem>>) src(%arg11 : memref<128x128xf32, #tpu.memory_space<vmem>>) dst(%dma_wait3A_84 : memref<10240x128xf32, #tpu.memory_space<vmem_shared>>)
        tpu.yield
      }) : () -> ()
    }
    %scan3A_32 = arith.constant 20 : i32
    %barrier3A_33 = arith.constant 0 : index
    tpu.barrier barrier_id(%barrier3A_33)
    %mul3A_34 = arith.constant 640 : i32
    %mul3A_35 = arith.muli %arg1, %mul3A_34 : i32
    %mul3A_36 = arith.constant 640 : i32
    %mul3A_37 = arith.muli %arg1, %mul3A_36 : i32
    "tpu.region"() ({
      %run_scoped3A_38 = tpu.sem_alloc : memref<!tpu.dma_semaphore, #tpu.memory_space<semaphore_mem>>
      %dma_start3A_39 = arith.constant 0 : i32
      %dma_start3A_40 = tpu.memref_slice %arg7[%arg0, %mul3A_37, %dma_start3A_39] : memref<2x10240x128xf32, #tpu.memory_space<hbm>> -> memref<1x640x128xf32, #tpu.memory_space<hbm>>
      %dma_start3A_41 = tpu.memref_squeeze %dma_start3A_40 : memref<1x640x128xf32, #tpu.memory_space<hbm>> -> memref<640x128xf32, #tpu.memory_space<hbm>>
      %dma_start3A_42 = arith.constant 0 : i32
      %dma_start3A_43 = tpu.memref_slice %arg12[%mul3A_35, %dma_start3A_42] : memref<10240x128xf32, #tpu.memory_space<vmem_shared>> -> memref<640x128xf32, #tpu.memory_space<vmem_shared>>
      tpu.enqueue_dma source(%dma_start3A_43 : memref<640x128xf32, #tpu.memory_space<vmem_shared>>) target(%dma_start3A_41 : memref<640x128xf32, #tpu.memory_space<hbm>>) target_semaphore(%run_scoped3A_38 : memref<!tpu.dma_semaphore, #tpu.memory_space<semaphore_mem>>)
      %dma_wait3A = arith.constant 0 : i32
      %dma_wait3A_44 = tpu.memref_slice %arg7[%arg0, %mul3A_37, %dma_wait3A] : memref<2x10240x128xf32, #tpu.memory_space<hbm>> -> memref<1x640x128xf32, #tpu.memory_space<hbm>>
      %dma_wait3A_45 = tpu.memref_squeeze %dma_wait3A_44 : memref<1x640x128xf32, #tpu.memory_space<hbm>> -> memref<640x128xf32, #tpu.memory_space<hbm>>
      %dma_wait3A_46 = arith.constant 0 : i32
      %dma_wait3A_47 = tpu.memref_slice %arg12[%mul3A_35, %dma_wait3A_46] : memref<10240x128xf32, #tpu.memory_space<vmem_shared>> -> memref<640x128xf32, #tpu.memory_space<vmem_shared>>
      tpu.wait_dma2 semaphore(%run_scoped3A_38 : memref<!tpu.dma_semaphore, #tpu.memory_space<semaphore_mem>>) src(%dma_wait3A_47 : memref<640x128xf32, #tpu.memory_space<vmem_shared>>) dst(%dma_wait3A_45 : memref<640x128xf32, #tpu.memory_space<hbm>>)
      tpu.yield
    }) : () -> ()
    return
  }
}

#map = affine_map<(d0, d1) -> (0, 0, 0)>
#map1 = affine_map<(d0, d1) -> (0, 0)>
module attributes {stable_mosaic.version = 14 : i64} {
  func.func @_sc_embed(%arg0: i32, %arg1: i32, %arg2: memref<125x1x80xi32, #tpu.memory_space<hbm>>, %arg3: memref<360x128xf32, #tpu.memory_space<hbm>>, %arg4: memref<10240x128xf32, #tpu.memory_space<hbm>>, %arg5: memref<1x80xi32, #tpu.memory_space<vmem>>, %arg6: memref<80x128xf32, #tpu.memory_space<vmem>>, %arg7: memref<!tpu.dma_semaphore, #tpu.memory_space<semaphore_mem>>) attributes {dimension_semantics = [#tpu.dimension_semantics<core_parallel>, #tpu.dimension_semantics<subcore_parallel>], iteration_bounds = array<i64: 2, 16>, scalar_prefetch = 0 : i64, scratch_operands = 3 : i64, tpu.core_type = #tpu.core_type<sc_vector_subcore>, window_params = [{transform_indices = #map}, {transform_indices = #map1}, {transform_indices = #map1}]} {
    %mul3A = arith.constant 2 : i32
    %mul3A_0 = arith.muli %arg1, %mul3A : i32
    %add3A = arith.addi %mul3A_0, %arg0 : i32
    %mul3A_1 = arith.constant 4 : i32
    %mul3A_2 = arith.muli %add3A, %mul3A_1 : i32
    %add3A_3 = arith.constant 4 : i32
    %add3A_4 = arith.addi %mul3A_2, %add3A_3 : i32
    %min3A = arith.constant 125 : i32
    %min3A_5 = arith.minsi %add3A_4, %min3A : i32
    %sub3A = arith.subi %min3A_5, %mul3A_2 : i32
    %sub3A_6 = arith.constant 1 : i32
    %sub3A_7 = arith.constant 1 : i32
    %sub3A_8 = arith.subi %sub3A_6, %sub3A_7 : i32
    %add3A_9 = arith.addi %sub3A, %sub3A_8 : i32
    %div3A = arith.constant 1 : i32
    %div3A_10 = arith.divsi %add3A_9, %div3A : i32
    %while3A = arith.constant 1 : i32
    %while3A_11 = arith.constant 0 : i32
    %while3A_12 = arith.subi %div3A_10, %while3A_11 : i32
    %while3A_13 = arith.addi %while3A_11, %while3A_12 : i32
    %while3A_14 = arith.constant 1 : i32
    %while3A_15 = arith.divsi %while3A_12, %while3A_14 : i32
    %while3A_16 = arith.muli %while3A_15, %while3A_14 : i32
    %while3A_17 = arith.addi %while3A_11, %while3A_16 : i32
    %while3A_18 = arith.constant 1 : i32
    scf.for %while3A_20 = %while3A_11 to %while3A_17 step %while3A_18  : i32 {
      %mul3A_21 = arith.muli %while3A_20, %while3A : i32
      %add3A_22 = arith.addi %mul3A_2, %mul3A_21 : i32
      "tpu.region"() ({
        %run_scoped3A = tpu.sem_alloc : memref<!tpu.dma_semaphore, #tpu.memory_space<semaphore_mem>>
        %dma_start3A_37 = arith.constant 0 : i32
        %dma_start3A_38 = arith.constant 0 : i32
        %dma_start3A_39 = tpu.memref_slice %arg2[%add3A_22, %dma_start3A_37, %dma_start3A_38] : memref<125x1x80xi32, #tpu.memory_space<hbm>> -> memref<1x1x80xi32, #tpu.memory_space<hbm>>
        %dma_start3A_40 = tpu.memref_squeeze %dma_start3A_39 : memref<1x1x80xi32, #tpu.memory_space<hbm>> -> memref<1x80xi32, #tpu.memory_space<hbm>>
        %dma_start3A_41 = arith.constant 0 : i32
        %dma_start3A_42 = arith.constant 0 : i32
        %dma_start3A_43 = tpu.memref_slice %arg2[%add3A_22, %dma_start3A_41, %dma_start3A_42] : memref<125x1x80xi32, #tpu.memory_space<hbm>> -> memref<1x1x80xi32, #tpu.memory_space<hbm>>
        %dma_start3A_44 = tpu.memref_squeeze %dma_start3A_43 : memref<1x1x80xi32, #tpu.memory_space<hbm>> -> memref<1x80xi32, #tpu.memory_space<hbm>>
        tpu.enqueue_dma source(%dma_start3A_44 : memref<1x80xi32, #tpu.memory_space<hbm>>) target(%arg5 : memref<1x80xi32, #tpu.memory_space<vmem>>) target_semaphore(%run_scoped3A : memref<!tpu.dma_semaphore, #tpu.memory_space<semaphore_mem>>)
        %dma_wait3A_45 = arith.constant 0 : i32
        %dma_wait3A_46 = arith.constant 0 : i32
        %dma_wait3A_47 = tpu.memref_slice %arg2[%add3A_22, %dma_wait3A_45, %dma_wait3A_46] : memref<125x1x80xi32, #tpu.memory_space<hbm>> -> memref<1x1x80xi32, #tpu.memory_space<hbm>>
        %dma_wait3A_48 = tpu.memref_squeeze %dma_wait3A_47 : memref<1x1x80xi32, #tpu.memory_space<hbm>> -> memref<1x80xi32, #tpu.memory_space<hbm>>
        %dma_wait3A_49 = arith.constant 0 : i32
        %dma_wait3A_50 = arith.constant 0 : i32
        %dma_wait3A_51 = tpu.memref_slice %arg2[%add3A_22, %dma_wait3A_49, %dma_wait3A_50] : memref<125x1x80xi32, #tpu.memory_space<hbm>> -> memref<1x1x80xi32, #tpu.memory_space<hbm>>
        %dma_wait3A_52 = tpu.memref_squeeze %dma_wait3A_51 : memref<1x1x80xi32, #tpu.memory_space<hbm>> -> memref<1x80xi32, #tpu.memory_space<hbm>>
        tpu.wait_dma2 semaphore(%run_scoped3A : memref<!tpu.dma_semaphore, #tpu.memory_space<semaphore_mem>>) src(%dma_wait3A_52 : memref<1x80xi32, #tpu.memory_space<hbm>>) dst(%arg5 : memref<1x80xi32, #tpu.memory_space<vmem>>)
        tpu.yield
      }) : () -> ()
      %dma_start3A = arith.constant 0 : i32
      %dma_start3A_23 = arith.constant 0 : i32
      %dma_start3A_24 = tpu.memref_slice %arg5[%dma_start3A, %dma_start3A_23] : memref<1x80xi32, #tpu.memory_space<vmem>> -> memref<1x80xi32, #tpu.memory_space<vmem>>
      %dma_start3A_25 = tpu.memref_squeeze %dma_start3A_24 : memref<1x80xi32, #tpu.memory_space<vmem>> -> memref<80xi32, #tpu.memory_space<vmem>>
      %dma_start3A_26 = arith.constant 0 : i32
      %dma_start3A_27 = arith.constant 0 : i32
      %dma_start3A_28 = tpu.memref_slice %arg3[%dma_start3A_26, %dma_start3A_27] : memref<360x128xf32, #tpu.memory_space<hbm>> -> memref<360x128xf32, #tpu.memory_space<hbm>>
      tpu.enqueue_indirect_dma source(%dma_start3A_28 : memref<360x128xf32, #tpu.memory_space<hbm>>) target(%arg6 : memref<80x128xf32, #tpu.memory_space<vmem>>) offsets(%dma_start3A_25 : memref<80xi32, #tpu.memory_space<vmem>>) semaphore(%arg7 : memref<!tpu.dma_semaphore, #tpu.memory_space<semaphore_mem>>)
      %dma_wait3A = arith.constant 0 : i32
      %dma_wait3A_29 = arith.constant 0 : i32
      %dma_wait3A_30 = tpu.memref_slice %arg5[%dma_wait3A, %dma_wait3A_29] : memref<1x80xi32, #tpu.memory_space<vmem>> -> memref<1x80xi32, #tpu.memory_space<vmem>>
      %dma_wait3A_31 = tpu.memref_squeeze %dma_wait3A_30 : memref<1x80xi32, #tpu.memory_space<vmem>> -> memref<80xi32, #tpu.memory_space<vmem>>
      %dma_wait3A_32 = arith.constant 0 : i32
      %dma_wait3A_33 = arith.constant 0 : i32
      %dma_wait3A_34 = tpu.memref_slice %arg3[%dma_wait3A_32, %dma_wait3A_33] : memref<360x128xf32, #tpu.memory_space<hbm>> -> memref<360x128xf32, #tpu.memory_space<hbm>>
      tpu.wait_indirect_dma semaphore(%arg7 : memref<!tpu.dma_semaphore, #tpu.memory_space<semaphore_mem>>) src(%dma_wait3A_34 : memref<360x128xf32, #tpu.memory_space<hbm>>) dst(%arg6 : memref<80x128xf32, #tpu.memory_space<vmem>>)
      %mul3A_35 = arith.constant 80 : i32
      %mul3A_36 = arith.muli %add3A_22, %mul3A_35 : i32
      "tpu.region"() ({
        %run_scoped3A = tpu.sem_alloc : memref<!tpu.dma_semaphore, #tpu.memory_space<semaphore_mem>>
        %dma_start3A_37 = arith.constant 0 : i32
        %dma_start3A_38 = tpu.memref_slice %arg4[%mul3A_36, %dma_start3A_37] : memref<10240x128xf32, #tpu.memory_space<hbm>> -> memref<80x128xf32, #tpu.memory_space<hbm>>
        %dma_start3A_39 = arith.constant 0 : i32
        %dma_start3A_40 = tpu.memref_slice %arg4[%mul3A_36, %dma_start3A_39] : memref<10240x128xf32, #tpu.memory_space<hbm>> -> memref<80x128xf32, #tpu.memory_space<hbm>>
        tpu.enqueue_dma source(%arg6 : memref<80x128xf32, #tpu.memory_space<vmem>>) target(%dma_start3A_40 : memref<80x128xf32, #tpu.memory_space<hbm>>) target_semaphore(%run_scoped3A : memref<!tpu.dma_semaphore, #tpu.memory_space<semaphore_mem>>)
        %dma_wait3A_41 = arith.constant 0 : i32
        %dma_wait3A_42 = tpu.memref_slice %arg4[%mul3A_36, %dma_wait3A_41] : memref<10240x128xf32, #tpu.memory_space<hbm>> -> memref<80x128xf32, #tpu.memory_space<hbm>>
        %dma_wait3A_43 = arith.constant 0 : i32
        %dma_wait3A_44 = tpu.memref_slice %arg4[%mul3A_36, %dma_wait3A_43] : memref<10240x128xf32, #tpu.memory_space<hbm>> -> memref<80x128xf32, #tpu.memory_space<hbm>>
        tpu.wait_dma2 semaphore(%run_scoped3A : memref<!tpu.dma_semaphore, #tpu.memory_space<semaphore_mem>>) src(%arg6 : memref<80x128xf32, #tpu.memory_space<vmem>>) dst(%dma_wait3A_44 : memref<80x128xf32, #tpu.memory_space<hbm>>)
        tpu.yield
      }) : () -> ()
    }
    %while3A_19 = arith.constant 1 : i32
    scf.for %while3A_20 = %while3A_17 to %while3A_13 step %while3A_19  : i32 {
      %mul3A_21 = arith.muli %while3A_20, %while3A : i32
      %add3A_22 = arith.addi %mul3A_2, %mul3A_21 : i32
      "tpu.region"() ({
        %run_scoped3A = tpu.sem_alloc : memref<!tpu.dma_semaphore, #tpu.memory_space<semaphore_mem>>
        %dma_start3A_37 = arith.constant 0 : i32
        %dma_start3A_38 = arith.constant 0 : i32
        %dma_start3A_39 = tpu.memref_slice %arg2[%add3A_22, %dma_start3A_37, %dma_start3A_38] : memref<125x1x80xi32, #tpu.memory_space<hbm>> -> memref<1x1x80xi32, #tpu.memory_space<hbm>>
        %dma_start3A_40 = tpu.memref_squeeze %dma_start3A_39 : memref<1x1x80xi32, #tpu.memory_space<hbm>> -> memref<1x80xi32, #tpu.memory_space<hbm>>
        %dma_start3A_41 = arith.constant 0 : i32
        %dma_start3A_42 = arith.constant 0 : i32
        %dma_start3A_43 = tpu.memref_slice %arg2[%add3A_22, %dma_start3A_41, %dma_start3A_42] : memref<125x1x80xi32, #tpu.memory_space<hbm>> -> memref<1x1x80xi32, #tpu.memory_space<hbm>>
        %dma_start3A_44 = tpu.memref_squeeze %dma_start3A_43 : memref<1x1x80xi32, #tpu.memory_space<hbm>> -> memref<1x80xi32, #tpu.memory_space<hbm>>
        tpu.enqueue_dma source(%dma_start3A_44 : memref<1x80xi32, #tpu.memory_space<hbm>>) target(%arg5 : memref<1x80xi32, #tpu.memory_space<vmem>>) target_semaphore(%run_scoped3A : memref<!tpu.dma_semaphore, #tpu.memory_space<semaphore_mem>>)
        %dma_wait3A_45 = arith.constant 0 : i32
        %dma_wait3A_46 = arith.constant 0 : i32
        %dma_wait3A_47 = tpu.memref_slice %arg2[%add3A_22, %dma_wait3A_45, %dma_wait3A_46] : memref<125x1x80xi32, #tpu.memory_space<hbm>> -> memref<1x1x80xi32, #tpu.memory_space<hbm>>
        %dma_wait3A_48 = tpu.memref_squeeze %dma_wait3A_47 : memref<1x1x80xi32, #tpu.memory_space<hbm>> -> memref<1x80xi32, #tpu.memory_space<hbm>>
        %dma_wait3A_49 = arith.constant 0 : i32
        %dma_wait3A_50 = arith.constant 0 : i32
        %dma_wait3A_51 = tpu.memref_slice %arg2[%add3A_22, %dma_wait3A_49, %dma_wait3A_50] : memref<125x1x80xi32, #tpu.memory_space<hbm>> -> memref<1x1x80xi32, #tpu.memory_space<hbm>>
        %dma_wait3A_52 = tpu.memref_squeeze %dma_wait3A_51 : memref<1x1x80xi32, #tpu.memory_space<hbm>> -> memref<1x80xi32, #tpu.memory_space<hbm>>
        tpu.wait_dma2 semaphore(%run_scoped3A : memref<!tpu.dma_semaphore, #tpu.memory_space<semaphore_mem>>) src(%dma_wait3A_52 : memref<1x80xi32, #tpu.memory_space<hbm>>) dst(%arg5 : memref<1x80xi32, #tpu.memory_space<vmem>>)
        tpu.yield
      }) : () -> ()
      %dma_start3A = arith.constant 0 : i32
      %dma_start3A_23 = arith.constant 0 : i32
      %dma_start3A_24 = tpu.memref_slice %arg5[%dma_start3A, %dma_start3A_23] : memref<1x80xi32, #tpu.memory_space<vmem>> -> memref<1x80xi32, #tpu.memory_space<vmem>>
      %dma_start3A_25 = tpu.memref_squeeze %dma_start3A_24 : memref<1x80xi32, #tpu.memory_space<vmem>> -> memref<80xi32, #tpu.memory_space<vmem>>
      %dma_start3A_26 = arith.constant 0 : i32
      %dma_start3A_27 = arith.constant 0 : i32
      %dma_start3A_28 = tpu.memref_slice %arg3[%dma_start3A_26, %dma_start3A_27] : memref<360x128xf32, #tpu.memory_space<hbm>> -> memref<360x128xf32, #tpu.memory_space<hbm>>
      tpu.enqueue_indirect_dma source(%dma_start3A_28 : memref<360x128xf32, #tpu.memory_space<hbm>>) target(%arg6 : memref<80x128xf32, #tpu.memory_space<vmem>>) offsets(%dma_start3A_25 : memref<80xi32, #tpu.memory_space<vmem>>) semaphore(%arg7 : memref<!tpu.dma_semaphore, #tpu.memory_space<semaphore_mem>>)
      %dma_wait3A = arith.constant 0 : i32
      %dma_wait3A_29 = arith.constant 0 : i32
      %dma_wait3A_30 = tpu.memref_slice %arg5[%dma_wait3A, %dma_wait3A_29] : memref<1x80xi32, #tpu.memory_space<vmem>> -> memref<1x80xi32, #tpu.memory_space<vmem>>
      %dma_wait3A_31 = tpu.memref_squeeze %dma_wait3A_30 : memref<1x80xi32, #tpu.memory_space<vmem>> -> memref<80xi32, #tpu.memory_space<vmem>>
      %dma_wait3A_32 = arith.constant 0 : i32
      %dma_wait3A_33 = arith.constant 0 : i32
      %dma_wait3A_34 = tpu.memref_slice %arg3[%dma_wait3A_32, %dma_wait3A_33] : memref<360x128xf32, #tpu.memory_space<hbm>> -> memref<360x128xf32, #tpu.memory_space<hbm>>
      tpu.wait_indirect_dma semaphore(%arg7 : memref<!tpu.dma_semaphore, #tpu.memory_space<semaphore_mem>>) src(%dma_wait3A_34 : memref<360x128xf32, #tpu.memory_space<hbm>>) dst(%arg6 : memref<80x128xf32, #tpu.memory_space<vmem>>)
      %mul3A_35 = arith.constant 80 : i32
      %mul3A_36 = arith.muli %add3A_22, %mul3A_35 : i32
      "tpu.region"() ({
        %run_scoped3A = tpu.sem_alloc : memref<!tpu.dma_semaphore, #tpu.memory_space<semaphore_mem>>
        %dma_start3A_37 = arith.constant 0 : i32
        %dma_start3A_38 = tpu.memref_slice %arg4[%mul3A_36, %dma_start3A_37] : memref<10240x128xf32, #tpu.memory_space<hbm>> -> memref<80x128xf32, #tpu.memory_space<hbm>>
        %dma_start3A_39 = arith.constant 0 : i32
        %dma_start3A_40 = tpu.memref_slice %arg4[%mul3A_36, %dma_start3A_39] : memref<10240x128xf32, #tpu.memory_space<hbm>> -> memref<80x128xf32, #tpu.memory_space<hbm>>
        tpu.enqueue_dma source(%arg6 : memref<80x128xf32, #tpu.memory_space<vmem>>) target(%dma_start3A_40 : memref<80x128xf32, #tpu.memory_space<hbm>>) target_semaphore(%run_scoped3A : memref<!tpu.dma_semaphore, #tpu.memory_space<semaphore_mem>>)
        %dma_wait3A_41 = arith.constant 0 : i32
        %dma_wait3A_42 = tpu.memref_slice %arg4[%mul3A_36, %dma_wait3A_41] : memref<10240x128xf32, #tpu.memory_space<hbm>> -> memref<80x128xf32, #tpu.memory_space<hbm>>
        %dma_wait3A_43 = arith.constant 0 : i32
        %dma_wait3A_44 = tpu.memref_slice %arg4[%mul3A_36, %dma_wait3A_43] : memref<10240x128xf32, #tpu.memory_space<hbm>> -> memref<80x128xf32, #tpu.memory_space<hbm>>
        tpu.wait_dma2 semaphore(%run_scoped3A : memref<!tpu.dma_semaphore, #tpu.memory_space<semaphore_mem>>) src(%arg6 : memref<80x128xf32, #tpu.memory_space<vmem>>) dst(%dma_wait3A_44 : memref<80x128xf32, #tpu.memory_space<hbm>>)
        tpu.yield
      }) : () -> ()
    }
    return
  }
}

#map = affine_map<(d0, d1) -> (0, 0)>
#map1 = affine_map<(d0, d1) -> (0, 0, 0, 0)>
#map2 = affine_map<(d0, d1) -> (0, 0, 0)>
module attributes {stable_mosaic.version = 14 : i64} {
  func.func @_sc_scatter(%arg0: i32, %arg1: i32, %arg2: memref<10240x128xf32, #tpu.memory_space<hbm>>, %arg3: memref<10240x128xf32, #tpu.memory_space<hbm>>, %arg4: memref<10240x128xf32, #tpu.memory_space<hbm>>, %arg5: memref<32x2x40x128xi32, #tpu.memory_space<hbm>>, %arg6: memref<32x2x40x128xi32, #tpu.memory_space<hbm>>, %arg7: memref<2x10240x128xf32, #tpu.memory_space<hbm>>, %arg8: memref<40x128xi32, #tpu.memory_space<vmem>>, %arg9: memref<40x128xi32, #tpu.memory_space<vmem>>, %arg10: memref<128x128xf32, #tpu.memory_space<vmem>>, %arg11: memref<128x128xf32, #tpu.memory_space<vmem>>, %arg12: memref<10240x128xf32, #tpu.memory_space<vmem_shared>>, %arg13: memref<!tpu.dma_semaphore, #tpu.memory_space<semaphore_mem>>, %arg14: memref<!tpu.dma_semaphore, #tpu.memory_space<semaphore_mem>>) attributes {dimension_semantics = [#tpu.dimension_semantics<core_parallel>, #tpu.dimension_semantics<subcore_parallel>], iteration_bounds = array<i64: 2, 16>, scalar_prefetch = 0 : i64, scratch_operands = 7 : i64, tpu.core_type = #tpu.core_type<sc_vector_subcore>, window_params = [{transform_indices = #map}, {transform_indices = #map}, {transform_indices = #map}, {transform_indices = #map1}, {transform_indices = #map1}, {transform_indices = #map2}]} {
    %mul3A = arith.constant 2 : i32
    %mul3A_0 = arith.muli %arg1, %mul3A : i32
    %add3A = arith.addi %mul3A_0, %arg0 : i32
    %eq3A = arith.constant 0 : i32
    %eq3A_1 = arith.cmpi eq, %arg0, %eq3A : i32
    %convert_element_type3A = arith.extui %eq3A_1 : i1 to i32
    %cond3A = arith.constant 0 : i32
    %cond3A_2 = arith.cmpi ne, %convert_element_type3A, %cond3A : i32
    scf.if %cond3A_2 {
      %mul3A_38 = arith.constant 640 : i32
      %mul3A_39 = arith.muli %arg1, %mul3A_38 : i32
      %mul3A_40 = arith.constant 640 : i32
      %mul3A_41 = arith.muli %arg1, %mul3A_40 : i32
      "tpu.region"() ({
        %run_scoped3A_42 = tpu.sem_alloc : memref<!tpu.dma_semaphore, #tpu.memory_space<semaphore_mem>>
        %dma_start3A_43 = arith.constant 0 : i32
        %dma_start3A_44 = tpu.memref_slice %arg12[%mul3A_41, %dma_start3A_43] : memref<10240x128xf32, #tpu.memory_space<vmem_shared>> -> memref<640x128xf32, #tpu.memory_space<vmem_shared>>
        %dma_start3A_45 = arith.constant 0 : i32
        %dma_start3A_46 = tpu.memref_slice %arg3[%mul3A_39, %dma_start3A_45] : memref<10240x128xf32, #tpu.memory_space<hbm>> -> memref<640x128xf32, #tpu.memory_space<hbm>>
        tpu.enqueue_dma source(%dma_start3A_46 : memref<640x128xf32, #tpu.memory_space<hbm>>) target(%dma_start3A_44 : memref<640x128xf32, #tpu.memory_space<vmem_shared>>) target_semaphore(%run_scoped3A_42 : memref<!tpu.dma_semaphore, #tpu.memory_space<semaphore_mem>>)
        %dma_wait3A = arith.constant 0 : i32
        %dma_wait3A_47 = tpu.memref_slice %arg12[%mul3A_41, %dma_wait3A] : memref<10240x128xf32, #tpu.memory_space<vmem_shared>> -> memref<640x128xf32, #tpu.memory_space<vmem_shared>>
        %dma_wait3A_48 = arith.constant 0 : i32
        %dma_wait3A_49 = tpu.memref_slice %arg3[%mul3A_39, %dma_wait3A_48] : memref<10240x128xf32, #tpu.memory_space<hbm>> -> memref<640x128xf32, #tpu.memory_space<hbm>>
        tpu.wait_dma2 semaphore(%run_scoped3A_42 : memref<!tpu.dma_semaphore, #tpu.memory_space<semaphore_mem>>) src(%dma_wait3A_49 : memref<640x128xf32, #tpu.memory_space<hbm>>) dst(%dma_wait3A_47 : memref<640x128xf32, #tpu.memory_space<vmem_shared>>)
        tpu.yield
      }) : () -> ()
    } else {
    }
    %eq3A_3 = arith.constant 1 : i32
    %eq3A_4 = arith.cmpi eq, %arg0, %eq3A_3 : i32
    %convert_element_type3A_5 = arith.extui %eq3A_4 : i1 to i32
    %cond3A_6 = arith.constant 0 : i32
    %cond3A_7 = arith.cmpi ne, %convert_element_type3A_5, %cond3A_6 : i32
    scf.if %cond3A_7 {
      %mul3A_38 = arith.constant 640 : i32
      %mul3A_39 = arith.muli %arg1, %mul3A_38 : i32
      %mul3A_40 = arith.constant 640 : i32
      %mul3A_41 = arith.muli %arg1, %mul3A_40 : i32
      "tpu.region"() ({
        %run_scoped3A_42 = tpu.sem_alloc : memref<!tpu.dma_semaphore, #tpu.memory_space<semaphore_mem>>
        %dma_start3A_43 = arith.constant 0 : i32
        %dma_start3A_44 = tpu.memref_slice %arg12[%mul3A_41, %dma_start3A_43] : memref<10240x128xf32, #tpu.memory_space<vmem_shared>> -> memref<640x128xf32, #tpu.memory_space<vmem_shared>>
        %dma_start3A_45 = arith.constant 0 : i32
        %dma_start3A_46 = tpu.memref_slice %arg4[%mul3A_39, %dma_start3A_45] : memref<10240x128xf32, #tpu.memory_space<hbm>> -> memref<640x128xf32, #tpu.memory_space<hbm>>
        tpu.enqueue_dma source(%dma_start3A_46 : memref<640x128xf32, #tpu.memory_space<hbm>>) target(%dma_start3A_44 : memref<640x128xf32, #tpu.memory_space<vmem_shared>>) target_semaphore(%run_scoped3A_42 : memref<!tpu.dma_semaphore, #tpu.memory_space<semaphore_mem>>)
        %dma_wait3A = arith.constant 0 : i32
        %dma_wait3A_47 = tpu.memref_slice %arg12[%mul3A_41, %dma_wait3A] : memref<10240x128xf32, #tpu.memory_space<vmem_shared>> -> memref<640x128xf32, #tpu.memory_space<vmem_shared>>
        %dma_wait3A_48 = arith.constant 0 : i32
        %dma_wait3A_49 = tpu.memref_slice %arg4[%mul3A_39, %dma_wait3A_48] : memref<10240x128xf32, #tpu.memory_space<hbm>> -> memref<640x128xf32, #tpu.memory_space<hbm>>
        tpu.wait_dma2 semaphore(%run_scoped3A_42 : memref<!tpu.dma_semaphore, #tpu.memory_space<semaphore_mem>>) src(%dma_wait3A_49 : memref<640x128xf32, #tpu.memory_space<hbm>>) dst(%dma_wait3A_47 : memref<640x128xf32, #tpu.memory_space<vmem_shared>>)
        tpu.yield
      }) : () -> ()
    } else {
    }
    %barrier3A = arith.constant 0 : index
    tpu.barrier barrier_id(%barrier3A)
    %run_scoped3A = arith.constant 0 : i32
    "tpu.region"() ({
      %run_scoped3A_38 = tpu.sem_alloc : memref<!tpu.dma_semaphore, #tpu.memory_space<semaphore_mem>>
      %dma_start3A_39 = arith.constant 0 : i32
      %dma_start3A_40 = arith.constant 0 : i32
      %dma_start3A_41 = tpu.memref_slice %arg5[%add3A, %run_scoped3A, %dma_start3A_39, %dma_start3A_40] : memref<32x2x40x128xi32, #tpu.memory_space<hbm>> -> memref<1x1x40x128xi32, #tpu.memory_space<hbm>>
      %dma_start3A_42 = tpu.memref_squeeze %dma_start3A_41 : memref<1x1x40x128xi32, #tpu.memory_space<hbm>> -> memref<40x128xi32, #tpu.memory_space<hbm>>
      %dma_start3A_43 = arith.constant 0 : i32
      %dma_start3A_44 = arith.constant 0 : i32
      %dma_start3A_45 = tpu.memref_slice %arg5[%add3A, %run_scoped3A, %dma_start3A_43, %dma_start3A_44] : memref<32x2x40x128xi32, #tpu.memory_space<hbm>> -> memref<1x1x40x128xi32, #tpu.memory_space<hbm>>
      %dma_start3A_46 = tpu.memref_squeeze %dma_start3A_45 : memref<1x1x40x128xi32, #tpu.memory_space<hbm>> -> memref<40x128xi32, #tpu.memory_space<hbm>>
      tpu.enqueue_dma source(%dma_start3A_46 : memref<40x128xi32, #tpu.memory_space<hbm>>) target(%arg8 : memref<40x128xi32, #tpu.memory_space<vmem>>) target_semaphore(%run_scoped3A_38 : memref<!tpu.dma_semaphore, #tpu.memory_space<semaphore_mem>>)
      %dma_wait3A = arith.constant 0 : i32
      %dma_wait3A_47 = arith.constant 0 : i32
      %dma_wait3A_48 = tpu.memref_slice %arg5[%add3A, %run_scoped3A, %dma_wait3A, %dma_wait3A_47] : memref<32x2x40x128xi32, #tpu.memory_space<hbm>> -> memref<1x1x40x128xi32, #tpu.memory_space<hbm>>
      %dma_wait3A_49 = tpu.memref_squeeze %dma_wait3A_48 : memref<1x1x40x128xi32, #tpu.memory_space<hbm>> -> memref<40x128xi32, #tpu.memory_space<hbm>>
      %dma_wait3A_50 = arith.constant 0 : i32
      %dma_wait3A_51 = arith.constant 0 : i32
      %dma_wait3A_52 = tpu.memref_slice %arg5[%add3A, %run_scoped3A, %dma_wait3A_50, %dma_wait3A_51] : memref<32x2x40x128xi32, #tpu.memory_space<hbm>> -> memref<1x1x40x128xi32, #tpu.memory_space<hbm>>
      %dma_wait3A_53 = tpu.memref_squeeze %dma_wait3A_52 : memref<1x1x40x128xi32, #tpu.memory_space<hbm>> -> memref<40x128xi32, #tpu.memory_space<hbm>>
      tpu.wait_dma2 semaphore(%run_scoped3A_38 : memref<!tpu.dma_semaphore, #tpu.memory_space<semaphore_mem>>) src(%dma_wait3A_53 : memref<40x128xi32, #tpu.memory_space<hbm>>) dst(%arg8 : memref<40x128xi32, #tpu.memory_space<vmem>>)
      tpu.yield
    }) : () -> ()
    %run_scoped3A_8 = arith.constant 0 : i32
    "tpu.region"() ({
      %run_scoped3A_38 = tpu.sem_alloc : memref<!tpu.dma_semaphore, #tpu.memory_space<semaphore_mem>>
      %dma_start3A_39 = arith.constant 0 : i32
      %dma_start3A_40 = arith.constant 0 : i32
      %dma_start3A_41 = tpu.memref_slice %arg6[%add3A, %run_scoped3A_8, %dma_start3A_39, %dma_start3A_40] : memref<32x2x40x128xi32, #tpu.memory_space<hbm>> -> memref<1x1x40x128xi32, #tpu.memory_space<hbm>>
      %dma_start3A_42 = tpu.memref_squeeze %dma_start3A_41 : memref<1x1x40x128xi32, #tpu.memory_space<hbm>> -> memref<40x128xi32, #tpu.memory_space<hbm>>
      %dma_start3A_43 = arith.constant 0 : i32
      %dma_start3A_44 = arith.constant 0 : i32
      %dma_start3A_45 = tpu.memref_slice %arg6[%add3A, %run_scoped3A_8, %dma_start3A_43, %dma_start3A_44] : memref<32x2x40x128xi32, #tpu.memory_space<hbm>> -> memref<1x1x40x128xi32, #tpu.memory_space<hbm>>
      %dma_start3A_46 = tpu.memref_squeeze %dma_start3A_45 : memref<1x1x40x128xi32, #tpu.memory_space<hbm>> -> memref<40x128xi32, #tpu.memory_space<hbm>>
      tpu.enqueue_dma source(%dma_start3A_46 : memref<40x128xi32, #tpu.memory_space<hbm>>) target(%arg9 : memref<40x128xi32, #tpu.memory_space<vmem>>) target_semaphore(%run_scoped3A_38 : memref<!tpu.dma_semaphore, #tpu.memory_space<semaphore_mem>>)
      %dma_wait3A = arith.constant 0 : i32
      %dma_wait3A_47 = arith.constant 0 : i32
      %dma_wait3A_48 = tpu.memref_slice %arg6[%add3A, %run_scoped3A_8, %dma_wait3A, %dma_wait3A_47] : memref<32x2x40x128xi32, #tpu.memory_space<hbm>> -> memref<1x1x40x128xi32, #tpu.memory_space<hbm>>
      %dma_wait3A_49 = tpu.memref_squeeze %dma_wait3A_48 : memref<1x1x40x128xi32, #tpu.memory_space<hbm>> -> memref<40x128xi32, #tpu.memory_space<hbm>>
      %dma_wait3A_50 = arith.constant 0 : i32
      %dma_wait3A_51 = arith.constant 0 : i32
      %dma_wait3A_52 = tpu.memref_slice %arg6[%add3A, %run_scoped3A_8, %dma_wait3A_50, %dma_wait3A_51] : memref<32x2x40x128xi32, #tpu.memory_space<hbm>> -> memref<1x1x40x128xi32, #tpu.memory_space<hbm>>
      %dma_wait3A_53 = tpu.memref_squeeze %dma_wait3A_52 : memref<1x1x40x128xi32, #tpu.memory_space<hbm>> -> memref<40x128xi32, #tpu.memory_space<hbm>>
      tpu.wait_dma2 semaphore(%run_scoped3A_38 : memref<!tpu.dma_semaphore, #tpu.memory_space<semaphore_mem>>) src(%dma_wait3A_53 : memref<40x128xi32, #tpu.memory_space<hbm>>) dst(%arg9 : memref<40x128xi32, #tpu.memory_space<vmem>>)
      tpu.yield
    }) : () -> ()
    %dma_start3A = arith.constant 0 : i32
    %dma_start3A_9 = arith.constant 0 : i32
    %dma_start3A_10 = tpu.memref_slice %arg8[%dma_start3A, %dma_start3A_9] : memref<40x128xi32, #tpu.memory_space<vmem>> -> memref<1x128xi32, #tpu.memory_space<vmem>>
    %dma_start3A_11 = tpu.memref_squeeze %dma_start3A_10 : memref<1x128xi32, #tpu.memory_space<vmem>> -> memref<128xi32, #tpu.memory_space<vmem>>
    %dma_start3A_12 = arith.constant 0 : i32
    %dma_start3A_13 = arith.constant 0 : i32
    %dma_start3A_14 = tpu.memref_slice %arg2[%dma_start3A_12, %dma_start3A_13] : memref<10240x128xf32, #tpu.memory_space<hbm>> -> memref<10240x128xf32, #tpu.memory_space<hbm>>
    tpu.enqueue_indirect_dma source(%dma_start3A_14 : memref<10240x128xf32, #tpu.memory_space<hbm>>) target(%arg10 : memref<128x128xf32, #tpu.memory_space<vmem>>) offsets(%dma_start3A_11 : memref<128xi32, #tpu.memory_space<vmem>>) semaphore(%arg13 : memref<!tpu.dma_semaphore, #tpu.memory_space<semaphore_mem>>)
    %scan3A = arith.constant 0 : i32
    %scan3A_15 = arith.constant 20 : i32
    %scan3A_16 = arith.addi %scan3A, %scan3A_15 : i32
    %scan3A_17 = arith.constant 1 : i32
    scf.for %scan3A_38 = %scan3A to %scan3A_16 step %scan3A_17  : i32 {
      %mul3A_39 = arith.constant 2 : i32
      %mul3A_40 = arith.muli %scan3A_38, %mul3A_39 : i32
      %add3A_41 = arith.constant 0 : i32
      %add3A_42 = arith.addi %add3A_41, %mul3A_40 : i32
      %dma_wait3A = arith.constant 0 : i32
      %dma_wait3A_43 = tpu.memref_slice %arg8[%add3A_42, %dma_wait3A] : memref<40x128xi32, #tpu.memory_space<vmem>> -> memref<1x128xi32, #tpu.memory_space<vmem>>
      %dma_wait3A_44 = tpu.memref_squeeze %dma_wait3A_43 : memref<1x128xi32, #tpu.memory_space<vmem>> -> memref<128xi32, #tpu.memory_space<vmem>>
      %dma_wait3A_45 = arith.constant 0 : i32
      %dma_wait3A_46 = arith.constant 0 : i32
      %dma_wait3A_47 = tpu.memref_slice %arg2[%dma_wait3A_45, %dma_wait3A_46] : memref<10240x128xf32, #tpu.memory_space<hbm>> -> memref<10240x128xf32, #tpu.memory_space<hbm>>
      tpu.wait_indirect_dma semaphore(%arg13 : memref<!tpu.dma_semaphore, #tpu.memory_space<semaphore_mem>>) src(%dma_wait3A_47 : memref<10240x128xf32, #tpu.memory_space<hbm>>) dst(%arg10 : memref<128x128xf32, #tpu.memory_space<vmem>>)
      %add3A_48 = arith.constant 1 : i32
      %add3A_49 = arith.addi %add3A_42, %add3A_48 : i32
      %dma_start3A_50 = arith.constant 0 : i32
      %dma_start3A_51 = tpu.memref_slice %arg8[%add3A_49, %dma_start3A_50] : memref<40x128xi32, #tpu.memory_space<vmem>> -> memref<1x128xi32, #tpu.memory_space<vmem>>
      %dma_start3A_52 = tpu.memref_squeeze %dma_start3A_51 : memref<1x128xi32, #tpu.memory_space<vmem>> -> memref<128xi32, #tpu.memory_space<vmem>>
      %dma_start3A_53 = arith.constant 0 : i32
      %dma_start3A_54 = arith.constant 0 : i32
      %dma_start3A_55 = tpu.memref_slice %arg2[%dma_start3A_53, %dma_start3A_54] : memref<10240x128xf32, #tpu.memory_space<hbm>> -> memref<10240x128xf32, #tpu.memory_space<hbm>>
      tpu.enqueue_indirect_dma source(%dma_start3A_55 : memref<10240x128xf32, #tpu.memory_space<hbm>>) target(%arg11 : memref<128x128xf32, #tpu.memory_space<vmem>>) offsets(%dma_start3A_52 : memref<128xi32, #tpu.memory_space<vmem>>) semaphore(%arg14 : memref<!tpu.dma_semaphore, #tpu.memory_space<semaphore_mem>>)
      "tpu.region"() ({
        %run_scoped3A_72 = tpu.sem_alloc : memref<!tpu.dma_semaphore, #tpu.memory_space<semaphore_mem>>
        %dma_start3A_73 = arith.constant 0 : i32
        %dma_start3A_74 = tpu.memref_slice %arg9[%add3A_42, %dma_start3A_73] : memref<40x128xi32, #tpu.memory_space<vmem>> -> memref<1x128xi32, #tpu.memory_space<vmem>>
        %dma_start3A_75 = tpu.memref_squeeze %dma_start3A_74 : memref<1x128xi32, #tpu.memory_space<vmem>> -> memref<128xi32, #tpu.memory_space<vmem>>
        %dma_start3A_76 = arith.constant 0 : i32
        %dma_start3A_77 = arith.constant 0 : i32
        %dma_start3A_78 = tpu.memref_slice %arg12[%dma_start3A_76, %dma_start3A_77] : memref<10240x128xf32, #tpu.memory_space<vmem_shared>> -> memref<10240x128xf32, #tpu.memory_space<vmem_shared>>
        tpu.enqueue_indirect_dma source(%arg10 : memref<128x128xf32, #tpu.memory_space<vmem>>) target(%dma_start3A_78 : memref<10240x128xf32, #tpu.memory_space<vmem_shared>>) offsets(%dma_start3A_75 : memref<128xi32, #tpu.memory_space<vmem>>) semaphore(%run_scoped3A_72 : memref<!tpu.dma_semaphore, #tpu.memory_space<semaphore_mem>>) {add = true}
        %dma_wait3A_79 = arith.constant 0 : i32
        %dma_wait3A_80 = tpu.memref_slice %arg9[%add3A_42, %dma_wait3A_79] : memref<40x128xi32, #tpu.memory_space<vmem>> -> memref<1x128xi32, #tpu.memory_space<vmem>>
        %dma_wait3A_81 = tpu.memref_squeeze %dma_wait3A_80 : memref<1x128xi32, #tpu.memory_space<vmem>> -> memref<128xi32, #tpu.memory_space<vmem>>
        %dma_wait3A_82 = arith.constant 0 : i32
        %dma_wait3A_83 = arith.constant 0 : i32
        %dma_wait3A_84 = tpu.memref_slice %arg12[%dma_wait3A_82, %dma_wait3A_83] : memref<10240x128xf32, #tpu.memory_space<vmem_shared>> -> memref<10240x128xf32, #tpu.memory_space<vmem_shared>>
        tpu.wait_indirect_dma semaphore(%run_scoped3A_72 : memref<!tpu.dma_semaphore, #tpu.memory_space<semaphore_mem>>) src(%arg10 : memref<128x128xf32, #tpu.memory_space<vmem>>) dst(%dma_wait3A_84 : memref<10240x128xf32, #tpu.memory_space<vmem_shared>>)
        tpu.yield
      }) : () -> ()
      %add3A_56 = arith.constant 1 : i32
      %add3A_57 = arith.addi %add3A_42, %add3A_56 : i32
      %dma_wait3A_58 = arith.constant 0 : i32
      %dma_wait3A_59 = tpu.memref_slice %arg8[%add3A_57, %dma_wait3A_58] : memref<40x128xi32, #tpu.memory_space<vmem>> -> memref<1x128xi32, #tpu.memory_space<vmem>>
      %dma_wait3A_60 = tpu.memref_squeeze %dma_wait3A_59 : memref<1x128xi32, #tpu.memory_space<vmem>> -> memref<128xi32, #tpu.memory_space<vmem>>
      %dma_wait3A_61 = arith.constant 0 : i32
      %dma_wait3A_62 = arith.constant 0 : i32
      %dma_wait3A_63 = tpu.memref_slice %arg2[%dma_wait3A_61, %dma_wait3A_62] : memref<10240x128xf32, #tpu.memory_space<hbm>> -> memref<10240x128xf32, #tpu.memory_space<hbm>>
      tpu.wait_indirect_dma semaphore(%arg14 : memref<!tpu.dma_semaphore, #tpu.memory_space<semaphore_mem>>) src(%dma_wait3A_63 : memref<10240x128xf32, #tpu.memory_space<hbm>>) dst(%arg11 : memref<128x128xf32, #tpu.memory_space<vmem>>)
      %add3A_64 = arith.constant 2 : i32
      %add3A_65 = arith.addi %add3A_42, %add3A_64 : i32
      %lt3A = arith.constant 40 : i32
      %lt3A_66 = arith.cmpi slt, %add3A_65, %lt3A : i32
      %convert_element_type3A_67 = arith.extui %lt3A_66 : i1 to i32
      %cond3A_68 = arith.constant 0 : i32
      %cond3A_69 = arith.cmpi ne, %convert_element_type3A_67, %cond3A_68 : i32
      scf.if %cond3A_69 {
        %add3A_72 = arith.constant 2 : i32
        %add3A_73 = arith.addi %add3A_42, %add3A_72 : i32
        %dma_start3A_74 = arith.constant 0 : i32
        %dma_start3A_75 = tpu.memref_slice %arg8[%add3A_73, %dma_start3A_74] : memref<40x128xi32, #tpu.memory_space<vmem>> -> memref<1x128xi32, #tpu.memory_space<vmem>>
        %dma_start3A_76 = tpu.memref_squeeze %dma_start3A_75 : memref<1x128xi32, #tpu.memory_space<vmem>> -> memref<128xi32, #tpu.memory_space<vmem>>
        %dma_start3A_77 = arith.constant 0 : i32
        %dma_start3A_78 = arith.constant 0 : i32
        %dma_start3A_79 = tpu.memref_slice %arg2[%dma_start3A_77, %dma_start3A_78] : memref<10240x128xf32, #tpu.memory_space<hbm>> -> memref<10240x128xf32, #tpu.memory_space<hbm>>
        tpu.enqueue_indirect_dma source(%dma_start3A_79 : memref<10240x128xf32, #tpu.memory_space<hbm>>) target(%arg10 : memref<128x128xf32, #tpu.memory_space<vmem>>) offsets(%dma_start3A_76 : memref<128xi32, #tpu.memory_space<vmem>>) semaphore(%arg13 : memref<!tpu.dma_semaphore, #tpu.memory_space<semaphore_mem>>)
      } else {
      }
      %add3A_70 = arith.constant 1 : i32
      %add3A_71 = arith.addi %add3A_42, %add3A_70 : i32
      "tpu.region"() ({
        %run_scoped3A_72 = tpu.sem_alloc : memref<!tpu.dma_semaphore, #tpu.memory_space<semaphore_mem>>
        %dma_start3A_73 = arith.constant 0 : i32
        %dma_start3A_74 = tpu.memref_slice %arg9[%add3A_71, %dma_start3A_73] : memref<40x128xi32, #tpu.memory_space<vmem>> -> memref<1x128xi32, #tpu.memory_space<vmem>>
        %dma_start3A_75 = tpu.memref_squeeze %dma_start3A_74 : memref<1x128xi32, #tpu.memory_space<vmem>> -> memref<128xi32, #tpu.memory_space<vmem>>
        %dma_start3A_76 = arith.constant 0 : i32
        %dma_start3A_77 = arith.constant 0 : i32
        %dma_start3A_78 = tpu.memref_slice %arg12[%dma_start3A_76, %dma_start3A_77] : memref<10240x128xf32, #tpu.memory_space<vmem_shared>> -> memref<10240x128xf32, #tpu.memory_space<vmem_shared>>
        tpu.enqueue_indirect_dma source(%arg11 : memref<128x128xf32, #tpu.memory_space<vmem>>) target(%dma_start3A_78 : memref<10240x128xf32, #tpu.memory_space<vmem_shared>>) offsets(%dma_start3A_75 : memref<128xi32, #tpu.memory_space<vmem>>) semaphore(%run_scoped3A_72 : memref<!tpu.dma_semaphore, #tpu.memory_space<semaphore_mem>>) {add = true}
        %dma_wait3A_79 = arith.constant 0 : i32
        %dma_wait3A_80 = tpu.memref_slice %arg9[%add3A_71, %dma_wait3A_79] : memref<40x128xi32, #tpu.memory_space<vmem>> -> memref<1x128xi32, #tpu.memory_space<vmem>>
        %dma_wait3A_81 = tpu.memref_squeeze %dma_wait3A_80 : memref<1x128xi32, #tpu.memory_space<vmem>> -> memref<128xi32, #tpu.memory_space<vmem>>
        %dma_wait3A_82 = arith.constant 0 : i32
        %dma_wait3A_83 = arith.constant 0 : i32
        %dma_wait3A_84 = tpu.memref_slice %arg12[%dma_wait3A_82, %dma_wait3A_83] : memref<10240x128xf32, #tpu.memory_space<vmem_shared>> -> memref<10240x128xf32, #tpu.memory_space<vmem_shared>>
        tpu.wait_indirect_dma semaphore(%run_scoped3A_72 : memref<!tpu.dma_semaphore, #tpu.memory_space<semaphore_mem>>) src(%arg11 : memref<128x128xf32, #tpu.memory_space<vmem>>) dst(%dma_wait3A_84 : memref<10240x128xf32, #tpu.memory_space<vmem_shared>>)
        tpu.yield
      }) : () -> ()
    }
    %scan3A_18 = arith.constant 20 : i32
    %run_scoped3A_19 = arith.constant 1 : i32
    "tpu.region"() ({
      %run_scoped3A_38 = tpu.sem_alloc : memref<!tpu.dma_semaphore, #tpu.memory_space<semaphore_mem>>
      %dma_start3A_39 = arith.constant 0 : i32
      %dma_start3A_40 = arith.constant 0 : i32
      %dma_start3A_41 = tpu.memref_slice %arg5[%add3A, %run_scoped3A_19, %dma_start3A_39, %dma_start3A_40] : memref<32x2x40x128xi32, #tpu.memory_space<hbm>> -> memref<1x1x40x128xi32, #tpu.memory_space<hbm>>
      %dma_start3A_42 = tpu.memref_squeeze %dma_start3A_41 : memref<1x1x40x128xi32, #tpu.memory_space<hbm>> -> memref<40x128xi32, #tpu.memory_space<hbm>>
      %dma_start3A_43 = arith.constant 0 : i32
      %dma_start3A_44 = arith.constant 0 : i32
      %dma_start3A_45 = tpu.memref_slice %arg5[%add3A, %run_scoped3A_19, %dma_start3A_43, %dma_start3A_44] : memref<32x2x40x128xi32, #tpu.memory_space<hbm>> -> memref<1x1x40x128xi32, #tpu.memory_space<hbm>>
      %dma_start3A_46 = tpu.memref_squeeze %dma_start3A_45 : memref<1x1x40x128xi32, #tpu.memory_space<hbm>> -> memref<40x128xi32, #tpu.memory_space<hbm>>
      tpu.enqueue_dma source(%dma_start3A_46 : memref<40x128xi32, #tpu.memory_space<hbm>>) target(%arg8 : memref<40x128xi32, #tpu.memory_space<vmem>>) target_semaphore(%run_scoped3A_38 : memref<!tpu.dma_semaphore, #tpu.memory_space<semaphore_mem>>)
      %dma_wait3A = arith.constant 0 : i32
      %dma_wait3A_47 = arith.constant 0 : i32
      %dma_wait3A_48 = tpu.memref_slice %arg5[%add3A, %run_scoped3A_19, %dma_wait3A, %dma_wait3A_47] : memref<32x2x40x128xi32, #tpu.memory_space<hbm>> -> memref<1x1x40x128xi32, #tpu.memory_space<hbm>>
      %dma_wait3A_49 = tpu.memref_squeeze %dma_wait3A_48 : memref<1x1x40x128xi32, #tpu.memory_space<hbm>> -> memref<40x128xi32, #tpu.memory_space<hbm>>
      %dma_wait3A_50 = arith.constant 0 : i32
      %dma_wait3A_51 = arith.constant 0 : i32
      %dma_wait3A_52 = tpu.memref_slice %arg5[%add3A, %run_scoped3A_19, %dma_wait3A_50, %dma_wait3A_51] : memref<32x2x40x128xi32, #tpu.memory_space<hbm>> -> memref<1x1x40x128xi32, #tpu.memory_space<hbm>>
      %dma_wait3A_53 = tpu.memref_squeeze %dma_wait3A_52 : memref<1x1x40x128xi32, #tpu.memory_space<hbm>> -> memref<40x128xi32, #tpu.memory_space<hbm>>
      tpu.wait_dma2 semaphore(%run_scoped3A_38 : memref<!tpu.dma_semaphore, #tpu.memory_space<semaphore_mem>>) src(%dma_wait3A_53 : memref<40x128xi32, #tpu.memory_space<hbm>>) dst(%arg8 : memref<40x128xi32, #tpu.memory_space<vmem>>)
      tpu.yield
    }) : () -> ()
    %run_scoped3A_20 = arith.constant 1 : i32
    "tpu.region"() ({
      %run_scoped3A_38 = tpu.sem_alloc : memref<!tpu.dma_semaphore, #tpu.memory_space<semaphore_mem>>
      %dma_start3A_39 = arith.constant 0 : i32
      %dma_start3A_40 = arith.constant 0 : i32
      %dma_start3A_41 = tpu.memref_slice %arg6[%add3A, %run_scoped3A_20, %dma_start3A_39, %dma_start3A_40] : memref<32x2x40x128xi32, #tpu.memory_space<hbm>> -> memref<1x1x40x128xi32, #tpu.memory_space<hbm>>
      %dma_start3A_42 = tpu.memref_squeeze %dma_start3A_41 : memref<1x1x40x128xi32, #tpu.memory_space<hbm>> -> memref<40x128xi32, #tpu.memory_space<hbm>>
      %dma_start3A_43 = arith.constant 0 : i32
      %dma_start3A_44 = arith.constant 0 : i32
      %dma_start3A_45 = tpu.memref_slice %arg6[%add3A, %run_scoped3A_20, %dma_start3A_43, %dma_start3A_44] : memref<32x2x40x128xi32, #tpu.memory_space<hbm>> -> memref<1x1x40x128xi32, #tpu.memory_space<hbm>>
      %dma_start3A_46 = tpu.memref_squeeze %dma_start3A_45 : memref<1x1x40x128xi32, #tpu.memory_space<hbm>> -> memref<40x128xi32, #tpu.memory_space<hbm>>
      tpu.enqueue_dma source(%dma_start3A_46 : memref<40x128xi32, #tpu.memory_space<hbm>>) target(%arg9 : memref<40x128xi32, #tpu.memory_space<vmem>>) target_semaphore(%run_scoped3A_38 : memref<!tpu.dma_semaphore, #tpu.memory_space<semaphore_mem>>)
      %dma_wait3A = arith.constant 0 : i32
      %dma_wait3A_47 = arith.constant 0 : i32
      %dma_wait3A_48 = tpu.memref_slice %arg6[%add3A, %run_scoped3A_20, %dma_wait3A, %dma_wait3A_47] : memref<32x2x40x128xi32, #tpu.memory_space<hbm>> -> memref<1x1x40x128xi32, #tpu.memory_space<hbm>>
      %dma_wait3A_49 = tpu.memref_squeeze %dma_wait3A_48 : memref<1x1x40x128xi32, #tpu.memory_space<hbm>> -> memref<40x128xi32, #tpu.memory_space<hbm>>
      %dma_wait3A_50 = arith.constant 0 : i32
      %dma_wait3A_51 = arith.constant 0 : i32
      %dma_wait3A_52 = tpu.memref_slice %arg6[%add3A, %run_scoped3A_20, %dma_wait3A_50, %dma_wait3A_51] : memref<32x2x40x128xi32, #tpu.memory_space<hbm>> -> memref<1x1x40x128xi32, #tpu.memory_space<hbm>>
      %dma_wait3A_53 = tpu.memref_squeeze %dma_wait3A_52 : memref<1x1x40x128xi32, #tpu.memory_space<hbm>> -> memref<40x128xi32, #tpu.memory_space<hbm>>
      tpu.wait_dma2 semaphore(%run_scoped3A_38 : memref<!tpu.dma_semaphore, #tpu.memory_space<semaphore_mem>>) src(%dma_wait3A_53 : memref<40x128xi32, #tpu.memory_space<hbm>>) dst(%arg9 : memref<40x128xi32, #tpu.memory_space<vmem>>)
      tpu.yield
    }) : () -> ()
    %dma_start3A_21 = arith.constant 0 : i32
    %dma_start3A_22 = arith.constant 0 : i32
    %dma_start3A_23 = tpu.memref_slice %arg8[%dma_start3A_21, %dma_start3A_22] : memref<40x128xi32, #tpu.memory_space<vmem>> -> memref<1x128xi32, #tpu.memory_space<vmem>>
    %dma_start3A_24 = tpu.memref_squeeze %dma_start3A_23 : memref<1x128xi32, #tpu.memory_space<vmem>> -> memref<128xi32, #tpu.memory_space<vmem>>
    %dma_start3A_25 = arith.constant 0 : i32
    %dma_start3A_26 = arith.constant 0 : i32
    %dma_start3A_27 = tpu.memref_slice %arg2[%dma_start3A_25, %dma_start3A_26] : memref<10240x128xf32, #tpu.memory_space<hbm>> -> memref<10240x128xf32, #tpu.memory_space<hbm>>
    tpu.enqueue_indirect_dma source(%dma_start3A_27 : memref<10240x128xf32, #tpu.memory_space<hbm>>) target(%arg10 : memref<128x128xf32, #tpu.memory_space<vmem>>) offsets(%dma_start3A_24 : memref<128xi32, #tpu.memory_space<vmem>>) semaphore(%arg13 : memref<!tpu.dma_semaphore, #tpu.memory_space<semaphore_mem>>)
    %scan3A_28 = arith.constant 0 : i32
    %scan3A_29 = arith.constant 20 : i32
    %scan3A_30 = arith.addi %scan3A_28, %scan3A_29 : i32
    %scan3A_31 = arith.constant 1 : i32
    scf.for %scan3A_38 = %scan3A_28 to %scan3A_30 step %scan3A_31  : i32 {
      %mul3A_39 = arith.constant 2 : i32
      %mul3A_40 = arith.muli %scan3A_38, %mul3A_39 : i32
      %add3A_41 = arith.constant 0 : i32
      %add3A_42 = arith.addi %add3A_41, %mul3A_40 : i32
      %dma_wait3A = arith.constant 0 : i32
      %dma_wait3A_43 = tpu.memref_slice %arg8[%add3A_42, %dma_wait3A] : memref<40x128xi32, #tpu.memory_space<vmem>> -> memref<1x128xi32, #tpu.memory_space<vmem>>
      %dma_wait3A_44 = tpu.memref_squeeze %dma_wait3A_43 : memref<1x128xi32, #tpu.memory_space<vmem>> -> memref<128xi32, #tpu.memory_space<vmem>>
      %dma_wait3A_45 = arith.constant 0 : i32
      %dma_wait3A_46 = arith.constant 0 : i32
      %dma_wait3A_47 = tpu.memref_slice %arg2[%dma_wait3A_45, %dma_wait3A_46] : memref<10240x128xf32, #tpu.memory_space<hbm>> -> memref<10240x128xf32, #tpu.memory_space<hbm>>
      tpu.wait_indirect_dma semaphore(%arg13 : memref<!tpu.dma_semaphore, #tpu.memory_space<semaphore_mem>>) src(%dma_wait3A_47 : memref<10240x128xf32, #tpu.memory_space<hbm>>) dst(%arg10 : memref<128x128xf32, #tpu.memory_space<vmem>>)
      %add3A_48 = arith.constant 1 : i32
      %add3A_49 = arith.addi %add3A_42, %add3A_48 : i32
      %dma_start3A_50 = arith.constant 0 : i32
      %dma_start3A_51 = tpu.memref_slice %arg8[%add3A_49, %dma_start3A_50] : memref<40x128xi32, #tpu.memory_space<vmem>> -> memref<1x128xi32, #tpu.memory_space<vmem>>
      %dma_start3A_52 = tpu.memref_squeeze %dma_start3A_51 : memref<1x128xi32, #tpu.memory_space<vmem>> -> memref<128xi32, #tpu.memory_space<vmem>>
      %dma_start3A_53 = arith.constant 0 : i32
      %dma_start3A_54 = arith.constant 0 : i32
      %dma_start3A_55 = tpu.memref_slice %arg2[%dma_start3A_53, %dma_start3A_54] : memref<10240x128xf32, #tpu.memory_space<hbm>> -> memref<10240x128xf32, #tpu.memory_space<hbm>>
      tpu.enqueue_indirect_dma source(%dma_start3A_55 : memref<10240x128xf32, #tpu.memory_space<hbm>>) target(%arg11 : memref<128x128xf32, #tpu.memory_space<vmem>>) offsets(%dma_start3A_52 : memref<128xi32, #tpu.memory_space<vmem>>) semaphore(%arg14 : memref<!tpu.dma_semaphore, #tpu.memory_space<semaphore_mem>>)
      "tpu.region"() ({
        %run_scoped3A_72 = tpu.sem_alloc : memref<!tpu.dma_semaphore, #tpu.memory_space<semaphore_mem>>
        %dma_start3A_73 = arith.constant 0 : i32
        %dma_start3A_74 = tpu.memref_slice %arg9[%add3A_42, %dma_start3A_73] : memref<40x128xi32, #tpu.memory_space<vmem>> -> memref<1x128xi32, #tpu.memory_space<vmem>>
        %dma_start3A_75 = tpu.memref_squeeze %dma_start3A_74 : memref<1x128xi32, #tpu.memory_space<vmem>> -> memref<128xi32, #tpu.memory_space<vmem>>
        %dma_start3A_76 = arith.constant 0 : i32
        %dma_start3A_77 = arith.constant 0 : i32
        %dma_start3A_78 = tpu.memref_slice %arg12[%dma_start3A_76, %dma_start3A_77] : memref<10240x128xf32, #tpu.memory_space<vmem_shared>> -> memref<10240x128xf32, #tpu.memory_space<vmem_shared>>
        tpu.enqueue_indirect_dma source(%arg10 : memref<128x128xf32, #tpu.memory_space<vmem>>) target(%dma_start3A_78 : memref<10240x128xf32, #tpu.memory_space<vmem_shared>>) offsets(%dma_start3A_75 : memref<128xi32, #tpu.memory_space<vmem>>) semaphore(%run_scoped3A_72 : memref<!tpu.dma_semaphore, #tpu.memory_space<semaphore_mem>>) {add = true}
        %dma_wait3A_79 = arith.constant 0 : i32
        %dma_wait3A_80 = tpu.memref_slice %arg9[%add3A_42, %dma_wait3A_79] : memref<40x128xi32, #tpu.memory_space<vmem>> -> memref<1x128xi32, #tpu.memory_space<vmem>>
        %dma_wait3A_81 = tpu.memref_squeeze %dma_wait3A_80 : memref<1x128xi32, #tpu.memory_space<vmem>> -> memref<128xi32, #tpu.memory_space<vmem>>
        %dma_wait3A_82 = arith.constant 0 : i32
        %dma_wait3A_83 = arith.constant 0 : i32
        %dma_wait3A_84 = tpu.memref_slice %arg12[%dma_wait3A_82, %dma_wait3A_83] : memref<10240x128xf32, #tpu.memory_space<vmem_shared>> -> memref<10240x128xf32, #tpu.memory_space<vmem_shared>>
        tpu.wait_indirect_dma semaphore(%run_scoped3A_72 : memref<!tpu.dma_semaphore, #tpu.memory_space<semaphore_mem>>) src(%arg10 : memref<128x128xf32, #tpu.memory_space<vmem>>) dst(%dma_wait3A_84 : memref<10240x128xf32, #tpu.memory_space<vmem_shared>>)
        tpu.yield
      }) : () -> ()
      %add3A_56 = arith.constant 1 : i32
      %add3A_57 = arith.addi %add3A_42, %add3A_56 : i32
      %dma_wait3A_58 = arith.constant 0 : i32
      %dma_wait3A_59 = tpu.memref_slice %arg8[%add3A_57, %dma_wait3A_58] : memref<40x128xi32, #tpu.memory_space<vmem>> -> memref<1x128xi32, #tpu.memory_space<vmem>>
      %dma_wait3A_60 = tpu.memref_squeeze %dma_wait3A_59 : memref<1x128xi32, #tpu.memory_space<vmem>> -> memref<128xi32, #tpu.memory_space<vmem>>
      %dma_wait3A_61 = arith.constant 0 : i32
      %dma_wait3A_62 = arith.constant 0 : i32
      %dma_wait3A_63 = tpu.memref_slice %arg2[%dma_wait3A_61, %dma_wait3A_62] : memref<10240x128xf32, #tpu.memory_space<hbm>> -> memref<10240x128xf32, #tpu.memory_space<hbm>>
      tpu.wait_indirect_dma semaphore(%arg14 : memref<!tpu.dma_semaphore, #tpu.memory_space<semaphore_mem>>) src(%dma_wait3A_63 : memref<10240x128xf32, #tpu.memory_space<hbm>>) dst(%arg11 : memref<128x128xf32, #tpu.memory_space<vmem>>)
      %add3A_64 = arith.constant 2 : i32
      %add3A_65 = arith.addi %add3A_42, %add3A_64 : i32
      %lt3A = arith.constant 40 : i32
      %lt3A_66 = arith.cmpi slt, %add3A_65, %lt3A : i32
      %convert_element_type3A_67 = arith.extui %lt3A_66 : i1 to i32
      %cond3A_68 = arith.constant 0 : i32
      %cond3A_69 = arith.cmpi ne, %convert_element_type3A_67, %cond3A_68 : i32
      scf.if %cond3A_69 {
        %add3A_72 = arith.constant 2 : i32
        %add3A_73 = arith.addi %add3A_42, %add3A_72 : i32
        %dma_start3A_74 = arith.constant 0 : i32
        %dma_start3A_75 = tpu.memref_slice %arg8[%add3A_73, %dma_start3A_74] : memref<40x128xi32, #tpu.memory_space<vmem>> -> memref<1x128xi32, #tpu.memory_space<vmem>>
        %dma_start3A_76 = tpu.memref_squeeze %dma_start3A_75 : memref<1x128xi32, #tpu.memory_space<vmem>> -> memref<128xi32, #tpu.memory_space<vmem>>
        %dma_start3A_77 = arith.constant 0 : i32
        %dma_start3A_78 = arith.constant 0 : i32
        %dma_start3A_79 = tpu.memref_slice %arg2[%dma_start3A_77, %dma_start3A_78] : memref<10240x128xf32, #tpu.memory_space<hbm>> -> memref<10240x128xf32, #tpu.memory_space<hbm>>
        tpu.enqueue_indirect_dma source(%dma_start3A_79 : memref<10240x128xf32, #tpu.memory_space<hbm>>) target(%arg10 : memref<128x128xf32, #tpu.memory_space<vmem>>) offsets(%dma_start3A_76 : memref<128xi32, #tpu.memory_space<vmem>>) semaphore(%arg13 : memref<!tpu.dma_semaphore, #tpu.memory_space<semaphore_mem>>)
      } else {
      }
      %add3A_70 = arith.constant 1 : i32
      %add3A_71 = arith.addi %add3A_42, %add3A_70 : i32
      "tpu.region"() ({
        %run_scoped3A_72 = tpu.sem_alloc : memref<!tpu.dma_semaphore, #tpu.memory_space<semaphore_mem>>
        %dma_start3A_73 = arith.constant 0 : i32
        %dma_start3A_74 = tpu.memref_slice %arg9[%add3A_71, %dma_start3A_73] : memref<40x128xi32, #tpu.memory_space<vmem>> -> memref<1x128xi32, #tpu.memory_space<vmem>>
        %dma_start3A_75 = tpu.memref_squeeze %dma_start3A_74 : memref<1x128xi32, #tpu.memory_space<vmem>> -> memref<128xi32, #tpu.memory_space<vmem>>
        %dma_start3A_76 = arith.constant 0 : i32
        %dma_start3A_77 = arith.constant 0 : i32
        %dma_start3A_78 = tpu.memref_slice %arg12[%dma_start3A_76, %dma_start3A_77] : memref<10240x128xf32, #tpu.memory_space<vmem_shared>> -> memref<10240x128xf32, #tpu.memory_space<vmem_shared>>
        tpu.enqueue_indirect_dma source(%arg11 : memref<128x128xf32, #tpu.memory_space<vmem>>) target(%dma_start3A_78 : memref<10240x128xf32, #tpu.memory_space<vmem_shared>>) offsets(%dma_start3A_75 : memref<128xi32, #tpu.memory_space<vmem>>) semaphore(%run_scoped3A_72 : memref<!tpu.dma_semaphore, #tpu.memory_space<semaphore_mem>>) {add = true}
        %dma_wait3A_79 = arith.constant 0 : i32
        %dma_wait3A_80 = tpu.memref_slice %arg9[%add3A_71, %dma_wait3A_79] : memref<40x128xi32, #tpu.memory_space<vmem>> -> memref<1x128xi32, #tpu.memory_space<vmem>>
        %dma_wait3A_81 = tpu.memref_squeeze %dma_wait3A_80 : memref<1x128xi32, #tpu.memory_space<vmem>> -> memref<128xi32, #tpu.memory_space<vmem>>
        %dma_wait3A_82 = arith.constant 0 : i32
        %dma_wait3A_83 = arith.constant 0 : i32
        %dma_wait3A_84 = tpu.memref_slice %arg12[%dma_wait3A_82, %dma_wait3A_83] : memref<10240x128xf32, #tpu.memory_space<vmem_shared>> -> memref<10240x128xf32, #tpu.memory_space<vmem_shared>>
        tpu.wait_indirect_dma semaphore(%run_scoped3A_72 : memref<!tpu.dma_semaphore, #tpu.memory_space<semaphore_mem>>) src(%arg11 : memref<128x128xf32, #tpu.memory_space<vmem>>) dst(%dma_wait3A_84 : memref<10240x128xf32, #tpu.memory_space<vmem_shared>>)
        tpu.yield
      }) : () -> ()
    }
    %scan3A_32 = arith.constant 20 : i32
    %barrier3A_33 = arith.constant 0 : index
    tpu.barrier barrier_id(%barrier3A_33)
    %mul3A_34 = arith.constant 640 : i32
    %mul3A_35 = arith.muli %arg1, %mul3A_34 : i32
    %mul3A_36 = arith.constant 640 : i32
    %mul3A_37 = arith.muli %arg1, %mul3A_36 : i32
    "tpu.region"() ({
      %run_scoped3A_38 = tpu.sem_alloc : memref<!tpu.dma_semaphore, #tpu.memory_space<semaphore_mem>>
      %dma_start3A_39 = arith.constant 0 : i32
      %dma_start3A_40 = tpu.memref_slice %arg7[%arg0, %mul3A_37, %dma_start3A_39] : memref<2x10240x128xf32, #tpu.memory_space<hbm>> -> memref<1x640x128xf32, #tpu.memory_space<hbm>>
      %dma_start3A_41 = tpu.memref_squeeze %dma_start3A_40 : memref<1x640x128xf32, #tpu.memory_space<hbm>> -> memref<640x128xf32, #tpu.memory_space<hbm>>
      %dma_start3A_42 = arith.constant 0 : i32
      %dma_start3A_43 = tpu.memref_slice %arg12[%mul3A_35, %dma_start3A_42] : memref<10240x128xf32, #tpu.memory_space<vmem_shared>> -> memref<640x128xf32, #tpu.memory_space<vmem_shared>>
      tpu.enqueue_dma source(%dma_start3A_43 : memref<640x128xf32, #tpu.memory_space<vmem_shared>>) target(%dma_start3A_41 : memref<640x128xf32, #tpu.memory_space<hbm>>) target_semaphore(%run_scoped3A_38 : memref<!tpu.dma_semaphore, #tpu.memory_space<semaphore_mem>>)
      %dma_wait3A = arith.constant 0 : i32
      %dma_wait3A_44 = tpu.memref_slice %arg7[%arg0, %mul3A_37, %dma_wait3A] : memref<2x10240x128xf32, #tpu.memory_space<hbm>> -> memref<1x640x128xf32, #tpu.memory_space<hbm>>
      %dma_wait3A_45 = tpu.memref_squeeze %dma_wait3A_44 : memref<1x640x128xf32, #tpu.memory_space<hbm>> -> memref<640x128xf32, #tpu.memory_space<hbm>>
      %dma_wait3A_46 = arith.constant 0 : i32
      %dma_wait3A_47 = tpu.memref_slice %arg12[%mul3A_35, %dma_wait3A_46] : memref<10240x128xf32, #tpu.memory_space<vmem_shared>> -> memref<640x128xf32, #tpu.memory_space<vmem_shared>>
      tpu.wait_dma2 semaphore(%run_scoped3A_38 : memref<!tpu.dma_semaphore, #tpu.memory_space<semaphore_mem>>) src(%dma_wait3A_47 : memref<640x128xf32, #tpu.memory_space<vmem_shared>>) dst(%dma_wait3A_45 : memref<640x128xf32, #tpu.memory_space<hbm>>)
      tpu.yield
    }) : () -> ()
    return
  }
}

#map = affine_map<(d0, d1) -> (0, 0)>
#map1 = affine_map<(d0, d1) -> (0, 0, 0, 0)>
#map2 = affine_map<(d0, d1) -> (0, 0, 0)>
module attributes {stable_mosaic.version = 14 : i64} {
  func.func @_sc_scatter(%arg0: i32, %arg1: i32, %arg2: memref<10240x128xf32, #tpu.memory_space<hbm>>, %arg3: memref<10240x128xf32, #tpu.memory_space<hbm>>, %arg4: memref<10240x128xf32, #tpu.memory_space<hbm>>, %arg5: memref<32x2x40x128xi32, #tpu.memory_space<hbm>>, %arg6: memref<32x2x40x128xi32, #tpu.memory_space<hbm>>, %arg7: memref<2x10240x128xf32, #tpu.memory_space<hbm>>, %arg8: memref<40x128xi32, #tpu.memory_space<vmem>>, %arg9: memref<40x128xi32, #tpu.memory_space<vmem>>, %arg10: memref<128x128xf32, #tpu.memory_space<vmem>>, %arg11: memref<128x128xf32, #tpu.memory_space<vmem>>, %arg12: memref<10240x128xf32, #tpu.memory_space<vmem_shared>>, %arg13: memref<!tpu.dma_semaphore, #tpu.memory_space<semaphore_mem>>, %arg14: memref<!tpu.dma_semaphore, #tpu.memory_space<semaphore_mem>>) attributes {dimension_semantics = [#tpu.dimension_semantics<core_parallel>, #tpu.dimension_semantics<subcore_parallel>], iteration_bounds = array<i64: 2, 16>, scalar_prefetch = 0 : i64, scratch_operands = 7 : i64, tpu.core_type = #tpu.core_type<sc_vector_subcore>, window_params = [{transform_indices = #map}, {transform_indices = #map}, {transform_indices = #map}, {transform_indices = #map1}, {transform_indices = #map1}, {transform_indices = #map2}]} {
    %mul3A = arith.constant 2 : i32
    %mul3A_0 = arith.muli %arg1, %mul3A : i32
    %add3A = arith.addi %mul3A_0, %arg0 : i32
    %eq3A = arith.constant 0 : i32
    %eq3A_1 = arith.cmpi eq, %arg0, %eq3A : i32
    %convert_element_type3A = arith.extui %eq3A_1 : i1 to i32
    %cond3A = arith.constant 0 : i32
    %cond3A_2 = arith.cmpi ne, %convert_element_type3A, %cond3A : i32
    scf.if %cond3A_2 {
      %mul3A_38 = arith.constant 640 : i32
      %mul3A_39 = arith.muli %arg1, %mul3A_38 : i32
      %mul3A_40 = arith.constant 640 : i32
      %mul3A_41 = arith.muli %arg1, %mul3A_40 : i32
      "tpu.region"() ({
        %run_scoped3A_42 = tpu.sem_alloc : memref<!tpu.dma_semaphore, #tpu.memory_space<semaphore_mem>>
        %dma_start3A_43 = arith.constant 0 : i32
        %dma_start3A_44 = tpu.memref_slice %arg12[%mul3A_41, %dma_start3A_43] : memref<10240x128xf32, #tpu.memory_space<vmem_shared>> -> memref<640x128xf32, #tpu.memory_space<vmem_shared>>
        %dma_start3A_45 = arith.constant 0 : i32
        %dma_start3A_46 = tpu.memref_slice %arg3[%mul3A_39, %dma_start3A_45] : memref<10240x128xf32, #tpu.memory_space<hbm>> -> memref<640x128xf32, #tpu.memory_space<hbm>>
        tpu.enqueue_dma source(%dma_start3A_46 : memref<640x128xf32, #tpu.memory_space<hbm>>) target(%dma_start3A_44 : memref<640x128xf32, #tpu.memory_space<vmem_shared>>) target_semaphore(%run_scoped3A_42 : memref<!tpu.dma_semaphore, #tpu.memory_space<semaphore_mem>>)
        %dma_wait3A = arith.constant 0 : i32
        %dma_wait3A_47 = tpu.memref_slice %arg12[%mul3A_41, %dma_wait3A] : memref<10240x128xf32, #tpu.memory_space<vmem_shared>> -> memref<640x128xf32, #tpu.memory_space<vmem_shared>>
        %dma_wait3A_48 = arith.constant 0 : i32
        %dma_wait3A_49 = tpu.memref_slice %arg3[%mul3A_39, %dma_wait3A_48] : memref<10240x128xf32, #tpu.memory_space<hbm>> -> memref<640x128xf32, #tpu.memory_space<hbm>>
        tpu.wait_dma2 semaphore(%run_scoped3A_42 : memref<!tpu.dma_semaphore, #tpu.memory_space<semaphore_mem>>) src(%dma_wait3A_49 : memref<640x128xf32, #tpu.memory_space<hbm>>) dst(%dma_wait3A_47 : memref<640x128xf32, #tpu.memory_space<vmem_shared>>)
        tpu.yield
      }) : () -> ()
    } else {
    }
    %eq3A_3 = arith.constant 1 : i32
    %eq3A_4 = arith.cmpi eq, %arg0, %eq3A_3 : i32
    %convert_element_type3A_5 = arith.extui %eq3A_4 : i1 to i32
    %cond3A_6 = arith.constant 0 : i32
    %cond3A_7 = arith.cmpi ne, %convert_element_type3A_5, %cond3A_6 : i32
    scf.if %cond3A_7 {
      %mul3A_38 = arith.constant 640 : i32
      %mul3A_39 = arith.muli %arg1, %mul3A_38 : i32
      %mul3A_40 = arith.constant 640 : i32
      %mul3A_41 = arith.muli %arg1, %mul3A_40 : i32
      "tpu.region"() ({
        %run_scoped3A_42 = tpu.sem_alloc : memref<!tpu.dma_semaphore, #tpu.memory_space<semaphore_mem>>
        %dma_start3A_43 = arith.constant 0 : i32
        %dma_start3A_44 = tpu.memref_slice %arg12[%mul3A_41, %dma_start3A_43] : memref<10240x128xf32, #tpu.memory_space<vmem_shared>> -> memref<640x128xf32, #tpu.memory_space<vmem_shared>>
        %dma_start3A_45 = arith.constant 0 : i32
        %dma_start3A_46 = tpu.memref_slice %arg4[%mul3A_39, %dma_start3A_45] : memref<10240x128xf32, #tpu.memory_space<hbm>> -> memref<640x128xf32, #tpu.memory_space<hbm>>
        tpu.enqueue_dma source(%dma_start3A_46 : memref<640x128xf32, #tpu.memory_space<hbm>>) target(%dma_start3A_44 : memref<640x128xf32, #tpu.memory_space<vmem_shared>>) target_semaphore(%run_scoped3A_42 : memref<!tpu.dma_semaphore, #tpu.memory_space<semaphore_mem>>)
        %dma_wait3A = arith.constant 0 : i32
        %dma_wait3A_47 = tpu.memref_slice %arg12[%mul3A_41, %dma_wait3A] : memref<10240x128xf32, #tpu.memory_space<vmem_shared>> -> memref<640x128xf32, #tpu.memory_space<vmem_shared>>
        %dma_wait3A_48 = arith.constant 0 : i32
        %dma_wait3A_49 = tpu.memref_slice %arg4[%mul3A_39, %dma_wait3A_48] : memref<10240x128xf32, #tpu.memory_space<hbm>> -> memref<640x128xf32, #tpu.memory_space<hbm>>
        tpu.wait_dma2 semaphore(%run_scoped3A_42 : memref<!tpu.dma_semaphore, #tpu.memory_space<semaphore_mem>>) src(%dma_wait3A_49 : memref<640x128xf32, #tpu.memory_space<hbm>>) dst(%dma_wait3A_47 : memref<640x128xf32, #tpu.memory_space<vmem_shared>>)
        tpu.yield
      }) : () -> ()
    } else {
    }
    %barrier3A = arith.constant 0 : index
    tpu.barrier barrier_id(%barrier3A)
    %run_scoped3A = arith.constant 0 : i32
    "tpu.region"() ({
      %run_scoped3A_38 = tpu.sem_alloc : memref<!tpu.dma_semaphore, #tpu.memory_space<semaphore_mem>>
      %dma_start3A_39 = arith.constant 0 : i32
      %dma_start3A_40 = arith.constant 0 : i32
      %dma_start3A_41 = tpu.memref_slice %arg5[%add3A, %run_scoped3A, %dma_start3A_39, %dma_start3A_40] : memref<32x2x40x128xi32, #tpu.memory_space<hbm>> -> memref<1x1x40x128xi32, #tpu.memory_space<hbm>>
      %dma_start3A_42 = tpu.memref_squeeze %dma_start3A_41 : memref<1x1x40x128xi32, #tpu.memory_space<hbm>> -> memref<40x128xi32, #tpu.memory_space<hbm>>
      %dma_start3A_43 = arith.constant 0 : i32
      %dma_start3A_44 = arith.constant 0 : i32
      %dma_start3A_45 = tpu.memref_slice %arg5[%add3A, %run_scoped3A, %dma_start3A_43, %dma_start3A_44] : memref<32x2x40x128xi32, #tpu.memory_space<hbm>> -> memref<1x1x40x128xi32, #tpu.memory_space<hbm>>
      %dma_start3A_46 = tpu.memref_squeeze %dma_start3A_45 : memref<1x1x40x128xi32, #tpu.memory_space<hbm>> -> memref<40x128xi32, #tpu.memory_space<hbm>>
      tpu.enqueue_dma source(%dma_start3A_46 : memref<40x128xi32, #tpu.memory_space<hbm>>) target(%arg8 : memref<40x128xi32, #tpu.memory_space<vmem>>) target_semaphore(%run_scoped3A_38 : memref<!tpu.dma_semaphore, #tpu.memory_space<semaphore_mem>>)
      %dma_wait3A = arith.constant 0 : i32
      %dma_wait3A_47 = arith.constant 0 : i32
      %dma_wait3A_48 = tpu.memref_slice %arg5[%add3A, %run_scoped3A, %dma_wait3A, %dma_wait3A_47] : memref<32x2x40x128xi32, #tpu.memory_space<hbm>> -> memref<1x1x40x128xi32, #tpu.memory_space<hbm>>
      %dma_wait3A_49 = tpu.memref_squeeze %dma_wait3A_48 : memref<1x1x40x128xi32, #tpu.memory_space<hbm>> -> memref<40x128xi32, #tpu.memory_space<hbm>>
      %dma_wait3A_50 = arith.constant 0 : i32
      %dma_wait3A_51 = arith.constant 0 : i32
      %dma_wait3A_52 = tpu.memref_slice %arg5[%add3A, %run_scoped3A, %dma_wait3A_50, %dma_wait3A_51] : memref<32x2x40x128xi32, #tpu.memory_space<hbm>> -> memref<1x1x40x128xi32, #tpu.memory_space<hbm>>
      %dma_wait3A_53 = tpu.memref_squeeze %dma_wait3A_52 : memref<1x1x40x128xi32, #tpu.memory_space<hbm>> -> memref<40x128xi32, #tpu.memory_space<hbm>>
      tpu.wait_dma2 semaphore(%run_scoped3A_38 : memref<!tpu.dma_semaphore, #tpu.memory_space<semaphore_mem>>) src(%dma_wait3A_53 : memref<40x128xi32, #tpu.memory_space<hbm>>) dst(%arg8 : memref<40x128xi32, #tpu.memory_space<vmem>>)
      tpu.yield
    }) : () -> ()
    %run_scoped3A_8 = arith.constant 0 : i32
    "tpu.region"() ({
      %run_scoped3A_38 = tpu.sem_alloc : memref<!tpu.dma_semaphore, #tpu.memory_space<semaphore_mem>>
      %dma_start3A_39 = arith.constant 0 : i32
      %dma_start3A_40 = arith.constant 0 : i32
      %dma_start3A_41 = tpu.memref_slice %arg6[%add3A, %run_scoped3A_8, %dma_start3A_39, %dma_start3A_40] : memref<32x2x40x128xi32, #tpu.memory_space<hbm>> -> memref<1x1x40x128xi32, #tpu.memory_space<hbm>>
      %dma_start3A_42 = tpu.memref_squeeze %dma_start3A_41 : memref<1x1x40x128xi32, #tpu.memory_space<hbm>> -> memref<40x128xi32, #tpu.memory_space<hbm>>
      %dma_start3A_43 = arith.constant 0 : i32
      %dma_start3A_44 = arith.constant 0 : i32
      %dma_start3A_45 = tpu.memref_slice %arg6[%add3A, %run_scoped3A_8, %dma_start3A_43, %dma_start3A_44] : memref<32x2x40x128xi32, #tpu.memory_space<hbm>> -> memref<1x1x40x128xi32, #tpu.memory_space<hbm>>
      %dma_start3A_46 = tpu.memref_squeeze %dma_start3A_45 : memref<1x1x40x128xi32, #tpu.memory_space<hbm>> -> memref<40x128xi32, #tpu.memory_space<hbm>>
      tpu.enqueue_dma source(%dma_start3A_46 : memref<40x128xi32, #tpu.memory_space<hbm>>) target(%arg9 : memref<40x128xi32, #tpu.memory_space<vmem>>) target_semaphore(%run_scoped3A_38 : memref<!tpu.dma_semaphore, #tpu.memory_space<semaphore_mem>>)
      %dma_wait3A = arith.constant 0 : i32
      %dma_wait3A_47 = arith.constant 0 : i32
      %dma_wait3A_48 = tpu.memref_slice %arg6[%add3A, %run_scoped3A_8, %dma_wait3A, %dma_wait3A_47] : memref<32x2x40x128xi32, #tpu.memory_space<hbm>> -> memref<1x1x40x128xi32, #tpu.memory_space<hbm>>
      %dma_wait3A_49 = tpu.memref_squeeze %dma_wait3A_48 : memref<1x1x40x128xi32, #tpu.memory_space<hbm>> -> memref<40x128xi32, #tpu.memory_space<hbm>>
      %dma_wait3A_50 = arith.constant 0 : i32
      %dma_wait3A_51 = arith.constant 0 : i32
      %dma_wait3A_52 = tpu.memref_slice %arg6[%add3A, %run_scoped3A_8, %dma_wait3A_50, %dma_wait3A_51] : memref<32x2x40x128xi32, #tpu.memory_space<hbm>> -> memref<1x1x40x128xi32, #tpu.memory_space<hbm>>
      %dma_wait3A_53 = tpu.memref_squeeze %dma_wait3A_52 : memref<1x1x40x128xi32, #tpu.memory_space<hbm>> -> memref<40x128xi32, #tpu.memory_space<hbm>>
      tpu.wait_dma2 semaphore(%run_scoped3A_38 : memref<!tpu.dma_semaphore, #tpu.memory_space<semaphore_mem>>) src(%dma_wait3A_53 : memref<40x128xi32, #tpu.memory_space<hbm>>) dst(%arg9 : memref<40x128xi32, #tpu.memory_space<vmem>>)
      tpu.yield
    }) : () -> ()
    %dma_start3A = arith.constant 0 : i32
    %dma_start3A_9 = arith.constant 0 : i32
    %dma_start3A_10 = tpu.memref_slice %arg8[%dma_start3A, %dma_start3A_9] : memref<40x128xi32, #tpu.memory_space<vmem>> -> memref<1x128xi32, #tpu.memory_space<vmem>>
    %dma_start3A_11 = tpu.memref_squeeze %dma_start3A_10 : memref<1x128xi32, #tpu.memory_space<vmem>> -> memref<128xi32, #tpu.memory_space<vmem>>
    %dma_start3A_12 = arith.constant 0 : i32
    %dma_start3A_13 = arith.constant 0 : i32
    %dma_start3A_14 = tpu.memref_slice %arg2[%dma_start3A_12, %dma_start3A_13] : memref<10240x128xf32, #tpu.memory_space<hbm>> -> memref<10240x128xf32, #tpu.memory_space<hbm>>
    tpu.enqueue_indirect_dma source(%dma_start3A_14 : memref<10240x128xf32, #tpu.memory_space<hbm>>) target(%arg10 : memref<128x128xf32, #tpu.memory_space<vmem>>) offsets(%dma_start3A_11 : memref<128xi32, #tpu.memory_space<vmem>>) semaphore(%arg13 : memref<!tpu.dma_semaphore, #tpu.memory_space<semaphore_mem>>)
    %scan3A = arith.constant 0 : i32
    %scan3A_15 = arith.constant 20 : i32
    %scan3A_16 = arith.addi %scan3A, %scan3A_15 : i32
    %scan3A_17 = arith.constant 1 : i32
    scf.for %scan3A_38 = %scan3A to %scan3A_16 step %scan3A_17  : i32 {
      %mul3A_39 = arith.constant 2 : i32
      %mul3A_40 = arith.muli %scan3A_38, %mul3A_39 : i32
      %add3A_41 = arith.constant 0 : i32
      %add3A_42 = arith.addi %add3A_41, %mul3A_40 : i32
      %dma_wait3A = arith.constant 0 : i32
      %dma_wait3A_43 = tpu.memref_slice %arg8[%add3A_42, %dma_wait3A] : memref<40x128xi32, #tpu.memory_space<vmem>> -> memref<1x128xi32, #tpu.memory_space<vmem>>
      %dma_wait3A_44 = tpu.memref_squeeze %dma_wait3A_43 : memref<1x128xi32, #tpu.memory_space<vmem>> -> memref<128xi32, #tpu.memory_space<vmem>>
      %dma_wait3A_45 = arith.constant 0 : i32
      %dma_wait3A_46 = arith.constant 0 : i32
      %dma_wait3A_47 = tpu.memref_slice %arg2[%dma_wait3A_45, %dma_wait3A_46] : memref<10240x128xf32, #tpu.memory_space<hbm>> -> memref<10240x128xf32, #tpu.memory_space<hbm>>
      tpu.wait_indirect_dma semaphore(%arg13 : memref<!tpu.dma_semaphore, #tpu.memory_space<semaphore_mem>>) src(%dma_wait3A_47 : memref<10240x128xf32, #tpu.memory_space<hbm>>) dst(%arg10 : memref<128x128xf32, #tpu.memory_space<vmem>>)
      %add3A_48 = arith.constant 1 : i32
      %add3A_49 = arith.addi %add3A_42, %add3A_48 : i32
      %dma_start3A_50 = arith.constant 0 : i32
      %dma_start3A_51 = tpu.memref_slice %arg8[%add3A_49, %dma_start3A_50] : memref<40x128xi32, #tpu.memory_space<vmem>> -> memref<1x128xi32, #tpu.memory_space<vmem>>
      %dma_start3A_52 = tpu.memref_squeeze %dma_start3A_51 : memref<1x128xi32, #tpu.memory_space<vmem>> -> memref<128xi32, #tpu.memory_space<vmem>>
      %dma_start3A_53 = arith.constant 0 : i32
      %dma_start3A_54 = arith.constant 0 : i32
      %dma_start3A_55 = tpu.memref_slice %arg2[%dma_start3A_53, %dma_start3A_54] : memref<10240x128xf32, #tpu.memory_space<hbm>> -> memref<10240x128xf32, #tpu.memory_space<hbm>>
      tpu.enqueue_indirect_dma source(%dma_start3A_55 : memref<10240x128xf32, #tpu.memory_space<hbm>>) target(%arg11 : memref<128x128xf32, #tpu.memory_space<vmem>>) offsets(%dma_start3A_52 : memref<128xi32, #tpu.memory_space<vmem>>) semaphore(%arg14 : memref<!tpu.dma_semaphore, #tpu.memory_space<semaphore_mem>>)
      "tpu.region"() ({
        %run_scoped3A_72 = tpu.sem_alloc : memref<!tpu.dma_semaphore, #tpu.memory_space<semaphore_mem>>
        %dma_start3A_73 = arith.constant 0 : i32
        %dma_start3A_74 = tpu.memref_slice %arg9[%add3A_42, %dma_start3A_73] : memref<40x128xi32, #tpu.memory_space<vmem>> -> memref<1x128xi32, #tpu.memory_space<vmem>>
        %dma_start3A_75 = tpu.memref_squeeze %dma_start3A_74 : memref<1x128xi32, #tpu.memory_space<vmem>> -> memref<128xi32, #tpu.memory_space<vmem>>
        %dma_start3A_76 = arith.constant 0 : i32
        %dma_start3A_77 = arith.constant 0 : i32
        %dma_start3A_78 = tpu.memref_slice %arg12[%dma_start3A_76, %dma_start3A_77] : memref<10240x128xf32, #tpu.memory_space<vmem_shared>> -> memref<10240x128xf32, #tpu.memory_space<vmem_shared>>
        tpu.enqueue_indirect_dma source(%arg10 : memref<128x128xf32, #tpu.memory_space<vmem>>) target(%dma_start3A_78 : memref<10240x128xf32, #tpu.memory_space<vmem_shared>>) offsets(%dma_start3A_75 : memref<128xi32, #tpu.memory_space<vmem>>) semaphore(%run_scoped3A_72 : memref<!tpu.dma_semaphore, #tpu.memory_space<semaphore_mem>>) {add = true}
        %dma_wait3A_79 = arith.constant 0 : i32
        %dma_wait3A_80 = tpu.memref_slice %arg9[%add3A_42, %dma_wait3A_79] : memref<40x128xi32, #tpu.memory_space<vmem>> -> memref<1x128xi32, #tpu.memory_space<vmem>>
        %dma_wait3A_81 = tpu.memref_squeeze %dma_wait3A_80 : memref<1x128xi32, #tpu.memory_space<vmem>> -> memref<128xi32, #tpu.memory_space<vmem>>
        %dma_wait3A_82 = arith.constant 0 : i32
        %dma_wait3A_83 = arith.constant 0 : i32
        %dma_wait3A_84 = tpu.memref_slice %arg12[%dma_wait3A_82, %dma_wait3A_83] : memref<10240x128xf32, #tpu.memory_space<vmem_shared>> -> memref<10240x128xf32, #tpu.memory_space<vmem_shared>>
        tpu.wait_indirect_dma semaphore(%run_scoped3A_72 : memref<!tpu.dma_semaphore, #tpu.memory_space<semaphore_mem>>) src(%arg10 : memref<128x128xf32, #tpu.memory_space<vmem>>) dst(%dma_wait3A_84 : memref<10240x128xf32, #tpu.memory_space<vmem_shared>>)
        tpu.yield
      }) : () -> ()
      %add3A_56 = arith.constant 1 : i32
      %add3A_57 = arith.addi %add3A_42, %add3A_56 : i32
      %dma_wait3A_58 = arith.constant 0 : i32
      %dma_wait3A_59 = tpu.memref_slice %arg8[%add3A_57, %dma_wait3A_58] : memref<40x128xi32, #tpu.memory_space<vmem>> -> memref<1x128xi32, #tpu.memory_space<vmem>>
      %dma_wait3A_60 = tpu.memref_squeeze %dma_wait3A_59 : memref<1x128xi32, #tpu.memory_space<vmem>> -> memref<128xi32, #tpu.memory_space<vmem>>
      %dma_wait3A_61 = arith.constant 0 : i32
      %dma_wait3A_62 = arith.constant 0 : i32
      %dma_wait3A_63 = tpu.memref_slice %arg2[%dma_wait3A_61, %dma_wait3A_62] : memref<10240x128xf32, #tpu.memory_space<hbm>> -> memref<10240x128xf32, #tpu.memory_space<hbm>>
      tpu.wait_indirect_dma semaphore(%arg14 : memref<!tpu.dma_semaphore, #tpu.memory_space<semaphore_mem>>) src(%dma_wait3A_63 : memref<10240x128xf32, #tpu.memory_space<hbm>>) dst(%arg11 : memref<128x128xf32, #tpu.memory_space<vmem>>)
      %add3A_64 = arith.constant 2 : i32
      %add3A_65 = arith.addi %add3A_42, %add3A_64 : i32
      %lt3A = arith.constant 40 : i32
      %lt3A_66 = arith.cmpi slt, %add3A_65, %lt3A : i32
      %convert_element_type3A_67 = arith.extui %lt3A_66 : i1 to i32
      %cond3A_68 = arith.constant 0 : i32
      %cond3A_69 = arith.cmpi ne, %convert_element_type3A_67, %cond3A_68 : i32
      scf.if %cond3A_69 {
        %add3A_72 = arith.constant 2 : i32
        %add3A_73 = arith.addi %add3A_42, %add3A_72 : i32
        %dma_start3A_74 = arith.constant 0 : i32
        %dma_start3A_75 = tpu.memref_slice %arg8[%add3A_73, %dma_start3A_74] : memref<40x128xi32, #tpu.memory_space<vmem>> -> memref<1x128xi32, #tpu.memory_space<vmem>>
        %dma_start3A_76 = tpu.memref_squeeze %dma_start3A_75 : memref<1x128xi32, #tpu.memory_space<vmem>> -> memref<128xi32, #tpu.memory_space<vmem>>
        %dma_start3A_77 = arith.constant 0 : i32
        %dma_start3A_78 = arith.constant 0 : i32
        %dma_start3A_79 = tpu.memref_slice %arg2[%dma_start3A_77, %dma_start3A_78] : memref<10240x128xf32, #tpu.memory_space<hbm>> -> memref<10240x128xf32, #tpu.memory_space<hbm>>
        tpu.enqueue_indirect_dma source(%dma_start3A_79 : memref<10240x128xf32, #tpu.memory_space<hbm>>) target(%arg10 : memref<128x128xf32, #tpu.memory_space<vmem>>) offsets(%dma_start3A_76 : memref<128xi32, #tpu.memory_space<vmem>>) semaphore(%arg13 : memref<!tpu.dma_semaphore, #tpu.memory_space<semaphore_mem>>)
      } else {
      }
      %add3A_70 = arith.constant 1 : i32
      %add3A_71 = arith.addi %add3A_42, %add3A_70 : i32
      "tpu.region"() ({
        %run_scoped3A_72 = tpu.sem_alloc : memref<!tpu.dma_semaphore, #tpu.memory_space<semaphore_mem>>
        %dma_start3A_73 = arith.constant 0 : i32
        %dma_start3A_74 = tpu.memref_slice %arg9[%add3A_71, %dma_start3A_73] : memref<40x128xi32, #tpu.memory_space<vmem>> -> memref<1x128xi32, #tpu.memory_space<vmem>>
        %dma_start3A_75 = tpu.memref_squeeze %dma_start3A_74 : memref<1x128xi32, #tpu.memory_space<vmem>> -> memref<128xi32, #tpu.memory_space<vmem>>
        %dma_start3A_76 = arith.constant 0 : i32
        %dma_start3A_77 = arith.constant 0 : i32
        %dma_start3A_78 = tpu.memref_slice %arg12[%dma_start3A_76, %dma_start3A_77] : memref<10240x128xf32, #tpu.memory_space<vmem_shared>> -> memref<10240x128xf32, #tpu.memory_space<vmem_shared>>
        tpu.enqueue_indirect_dma source(%arg11 : memref<128x128xf32, #tpu.memory_space<vmem>>) target(%dma_start3A_78 : memref<10240x128xf32, #tpu.memory_space<vmem_shared>>) offsets(%dma_start3A_75 : memref<128xi32, #tpu.memory_space<vmem>>) semaphore(%run_scoped3A_72 : memref<!tpu.dma_semaphore, #tpu.memory_space<semaphore_mem>>) {add = true}
        %dma_wait3A_79 = arith.constant 0 : i32
        %dma_wait3A_80 = tpu.memref_slice %arg9[%add3A_71, %dma_wait3A_79] : memref<40x128xi32, #tpu.memory_space<vmem>> -> memref<1x128xi32, #tpu.memory_space<vmem>>
        %dma_wait3A_81 = tpu.memref_squeeze %dma_wait3A_80 : memref<1x128xi32, #tpu.memory_space<vmem>> -> memref<128xi32, #tpu.memory_space<vmem>>
        %dma_wait3A_82 = arith.constant 0 : i32
        %dma_wait3A_83 = arith.constant 0 : i32
        %dma_wait3A_84 = tpu.memref_slice %arg12[%dma_wait3A_82, %dma_wait3A_83] : memref<10240x128xf32, #tpu.memory_space<vmem_shared>> -> memref<10240x128xf32, #tpu.memory_space<vmem_shared>>
        tpu.wait_indirect_dma semaphore(%run_scoped3A_72 : memref<!tpu.dma_semaphore, #tpu.memory_space<semaphore_mem>>) src(%arg11 : memref<128x128xf32, #tpu.memory_space<vmem>>) dst(%dma_wait3A_84 : memref<10240x128xf32, #tpu.memory_space<vmem_shared>>)
        tpu.yield
      }) : () -> ()
    }
    %scan3A_18 = arith.constant 20 : i32
    %run_scoped3A_19 = arith.constant 1 : i32
    "tpu.region"() ({
      %run_scoped3A_38 = tpu.sem_alloc : memref<!tpu.dma_semaphore, #tpu.memory_space<semaphore_mem>>
      %dma_start3A_39 = arith.constant 0 : i32
      %dma_start3A_40 = arith.constant 0 : i32
      %dma_start3A_41 = tpu.memref_slice %arg5[%add3A, %run_scoped3A_19, %dma_start3A_39, %dma_start3A_40] : memref<32x2x40x128xi32, #tpu.memory_space<hbm>> -> memref<1x1x40x128xi32, #tpu.memory_space<hbm>>
      %dma_start3A_42 = tpu.memref_squeeze %dma_start3A_41 : memref<1x1x40x128xi32, #tpu.memory_space<hbm>> -> memref<40x128xi32, #tpu.memory_space<hbm>>
      %dma_start3A_43 = arith.constant 0 : i32
      %dma_start3A_44 = arith.constant 0 : i32
      %dma_start3A_45 = tpu.memref_slice %arg5[%add3A, %run_scoped3A_19, %dma_start3A_43, %dma_start3A_44] : memref<32x2x40x128xi32, #tpu.memory_space<hbm>> -> memref<1x1x40x128xi32, #tpu.memory_space<hbm>>
      %dma_start3A_46 = tpu.memref_squeeze %dma_start3A_45 : memref<1x1x40x128xi32, #tpu.memory_space<hbm>> -> memref<40x128xi32, #tpu.memory_space<hbm>>
      tpu.enqueue_dma source(%dma_start3A_46 : memref<40x128xi32, #tpu.memory_space<hbm>>) target(%arg8 : memref<40x128xi32, #tpu.memory_space<vmem>>) target_semaphore(%run_scoped3A_38 : memref<!tpu.dma_semaphore, #tpu.memory_space<semaphore_mem>>)
      %dma_wait3A = arith.constant 0 : i32
      %dma_wait3A_47 = arith.constant 0 : i32
      %dma_wait3A_48 = tpu.memref_slice %arg5[%add3A, %run_scoped3A_19, %dma_wait3A, %dma_wait3A_47] : memref<32x2x40x128xi32, #tpu.memory_space<hbm>> -> memref<1x1x40x128xi32, #tpu.memory_space<hbm>>
      %dma_wait3A_49 = tpu.memref_squeeze %dma_wait3A_48 : memref<1x1x40x128xi32, #tpu.memory_space<hbm>> -> memref<40x128xi32, #tpu.memory_space<hbm>>
      %dma_wait3A_50 = arith.constant 0 : i32
      %dma_wait3A_51 = arith.constant 0 : i32
      %dma_wait3A_52 = tpu.memref_slice %arg5[%add3A, %run_scoped3A_19, %dma_wait3A_50, %dma_wait3A_51] : memref<32x2x40x128xi32, #tpu.memory_space<hbm>> -> memref<1x1x40x128xi32, #tpu.memory_space<hbm>>
      %dma_wait3A_53 = tpu.memref_squeeze %dma_wait3A_52 : memref<1x1x40x128xi32, #tpu.memory_space<hbm>> -> memref<40x128xi32, #tpu.memory_space<hbm>>
      tpu.wait_dma2 semaphore(%run_scoped3A_38 : memref<!tpu.dma_semaphore, #tpu.memory_space<semaphore_mem>>) src(%dma_wait3A_53 : memref<40x128xi32, #tpu.memory_space<hbm>>) dst(%arg8 : memref<40x128xi32, #tpu.memory_space<vmem>>)
      tpu.yield
    }) : () -> ()
    %run_scoped3A_20 = arith.constant 1 : i32
    "tpu.region"() ({
      %run_scoped3A_38 = tpu.sem_alloc : memref<!tpu.dma_semaphore, #tpu.memory_space<semaphore_mem>>
      %dma_start3A_39 = arith.constant 0 : i32
      %dma_start3A_40 = arith.constant 0 : i32
      %dma_start3A_41 = tpu.memref_slice %arg6[%add3A, %run_scoped3A_20, %dma_start3A_39, %dma_start3A_40] : memref<32x2x40x128xi32, #tpu.memory_space<hbm>> -> memref<1x1x40x128xi32, #tpu.memory_space<hbm>>
      %dma_start3A_42 = tpu.memref_squeeze %dma_start3A_41 : memref<1x1x40x128xi32, #tpu.memory_space<hbm>> -> memref<40x128xi32, #tpu.memory_space<hbm>>
      %dma_start3A_43 = arith.constant 0 : i32
      %dma_start3A_44 = arith.constant 0 : i32
      %dma_start3A_45 = tpu.memref_slice %arg6[%add3A, %run_scoped3A_20, %dma_start3A_43, %dma_start3A_44] : memref<32x2x40x128xi32, #tpu.memory_space<hbm>> -> memref<1x1x40x128xi32, #tpu.memory_space<hbm>>
      %dma_start3A_46 = tpu.memref_squeeze %dma_start3A_45 : memref<1x1x40x128xi32, #tpu.memory_space<hbm>> -> memref<40x128xi32, #tpu.memory_space<hbm>>
      tpu.enqueue_dma source(%dma_start3A_46 : memref<40x128xi32, #tpu.memory_space<hbm>>) target(%arg9 : memref<40x128xi32, #tpu.memory_space<vmem>>) target_semaphore(%run_scoped3A_38 : memref<!tpu.dma_semaphore, #tpu.memory_space<semaphore_mem>>)
      %dma_wait3A = arith.constant 0 : i32
      %dma_wait3A_47 = arith.constant 0 : i32
      %dma_wait3A_48 = tpu.memref_slice %arg6[%add3A, %run_scoped3A_20, %dma_wait3A, %dma_wait3A_47] : memref<32x2x40x128xi32, #tpu.memory_space<hbm>> -> memref<1x1x40x128xi32, #tpu.memory_space<hbm>>
      %dma_wait3A_49 = tpu.memref_squeeze %dma_wait3A_48 : memref<1x1x40x128xi32, #tpu.memory_space<hbm>> -> memref<40x128xi32, #tpu.memory_space<hbm>>
      %dma_wait3A_50 = arith.constant 0 : i32
      %dma_wait3A_51 = arith.constant 0 : i32
      %dma_wait3A_52 = tpu.memref_slice %arg6[%add3A, %run_scoped3A_20, %dma_wait3A_50, %dma_wait3A_51] : memref<32x2x40x128xi32, #tpu.memory_space<hbm>> -> memref<1x1x40x128xi32, #tpu.memory_space<hbm>>
      %dma_wait3A_53 = tpu.memref_squeeze %dma_wait3A_52 : memref<1x1x40x128xi32, #tpu.memory_space<hbm>> -> memref<40x128xi32, #tpu.memory_space<hbm>>
      tpu.wait_dma2 semaphore(%run_scoped3A_38 : memref<!tpu.dma_semaphore, #tpu.memory_space<semaphore_mem>>) src(%dma_wait3A_53 : memref<40x128xi32, #tpu.memory_space<hbm>>) dst(%arg9 : memref<40x128xi32, #tpu.memory_space<vmem>>)
      tpu.yield
    }) : () -> ()
    %dma_start3A_21 = arith.constant 0 : i32
    %dma_start3A_22 = arith.constant 0 : i32
    %dma_start3A_23 = tpu.memref_slice %arg8[%dma_start3A_21, %dma_start3A_22] : memref<40x128xi32, #tpu.memory_space<vmem>> -> memref<1x128xi32, #tpu.memory_space<vmem>>
    %dma_start3A_24 = tpu.memref_squeeze %dma_start3A_23 : memref<1x128xi32, #tpu.memory_space<vmem>> -> memref<128xi32, #tpu.memory_space<vmem>>
    %dma_start3A_25 = arith.constant 0 : i32
    %dma_start3A_26 = arith.constant 0 : i32
    %dma_start3A_27 = tpu.memref_slice %arg2[%dma_start3A_25, %dma_start3A_26] : memref<10240x128xf32, #tpu.memory_space<hbm>> -> memref<10240x128xf32, #tpu.memory_space<hbm>>
    tpu.enqueue_indirect_dma source(%dma_start3A_27 : memref<10240x128xf32, #tpu.memory_space<hbm>>) target(%arg10 : memref<128x128xf32, #tpu.memory_space<vmem>>) offsets(%dma_start3A_24 : memref<128xi32, #tpu.memory_space<vmem>>) semaphore(%arg13 : memref<!tpu.dma_semaphore, #tpu.memory_space<semaphore_mem>>)
    %scan3A_28 = arith.constant 0 : i32
    %scan3A_29 = arith.constant 20 : i32
    %scan3A_30 = arith.addi %scan3A_28, %scan3A_29 : i32
    %scan3A_31 = arith.constant 1 : i32
    scf.for %scan3A_38 = %scan3A_28 to %scan3A_30 step %scan3A_31  : i32 {
      %mul3A_39 = arith.constant 2 : i32
      %mul3A_40 = arith.muli %scan3A_38, %mul3A_39 : i32
      %add3A_41 = arith.constant 0 : i32
      %add3A_42 = arith.addi %add3A_41, %mul3A_40 : i32
      %dma_wait3A = arith.constant 0 : i32
      %dma_wait3A_43 = tpu.memref_slice %arg8[%add3A_42, %dma_wait3A] : memref<40x128xi32, #tpu.memory_space<vmem>> -> memref<1x128xi32, #tpu.memory_space<vmem>>
      %dma_wait3A_44 = tpu.memref_squeeze %dma_wait3A_43 : memref<1x128xi32, #tpu.memory_space<vmem>> -> memref<128xi32, #tpu.memory_space<vmem>>
      %dma_wait3A_45 = arith.constant 0 : i32
      %dma_wait3A_46 = arith.constant 0 : i32
      %dma_wait3A_47 = tpu.memref_slice %arg2[%dma_wait3A_45, %dma_wait3A_46] : memref<10240x128xf32, #tpu.memory_space<hbm>> -> memref<10240x128xf32, #tpu.memory_space<hbm>>
      tpu.wait_indirect_dma semaphore(%arg13 : memref<!tpu.dma_semaphore, #tpu.memory_space<semaphore_mem>>) src(%dma_wait3A_47 : memref<10240x128xf32, #tpu.memory_space<hbm>>) dst(%arg10 : memref<128x128xf32, #tpu.memory_space<vmem>>)
      %add3A_48 = arith.constant 1 : i32
      %add3A_49 = arith.addi %add3A_42, %add3A_48 : i32
      %dma_start3A_50 = arith.constant 0 : i32
      %dma_start3A_51 = tpu.memref_slice %arg8[%add3A_49, %dma_start3A_50] : memref<40x128xi32, #tpu.memory_space<vmem>> -> memref<1x128xi32, #tpu.memory_space<vmem>>
      %dma_start3A_52 = tpu.memref_squeeze %dma_start3A_51 : memref<1x128xi32, #tpu.memory_space<vmem>> -> memref<128xi32, #tpu.memory_space<vmem>>
      %dma_start3A_53 = arith.constant 0 : i32
      %dma_start3A_54 = arith.constant 0 : i32
      %dma_start3A_55 = tpu.memref_slice %arg2[%dma_start3A_53, %dma_start3A_54] : memref<10240x128xf32, #tpu.memory_space<hbm>> -> memref<10240x128xf32, #tpu.memory_space<hbm>>
      tpu.enqueue_indirect_dma source(%dma_start3A_55 : memref<10240x128xf32, #tpu.memory_space<hbm>>) target(%arg11 : memref<128x128xf32, #tpu.memory_space<vmem>>) offsets(%dma_start3A_52 : memref<128xi32, #tpu.memory_space<vmem>>) semaphore(%arg14 : memref<!tpu.dma_semaphore, #tpu.memory_space<semaphore_mem>>)
      "tpu.region"() ({
        %run_scoped3A_72 = tpu.sem_alloc : memref<!tpu.dma_semaphore, #tpu.memory_space<semaphore_mem>>
        %dma_start3A_73 = arith.constant 0 : i32
        %dma_start3A_74 = tpu.memref_slice %arg9[%add3A_42, %dma_start3A_73] : memref<40x128xi32, #tpu.memory_space<vmem>> -> memref<1x128xi32, #tpu.memory_space<vmem>>
        %dma_start3A_75 = tpu.memref_squeeze %dma_start3A_74 : memref<1x128xi32, #tpu.memory_space<vmem>> -> memref<128xi32, #tpu.memory_space<vmem>>
        %dma_start3A_76 = arith.constant 0 : i32
        %dma_start3A_77 = arith.constant 0 : i32
        %dma_start3A_78 = tpu.memref_slice %arg12[%dma_start3A_76, %dma_start3A_77] : memref<10240x128xf32, #tpu.memory_space<vmem_shared>> -> memref<10240x128xf32, #tpu.memory_space<vmem_shared>>
        tpu.enqueue_indirect_dma source(%arg10 : memref<128x128xf32, #tpu.memory_space<vmem>>) target(%dma_start3A_78 : memref<10240x128xf32, #tpu.memory_space<vmem_shared>>) offsets(%dma_start3A_75 : memref<128xi32, #tpu.memory_space<vmem>>) semaphore(%run_scoped3A_72 : memref<!tpu.dma_semaphore, #tpu.memory_space<semaphore_mem>>) {add = true}
        %dma_wait3A_79 = arith.constant 0 : i32
        %dma_wait3A_80 = tpu.memref_slice %arg9[%add3A_42, %dma_wait3A_79] : memref<40x128xi32, #tpu.memory_space<vmem>> -> memref<1x128xi32, #tpu.memory_space<vmem>>
        %dma_wait3A_81 = tpu.memref_squeeze %dma_wait3A_80 : memref<1x128xi32, #tpu.memory_space<vmem>> -> memref<128xi32, #tpu.memory_space<vmem>>
        %dma_wait3A_82 = arith.constant 0 : i32
        %dma_wait3A_83 = arith.constant 0 : i32
        %dma_wait3A_84 = tpu.memref_slice %arg12[%dma_wait3A_82, %dma_wait3A_83] : memref<10240x128xf32, #tpu.memory_space<vmem_shared>> -> memref<10240x128xf32, #tpu.memory_space<vmem_shared>>
        tpu.wait_indirect_dma semaphore(%run_scoped3A_72 : memref<!tpu.dma_semaphore, #tpu.memory_space<semaphore_mem>>) src(%arg10 : memref<128x128xf32, #tpu.memory_space<vmem>>) dst(%dma_wait3A_84 : memref<10240x128xf32, #tpu.memory_space<vmem_shared>>)
        tpu.yield
      }) : () -> ()
      %add3A_56 = arith.constant 1 : i32
      %add3A_57 = arith.addi %add3A_42, %add3A_56 : i32
      %dma_wait3A_58 = arith.constant 0 : i32
      %dma_wait3A_59 = tpu.memref_slice %arg8[%add3A_57, %dma_wait3A_58] : memref<40x128xi32, #tpu.memory_space<vmem>> -> memref<1x128xi32, #tpu.memory_space<vmem>>
      %dma_wait3A_60 = tpu.memref_squeeze %dma_wait3A_59 : memref<1x128xi32, #tpu.memory_space<vmem>> -> memref<128xi32, #tpu.memory_space<vmem>>
      %dma_wait3A_61 = arith.constant 0 : i32
      %dma_wait3A_62 = arith.constant 0 : i32
      %dma_wait3A_63 = tpu.memref_slice %arg2[%dma_wait3A_61, %dma_wait3A_62] : memref<10240x128xf32, #tpu.memory_space<hbm>> -> memref<10240x128xf32, #tpu.memory_space<hbm>>
      tpu.wait_indirect_dma semaphore(%arg14 : memref<!tpu.dma_semaphore, #tpu.memory_space<semaphore_mem>>) src(%dma_wait3A_63 : memref<10240x128xf32, #tpu.memory_space<hbm>>) dst(%arg11 : memref<128x128xf32, #tpu.memory_space<vmem>>)
      %add3A_64 = arith.constant 2 : i32
      %add3A_65 = arith.addi %add3A_42, %add3A_64 : i32
      %lt3A = arith.constant 40 : i32
      %lt3A_66 = arith.cmpi slt, %add3A_65, %lt3A : i32
      %convert_element_type3A_67 = arith.extui %lt3A_66 : i1 to i32
      %cond3A_68 = arith.constant 0 : i32
      %cond3A_69 = arith.cmpi ne, %convert_element_type3A_67, %cond3A_68 : i32
      scf.if %cond3A_69 {
        %add3A_72 = arith.constant 2 : i32
        %add3A_73 = arith.addi %add3A_42, %add3A_72 : i32
        %dma_start3A_74 = arith.constant 0 : i32
        %dma_start3A_75 = tpu.memref_slice %arg8[%add3A_73, %dma_start3A_74] : memref<40x128xi32, #tpu.memory_space<vmem>> -> memref<1x128xi32, #tpu.memory_space<vmem>>
        %dma_start3A_76 = tpu.memref_squeeze %dma_start3A_75 : memref<1x128xi32, #tpu.memory_space<vmem>> -> memref<128xi32, #tpu.memory_space<vmem>>
        %dma_start3A_77 = arith.constant 0 : i32
        %dma_start3A_78 = arith.constant 0 : i32
        %dma_start3A_79 = tpu.memref_slice %arg2[%dma_start3A_77, %dma_start3A_78] : memref<10240x128xf32, #tpu.memory_space<hbm>> -> memref<10240x128xf32, #tpu.memory_space<hbm>>
        tpu.enqueue_indirect_dma source(%dma_start3A_79 : memref<10240x128xf32, #tpu.memory_space<hbm>>) target(%arg10 : memref<128x128xf32, #tpu.memory_space<vmem>>) offsets(%dma_start3A_76 : memref<128xi32, #tpu.memory_space<vmem>>) semaphore(%arg13 : memref<!tpu.dma_semaphore, #tpu.memory_space<semaphore_mem>>)
      } else {
      }
      %add3A_70 = arith.constant 1 : i32
      %add3A_71 = arith.addi %add3A_42, %add3A_70 : i32
      "tpu.region"() ({
        %run_scoped3A_72 = tpu.sem_alloc : memref<!tpu.dma_semaphore, #tpu.memory_space<semaphore_mem>>
        %dma_start3A_73 = arith.constant 0 : i32
        %dma_start3A_74 = tpu.memref_slice %arg9[%add3A_71, %dma_start3A_73] : memref<40x128xi32, #tpu.memory_space<vmem>> -> memref<1x128xi32, #tpu.memory_space<vmem>>
        %dma_start3A_75 = tpu.memref_squeeze %dma_start3A_74 : memref<1x128xi32, #tpu.memory_space<vmem>> -> memref<128xi32, #tpu.memory_space<vmem>>
        %dma_start3A_76 = arith.constant 0 : i32
        %dma_start3A_77 = arith.constant 0 : i32
        %dma_start3A_78 = tpu.memref_slice %arg12[%dma_start3A_76, %dma_start3A_77] : memref<10240x128xf32, #tpu.memory_space<vmem_shared>> -> memref<10240x128xf32, #tpu.memory_space<vmem_shared>>
        tpu.enqueue_indirect_dma source(%arg11 : memref<128x128xf32, #tpu.memory_space<vmem>>) target(%dma_start3A_78 : memref<10240x128xf32, #tpu.memory_space<vmem_shared>>) offsets(%dma_start3A_75 : memref<128xi32, #tpu.memory_space<vmem>>) semaphore(%run_scoped3A_72 : memref<!tpu.dma_semaphore, #tpu.memory_space<semaphore_mem>>) {add = true}
        %dma_wait3A_79 = arith.constant 0 : i32
        %dma_wait3A_80 = tpu.memref_slice %arg9[%add3A_71, %dma_wait3A_79] : memref<40x128xi32, #tpu.memory_space<vmem>> -> memref<1x128xi32, #tpu.memory_space<vmem>>
        %dma_wait3A_81 = tpu.memref_squeeze %dma_wait3A_80 : memref<1x128xi32, #tpu.memory_space<vmem>> -> memref<128xi32, #tpu.memory_space<vmem>>
        %dma_wait3A_82 = arith.constant 0 : i32
        %dma_wait3A_83 = arith.constant 0 : i32
        %dma_wait3A_84 = tpu.memref_slice %arg12[%dma_wait3A_82, %dma_wait3A_83] : memref<10240x128xf32, #tpu.memory_space<vmem_shared>> -> memref<10240x128xf32, #tpu.memory_space<vmem_shared>>
        tpu.wait_indirect_dma semaphore(%run_scoped3A_72 : memref<!tpu.dma_semaphore, #tpu.memory_space<semaphore_mem>>) src(%arg11 : memref<128x128xf32, #tpu.memory_space<vmem>>) dst(%dma_wait3A_84 : memref<10240x128xf32, #tpu.memory_space<vmem_shared>>)
        tpu.yield
      }) : () -> ()
    }
    %scan3A_32 = arith.constant 20 : i32
    %barrier3A_33 = arith.constant 0 : index
    tpu.barrier barrier_id(%barrier3A_33)
    %mul3A_34 = arith.constant 640 : i32
    %mul3A_35 = arith.muli %arg1, %mul3A_34 : i32
    %mul3A_36 = arith.constant 640 : i32
    %mul3A_37 = arith.muli %arg1, %mul3A_36 : i32
    "tpu.region"() ({
      %run_scoped3A_38 = tpu.sem_alloc : memref<!tpu.dma_semaphore, #tpu.memory_space<semaphore_mem>>
      %dma_start3A_39 = arith.constant 0 : i32
      %dma_start3A_40 = tpu.memref_slice %arg7[%arg0, %mul3A_37, %dma_start3A_39] : memref<2x10240x128xf32, #tpu.memory_space<hbm>> -> memref<1x640x128xf32, #tpu.memory_space<hbm>>
      %dma_start3A_41 = tpu.memref_squeeze %dma_start3A_40 : memref<1x640x128xf32, #tpu.memory_space<hbm>> -> memref<640x128xf32, #tpu.memory_space<hbm>>
      %dma_start3A_42 = arith.constant 0 : i32
      %dma_start3A_43 = tpu.memref_slice %arg12[%mul3A_35, %dma_start3A_42] : memref<10240x128xf32, #tpu.memory_space<vmem_shared>> -> memref<640x128xf32, #tpu.memory_space<vmem_shared>>
      tpu.enqueue_dma source(%dma_start3A_43 : memref<640x128xf32, #tpu.memory_space<vmem_shared>>) target(%dma_start3A_41 : memref<640x128xf32, #tpu.memory_space<hbm>>) target_semaphore(%run_scoped3A_38 : memref<!tpu.dma_semaphore, #tpu.memory_space<semaphore_mem>>)
      %dma_wait3A = arith.constant 0 : i32
      %dma_wait3A_44 = tpu.memref_slice %arg7[%arg0, %mul3A_37, %dma_wait3A] : memref<2x10240x128xf32, #tpu.memory_space<hbm>> -> memref<1x640x128xf32, #tpu.memory_space<hbm>>
      %dma_wait3A_45 = tpu.memref_squeeze %dma_wait3A_44 : memref<1x640x128xf32, #tpu.memory_space<hbm>> -> memref<640x128xf32, #tpu.memory_space<hbm>>
      %dma_wait3A_46 = arith.constant 0 : i32
      %dma_wait3A_47 = tpu.memref_slice %arg12[%mul3A_35, %dma_wait3A_46] : memref<10240x128xf32, #tpu.memory_space<vmem_shared>> -> memref<640x128xf32, #tpu.memory_space<vmem_shared>>
      tpu.wait_dma2 semaphore(%run_scoped3A_38 : memref<!tpu.dma_semaphore, #tpu.memory_space<semaphore_mem>>) src(%dma_wait3A_47 : memref<640x128xf32, #tpu.memory_space<vmem_shared>>) dst(%dma_wait3A_45 : memref<640x128xf32, #tpu.memory_space<hbm>>)
      tpu.yield
    }) : () -> ()
    return
  }
}

#map = affine_map<(d0, d1) -> (0, 0)>
#map1 = affine_map<(d0, d1) -> (0, 0, 0, 0)>
#map2 = affine_map<(d0, d1) -> (0, 0, 0)>
module attributes {stable_mosaic.version = 14 : i64} {
  func.func @_sc_scatter(%arg0: i32, %arg1: i32, %arg2: memref<10240x128xf32, #tpu.memory_space<hbm>>, %arg3: memref<10240x128xf32, #tpu.memory_space<hbm>>, %arg4: memref<10240x128xf32, #tpu.memory_space<hbm>>, %arg5: memref<32x2x40x128xi32, #tpu.memory_space<hbm>>, %arg6: memref<32x2x40x128xi32, #tpu.memory_space<hbm>>, %arg7: memref<2x10240x128xf32, #tpu.memory_space<hbm>>, %arg8: memref<40x128xi32, #tpu.memory_space<vmem>>, %arg9: memref<40x128xi32, #tpu.memory_space<vmem>>, %arg10: memref<128x128xf32, #tpu.memory_space<vmem>>, %arg11: memref<128x128xf32, #tpu.memory_space<vmem>>, %arg12: memref<10240x128xf32, #tpu.memory_space<vmem_shared>>, %arg13: memref<!tpu.dma_semaphore, #tpu.memory_space<semaphore_mem>>, %arg14: memref<!tpu.dma_semaphore, #tpu.memory_space<semaphore_mem>>) attributes {dimension_semantics = [#tpu.dimension_semantics<core_parallel>, #tpu.dimension_semantics<subcore_parallel>], iteration_bounds = array<i64: 2, 16>, scalar_prefetch = 0 : i64, scratch_operands = 7 : i64, tpu.core_type = #tpu.core_type<sc_vector_subcore>, window_params = [{transform_indices = #map}, {transform_indices = #map}, {transform_indices = #map}, {transform_indices = #map1}, {transform_indices = #map1}, {transform_indices = #map2}]} {
    %mul3A = arith.constant 2 : i32
    %mul3A_0 = arith.muli %arg1, %mul3A : i32
    %add3A = arith.addi %mul3A_0, %arg0 : i32
    %eq3A = arith.constant 0 : i32
    %eq3A_1 = arith.cmpi eq, %arg0, %eq3A : i32
    %convert_element_type3A = arith.extui %eq3A_1 : i1 to i32
    %cond3A = arith.constant 0 : i32
    %cond3A_2 = arith.cmpi ne, %convert_element_type3A, %cond3A : i32
    scf.if %cond3A_2 {
      %mul3A_38 = arith.constant 640 : i32
      %mul3A_39 = arith.muli %arg1, %mul3A_38 : i32
      %mul3A_40 = arith.constant 640 : i32
      %mul3A_41 = arith.muli %arg1, %mul3A_40 : i32
      "tpu.region"() ({
        %run_scoped3A_42 = tpu.sem_alloc : memref<!tpu.dma_semaphore, #tpu.memory_space<semaphore_mem>>
        %dma_start3A_43 = arith.constant 0 : i32
        %dma_start3A_44 = tpu.memref_slice %arg12[%mul3A_41, %dma_start3A_43] : memref<10240x128xf32, #tpu.memory_space<vmem_shared>> -> memref<640x128xf32, #tpu.memory_space<vmem_shared>>
        %dma_start3A_45 = arith.constant 0 : i32
        %dma_start3A_46 = tpu.memref_slice %arg3[%mul3A_39, %dma_start3A_45] : memref<10240x128xf32, #tpu.memory_space<hbm>> -> memref<640x128xf32, #tpu.memory_space<hbm>>
        tpu.enqueue_dma source(%dma_start3A_46 : memref<640x128xf32, #tpu.memory_space<hbm>>) target(%dma_start3A_44 : memref<640x128xf32, #tpu.memory_space<vmem_shared>>) target_semaphore(%run_scoped3A_42 : memref<!tpu.dma_semaphore, #tpu.memory_space<semaphore_mem>>)
        %dma_wait3A = arith.constant 0 : i32
        %dma_wait3A_47 = tpu.memref_slice %arg12[%mul3A_41, %dma_wait3A] : memref<10240x128xf32, #tpu.memory_space<vmem_shared>> -> memref<640x128xf32, #tpu.memory_space<vmem_shared>>
        %dma_wait3A_48 = arith.constant 0 : i32
        %dma_wait3A_49 = tpu.memref_slice %arg3[%mul3A_39, %dma_wait3A_48] : memref<10240x128xf32, #tpu.memory_space<hbm>> -> memref<640x128xf32, #tpu.memory_space<hbm>>
        tpu.wait_dma2 semaphore(%run_scoped3A_42 : memref<!tpu.dma_semaphore, #tpu.memory_space<semaphore_mem>>) src(%dma_wait3A_49 : memref<640x128xf32, #tpu.memory_space<hbm>>) dst(%dma_wait3A_47 : memref<640x128xf32, #tpu.memory_space<vmem_shared>>)
        tpu.yield
      }) : () -> ()
    } else {
    }
    %eq3A_3 = arith.constant 1 : i32
    %eq3A_4 = arith.cmpi eq, %arg0, %eq3A_3 : i32
    %convert_element_type3A_5 = arith.extui %eq3A_4 : i1 to i32
    %cond3A_6 = arith.constant 0 : i32
    %cond3A_7 = arith.cmpi ne, %convert_element_type3A_5, %cond3A_6 : i32
    scf.if %cond3A_7 {
      %mul3A_38 = arith.constant 640 : i32
      %mul3A_39 = arith.muli %arg1, %mul3A_38 : i32
      %mul3A_40 = arith.constant 640 : i32
      %mul3A_41 = arith.muli %arg1, %mul3A_40 : i32
      "tpu.region"() ({
        %run_scoped3A_42 = tpu.sem_alloc : memref<!tpu.dma_semaphore, #tpu.memory_space<semaphore_mem>>
        %dma_start3A_43 = arith.constant 0 : i32
        %dma_start3A_44 = tpu.memref_slice %arg12[%mul3A_41, %dma_start3A_43] : memref<10240x128xf32, #tpu.memory_space<vmem_shared>> -> memref<640x128xf32, #tpu.memory_space<vmem_shared>>
        %dma_start3A_45 = arith.constant 0 : i32
        %dma_start3A_46 = tpu.memref_slice %arg4[%mul3A_39, %dma_start3A_45] : memref<10240x128xf32, #tpu.memory_space<hbm>> -> memref<640x128xf32, #tpu.memory_space<hbm>>
        tpu.enqueue_dma source(%dma_start3A_46 : memref<640x128xf32, #tpu.memory_space<hbm>>) target(%dma_start3A_44 : memref<640x128xf32, #tpu.memory_space<vmem_shared>>) target_semaphore(%run_scoped3A_42 : memref<!tpu.dma_semaphore, #tpu.memory_space<semaphore_mem>>)
        %dma_wait3A = arith.constant 0 : i32
        %dma_wait3A_47 = tpu.memref_slice %arg12[%mul3A_41, %dma_wait3A] : memref<10240x128xf32, #tpu.memory_space<vmem_shared>> -> memref<640x128xf32, #tpu.memory_space<vmem_shared>>
        %dma_wait3A_48 = arith.constant 0 : i32
        %dma_wait3A_49 = tpu.memref_slice %arg4[%mul3A_39, %dma_wait3A_48] : memref<10240x128xf32, #tpu.memory_space<hbm>> -> memref<640x128xf32, #tpu.memory_space<hbm>>
        tpu.wait_dma2 semaphore(%run_scoped3A_42 : memref<!tpu.dma_semaphore, #tpu.memory_space<semaphore_mem>>) src(%dma_wait3A_49 : memref<640x128xf32, #tpu.memory_space<hbm>>) dst(%dma_wait3A_47 : memref<640x128xf32, #tpu.memory_space<vmem_shared>>)
        tpu.yield
      }) : () -> ()
    } else {
    }
    %barrier3A = arith.constant 0 : index
    tpu.barrier barrier_id(%barrier3A)
    %run_scoped3A = arith.constant 0 : i32
    "tpu.region"() ({
      %run_scoped3A_38 = tpu.sem_alloc : memref<!tpu.dma_semaphore, #tpu.memory_space<semaphore_mem>>
      %dma_start3A_39 = arith.constant 0 : i32
      %dma_start3A_40 = arith.constant 0 : i32
      %dma_start3A_41 = tpu.memref_slice %arg5[%add3A, %run_scoped3A, %dma_start3A_39, %dma_start3A_40] : memref<32x2x40x128xi32, #tpu.memory_space<hbm>> -> memref<1x1x40x128xi32, #tpu.memory_space<hbm>>
      %dma_start3A_42 = tpu.memref_squeeze %dma_start3A_41 : memref<1x1x40x128xi32, #tpu.memory_space<hbm>> -> memref<40x128xi32, #tpu.memory_space<hbm>>
      %dma_start3A_43 = arith.constant 0 : i32
      %dma_start3A_44 = arith.constant 0 : i32
      %dma_start3A_45 = tpu.memref_slice %arg5[%add3A, %run_scoped3A, %dma_start3A_43, %dma_start3A_44] : memref<32x2x40x128xi32, #tpu.memory_space<hbm>> -> memref<1x1x40x128xi32, #tpu.memory_space<hbm>>
      %dma_start3A_46 = tpu.memref_squeeze %dma_start3A_45 : memref<1x1x40x128xi32, #tpu.memory_space<hbm>> -> memref<40x128xi32, #tpu.memory_space<hbm>>
      tpu.enqueue_dma source(%dma_start3A_46 : memref<40x128xi32, #tpu.memory_space<hbm>>) target(%arg8 : memref<40x128xi32, #tpu.memory_space<vmem>>) target_semaphore(%run_scoped3A_38 : memref<!tpu.dma_semaphore, #tpu.memory_space<semaphore_mem>>)
      %dma_wait3A = arith.constant 0 : i32
      %dma_wait3A_47 = arith.constant 0 : i32
      %dma_wait3A_48 = tpu.memref_slice %arg5[%add3A, %run_scoped3A, %dma_wait3A, %dma_wait3A_47] : memref<32x2x40x128xi32, #tpu.memory_space<hbm>> -> memref<1x1x40x128xi32, #tpu.memory_space<hbm>>
      %dma_wait3A_49 = tpu.memref_squeeze %dma_wait3A_48 : memref<1x1x40x128xi32, #tpu.memory_space<hbm>> -> memref<40x128xi32, #tpu.memory_space<hbm>>
      %dma_wait3A_50 = arith.constant 0 : i32
      %dma_wait3A_51 = arith.constant 0 : i32
      %dma_wait3A_52 = tpu.memref_slice %arg5[%add3A, %run_scoped3A, %dma_wait3A_50, %dma_wait3A_51] : memref<32x2x40x128xi32, #tpu.memory_space<hbm>> -> memref<1x1x40x128xi32, #tpu.memory_space<hbm>>
      %dma_wait3A_53 = tpu.memref_squeeze %dma_wait3A_52 : memref<1x1x40x128xi32, #tpu.memory_space<hbm>> -> memref<40x128xi32, #tpu.memory_space<hbm>>
      tpu.wait_dma2 semaphore(%run_scoped3A_38 : memref<!tpu.dma_semaphore, #tpu.memory_space<semaphore_mem>>) src(%dma_wait3A_53 : memref<40x128xi32, #tpu.memory_space<hbm>>) dst(%arg8 : memref<40x128xi32, #tpu.memory_space<vmem>>)
      tpu.yield
    }) : () -> ()
    %run_scoped3A_8 = arith.constant 0 : i32
    "tpu.region"() ({
      %run_scoped3A_38 = tpu.sem_alloc : memref<!tpu.dma_semaphore, #tpu.memory_space<semaphore_mem>>
      %dma_start3A_39 = arith.constant 0 : i32
      %dma_start3A_40 = arith.constant 0 : i32
      %dma_start3A_41 = tpu.memref_slice %arg6[%add3A, %run_scoped3A_8, %dma_start3A_39, %dma_start3A_40] : memref<32x2x40x128xi32, #tpu.memory_space<hbm>> -> memref<1x1x40x128xi32, #tpu.memory_space<hbm>>
      %dma_start3A_42 = tpu.memref_squeeze %dma_start3A_41 : memref<1x1x40x128xi32, #tpu.memory_space<hbm>> -> memref<40x128xi32, #tpu.memory_space<hbm>>
      %dma_start3A_43 = arith.constant 0 : i32
      %dma_start3A_44 = arith.constant 0 : i32
      %dma_start3A_45 = tpu.memref_slice %arg6[%add3A, %run_scoped3A_8, %dma_start3A_43, %dma_start3A_44] : memref<32x2x40x128xi32, #tpu.memory_space<hbm>> -> memref<1x1x40x128xi32, #tpu.memory_space<hbm>>
      %dma_start3A_46 = tpu.memref_squeeze %dma_start3A_45 : memref<1x1x40x128xi32, #tpu.memory_space<hbm>> -> memref<40x128xi32, #tpu.memory_space<hbm>>
      tpu.enqueue_dma source(%dma_start3A_46 : memref<40x128xi32, #tpu.memory_space<hbm>>) target(%arg9 : memref<40x128xi32, #tpu.memory_space<vmem>>) target_semaphore(%run_scoped3A_38 : memref<!tpu.dma_semaphore, #tpu.memory_space<semaphore_mem>>)
      %dma_wait3A = arith.constant 0 : i32
      %dma_wait3A_47 = arith.constant 0 : i32
      %dma_wait3A_48 = tpu.memref_slice %arg6[%add3A, %run_scoped3A_8, %dma_wait3A, %dma_wait3A_47] : memref<32x2x40x128xi32, #tpu.memory_space<hbm>> -> memref<1x1x40x128xi32, #tpu.memory_space<hbm>>
      %dma_wait3A_49 = tpu.memref_squeeze %dma_wait3A_48 : memref<1x1x40x128xi32, #tpu.memory_space<hbm>> -> memref<40x128xi32, #tpu.memory_space<hbm>>
      %dma_wait3A_50 = arith.constant 0 : i32
      %dma_wait3A_51 = arith.constant 0 : i32
      %dma_wait3A_52 = tpu.memref_slice %arg6[%add3A, %run_scoped3A_8, %dma_wait3A_50, %dma_wait3A_51] : memref<32x2x40x128xi32, #tpu.memory_space<hbm>> -> memref<1x1x40x128xi32, #tpu.memory_space<hbm>>
      %dma_wait3A_53 = tpu.memref_squeeze %dma_wait3A_52 : memref<1x1x40x128xi32, #tpu.memory_space<hbm>> -> memref<40x128xi32, #tpu.memory_space<hbm>>
      tpu.wait_dma2 semaphore(%run_scoped3A_38 : memref<!tpu.dma_semaphore, #tpu.memory_space<semaphore_mem>>) src(%dma_wait3A_53 : memref<40x128xi32, #tpu.memory_space<hbm>>) dst(%arg9 : memref<40x128xi32, #tpu.memory_space<vmem>>)
      tpu.yield
    }) : () -> ()
    %dma_start3A = arith.constant 0 : i32
    %dma_start3A_9 = arith.constant 0 : i32
    %dma_start3A_10 = tpu.memref_slice %arg8[%dma_start3A, %dma_start3A_9] : memref<40x128xi32, #tpu.memory_space<vmem>> -> memref<1x128xi32, #tpu.memory_space<vmem>>
    %dma_start3A_11 = tpu.memref_squeeze %dma_start3A_10 : memref<1x128xi32, #tpu.memory_space<vmem>> -> memref<128xi32, #tpu.memory_space<vmem>>
    %dma_start3A_12 = arith.constant 0 : i32
    %dma_start3A_13 = arith.constant 0 : i32
    %dma_start3A_14 = tpu.memref_slice %arg2[%dma_start3A_12, %dma_start3A_13] : memref<10240x128xf32, #tpu.memory_space<hbm>> -> memref<10240x128xf32, #tpu.memory_space<hbm>>
    tpu.enqueue_indirect_dma source(%dma_start3A_14 : memref<10240x128xf32, #tpu.memory_space<hbm>>) target(%arg10 : memref<128x128xf32, #tpu.memory_space<vmem>>) offsets(%dma_start3A_11 : memref<128xi32, #tpu.memory_space<vmem>>) semaphore(%arg13 : memref<!tpu.dma_semaphore, #tpu.memory_space<semaphore_mem>>)
    %scan3A = arith.constant 0 : i32
    %scan3A_15 = arith.constant 20 : i32
    %scan3A_16 = arith.addi %scan3A, %scan3A_15 : i32
    %scan3A_17 = arith.constant 1 : i32
    scf.for %scan3A_38 = %scan3A to %scan3A_16 step %scan3A_17  : i32 {
      %mul3A_39 = arith.constant 2 : i32
      %mul3A_40 = arith.muli %scan3A_38, %mul3A_39 : i32
      %add3A_41 = arith.constant 0 : i32
      %add3A_42 = arith.addi %add3A_41, %mul3A_40 : i32
      %dma_wait3A = arith.constant 0 : i32
      %dma_wait3A_43 = tpu.memref_slice %arg8[%add3A_42, %dma_wait3A] : memref<40x128xi32, #tpu.memory_space<vmem>> -> memref<1x128xi32, #tpu.memory_space<vmem>>
      %dma_wait3A_44 = tpu.memref_squeeze %dma_wait3A_43 : memref<1x128xi32, #tpu.memory_space<vmem>> -> memref<128xi32, #tpu.memory_space<vmem>>
      %dma_wait3A_45 = arith.constant 0 : i32
      %dma_wait3A_46 = arith.constant 0 : i32
      %dma_wait3A_47 = tpu.memref_slice %arg2[%dma_wait3A_45, %dma_wait3A_46] : memref<10240x128xf32, #tpu.memory_space<hbm>> -> memref<10240x128xf32, #tpu.memory_space<hbm>>
      tpu.wait_indirect_dma semaphore(%arg13 : memref<!tpu.dma_semaphore, #tpu.memory_space<semaphore_mem>>) src(%dma_wait3A_47 : memref<10240x128xf32, #tpu.memory_space<hbm>>) dst(%arg10 : memref<128x128xf32, #tpu.memory_space<vmem>>)
      %add3A_48 = arith.constant 1 : i32
      %add3A_49 = arith.addi %add3A_42, %add3A_48 : i32
      %dma_start3A_50 = arith.constant 0 : i32
      %dma_start3A_51 = tpu.memref_slice %arg8[%add3A_49, %dma_start3A_50] : memref<40x128xi32, #tpu.memory_space<vmem>> -> memref<1x128xi32, #tpu.memory_space<vmem>>
      %dma_start3A_52 = tpu.memref_squeeze %dma_start3A_51 : memref<1x128xi32, #tpu.memory_space<vmem>> -> memref<128xi32, #tpu.memory_space<vmem>>
      %dma_start3A_53 = arith.constant 0 : i32
      %dma_start3A_54 = arith.constant 0 : i32
      %dma_start3A_55 = tpu.memref_slice %arg2[%dma_start3A_53, %dma_start3A_54] : memref<10240x128xf32, #tpu.memory_space<hbm>> -> memref<10240x128xf32, #tpu.memory_space<hbm>>
      tpu.enqueue_indirect_dma source(%dma_start3A_55 : memref<10240x128xf32, #tpu.memory_space<hbm>>) target(%arg11 : memref<128x128xf32, #tpu.memory_space<vmem>>) offsets(%dma_start3A_52 : memref<128xi32, #tpu.memory_space<vmem>>) semaphore(%arg14 : memref<!tpu.dma_semaphore, #tpu.memory_space<semaphore_mem>>)
      "tpu.region"() ({
        %run_scoped3A_72 = tpu.sem_alloc : memref<!tpu.dma_semaphore, #tpu.memory_space<semaphore_mem>>
        %dma_start3A_73 = arith.constant 0 : i32
        %dma_start3A_74 = tpu.memref_slice %arg9[%add3A_42, %dma_start3A_73] : memref<40x128xi32, #tpu.memory_space<vmem>> -> memref<1x128xi32, #tpu.memory_space<vmem>>
        %dma_start3A_75 = tpu.memref_squeeze %dma_start3A_74 : memref<1x128xi32, #tpu.memory_space<vmem>> -> memref<128xi32, #tpu.memory_space<vmem>>
        %dma_start3A_76 = arith.constant 0 : i32
        %dma_start3A_77 = arith.constant 0 : i32
        %dma_start3A_78 = tpu.memref_slice %arg12[%dma_start3A_76, %dma_start3A_77] : memref<10240x128xf32, #tpu.memory_space<vmem_shared>> -> memref<10240x128xf32, #tpu.memory_space<vmem_shared>>
        tpu.enqueue_indirect_dma source(%arg10 : memref<128x128xf32, #tpu.memory_space<vmem>>) target(%dma_start3A_78 : memref<10240x128xf32, #tpu.memory_space<vmem_shared>>) offsets(%dma_start3A_75 : memref<128xi32, #tpu.memory_space<vmem>>) semaphore(%run_scoped3A_72 : memref<!tpu.dma_semaphore, #tpu.memory_space<semaphore_mem>>) {add = true}
        %dma_wait3A_79 = arith.constant 0 : i32
        %dma_wait3A_80 = tpu.memref_slice %arg9[%add3A_42, %dma_wait3A_79] : memref<40x128xi32, #tpu.memory_space<vmem>> -> memref<1x128xi32, #tpu.memory_space<vmem>>
        %dma_wait3A_81 = tpu.memref_squeeze %dma_wait3A_80 : memref<1x128xi32, #tpu.memory_space<vmem>> -> memref<128xi32, #tpu.memory_space<vmem>>
        %dma_wait3A_82 = arith.constant 0 : i32
        %dma_wait3A_83 = arith.constant 0 : i32
        %dma_wait3A_84 = tpu.memref_slice %arg12[%dma_wait3A_82, %dma_wait3A_83] : memref<10240x128xf32, #tpu.memory_space<vmem_shared>> -> memref<10240x128xf32, #tpu.memory_space<vmem_shared>>
        tpu.wait_indirect_dma semaphore(%run_scoped3A_72 : memref<!tpu.dma_semaphore, #tpu.memory_space<semaphore_mem>>) src(%arg10 : memref<128x128xf32, #tpu.memory_space<vmem>>) dst(%dma_wait3A_84 : memref<10240x128xf32, #tpu.memory_space<vmem_shared>>)
        tpu.yield
      }) : () -> ()
      %add3A_56 = arith.constant 1 : i32
      %add3A_57 = arith.addi %add3A_42, %add3A_56 : i32
      %dma_wait3A_58 = arith.constant 0 : i32
      %dma_wait3A_59 = tpu.memref_slice %arg8[%add3A_57, %dma_wait3A_58] : memref<40x128xi32, #tpu.memory_space<vmem>> -> memref<1x128xi32, #tpu.memory_space<vmem>>
      %dma_wait3A_60 = tpu.memref_squeeze %dma_wait3A_59 : memref<1x128xi32, #tpu.memory_space<vmem>> -> memref<128xi32, #tpu.memory_space<vmem>>
      %dma_wait3A_61 = arith.constant 0 : i32
      %dma_wait3A_62 = arith.constant 0 : i32
      %dma_wait3A_63 = tpu.memref_slice %arg2[%dma_wait3A_61, %dma_wait3A_62] : memref<10240x128xf32, #tpu.memory_space<hbm>> -> memref<10240x128xf32, #tpu.memory_space<hbm>>
      tpu.wait_indirect_dma semaphore(%arg14 : memref<!tpu.dma_semaphore, #tpu.memory_space<semaphore_mem>>) src(%dma_wait3A_63 : memref<10240x128xf32, #tpu.memory_space<hbm>>) dst(%arg11 : memref<128x128xf32, #tpu.memory_space<vmem>>)
      %add3A_64 = arith.constant 2 : i32
      %add3A_65 = arith.addi %add3A_42, %add3A_64 : i32
      %lt3A = arith.constant 40 : i32
      %lt3A_66 = arith.cmpi slt, %add3A_65, %lt3A : i32
      %convert_element_type3A_67 = arith.extui %lt3A_66 : i1 to i32
      %cond3A_68 = arith.constant 0 : i32
      %cond3A_69 = arith.cmpi ne, %convert_element_type3A_67, %cond3A_68 : i32
      scf.if %cond3A_69 {
        %add3A_72 = arith.constant 2 : i32
        %add3A_73 = arith.addi %add3A_42, %add3A_72 : i32
        %dma_start3A_74 = arith.constant 0 : i32
        %dma_start3A_75 = tpu.memref_slice %arg8[%add3A_73, %dma_start3A_74] : memref<40x128xi32, #tpu.memory_space<vmem>> -> memref<1x128xi32, #tpu.memory_space<vmem>>
        %dma_start3A_76 = tpu.memref_squeeze %dma_start3A_75 : memref<1x128xi32, #tpu.memory_space<vmem>> -> memref<128xi32, #tpu.memory_space<vmem>>
        %dma_start3A_77 = arith.constant 0 : i32
        %dma_start3A_78 = arith.constant 0 : i32
        %dma_start3A_79 = tpu.memref_slice %arg2[%dma_start3A_77, %dma_start3A_78] : memref<10240x128xf32, #tpu.memory_space<hbm>> -> memref<10240x128xf32, #tpu.memory_space<hbm>>
        tpu.enqueue_indirect_dma source(%dma_start3A_79 : memref<10240x128xf32, #tpu.memory_space<hbm>>) target(%arg10 : memref<128x128xf32, #tpu.memory_space<vmem>>) offsets(%dma_start3A_76 : memref<128xi32, #tpu.memory_space<vmem>>) semaphore(%arg13 : memref<!tpu.dma_semaphore, #tpu.memory_space<semaphore_mem>>)
      } else {
      }
      %add3A_70 = arith.constant 1 : i32
      %add3A_71 = arith.addi %add3A_42, %add3A_70 : i32
      "tpu.region"() ({
        %run_scoped3A_72 = tpu.sem_alloc : memref<!tpu.dma_semaphore, #tpu.memory_space<semaphore_mem>>
        %dma_start3A_73 = arith.constant 0 : i32
        %dma_start3A_74 = tpu.memref_slice %arg9[%add3A_71, %dma_start3A_73] : memref<40x128xi32, #tpu.memory_space<vmem>> -> memref<1x128xi32, #tpu.memory_space<vmem>>
        %dma_start3A_75 = tpu.memref_squeeze %dma_start3A_74 : memref<1x128xi32, #tpu.memory_space<vmem>> -> memref<128xi32, #tpu.memory_space<vmem>>
        %dma_start3A_76 = arith.constant 0 : i32
        %dma_start3A_77 = arith.constant 0 : i32
        %dma_start3A_78 = tpu.memref_slice %arg12[%dma_start3A_76, %dma_start3A_77] : memref<10240x128xf32, #tpu.memory_space<vmem_shared>> -> memref<10240x128xf32, #tpu.memory_space<vmem_shared>>
        tpu.enqueue_indirect_dma source(%arg11 : memref<128x128xf32, #tpu.memory_space<vmem>>) target(%dma_start3A_78 : memref<10240x128xf32, #tpu.memory_space<vmem_shared>>) offsets(%dma_start3A_75 : memref<128xi32, #tpu.memory_space<vmem>>) semaphore(%run_scoped3A_72 : memref<!tpu.dma_semaphore, #tpu.memory_space<semaphore_mem>>) {add = true}
        %dma_wait3A_79 = arith.constant 0 : i32
        %dma_wait3A_80 = tpu.memref_slice %arg9[%add3A_71, %dma_wait3A_79] : memref<40x128xi32, #tpu.memory_space<vmem>> -> memref<1x128xi32, #tpu.memory_space<vmem>>
        %dma_wait3A_81 = tpu.memref_squeeze %dma_wait3A_80 : memref<1x128xi32, #tpu.memory_space<vmem>> -> memref<128xi32, #tpu.memory_space<vmem>>
        %dma_wait3A_82 = arith.constant 0 : i32
        %dma_wait3A_83 = arith.constant 0 : i32
        %dma_wait3A_84 = tpu.memref_slice %arg12[%dma_wait3A_82, %dma_wait3A_83] : memref<10240x128xf32, #tpu.memory_space<vmem_shared>> -> memref<10240x128xf32, #tpu.memory_space<vmem_shared>>
        tpu.wait_indirect_dma semaphore(%run_scoped3A_72 : memref<!tpu.dma_semaphore, #tpu.memory_space<semaphore_mem>>) src(%arg11 : memref<128x128xf32, #tpu.memory_space<vmem>>) dst(%dma_wait3A_84 : memref<10240x128xf32, #tpu.memory_space<vmem_shared>>)
        tpu.yield
      }) : () -> ()
    }
    %scan3A_18 = arith.constant 20 : i32
    %run_scoped3A_19 = arith.constant 1 : i32
    "tpu.region"() ({
      %run_scoped3A_38 = tpu.sem_alloc : memref<!tpu.dma_semaphore, #tpu.memory_space<semaphore_mem>>
      %dma_start3A_39 = arith.constant 0 : i32
      %dma_start3A_40 = arith.constant 0 : i32
      %dma_start3A_41 = tpu.memref_slice %arg5[%add3A, %run_scoped3A_19, %dma_start3A_39, %dma_start3A_40] : memref<32x2x40x128xi32, #tpu.memory_space<hbm>> -> memref<1x1x40x128xi32, #tpu.memory_space<hbm>>
      %dma_start3A_42 = tpu.memref_squeeze %dma_start3A_41 : memref<1x1x40x128xi32, #tpu.memory_space<hbm>> -> memref<40x128xi32, #tpu.memory_space<hbm>>
      %dma_start3A_43 = arith.constant 0 : i32
      %dma_start3A_44 = arith.constant 0 : i32
      %dma_start3A_45 = tpu.memref_slice %arg5[%add3A, %run_scoped3A_19, %dma_start3A_43, %dma_start3A_44] : memref<32x2x40x128xi32, #tpu.memory_space<hbm>> -> memref<1x1x40x128xi32, #tpu.memory_space<hbm>>
      %dma_start3A_46 = tpu.memref_squeeze %dma_start3A_45 : memref<1x1x40x128xi32, #tpu.memory_space<hbm>> -> memref<40x128xi32, #tpu.memory_space<hbm>>
      tpu.enqueue_dma source(%dma_start3A_46 : memref<40x128xi32, #tpu.memory_space<hbm>>) target(%arg8 : memref<40x128xi32, #tpu.memory_space<vmem>>) target_semaphore(%run_scoped3A_38 : memref<!tpu.dma_semaphore, #tpu.memory_space<semaphore_mem>>)
      %dma_wait3A = arith.constant 0 : i32
      %dma_wait3A_47 = arith.constant 0 : i32
      %dma_wait3A_48 = tpu.memref_slice %arg5[%add3A, %run_scoped3A_19, %dma_wait3A, %dma_wait3A_47] : memref<32x2x40x128xi32, #tpu.memory_space<hbm>> -> memref<1x1x40x128xi32, #tpu.memory_space<hbm>>
      %dma_wait3A_49 = tpu.memref_squeeze %dma_wait3A_48 : memref<1x1x40x128xi32, #tpu.memory_space<hbm>> -> memref<40x128xi32, #tpu.memory_space<hbm>>
      %dma_wait3A_50 = arith.constant 0 : i32
      %dma_wait3A_51 = arith.constant 0 : i32
      %dma_wait3A_52 = tpu.memref_slice %arg5[%add3A, %run_scoped3A_19, %dma_wait3A_50, %dma_wait3A_51] : memref<32x2x40x128xi32, #tpu.memory_space<hbm>> -> memref<1x1x40x128xi32, #tpu.memory_space<hbm>>
      %dma_wait3A_53 = tpu.memref_squeeze %dma_wait3A_52 : memref<1x1x40x128xi32, #tpu.memory_space<hbm>> -> memref<40x128xi32, #tpu.memory_space<hbm>>
      tpu.wait_dma2 semaphore(%run_scoped3A_38 : memref<!tpu.dma_semaphore, #tpu.memory_space<semaphore_mem>>) src(%dma_wait3A_53 : memref<40x128xi32, #tpu.memory_space<hbm>>) dst(%arg8 : memref<40x128xi32, #tpu.memory_space<vmem>>)
      tpu.yield
    }) : () -> ()
    %run_scoped3A_20 = arith.constant 1 : i32
    "tpu.region"() ({
      %run_scoped3A_38 = tpu.sem_alloc : memref<!tpu.dma_semaphore, #tpu.memory_space<semaphore_mem>>
      %dma_start3A_39 = arith.constant 0 : i32
      %dma_start3A_40 = arith.constant 0 : i32
      %dma_start3A_41 = tpu.memref_slice %arg6[%add3A, %run_scoped3A_20, %dma_start3A_39, %dma_start3A_40] : memref<32x2x40x128xi32, #tpu.memory_space<hbm>> -> memref<1x1x40x128xi32, #tpu.memory_space<hbm>>
      %dma_start3A_42 = tpu.memref_squeeze %dma_start3A_41 : memref<1x1x40x128xi32, #tpu.memory_space<hbm>> -> memref<40x128xi32, #tpu.memory_space<hbm>>
      %dma_start3A_43 = arith.constant 0 : i32
      %dma_start3A_44 = arith.constant 0 : i32
      %dma_start3A_45 = tpu.memref_slice %arg6[%add3A, %run_scoped3A_20, %dma_start3A_43, %dma_start3A_44] : memref<32x2x40x128xi32, #tpu.memory_space<hbm>> -> memref<1x1x40x128xi32, #tpu.memory_space<hbm>>
      %dma_start3A_46 = tpu.memref_squeeze %dma_start3A_45 : memref<1x1x40x128xi32, #tpu.memory_space<hbm>> -> memref<40x128xi32, #tpu.memory_space<hbm>>
      tpu.enqueue_dma source(%dma_start3A_46 : memref<40x128xi32, #tpu.memory_space<hbm>>) target(%arg9 : memref<40x128xi32, #tpu.memory_space<vmem>>) target_semaphore(%run_scoped3A_38 : memref<!tpu.dma_semaphore, #tpu.memory_space<semaphore_mem>>)
      %dma_wait3A = arith.constant 0 : i32
      %dma_wait3A_47 = arith.constant 0 : i32
      %dma_wait3A_48 = tpu.memref_slice %arg6[%add3A, %run_scoped3A_20, %dma_wait3A, %dma_wait3A_47] : memref<32x2x40x128xi32, #tpu.memory_space<hbm>> -> memref<1x1x40x128xi32, #tpu.memory_space<hbm>>
      %dma_wait3A_49 = tpu.memref_squeeze %dma_wait3A_48 : memref<1x1x40x128xi32, #tpu.memory_space<hbm>> -> memref<40x128xi32, #tpu.memory_space<hbm>>
      %dma_wait3A_50 = arith.constant 0 : i32
      %dma_wait3A_51 = arith.constant 0 : i32
      %dma_wait3A_52 = tpu.memref_slice %arg6[%add3A, %run_scoped3A_20, %dma_wait3A_50, %dma_wait3A_51] : memref<32x2x40x128xi32, #tpu.memory_space<hbm>> -> memref<1x1x40x128xi32, #tpu.memory_space<hbm>>
      %dma_wait3A_53 = tpu.memref_squeeze %dma_wait3A_52 : memref<1x1x40x128xi32, #tpu.memory_space<hbm>> -> memref<40x128xi32, #tpu.memory_space<hbm>>
      tpu.wait_dma2 semaphore(%run_scoped3A_38 : memref<!tpu.dma_semaphore, #tpu.memory_space<semaphore_mem>>) src(%dma_wait3A_53 : memref<40x128xi32, #tpu.memory_space<hbm>>) dst(%arg9 : memref<40x128xi32, #tpu.memory_space<vmem>>)
      tpu.yield
    }) : () -> ()
    %dma_start3A_21 = arith.constant 0 : i32
    %dma_start3A_22 = arith.constant 0 : i32
    %dma_start3A_23 = tpu.memref_slice %arg8[%dma_start3A_21, %dma_start3A_22] : memref<40x128xi32, #tpu.memory_space<vmem>> -> memref<1x128xi32, #tpu.memory_space<vmem>>
    %dma_start3A_24 = tpu.memref_squeeze %dma_start3A_23 : memref<1x128xi32, #tpu.memory_space<vmem>> -> memref<128xi32, #tpu.memory_space<vmem>>
    %dma_start3A_25 = arith.constant 0 : i32
    %dma_start3A_26 = arith.constant 0 : i32
    %dma_start3A_27 = tpu.memref_slice %arg2[%dma_start3A_25, %dma_start3A_26] : memref<10240x128xf32, #tpu.memory_space<hbm>> -> memref<10240x128xf32, #tpu.memory_space<hbm>>
    tpu.enqueue_indirect_dma source(%dma_start3A_27 : memref<10240x128xf32, #tpu.memory_space<hbm>>) target(%arg10 : memref<128x128xf32, #tpu.memory_space<vmem>>) offsets(%dma_start3A_24 : memref<128xi32, #tpu.memory_space<vmem>>) semaphore(%arg13 : memref<!tpu.dma_semaphore, #tpu.memory_space<semaphore_mem>>)
    %scan3A_28 = arith.constant 0 : i32
    %scan3A_29 = arith.constant 20 : i32
    %scan3A_30 = arith.addi %scan3A_28, %scan3A_29 : i32
    %scan3A_31 = arith.constant 1 : i32
    scf.for %scan3A_38 = %scan3A_28 to %scan3A_30 step %scan3A_31  : i32 {
      %mul3A_39 = arith.constant 2 : i32
      %mul3A_40 = arith.muli %scan3A_38, %mul3A_39 : i32
      %add3A_41 = arith.constant 0 : i32
      %add3A_42 = arith.addi %add3A_41, %mul3A_40 : i32
      %dma_wait3A = arith.constant 0 : i32
      %dma_wait3A_43 = tpu.memref_slice %arg8[%add3A_42, %dma_wait3A] : memref<40x128xi32, #tpu.memory_space<vmem>> -> memref<1x128xi32, #tpu.memory_space<vmem>>
      %dma_wait3A_44 = tpu.memref_squeeze %dma_wait3A_43 : memref<1x128xi32, #tpu.memory_space<vmem>> -> memref<128xi32, #tpu.memory_space<vmem>>
      %dma_wait3A_45 = arith.constant 0 : i32
      %dma_wait3A_46 = arith.constant 0 : i32
      %dma_wait3A_47 = tpu.memref_slice %arg2[%dma_wait3A_45, %dma_wait3A_46] : memref<10240x128xf32, #tpu.memory_space<hbm>> -> memref<10240x128xf32, #tpu.memory_space<hbm>>
      tpu.wait_indirect_dma semaphore(%arg13 : memref<!tpu.dma_semaphore, #tpu.memory_space<semaphore_mem>>) src(%dma_wait3A_47 : memref<10240x128xf32, #tpu.memory_space<hbm>>) dst(%arg10 : memref<128x128xf32, #tpu.memory_space<vmem>>)
      %add3A_48 = arith.constant 1 : i32
      %add3A_49 = arith.addi %add3A_42, %add3A_48 : i32
      %dma_start3A_50 = arith.constant 0 : i32
      %dma_start3A_51 = tpu.memref_slice %arg8[%add3A_49, %dma_start3A_50] : memref<40x128xi32, #tpu.memory_space<vmem>> -> memref<1x128xi32, #tpu.memory_space<vmem>>
      %dma_start3A_52 = tpu.memref_squeeze %dma_start3A_51 : memref<1x128xi32, #tpu.memory_space<vmem>> -> memref<128xi32, #tpu.memory_space<vmem>>
      %dma_start3A_53 = arith.constant 0 : i32
      %dma_start3A_54 = arith.constant 0 : i32
      %dma_start3A_55 = tpu.memref_slice %arg2[%dma_start3A_53, %dma_start3A_54] : memref<10240x128xf32, #tpu.memory_space<hbm>> -> memref<10240x128xf32, #tpu.memory_space<hbm>>
      tpu.enqueue_indirect_dma source(%dma_start3A_55 : memref<10240x128xf32, #tpu.memory_space<hbm>>) target(%arg11 : memref<128x128xf32, #tpu.memory_space<vmem>>) offsets(%dma_start3A_52 : memref<128xi32, #tpu.memory_space<vmem>>) semaphore(%arg14 : memref<!tpu.dma_semaphore, #tpu.memory_space<semaphore_mem>>)
      "tpu.region"() ({
        %run_scoped3A_72 = tpu.sem_alloc : memref<!tpu.dma_semaphore, #tpu.memory_space<semaphore_mem>>
        %dma_start3A_73 = arith.constant 0 : i32
        %dma_start3A_74 = tpu.memref_slice %arg9[%add3A_42, %dma_start3A_73] : memref<40x128xi32, #tpu.memory_space<vmem>> -> memref<1x128xi32, #tpu.memory_space<vmem>>
        %dma_start3A_75 = tpu.memref_squeeze %dma_start3A_74 : memref<1x128xi32, #tpu.memory_space<vmem>> -> memref<128xi32, #tpu.memory_space<vmem>>
        %dma_start3A_76 = arith.constant 0 : i32
        %dma_start3A_77 = arith.constant 0 : i32
        %dma_start3A_78 = tpu.memref_slice %arg12[%dma_start3A_76, %dma_start3A_77] : memref<10240x128xf32, #tpu.memory_space<vmem_shared>> -> memref<10240x128xf32, #tpu.memory_space<vmem_shared>>
        tpu.enqueue_indirect_dma source(%arg10 : memref<128x128xf32, #tpu.memory_space<vmem>>) target(%dma_start3A_78 : memref<10240x128xf32, #tpu.memory_space<vmem_shared>>) offsets(%dma_start3A_75 : memref<128xi32, #tpu.memory_space<vmem>>) semaphore(%run_scoped3A_72 : memref<!tpu.dma_semaphore, #tpu.memory_space<semaphore_mem>>) {add = true}
        %dma_wait3A_79 = arith.constant 0 : i32
        %dma_wait3A_80 = tpu.memref_slice %arg9[%add3A_42, %dma_wait3A_79] : memref<40x128xi32, #tpu.memory_space<vmem>> -> memref<1x128xi32, #tpu.memory_space<vmem>>
        %dma_wait3A_81 = tpu.memref_squeeze %dma_wait3A_80 : memref<1x128xi32, #tpu.memory_space<vmem>> -> memref<128xi32, #tpu.memory_space<vmem>>
        %dma_wait3A_82 = arith.constant 0 : i32
        %dma_wait3A_83 = arith.constant 0 : i32
        %dma_wait3A_84 = tpu.memref_slice %arg12[%dma_wait3A_82, %dma_wait3A_83] : memref<10240x128xf32, #tpu.memory_space<vmem_shared>> -> memref<10240x128xf32, #tpu.memory_space<vmem_shared>>
        tpu.wait_indirect_dma semaphore(%run_scoped3A_72 : memref<!tpu.dma_semaphore, #tpu.memory_space<semaphore_mem>>) src(%arg10 : memref<128x128xf32, #tpu.memory_space<vmem>>) dst(%dma_wait3A_84 : memref<10240x128xf32, #tpu.memory_space<vmem_shared>>)
        tpu.yield
      }) : () -> ()
      %add3A_56 = arith.constant 1 : i32
      %add3A_57 = arith.addi %add3A_42, %add3A_56 : i32
      %dma_wait3A_58 = arith.constant 0 : i32
      %dma_wait3A_59 = tpu.memref_slice %arg8[%add3A_57, %dma_wait3A_58] : memref<40x128xi32, #tpu.memory_space<vmem>> -> memref<1x128xi32, #tpu.memory_space<vmem>>
      %dma_wait3A_60 = tpu.memref_squeeze %dma_wait3A_59 : memref<1x128xi32, #tpu.memory_space<vmem>> -> memref<128xi32, #tpu.memory_space<vmem>>
      %dma_wait3A_61 = arith.constant 0 : i32
      %dma_wait3A_62 = arith.constant 0 : i32
      %dma_wait3A_63 = tpu.memref_slice %arg2[%dma_wait3A_61, %dma_wait3A_62] : memref<10240x128xf32, #tpu.memory_space<hbm>> -> memref<10240x128xf32, #tpu.memory_space<hbm>>
      tpu.wait_indirect_dma semaphore(%arg14 : memref<!tpu.dma_semaphore, #tpu.memory_space<semaphore_mem>>) src(%dma_wait3A_63 : memref<10240x128xf32, #tpu.memory_space<hbm>>) dst(%arg11 : memref<128x128xf32, #tpu.memory_space<vmem>>)
      %add3A_64 = arith.constant 2 : i32
      %add3A_65 = arith.addi %add3A_42, %add3A_64 : i32
      %lt3A = arith.constant 40 : i32
      %lt3A_66 = arith.cmpi slt, %add3A_65, %lt3A : i32
      %convert_element_type3A_67 = arith.extui %lt3A_66 : i1 to i32
      %cond3A_68 = arith.constant 0 : i32
      %cond3A_69 = arith.cmpi ne, %convert_element_type3A_67, %cond3A_68 : i32
      scf.if %cond3A_69 {
        %add3A_72 = arith.constant 2 : i32
        %add3A_73 = arith.addi %add3A_42, %add3A_72 : i32
        %dma_start3A_74 = arith.constant 0 : i32
        %dma_start3A_75 = tpu.memref_slice %arg8[%add3A_73, %dma_start3A_74] : memref<40x128xi32, #tpu.memory_space<vmem>> -> memref<1x128xi32, #tpu.memory_space<vmem>>
        %dma_start3A_76 = tpu.memref_squeeze %dma_start3A_75 : memref<1x128xi32, #tpu.memory_space<vmem>> -> memref<128xi32, #tpu.memory_space<vmem>>
        %dma_start3A_77 = arith.constant 0 : i32
        %dma_start3A_78 = arith.constant 0 : i32
        %dma_start3A_79 = tpu.memref_slice %arg2[%dma_start3A_77, %dma_start3A_78] : memref<10240x128xf32, #tpu.memory_space<hbm>> -> memref<10240x128xf32, #tpu.memory_space<hbm>>
        tpu.enqueue_indirect_dma source(%dma_start3A_79 : memref<10240x128xf32, #tpu.memory_space<hbm>>) target(%arg10 : memref<128x128xf32, #tpu.memory_space<vmem>>) offsets(%dma_start3A_76 : memref<128xi32, #tpu.memory_space<vmem>>) semaphore(%arg13 : memref<!tpu.dma_semaphore, #tpu.memory_space<semaphore_mem>>)
      } else {
      }
      %add3A_70 = arith.constant 1 : i32
      %add3A_71 = arith.addi %add3A_42, %add3A_70 : i32
      "tpu.region"() ({
        %run_scoped3A_72 = tpu.sem_alloc : memref<!tpu.dma_semaphore, #tpu.memory_space<semaphore_mem>>
        %dma_start3A_73 = arith.constant 0 : i32
        %dma_start3A_74 = tpu.memref_slice %arg9[%add3A_71, %dma_start3A_73] : memref<40x128xi32, #tpu.memory_space<vmem>> -> memref<1x128xi32, #tpu.memory_space<vmem>>
        %dma_start3A_75 = tpu.memref_squeeze %dma_start3A_74 : memref<1x128xi32, #tpu.memory_space<vmem>> -> memref<128xi32, #tpu.memory_space<vmem>>
        %dma_start3A_76 = arith.constant 0 : i32
        %dma_start3A_77 = arith.constant 0 : i32
        %dma_start3A_78 = tpu.memref_slice %arg12[%dma_start3A_76, %dma_start3A_77] : memref<10240x128xf32, #tpu.memory_space<vmem_shared>> -> memref<10240x128xf32, #tpu.memory_space<vmem_shared>>
        tpu.enqueue_indirect_dma source(%arg11 : memref<128x128xf32, #tpu.memory_space<vmem>>) target(%dma_start3A_78 : memref<10240x128xf32, #tpu.memory_space<vmem_shared>>) offsets(%dma_start3A_75 : memref<128xi32, #tpu.memory_space<vmem>>) semaphore(%run_scoped3A_72 : memref<!tpu.dma_semaphore, #tpu.memory_space<semaphore_mem>>) {add = true}
        %dma_wait3A_79 = arith.constant 0 : i32
        %dma_wait3A_80 = tpu.memref_slice %arg9[%add3A_71, %dma_wait3A_79] : memref<40x128xi32, #tpu.memory_space<vmem>> -> memref<1x128xi32, #tpu.memory_space<vmem>>
        %dma_wait3A_81 = tpu.memref_squeeze %dma_wait3A_80 : memref<1x128xi32, #tpu.memory_space<vmem>> -> memref<128xi32, #tpu.memory_space<vmem>>
        %dma_wait3A_82 = arith.constant 0 : i32
        %dma_wait3A_83 = arith.constant 0 : i32
        %dma_wait3A_84 = tpu.memref_slice %arg12[%dma_wait3A_82, %dma_wait3A_83] : memref<10240x128xf32, #tpu.memory_space<vmem_shared>> -> memref<10240x128xf32, #tpu.memory_space<vmem_shared>>
        tpu.wait_indirect_dma semaphore(%run_scoped3A_72 : memref<!tpu.dma_semaphore, #tpu.memory_space<semaphore_mem>>) src(%arg11 : memref<128x128xf32, #tpu.memory_space<vmem>>) dst(%dma_wait3A_84 : memref<10240x128xf32, #tpu.memory_space<vmem_shared>>)
        tpu.yield
      }) : () -> ()
    }
    %scan3A_32 = arith.constant 20 : i32
    %barrier3A_33 = arith.constant 0 : index
    tpu.barrier barrier_id(%barrier3A_33)
    %mul3A_34 = arith.constant 640 : i32
    %mul3A_35 = arith.muli %arg1, %mul3A_34 : i32
    %mul3A_36 = arith.constant 640 : i32
    %mul3A_37 = arith.muli %arg1, %mul3A_36 : i32
    "tpu.region"() ({
      %run_scoped3A_38 = tpu.sem_alloc : memref<!tpu.dma_semaphore, #tpu.memory_space<semaphore_mem>>
      %dma_start3A_39 = arith.constant 0 : i32
      %dma_start3A_40 = tpu.memref_slice %arg7[%arg0, %mul3A_37, %dma_start3A_39] : memref<2x10240x128xf32, #tpu.memory_space<hbm>> -> memref<1x640x128xf32, #tpu.memory_space<hbm>>
      %dma_start3A_41 = tpu.memref_squeeze %dma_start3A_40 : memref<1x640x128xf32, #tpu.memory_space<hbm>> -> memref<640x128xf32, #tpu.memory_space<hbm>>
      %dma_start3A_42 = arith.constant 0 : i32
      %dma_start3A_43 = tpu.memref_slice %arg12[%mul3A_35, %dma_start3A_42] : memref<10240x128xf32, #tpu.memory_space<vmem_shared>> -> memref<640x128xf32, #tpu.memory_space<vmem_shared>>
      tpu.enqueue_dma source(%dma_start3A_43 : memref<640x128xf32, #tpu.memory_space<vmem_shared>>) target(%dma_start3A_41 : memref<640x128xf32, #tpu.memory_space<hbm>>) target_semaphore(%run_scoped3A_38 : memref<!tpu.dma_semaphore, #tpu.memory_space<semaphore_mem>>)
      %dma_wait3A = arith.constant 0 : i32
      %dma_wait3A_44 = tpu.memref_slice %arg7[%arg0, %mul3A_37, %dma_wait3A] : memref<2x10240x128xf32, #tpu.memory_space<hbm>> -> memref<1x640x128xf32, #tpu.memory_space<hbm>>
      %dma_wait3A_45 = tpu.memref_squeeze %dma_wait3A_44 : memref<1x640x128xf32, #tpu.memory_space<hbm>> -> memref<640x128xf32, #tpu.memory_space<hbm>>
      %dma_wait3A_46 = arith.constant 0 : i32
      %dma_wait3A_47 = tpu.memref_slice %arg12[%mul3A_35, %dma_wait3A_46] : memref<10240x128xf32, #tpu.memory_space<vmem_shared>> -> memref<640x128xf32, #tpu.memory_space<vmem_shared>>
      tpu.wait_dma2 semaphore(%run_scoped3A_38 : memref<!tpu.dma_semaphore, #tpu.memory_space<semaphore_mem>>) src(%dma_wait3A_47 : memref<640x128xf32, #tpu.memory_space<vmem_shared>>) dst(%dma_wait3A_45 : memref<640x128xf32, #tpu.memory_space<hbm>>)
      tpu.yield
    }) : () -> ()
    return
  }
}

module attributes {stable_mosaic.version = 14 : i64} {
  func.func @body(%arg0: i32, %arg1: memref<2x1024x128xf32, #tpu.memory_space<vmem>>, %arg2: memref<2x1024x128xf32, #tpu.memory_space<vmem>>, %arg3: memref<128x128xf32, #tpu.memory_space<vmem>>, %arg4: memref<128x256xf32, #tpu.memory_space<vmem>>, %arg5: memref<1x256xf32, #tpu.memory_space<vmem>>, %arg6: memref<256x128xf32, #tpu.memory_space<vmem>>, %arg7: memref<1x128xf32, #tpu.memory_space<vmem>>, %arg8: memref<1024x128xf32, #tpu.memory_space<vmem>>, %arg9: memref<1024x128xf32, #tpu.memory_space<vmem>>) attributes {dimension_semantics = [#tpu.dimension_semantics<arbitrary>], iteration_bounds = array<i64: 10>, scalar_prefetch = 0 : i64, scratch_operands = 0 : i64, tpu.core_type = #tpu.core_type<tc>, window_params = [{transform_indices = @transform_0, window_bounds = array<i64: 2, 1024, 128>}, {transform_indices = @transform_1, window_bounds = array<i64: 2, 1024, 128>}, {pipeline_mode = #tpu.pipeline_mode<synchronous>, transform_indices = @transform_2, window_bounds = array<i64: 128, 128>}, {pipeline_mode = #tpu.pipeline_mode<synchronous>, transform_indices = @transform_3, window_bounds = array<i64: 128, 256>}, {pipeline_mode = #tpu.pipeline_mode<synchronous>, transform_indices = @transform_4, window_bounds = array<i64: 1, 256>}, {pipeline_mode = #tpu.pipeline_mode<synchronous>, transform_indices = @transform_5, window_bounds = array<i64: 256, 128>}, {pipeline_mode = #tpu.pipeline_mode<synchronous>, transform_indices = @transform_6, window_bounds = array<i64: 1, 128>}, {transform_indices = @transform_7, window_bounds = array<i64: 1024, 128>}, {transform_indices = @transform_8, window_bounds = array<i64: 1024, 128>}]} {
    %get3A = arith.constant 0 : index
    %get3A_0 = arith.constant 0 : index
    %get3A_1 = arith.constant 0 : index
    %get3A_2 = vector.load %arg1[%get3A, %get3A_0, %get3A_1] : memref<2x1024x128xf32, #tpu.memory_space<vmem>>, vector<1x1024x128xf32>
    %get3A_3 = vector.shape_cast %get3A_2 : vector<1x1024x128xf32> to vector<1024x128xf32>
    %get3A_4 = arith.constant 1 : index
    %get3A_5 = arith.constant 0 : index
    %get3A_6 = arith.constant 0 : index
    %get3A_7 = vector.load %arg1[%get3A_4, %get3A_5, %get3A_6] : memref<2x1024x128xf32, #tpu.memory_space<vmem>>, vector<1x1024x128xf32>
    %get3A_8 = vector.shape_cast %get3A_7 : vector<1x1024x128xf32> to vector<1024x128xf32>
    %add3A = arith.addf %get3A_3, %get3A_8 : vector<1024x128xf32>
    %get3A_9 = arith.constant 0 : index
    %get3A_10 = arith.constant 0 : index
    %get3A_11 = arith.constant 0 : index
    %get3A_12 = vector.load %arg2[%get3A_9, %get3A_10, %get3A_11] : memref<2x1024x128xf32, #tpu.memory_space<vmem>>, vector<1x1024x128xf32>
    %get3A_13 = vector.shape_cast %get3A_12 : vector<1x1024x128xf32> to vector<1024x128xf32>
    %get3A_14 = arith.constant 1 : index
    %get3A_15 = arith.constant 0 : index
    %get3A_16 = arith.constant 0 : index
    %get3A_17 = vector.load %arg2[%get3A_14, %get3A_15, %get3A_16] : memref<2x1024x128xf32, #tpu.memory_space<vmem>>, vector<1x1024x128xf32>
    %get3A_18 = vector.shape_cast %get3A_17 : vector<1x1024x128xf32> to vector<1024x128xf32>
    %add3A_19 = arith.addf %get3A_13, %get3A_18 : vector<1024x128xf32>
    %swap3A = arith.constant 0 : index
    %swap3A_20 = arith.constant 0 : index
    %swap3A_21 = vector.load %arg9[%swap3A, %swap3A_20] : memref<1024x128xf32, #tpu.memory_space<vmem>>, vector<1024x128xf32>
    tpu.vector_store %arg9[%swap3A, %swap3A_20], %add3A_19 {strides = array<i32>} : memref<1024x128xf32, #tpu.memory_space<vmem>>, vector<1024x128xf32>,
    %get3A_22 = arith.constant 0 : index
    %get3A_23 = arith.constant 0 : index
    %get3A_24 = vector.load %arg3[%get3A_22, %get3A_23] : memref<128x128xf32, #tpu.memory_space<vmem>>, vector<128x128xf32>
    %dot_general3A = arith.constant dense<0.000000e+00> : vector<1024x128xf32>
    %dot_general3A_25 = tpu.matmul %add3A_19, %get3A_24, %dot_general3A {dimension_numbers = #tpu.dot_dimension_numbers<[1], [0], [0], [1], [0, 0, 1, 1], [], []>, transpose_lhs_hint = false} : vector<1024x128xf32>, vector<128x128xf32>, vector<1024x128xf32> -> vector<1024x128xf32>
    %add3A_26 = arith.addf %add3A, %dot_general3A_25 : vector<1024x128xf32>
    %get3A_27 = arith.constant 0 : index
    %get3A_28 = arith.constant 0 : index
    %get3A_29 = vector.load %arg4[%get3A_27, %get3A_28] : memref<128x256xf32, #tpu.memory_space<vmem>>, vector<128x256xf32>
    %dot_general3A_30 = arith.constant dense<0.000000e+00> : vector<1024x256xf32>
    %dot_general3A_31 = tpu.matmul %add3A_26, %get3A_29, %dot_general3A_30 {dimension_numbers = #tpu.dot_dimension_numbers<[1], [0], [0], [1], [0, 0, 1, 1], [], []>, transpose_lhs_hint = false} : vector<1024x128xf32>, vector<128x256xf32>, vector<1024x256xf32> -> vector<1024x256xf32>
    %get3A_32 = arith.constant 0 : index
    %get3A_33 = arith.constant 0 : index
    %get3A_34 = vector.load %arg5[%get3A_32, %get3A_33] : memref<1x256xf32, #tpu.memory_space<vmem>>, vector<1x256xf32>
    %add3A_35 = vector.broadcast %get3A_34 : vector<1x256xf32> to vector<1024x256xf32>
    %add3A_36 = arith.addf %dot_general3A_31, %add3A_35 : vector<1024x256xf32>
    %max3A = arith.constant 0.000000e+00 : f32
    %max3A_37 = vector.broadcast %max3A : f32 to vector<1024x256xf32>
    %max3A_38 = arith.maximumf %add3A_36, %max3A_37 : vector<1024x256xf32>
    %get3A_39 = arith.constant 0 : index
    %get3A_40 = arith.constant 0 : index
    %get3A_41 = vector.load %arg6[%get3A_39, %get3A_40] : memref<256x128xf32, #tpu.memory_space<vmem>>, vector<256x128xf32>
    %dot_general3A_42 = arith.constant dense<0.000000e+00> : vector<1024x128xf32>
    %dot_general3A_43 = tpu.matmul %max3A_38, %get3A_41, %dot_general3A_42 {dimension_numbers = #tpu.dot_dimension_numbers<[1], [0], [0], [1], [0, 0, 1, 1], [], []>, transpose_lhs_hint = false} : vector<1024x256xf32>, vector<256x128xf32>, vector<1024x128xf32> -> vector<1024x128xf32>
    %get3A_44 = arith.constant 0 : index
    %get3A_45 = arith.constant 0 : index
    %get3A_46 = vector.load %arg7[%get3A_44, %get3A_45] : memref<1x128xf32, #tpu.memory_space<vmem>>, vector<1x128xf32>
    %add3A_47 = vector.broadcast %get3A_46 : vector<1x128xf32> to vector<1024x128xf32>
    %add3A_48 = arith.addf %dot_general3A_43, %add3A_47 : vector<1024x128xf32>
    %max3A_49 = arith.constant 0.000000e+00 : f32
    %max3A_50 = vector.broadcast %max3A_49 : f32 to vector<1024x128xf32>
    %max3A_51 = arith.maximumf %add3A_48, %max3A_50 : vector<1024x128xf32>
    %swap3A_52 = arith.constant 0 : index
    %swap3A_53 = arith.constant 0 : index
    %swap3A_54 = vector.load %arg8[%swap3A_52, %swap3A_53] : memref<1024x128xf32, #tpu.memory_space<vmem>>, vector<1024x128xf32>
    tpu.vector_store %arg8[%swap3A_52, %swap3A_53], %max3A_51 {strides = array<i32>} : memref<1024x128xf32, #tpu.memory_space<vmem>>, vector<1024x128xf32>,
    return
  }
  func.func @transform_0(%arg0: i32) -> (i32, i32, i32) {
    %c0_i32 = arith.constant 0 : i32
    %c0_i32_0 = arith.constant 0 : i32
    %c0_i32_1 = arith.constant 0 : i32
    return %c0_i32, %arg0, %c0_i32_0 : i32, i32, i32
  }
  func.func @transform_1(%arg0: i32) -> (i32, i32, i32) {
    %c0_i32 = arith.constant 0 : i32
    %c0_i32_0 = arith.constant 0 : i32
    %c0_i32_1 = arith.constant 0 : i32
    return %c0_i32, %arg0, %c0_i32_0 : i32, i32, i32
  }
  func.func @transform_2(%arg0: i32) -> (i32, i32) {
    %c0_i32 = arith.constant 0 : i32
    %c0_i32_0 = arith.constant 0 : i32
    %c0_i32_1 = arith.constant 0 : i32
    return %c0_i32, %c0_i32_0 : i32, i32
  }
  func.func @transform_3(%arg0: i32) -> (i32, i32) {
    %c0_i32 = arith.constant 0 : i32
    %c0_i32_0 = arith.constant 0 : i32
    %c0_i32_1 = arith.constant 0 : i32
    return %c0_i32, %c0_i32_0 : i32, i32
  }
  func.func @transform_4(%arg0: i32) -> (i32, i32) {
    %c0_i32 = arith.constant 0 : i32
    %c0_i32_0 = arith.constant 0 : i32
    %c0_i32_1 = arith.constant 0 : i32
    return %c0_i32, %c0_i32_0 : i32, i32
  }
  func.func @transform_5(%arg0: i32) -> (i32, i32) {
    %c0_i32 = arith.constant 0 : i32
    %c0_i32_0 = arith.constant 0 : i32
    %c0_i32_1 = arith.constant 0 : i32
    return %c0_i32, %c0_i32_0 : i32, i32
  }
  func.func @transform_6(%arg0: i32) -> (i32, i32) {
    %c0_i32 = arith.constant 0 : i32
    %c0_i32_0 = arith.constant 0 : i32
    %c0_i32_1 = arith.constant 0 : i32
    return %c0_i32, %c0_i32_0 : i32, i32
  }
  func.func @transform_7(%arg0: i32) -> (i32, i32) {
    %c0_i32 = arith.constant 0 : i32
    %c0_i32_0 = arith.constant 0 : i32
    return %arg0, %c0_i32 : i32, i32
  }
  func.func @transform_8(%arg0: i32) -> (i32, i32) {
    %c0_i32 = arith.constant 0 : i32
    %c0_i32_0 = arith.constant 0 : i32
    return %arg0, %c0_i32 : i32, i32
  }
}

module attributes {stable_mosaic.version = 14 : i64} {
  func.func @body(%arg0: i32, %arg1: memref<2x1024x128xf32, #tpu.memory_space<vmem>>, %arg2: memref<1024x128xf32, #tpu.memory_space<vmem>>, %arg3: memref<128x128xf32, #tpu.memory_space<vmem>>, %arg4: memref<128x256xf32, #tpu.memory_space<vmem>>, %arg5: memref<1x256xf32, #tpu.memory_space<vmem>>, %arg6: memref<256x128xf32, #tpu.memory_space<vmem>>, %arg7: memref<1x128xf32, #tpu.memory_space<vmem>>, %arg8: memref<1024x128xf32, #tpu.memory_space<vmem>>) attributes {dimension_semantics = [#tpu.dimension_semantics<arbitrary>], iteration_bounds = array<i64: 10>, scalar_prefetch = 0 : i64, scratch_operands = 0 : i64, tpu.core_type = #tpu.core_type<tc>, window_params = [{transform_indices = @transform_0, window_bounds = array<i64: 2, 1024, 128>}, {transform_indices = @transform_1, window_bounds = array<i64: 1024, 128>}, {pipeline_mode = #tpu.pipeline_mode<synchronous>, transform_indices = @transform_2, window_bounds = array<i64: 128, 128>}, {pipeline_mode = #tpu.pipeline_mode<synchronous>, transform_indices = @transform_3, window_bounds = array<i64: 128, 256>}, {pipeline_mode = #tpu.pipeline_mode<synchronous>, transform_indices = @transform_4, window_bounds = array<i64: 1, 256>}, {pipeline_mode = #tpu.pipeline_mode<synchronous>, transform_indices = @transform_5, window_bounds = array<i64: 256, 128>}, {pipeline_mode = #tpu.pipeline_mode<synchronous>, transform_indices = @transform_6, window_bounds = array<i64: 1, 128>}, {transform_indices = @transform_7, window_bounds = array<i64: 1024, 128>}]} {
    %get3A = arith.constant 0 : index
    %get3A_0 = arith.constant 0 : index
    %get3A_1 = arith.constant 0 : index
    %get3A_2 = vector.load %arg1[%get3A, %get3A_0, %get3A_1] : memref<2x1024x128xf32, #tpu.memory_space<vmem>>, vector<1x1024x128xf32>
    %get3A_3 = vector.shape_cast %get3A_2 : vector<1x1024x128xf32> to vector<1024x128xf32>
    %get3A_4 = arith.constant 1 : index
    %get3A_5 = arith.constant 0 : index
    %get3A_6 = arith.constant 0 : index
    %get3A_7 = vector.load %arg1[%get3A_4, %get3A_5, %get3A_6] : memref<2x1024x128xf32, #tpu.memory_space<vmem>>, vector<1x1024x128xf32>
    %get3A_8 = vector.shape_cast %get3A_7 : vector<1x1024x128xf32> to vector<1024x128xf32>
    %add3A = arith.addf %get3A_3, %get3A_8 : vector<1024x128xf32>
    %get3A_9 = arith.constant 0 : index
    %get3A_10 = arith.constant 0 : index
    %get3A_11 = vector.load %arg2[%get3A_9, %get3A_10] : memref<1024x128xf32, #tpu.memory_space<vmem>>, vector<1024x128xf32>
    %get3A_12 = arith.constant 0 : index
    %get3A_13 = arith.constant 0 : index
    %get3A_14 = vector.load %arg3[%get3A_12, %get3A_13] : memref<128x128xf32, #tpu.memory_space<vmem>>, vector<128x128xf32>
    %dot_general3A = arith.constant dense<0.000000e+00> : vector<1024x128xf32>
    %dot_general3A_15 = tpu.matmul %get3A_11, %get3A_14, %dot_general3A {dimension_numbers = #tpu.dot_dimension_numbers<[1], [0], [0], [1], [0, 0, 1, 1], [], []>, transpose_lhs_hint = false} : vector<1024x128xf32>, vector<128x128xf32>, vector<1024x128xf32> -> vector<1024x128xf32>
    %add3A_16 = arith.addf %add3A, %dot_general3A_15 : vector<1024x128xf32>
    %get3A_17 = arith.constant 0 : index
    %get3A_18 = arith.constant 0 : index
    %get3A_19 = vector.load %arg4[%get3A_17, %get3A_18] : memref<128x256xf32, #tpu.memory_space<vmem>>, vector<128x256xf32>
    %dot_general3A_20 = arith.constant dense<0.000000e+00> : vector<1024x256xf32>
    %dot_general3A_21 = tpu.matmul %add3A_16, %get3A_19, %dot_general3A_20 {dimension_numbers = #tpu.dot_dimension_numbers<[1], [0], [0], [1], [0, 0, 1, 1], [], []>, transpose_lhs_hint = false} : vector<1024x128xf32>, vector<128x256xf32>, vector<1024x256xf32> -> vector<1024x256xf32>
    %get3A_22 = arith.constant 0 : index
    %get3A_23 = arith.constant 0 : index
    %get3A_24 = vector.load %arg5[%get3A_22, %get3A_23] : memref<1x256xf32, #tpu.memory_space<vmem>>, vector<1x256xf32>
    %add3A_25 = vector.broadcast %get3A_24 : vector<1x256xf32> to vector<1024x256xf32>
    %add3A_26 = arith.addf %dot_general3A_21, %add3A_25 : vector<1024x256xf32>
    %max3A = arith.constant 0.000000e+00 : f32
    %max3A_27 = vector.broadcast %max3A : f32 to vector<1024x256xf32>
    %max3A_28 = arith.maximumf %add3A_26, %max3A_27 : vector<1024x256xf32>
    %get3A_29 = arith.constant 0 : index
    %get3A_30 = arith.constant 0 : index
    %get3A_31 = vector.load %arg6[%get3A_29, %get3A_30] : memref<256x128xf32, #tpu.memory_space<vmem>>, vector<256x128xf32>
    %dot_general3A_32 = arith.constant dense<0.000000e+00> : vector<1024x128xf32>
    %dot_general3A_33 = tpu.matmul %max3A_28, %get3A_31, %dot_general3A_32 {dimension_numbers = #tpu.dot_dimension_numbers<[1], [0], [0], [1], [0, 0, 1, 1], [], []>, transpose_lhs_hint = false} : vector<1024x256xf32>, vector<256x128xf32>, vector<1024x128xf32> -> vector<1024x128xf32>
    %get3A_34 = arith.constant 0 : index
    %get3A_35 = arith.constant 0 : index
    %get3A_36 = vector.load %arg7[%get3A_34, %get3A_35] : memref<1x128xf32, #tpu.memory_space<vmem>>, vector<1x128xf32>
    %add3A_37 = vector.broadcast %get3A_36 : vector<1x128xf32> to vector<1024x128xf32>
    %add3A_38 = arith.addf %dot_general3A_33, %add3A_37 : vector<1024x128xf32>
    %max3A_39 = arith.constant 0.000000e+00 : f32
    %max3A_40 = vector.broadcast %max3A_39 : f32 to vector<1024x128xf32>
    %max3A_41 = arith.maximumf %add3A_38, %max3A_40 : vector<1024x128xf32>
    %swap3A = arith.constant 0 : index
    %swap3A_42 = arith.constant 0 : index
    %swap3A_43 = vector.load %arg8[%swap3A, %swap3A_42] : memref<1024x128xf32, #tpu.memory_space<vmem>>, vector<1024x128xf32>
    tpu.vector_store %arg8[%swap3A, %swap3A_42], %max3A_41 {strides = array<i32>} : memref<1024x128xf32, #tpu.memory_space<vmem>>, vector<1024x128xf32>,
    return
  }
  func.func @transform_0(%arg0: i32) -> (i32, i32, i32) {
    %c0_i32 = arith.constant 0 : i32
    %c0_i32_0 = arith.constant 0 : i32
    %c0_i32_1 = arith.constant 0 : i32
    return %c0_i32, %arg0, %c0_i32_0 : i32, i32, i32
  }
  func.func @transform_1(%arg0: i32) -> (i32, i32) {
    %c0_i32 = arith.constant 0 : i32
    %c0_i32_0 = arith.constant 0 : i32
    return %arg0, %c0_i32 : i32, i32
  }
  func.func @transform_2(%arg0: i32) -> (i32, i32) {
    %c0_i32 = arith.constant 0 : i32
    %c0_i32_0 = arith.constant 0 : i32
    %c0_i32_1 = arith.constant 0 : i32
    return %c0_i32, %c0_i32_0 : i32, i32
  }
  func.func @transform_3(%arg0: i32) -> (i32, i32) {
    %c0_i32 = arith.constant 0 : i32
    %c0_i32_0 = arith.constant 0 : i32
    %c0_i32_1 = arith.constant 0 : i32
    return %c0_i32, %c0_i32_0 : i32, i32
  }
  func.func @transform_4(%arg0: i32) -> (i32, i32) {
    %c0_i32 = arith.constant 0 : i32
    %c0_i32_0 = arith.constant 0 : i32
    %c0_i32_1 = arith.constant 0 : i32
    return %c0_i32, %c0_i32_0 : i32, i32
  }
  func.func @transform_5(%arg0: i32) -> (i32, i32) {
    %c0_i32 = arith.constant 0 : i32
    %c0_i32_0 = arith.constant 0 : i32
    %c0_i32_1 = arith.constant 0 : i32
    return %c0_i32, %c0_i32_0 : i32, i32
  }
  func.func @transform_6(%arg0: i32) -> (i32, i32) {
    %c0_i32 = arith.constant 0 : i32
    %c0_i32_0 = arith.constant 0 : i32
    %c0_i32_1 = arith.constant 0 : i32
    return %c0_i32, %c0_i32_0 : i32, i32
  }
  func.func @transform_7(%arg0: i32) -> (i32, i32) {
    %c0_i32 = arith.constant 0 : i32
    %c0_i32_0 = arith.constant 0 : i32
    return %arg0, %c0_i32 : i32, i32
  }
}

module attributes {stable_mosaic.version = 14 : i64} {
  func.func @body(%arg0: i32, %arg1: memref<2x1024x128xf32, #tpu.memory_space<vmem>>, %arg2: memref<1024x128xf32, #tpu.memory_space<vmem>>, %arg3: memref<128x128xf32, #tpu.memory_space<vmem>>, %arg4: memref<128x256xf32, #tpu.memory_space<vmem>>, %arg5: memref<1x256xf32, #tpu.memory_space<vmem>>, %arg6: memref<256x128xf32, #tpu.memory_space<vmem>>, %arg7: memref<1x128xf32, #tpu.memory_space<vmem>>, %arg8: memref<1024x128xf32, #tpu.memory_space<vmem>>) attributes {dimension_semantics = [#tpu.dimension_semantics<arbitrary>], iteration_bounds = array<i64: 10>, scalar_prefetch = 0 : i64, scratch_operands = 0 : i64, tpu.core_type = #tpu.core_type<tc>, window_params = [{transform_indices = @transform_0, window_bounds = array<i64: 2, 1024, 128>}, {transform_indices = @transform_1, window_bounds = array<i64: 1024, 128>}, {pipeline_mode = #tpu.pipeline_mode<synchronous>, transform_indices = @transform_2, window_bounds = array<i64: 128, 128>}, {pipeline_mode = #tpu.pipeline_mode<synchronous>, transform_indices = @transform_3, window_bounds = array<i64: 128, 256>}, {pipeline_mode = #tpu.pipeline_mode<synchronous>, transform_indices = @transform_4, window_bounds = array<i64: 1, 256>}, {pipeline_mode = #tpu.pipeline_mode<synchronous>, transform_indices = @transform_5, window_bounds = array<i64: 256, 128>}, {pipeline_mode = #tpu.pipeline_mode<synchronous>, transform_indices = @transform_6, window_bounds = array<i64: 1, 128>}, {transform_indices = @transform_7, window_bounds = array<i64: 1024, 128>}]} {
    %get3A = arith.constant 0 : index
    %get3A_0 = arith.constant 0 : index
    %get3A_1 = arith.constant 0 : index
    %get3A_2 = vector.load %arg1[%get3A, %get3A_0, %get3A_1] : memref<2x1024x128xf32, #tpu.memory_space<vmem>>, vector<1x1024x128xf32>
    %get3A_3 = vector.shape_cast %get3A_2 : vector<1x1024x128xf32> to vector<1024x128xf32>
    %get3A_4 = arith.constant 1 : index
    %get3A_5 = arith.constant 0 : index
    %get3A_6 = arith.constant 0 : index
    %get3A_7 = vector.load %arg1[%get3A_4, %get3A_5, %get3A_6] : memref<2x1024x128xf32, #tpu.memory_space<vmem>>, vector<1x1024x128xf32>
    %get3A_8 = vector.shape_cast %get3A_7 : vector<1x1024x128xf32> to vector<1024x128xf32>
    %add3A = arith.addf %get3A_3, %get3A_8 : vector<1024x128xf32>
    %get3A_9 = arith.constant 0 : index
    %get3A_10 = arith.constant 0 : index
    %get3A_11 = vector.load %arg2[%get3A_9, %get3A_10] : memref<1024x128xf32, #tpu.memory_space<vmem>>, vector<1024x128xf32>
    %get3A_12 = arith.constant 0 : index
    %get3A_13 = arith.constant 0 : index
    %get3A_14 = vector.load %arg3[%get3A_12, %get3A_13] : memref<128x128xf32, #tpu.memory_space<vmem>>, vector<128x128xf32>
    %dot_general3A = arith.constant dense<0.000000e+00> : vector<1024x128xf32>
    %dot_general3A_15 = tpu.matmul %get3A_11, %get3A_14, %dot_general3A {dimension_numbers = #tpu.dot_dimension_numbers<[1], [0], [0], [1], [0, 0, 1, 1], [], []>, transpose_lhs_hint = false} : vector<1024x128xf32>, vector<128x128xf32>, vector<1024x128xf32> -> vector<1024x128xf32>
    %add3A_16 = arith.addf %add3A, %dot_general3A_15 : vector<1024x128xf32>
    %get3A_17 = arith.constant 0 : index
    %get3A_18 = arith.constant 0 : index
    %get3A_19 = vector.load %arg4[%get3A_17, %get3A_18] : memref<128x256xf32, #tpu.memory_space<vmem>>, vector<128x256xf32>
    %dot_general3A_20 = arith.constant dense<0.000000e+00> : vector<1024x256xf32>
    %dot_general3A_21 = tpu.matmul %add3A_16, %get3A_19, %dot_general3A_20 {dimension_numbers = #tpu.dot_dimension_numbers<[1], [0], [0], [1], [0, 0, 1, 1], [], []>, transpose_lhs_hint = false} : vector<1024x128xf32>, vector<128x256xf32>, vector<1024x256xf32> -> vector<1024x256xf32>
    %get3A_22 = arith.constant 0 : index
    %get3A_23 = arith.constant 0 : index
    %get3A_24 = vector.load %arg5[%get3A_22, %get3A_23] : memref<1x256xf32, #tpu.memory_space<vmem>>, vector<1x256xf32>
    %add3A_25 = vector.broadcast %get3A_24 : vector<1x256xf32> to vector<1024x256xf32>
    %add3A_26 = arith.addf %dot_general3A_21, %add3A_25 : vector<1024x256xf32>
    %max3A = arith.constant 0.000000e+00 : f32
    %max3A_27 = vector.broadcast %max3A : f32 to vector<1024x256xf32>
    %max3A_28 = arith.maximumf %add3A_26, %max3A_27 : vector<1024x256xf32>
    %get3A_29 = arith.constant 0 : index
    %get3A_30 = arith.constant 0 : index
    %get3A_31 = vector.load %arg6[%get3A_29, %get3A_30] : memref<256x128xf32, #tpu.memory_space<vmem>>, vector<256x128xf32>
    %dot_general3A_32 = arith.constant dense<0.000000e+00> : vector<1024x128xf32>
    %dot_general3A_33 = tpu.matmul %max3A_28, %get3A_31, %dot_general3A_32 {dimension_numbers = #tpu.dot_dimension_numbers<[1], [0], [0], [1], [0, 0, 1, 1], [], []>, transpose_lhs_hint = false} : vector<1024x256xf32>, vector<256x128xf32>, vector<1024x128xf32> -> vector<1024x128xf32>
    %get3A_34 = arith.constant 0 : index
    %get3A_35 = arith.constant 0 : index
    %get3A_36 = vector.load %arg7[%get3A_34, %get3A_35] : memref<1x128xf32, #tpu.memory_space<vmem>>, vector<1x128xf32>
    %add3A_37 = vector.broadcast %get3A_36 : vector<1x128xf32> to vector<1024x128xf32>
    %add3A_38 = arith.addf %dot_general3A_33, %add3A_37 : vector<1024x128xf32>
    %swap3A = arith.constant 0 : index
    %swap3A_39 = arith.constant 0 : index
    %swap3A_40 = vector.load %arg8[%swap3A, %swap3A_39] : memref<1024x128xf32, #tpu.memory_space<vmem>>, vector<1024x128xf32>
    tpu.vector_store %arg8[%swap3A, %swap3A_39], %add3A_38 {strides = array<i32>} : memref<1024x128xf32, #tpu.memory_space<vmem>>, vector<1024x128xf32>,
    return
  }
  func.func @transform_0(%arg0: i32) -> (i32, i32, i32) {
    %c0_i32 = arith.constant 0 : i32
    %c0_i32_0 = arith.constant 0 : i32
    %c0_i32_1 = arith.constant 0 : i32
    return %c0_i32, %arg0, %c0_i32_0 : i32, i32, i32
  }
  func.func @transform_1(%arg0: i32) -> (i32, i32) {
    %c0_i32 = arith.constant 0 : i32
    %c0_i32_0 = arith.constant 0 : i32
    return %arg0, %c0_i32 : i32, i32
  }
  func.func @transform_2(%arg0: i32) -> (i32, i32) {
    %c0_i32 = arith.constant 0 : i32
    %c0_i32_0 = arith.constant 0 : i32
    %c0_i32_1 = arith.constant 0 : i32
    return %c0_i32, %c0_i32_0 : i32, i32
  }
  func.func @transform_3(%arg0: i32) -> (i32, i32) {
    %c0_i32 = arith.constant 0 : i32
    %c0_i32_0 = arith.constant 0 : i32
    %c0_i32_1 = arith.constant 0 : i32
    return %c0_i32, %c0_i32_0 : i32, i32
  }
  func.func @transform_4(%arg0: i32) -> (i32, i32) {
    %c0_i32 = arith.constant 0 : i32
    %c0_i32_0 = arith.constant 0 : i32
    %c0_i32_1 = arith.constant 0 : i32
    return %c0_i32, %c0_i32_0 : i32, i32
  }
  func.func @transform_5(%arg0: i32) -> (i32, i32) {
    %c0_i32 = arith.constant 0 : i32
    %c0_i32_0 = arith.constant 0 : i32
    %c0_i32_1 = arith.constant 0 : i32
    return %c0_i32, %c0_i32_0 : i32, i32
  }
  func.func @transform_6(%arg0: i32) -> (i32, i32) {
    %c0_i32 = arith.constant 0 : i32
    %c0_i32_0 = arith.constant 0 : i32
    %c0_i32_1 = arith.constant 0 : i32
    return %c0_i32, %c0_i32_0 : i32, i32
  }
  func.func @transform_7(%arg0: i32) -> (i32, i32) {
    %c0_i32 = arith.constant 0 : i32
    %c0_i32_0 = arith.constant 0 : i32
    return %arg0, %c0_i32 : i32, i32
  }
}

</mosaic_0001>

<sc_bundles>
// kernel: kernel.14.cloned.1.call-start
scs
__scs_entry_jumppad:
0x0: {  	(pc) =	sbr.rel $0x88, $3  }
0x1: {  	(tag) =	ssettag $0x0;
	lr =	simm.s32 $0x1  }
0x2: {  	[smem:$0x3F96] =	sst lr;
	_ =	strace $0xD0000000  }
0x3: {  	_ = 	snop  }
0x4: {  	_ = 	snop  }
0x5: {  	_ = 	snop  }
0x6: {  	_ = 	snop  }
0x7: {  	_ = 	snop  }
__scs_overlays_trampoline_lowered:
0x8: {  	[smem:$0x3FA5] =	sst s0  }
0x9: {  	[smem:$0x3FA6] =	sst s1  }
0xa: {  	[smem:$0x3FA7] =	sst s2  }
0xb: {  	[smem:$0x3FA8] =	sst s3  }
0xc: {  	[smem:$0x3FA9] =	sst s4  }
0xd: {  	[smem:$0x3FAA] =	sst s5  }
0xe: {  	[smem:$0x3FAB] =	sst s6  }
0xf: {  	[smem:$0x3FAC] =	sst s7  }
0x10: {  	[smem:$0x3FAD] =	sst s8  }
0x11: {  	[smem:$0x3FAE] =	sst s9;
	s0 =	simm.s32 @!p0 $0x0  }
0x12: {  	s1 =	sld [smem:$0x3F94];
	s0 =	simm.s32 @p0 $0x1  }
0x13: {  	[smem:$0x3FAF] =	sst s0;
	s0 =	simm.s32 @!p1 $0x0  }
0x14: {  	s2 =	sld [smem:$0x3F93];
	s0 =	simm.s32 @p1 $0x1  }
0x15: {  	[smem:$0x3FB0] =	sst s0;
	s0 =	simm.s32 @!p2 $0x0  }
0x16: {  	s3 =	sld [smem:$0x3FDB];
	s0 =	simm.s32 @p2 $0x1  }
0x17: {  	s4 =	simm.s32 $0x1BF5;
	[smem:$0x3FB2] =	sst s0  }
0x18: {  	s0 =	sld [smem:$0x3F95];
	_ =	swait.ge [sflag:s4], $0x0  }
0x19: {  	s7 =	sld [smem:$0x3F96]  }
0x1a: {  	s8 =	sadd.s32 $0xFFFFE003, lr  }
0x1b: {  	s9 =	sadd.s32 $0xFFFFFEF7, lr;
	s5 =	simm.s32 $0xFFFFFFFF;
	p2 =	slt.u32 s8, $0xFFFFF086  }
0x1c: {  	p1 =	slt.u32 s9, $0xF7A;
	s5 =	simm.s32 @!p2 $0x0  }
0x1d: {  	s5 =	simm.s32 @p1 $0x1;
	p0 =	seq.s32 s7, s2  }
0x1e: {  	s7 =	smul.u32 @!p0 $0xF7A, s2;
	p2 =	seq.s32 @!p0 s5, $0x0  }
0x1f: {  	s9 =	smul.u32 $0xF7A, s1;
	s8 =	simm.s32 @!p0 $0x1BF5;
	p2 =	por !p2, p0  }
0x20: {  	[sflag:s8] =	ssyncset.s32 @!p0 $0xFFFFF086;
	s6 =	sadd.s32 @!p0 s3, s7;
	s7 =	simm.s32 @!p0 $0x108  }
0x21: {  	s3 =	sadd.s32 s3, s9;
	s6 =	sadd.s32 @!p0 $0x88, s6;
	s7 =	simm.s32 @p2 $0x1082  }
0x22: {  	[simem:s7], [sflag:s8] =	dma.local @!p0 [hbm:s6], $0xF7A  }
0x23: {  	s9 =	sor.u32 $0xD0000000, s2;
	s6 =	simm.s32 $0x108;
	_ =	swait.ge @!p0 [sflag:s8], $0x0  }
0x24: {  	s3 =	sadd.s32 $0x88, s3;
	s6 =	simm.s32 @!p1 $0x1082;
	[sflag:s4] =	ssyncset.s32 $0xFFFFF086  }
0x25: {  	[simem:s6], [sflag:s4] =	dma.local [hbm:s3], $0xF7A  }
0x26: {  	[smem:$0x3F96] =	sst s1;
	(tag) =	ssettag s2;
	_ =	strace s9  }
0x27: {  	s1 =	sld [smem:$0x3FA6]  }
0x28: {  	s2 =	sld [smem:$0x3FA7]  }
0x29: {  	s4 =	sld [smem:$0x3FA9]  }
0x2a: {  	p0 =	seq.s32 s5, $0x0;
	s5 =	sld [smem:$0x3FAA]  }
0x2b: {  	s6 =	sld [smem:$0x3FAB]  }
0x2c: {  	s7 =	sld [smem:$0x3FAC]  }
0x2d: {  	s3 =	simm.s32 $0x108;
	s8 =	sld [smem:$0x3FAD]  }
0x2e: {  	s3 =	simm.s32 @!p0 $0x1082;
	s9 =	sld [smem:$0x3FAE]  }
0x2f: {  	lr =	sadd.s32 s0, s3;
	s0 =	sld [smem:$0x3FA5]  }
0x30: {  	s3 =	sld [smem:$0x3FA8]  }
0x31: {  	[smem:$0x3FB1] =	sst s10  }
0x32: {  	s10 =	sld [smem:$0x3FAF];
	_ =	sdelay $0x3  }
0x33: {  	p0 =	seq.s32 s10, $0x1;
	s10 =	sld [smem:$0x3FB1];
	_ =	sdelay $0x3  }
0x34: {  	[smem:$0x3FB1] =	sst s10  }
0x35: {  	s10 =	sld [smem:$0x3FB0];
	_ =	sdelay $0x3  }
0x36: {  	p1 =	seq.s32 s10, $0x1;
	s10 =	sld [smem:$0x3FB1];
	_ =	sdelay $0x3  }
0x37: {  	[smem:$0x3FB1] =	sst s10  }
0x38: {  	s10 =	sld [smem:$0x3FB2]  }
0x39: {  	_ = 	snop;
	(pc) =	sbr.ind lr, $3  }
0x3a: {  	_ = 	snop  }
0x3b: {  	_ = 	snop  }
0x3c: {  	p2 =	seq.s32 s10, $0x1;
	s10 =	sld [smem:$0x3FB1]  }
0x3d: {  	_ =	shalt  }
0x3e: {  	_ =	shalt  }
0x3f: {  	_ =	shalt  }
0x40: {  	_ =	shalt  }
0x41: {  	_ =	shalt  }
0x42: {  	_ =	shalt  }
0x43: {  	_ =	shalt  }
0x44: {  	_ =	shalt  }
0x45: {  	_ =	shalt  }
0x46: {  	_ =	shalt  }
0x47: {  	_ =	shalt  }
0x48: {  	_ =	shalt  }
0x49: {  	_ =	shalt  }
0x4a: {  	_ =	shalt  }
0x4b: {  	_ =	shalt  }
0x4c: {  	_ =	shalt  }
0x4d: {  	_ =	shalt  }
0x4e: {  	_ =	shalt  }
0x4f: {  	_ =	shalt  }
0x50: {  	_ =	shalt  }
0x51: {  	_ =	shalt  }
0x52: {  	_ =	shalt  }
0x53: {  	_ =	shalt  }
0x54: {  	_ =	shalt  }
0x55: {  	_ =	shalt  }
0x56: {  	_ =	shalt  }
0x57: {  	_ =	shalt  }
0x58: {  	_ =	shalt  }
0x59: {  	_ =	shalt  }
0x5a: {  	_ =	shalt  }
0x5b: {  	_ =	shalt  }
0x5c: {  	_ =	shalt  }
0x5d: {  	_ =	shalt  }
0x5e: {  	_ =	shalt  }
0x5f: {  	_ =	shalt  }
0x60: {  	_ =	shalt  }
0x61: {  	_ =	shalt  }
0x62: {  	_ =	shalt  }
0x63: {  	_ =	shalt  }
0x64: {  	_ =	shalt  }
0x65: {  	_ =	shalt  }
0x66: {  	_ =	shalt  }
0x67: {  	_ =	shalt  }
0x68: {  	_ =	shalt  }
0x69: {  	_ =	shalt  }
0x6a: {  	_ =	shalt  }
0x6b: {  	_ =	shalt  }
0x6c: {  	_ =	shalt  }
0x6d: {  	_ =	shalt  }
0x6e: {  	_ =	shalt  }
0x6f: {  	_ =	shalt  }
0x70: {  	_ =	shalt  }
0x71: {  	_ =	shalt  }
0x72: {  	_ =	shalt  }
0x73: {  	_ =	shalt  }
0x74: {  	_ =	shalt  }
0x75: {  	_ =	shalt  }
0x76: {  	_ =	shalt  }
0x77: {  	_ =	shalt  }
0x78: {  	_ =	shalt  }
0x79: {  	_ =	shalt  }
0x7a: {  	_ =	shalt  }
0x7b: {  	_ =	shalt  }
0x7c: {  	_ =	shalt  }
0x7d: {  	_ =	shalt  }
0x7e: {  	_ =	shalt  }
0x7f: {  	_ =	shalt  }
0x80: {  	_ =	shalt  }
0x81: {  	_ =	shalt  }
0x82: {  	_ =	shalt  }
0x83: {  	_ =	shalt  }
0x84: {  	_ =	shalt  }
0x85: {  	_ =	shalt  }
0x86: {  	_ =	shalt  }
0x87: {  	_ =	shalt  }
.Lfunc_end0:
.L_simem_size_0:
called_computation_lowered:
.L_overlay_start_0:
0x88: {  	s2 =	sld [smem:$0x3FD9]  }
0x89: {  	s3 =	sld [smem:$0x3FFE];
	_ =	sdelay $0x1  }
0x8a: {  	s1 =	srdreg.scid  }
0x8b: {  	s0 =	sand.u32 $0x1, s1  }
0x8c: {  	s16 =	sshll.u32 s0, $0xA;
	s2 =	sadd.s32 s3, s2  }
0x8d: {  	s2 =	sadd.s32 s2, s16  }
0x8e: {  	[smem:$0x3FBD] =	sst s2  }
0x8f: {  	_ = 	snop  }
0x90: {  	(tm) =	ssettm $0x1  }
0x91: {  	s17 =	sld [smem:$0x3FFB];
	_ =	sdelay $0x3  }
0x92: {  	_ =	strace s17  }
0x93: {  	s2 =	sld [smem:$0x3FFC];
	_ =	sdelay $0x3  }
0x94: {  	_ =	strace s2  }
0x95: {  	s2 =	sld [smem:$0x3FFD];
	_ =	sdelay $0x3  }
0x96: {  	_ =	strace s2  }
0x97: {  	_ =	strace $0x8FFFFFFF  }
0x98: {  	s18 =	sld [smem:$0x3FDB];
	_ =	sdelay $0x1  }
0x99: {  	s19 =	simm.s32 $_scs_section_size  }
0x9a: {  	s4 =	simm.s32 $_size__tile_overlayer_lowered;
	s5 =	simm.s32 $_tile_overlayer_lowered  }
0x9b: {  	s22 =	simm.s32 $0x1BFF;
	s21 =	sshll.u32 s5, $0x1;
	s2 =	sadd.s32 s19, s18  }
0x9c: {  	s6 =	simm.s32 $0x0;
	s20 =	sshll.u32 s4, $0x1;
	s4 =	sadd.s32 s21, s2  }
0x9d: {  	[timem:s6], [sflag:s22] =	dma.local [hbm:s4], s20  }
0x9e: {  	_ =	swait.ge [sflag:s22], s20  }
0x9f: {  	s3 =	ssub.s32 $0x0, s20;
	[sflag:s22] =	ssyncset.done $0x0  }
0xa0: {  	[sflag:s22] =	ssyncadd.s32 s3;
	_ =	sdelay $0x1  }
0xa1: {  	s23 =	simm.s32 $0x1B8B  }
0xa2: {  	_ =	swait.ge [sflag:s23], $0x1  }
0xa3: {  	[sflag:s23] =	ssyncset.done $0x0  }
0xa4: {  	s25 =	simm.s32 $0x1B8E;
	s24 =	sld [smem:$0x3FFE];
	[sflag:s23] =	ssyncadd.s32 $0xFFFFFFFF  }
0xa5: {  	s26 =	simm.s32 $execute0_lowered;
	[smem:$0x3FD2] =	sst s25  }
0xa6: {  	s4 =	sshll.u32 s26, $0x1;
	_ =	strace $0x80000046;
	[dreg:$0x1] =	wrdreg $0xFFFFFFFF  }
0xa7: {  	s28 =	simm.s32 $_size_execute0_lowered;
	s2 =	sadd.s32 s2, s4;
	[dreg:$0x0] =	wrdreg $0x0  }
0xa8: {  	s4 =	sshll.u32 s28, $0x1;
	[dreg:$0x2] =	wrdreg s2  }
0xa9: {  	[dreg:$0x3] =	wrdreg s4  }
0xaa: {  	[dreg:$0x4] =	wrdreg $0xC0  }
0xab: {  	_ =	task [dreg:s6], $0x5FFFF  }
0xac: {  	[dreg:$0x1] =	wrdreg $0xFFFFFFFF  }
0xad: {  	[dreg:$0x0] =	wrdreg $0x60  }
0xae: {  	[dreg:$0x2] =	wrdreg s24  }
0xaf: {  	[dreg:$0x3] =	wrdreg $0xA  }
0xb0: {  	_ =	task.clear_ibuf [dreg:s6], $0x4FFFF;
	_ =	strace $0x90000046  }
0xb1: {  	s29 =	simm.s32 $0xA;
	_ =	strace $0x80000048  }
0xb2: {  	_ =	swait.ge [sflag:s29], $0x1  }
0xb3: {  	[sflag:s29] =	ssyncadd.s32 $0xFFFFFFFF  }
0xb4: {  	_ =	strace $0x90000048  }
0xb5: {  	_ =	sfence  }
0xb6: {  	s30 =	sld [smem:$0x0];
	_ =	sdelay $0x2  }
0xb7: {  	s31 =	sshll.u32 s1, $0xD;
	s1 =	sshrl.u32 s1, $0x2  }
0xb8: {  	s3 =	sand.u32 $0x4000, s31;
	s1 =	sadd.s32 s1, s30  }
0xb9: {  	s0 =	sor.u32 s3, s0;
	s1 =	sshll.u32 s1, $0x11  }
0xba: {  	s0 =	sor.u32 s1, s0  }
0xbb: {  	s0 =	sadd.s32 $0x8F2B, s0  }
0xbc: {  	[sflag:s0] =	ssyncadd.remote.s32 $0x1  }
0xbd: {  	_ =	sfence.sel $0xFFFF  }
0xbe: {  	[dreg:$0x0] =	wrdreg $0xFFFFFFFF;
	(pc) =	sbr.abs _section_cstart, $3  }
0xbf: {  	[dreg:$0x1] =	wrdreg $0xFFFFFFFF  }
0xc0: {  	_ =	task.clear_ibuf [dreg:s6], $0x2FFFF;
	_ =	strace $0x9FFFFFFF  }
0xc1: {  	(tm) =	ssettm $0x7FFFFFFF  }
tec
execute0_lowered:
.L_overlay_start_1:
0x0: {  	(tag) =	ssettag $0x1  }
0x1: {  	s4 =	rddreg [dreg:$0x0]  }
0x2: {  	s0 =	rddreg [dreg:$0x1]  }
0x3: {  	s1 =	stileid.u32;
	s3 =	srdreg.scid;
	s2 =	simm.s32 $0x0  }
0x4: {  	s11 =	simm.s32 $0x1;
	s12 =	simm.s32 $0x0;
	s5 =	sand.u32 $0x1, s3  }
0x5: {  	s6 =	smul.u32 $0x14000, s1;
	[smem:$0x7FF] =	sst s2;
	s24 =	sshll.u32 s1, $0x7  }
0x6: {  	s3 =	sadd.s32 $0x3800, s4;
	s25 =	sshll.u32 s1, $0x3;
	s7 =	smul.u32 $0xA000, s5  }
0x7: {  	_ =	strace $0x80000047;
	s8 =	sadd.s32 s24, s4;
	s10 =	ssub.s32 $0x2, s5  }
0x8: {  	s9 =	sshll.u32 s5, $0x2;
	s31 =	sshll.u32 s5, $0x6;
	s26 =	sshrl.u32 s10, $0x1  }
0x9: {  	s6 =	sadd.s32 s7, s6;
	s7 =	sor.u32 s9, s25;
	s29 =	ssub.s32 s10, s26  }
0xa: {  	s9 =	simm.s32 $0x50;
	s10 =	simm.s32 $0x80;
	s6 =	sshrl.u32 s6, $0x3  }
0xb: {  	s28 =	smax.u32 s7, $0x79;
	s7 =	sadd.s32 s31, s8;
	s8 =	simm.s32 $0x2  }
0xc: {  	s6 =	sadd.s32 s6, s4;
	s30 =	sadd.s32 $0xFFFFFF87, s28;
	s4 =	smax.u32 s29, $0x1  }
0xd: {  	s7 =	sadd.s32 $0x3000, s7;
	s5 =	sxor.u32 $0x3, s30;
	s6 =	sadd.s32 $0x5000, s6  }
.LBB2_1:
0xe: {  	[tilespmem:s2], [sflag:$0x2] =	stream.linear.gather [hbm4b:s7+s2], $0x80, $0x38;
	[tilespmem:$0x2880] =	vst v63  }
0xf: {  	_ =	swait.ge [sflag:s8], $0x80  }
0x10: {  	[sflag:s8] =	ssyncset.done $0x0  }
0x11: {  	[sflag:s8] =	ssyncadd.s32 $0xFFFFFF80  }
0x12: {  	[tilespmem:s10], [sflag:$0x1] =	stream.indirect.gather [hbm4b:s3+s9], $0x80, s2, s9, $0xb8;
	[tilespmem:$0x2880] =	vst v63  }
0x13: {  	p0 =	sgt.u32 s5, $0x0;
	_ =	swait.ge [sflag:s11], $0x2800  }
.Ltmp0:
0x14: {  	[sflag:s11] =	ssyncset.done $0x0;
	(pc) =	sbr.rel @!p0 .LBB2_3-.Ltmp0, $4  }
0x15: {  	[sflag:s11] =	ssyncadd.s32 $0xFFFFD800  }
0x16: {  	[hbm4b:s6+s2] =	stream.linear.scatter [tilespmem:s10], [sflag:$0x2], $0x2800, $0x38;
	[tilespmem:$0x2880] =	vst v63  }
0x17: {  	s13 =	simm.s32 $0x0;
	_ =	swait.ge [sflag:s8], $0x2800  }
0x18: {  	s14 =	sadd.s32 $0x10, s7;
	s15 =	smov.u32 s6;
	[sflag:s8] =	ssyncset.done $0x0  }
.LBB2_2:
0x19: {  	s13 =	sadd.s32 $0x1, s13;
	[sflag:s8] =	ssyncadd.s32 $0xFFFFD800;
	s15 =	sadd.s32 $0x500, s15  }
0x1a: {  	[tilespmem:s2], [sflag:$0x2] =	stream.linear.gather [hbm4b:s14+s2], $0x80, $0x38;
	[tilespmem:$0x2880] =	vst v63  }
0x1b: {  	p0 =	slt.u32 s13, s5;
	_ =	swait.ge [sflag:s8], $0x80  }
0x1c: {  	[sflag:s8] =	ssyncset.done $0x0  }
0x1d: {  	[sflag:s8] =	ssyncadd.s32 $0xFFFFFF80  }
0x1e: {  	[tilespmem:s10], [sflag:$0x1] =	stream.indirect.gather [hbm4b:s3+s9], $0x80, s2, s9, $0xb8;
	[tilespmem:$0x2880] =	vst v63  }
0x1f: {  	_ =	swait.ge [sflag:s11], $0x2800  }
.Ltmp1:
0x20: {  	[sflag:s11] =	ssyncset.done $0x0;
	(pc) =	sbr.rel @p0 .LBB2_2-.Ltmp1, $4  }
0x21: {  	[sflag:s11] =	ssyncadd.s32 $0xFFFFD800  }
0x22: {  	[hbm4b:s15+s2] =	stream.linear.scatter [tilespmem:s10], [sflag:$0x2], $0x2800, $0x38;
	[tilespmem:$0x2880] =	vst v63  }
0x23: {  	_ =	swait.ge [sflag:s8], $0x2800  }
0x24: {  	s14 =	sadd.s32 $0x10, s14;
	[sflag:s8] =	ssyncset.done $0x0  }
.LBB2_3:
0x25: {  	s12 =	sadd.s32 $0x1, s12  }
0x26: {  	p0 =	sne.s32 s12, s4  }
.Ltmp2:
0x27: {  	_ = 	snop;
	(pc) =	sbr.rel @p0 .LBB2_1-.Ltmp2, $2  }
0x28: {  	_ =	sdelay $0x2  }
0x29: {  	[sflag:s8] =	ssyncadd.s32 $0xFFFFD800  }
0x2a: {  	_ =	sfence.sel $0x180000  }
0x2b: {  	[bflag:$0x0] =	sbarrier.arrive $0xFFFF  }
0x2c: {  	p0 =	sne.s32 s1, $0x0;
	_ =	strace $0x90000047  }
0x2d: {  	s0 =	sadd.s32 @!p0 $0x100000, s0;
	[bflag:$0x2] =	sbarrier.arrive $0xFFFF  }
0x2e: {  	[sflag:s0] =	ssyncadd.tile.s32 @!p0 $0x1;
	_ =	shalt  }
.Lfunc_end2:
_tile_overlayer_lowered:
.L_overlay_start_2:
0x2f: {  	(tag) =	ssettag $0x2  }
0x30: {  	s0 =	rddreg [dreg:$0x0];
	s2 =	stileid.u32  }
0x31: {  	s1 =	rddreg [dreg:$0x1];
	p0 =	sne.s32 s2, $0x0  }
0x32: {  	s3 =	rddreg [dreg:$0x2];
	[bflag:$0x3] =	sbarrier.arrive $0xFFFF;
	s2 =	simm.s32 @!p0 $0x1C02  }
0x33: {  	[timem:s3], [sflag:s2] =	dma.local @!p0 [hbm:s0], s1  }
0x34: {  	s0 =	simm.s32 @!p0 $0x2  }
0x35: {  	_ =	swait.ge @!p0 [sflag:s0], s1  }
0x36: {  	s1 =	ssub.s32 @!p0 $0x0, s1;
	[sflag:s0] =	ssyncset.done @!p0 $0x0  }
0x37: {  	[sflag:s0] =	ssyncadd.s32 @!p0 s1  }
0x38: {  	[bflag:$0x3] =	sbarrier.arrive $0xFFFF  }
0x39: {  	_ =	shalt  }

// kernel: kernel.17.cloned.1.call-start
scs
__scs_entry_jumppad:
0x0: {  	(pc) =	sbr.rel $0x88, $3  }
0x1: {  	(tag) =	ssettag $0x0;
	lr =	simm.s32 $0x1  }
0x2: {  	[smem:$0x3F96] =	sst lr;
	_ =	strace $0xD0000000  }
0x3: {  	_ = 	snop  }
0x4: {  	_ = 	snop  }
0x5: {  	_ = 	snop  }
0x6: {  	_ = 	snop  }
0x7: {  	_ = 	snop  }
__scs_overlays_trampoline_lowered:
0x8: {  	[smem:$0x3FA5] =	sst s0  }
0x9: {  	[smem:$0x3FA6] =	sst s1  }
0xa: {  	[smem:$0x3FA7] =	sst s2  }
0xb: {  	[smem:$0x3FA8] =	sst s3  }
0xc: {  	[smem:$0x3FA9] =	sst s4  }
0xd: {  	[smem:$0x3FAA] =	sst s5  }
0xe: {  	[smem:$0x3FAB] =	sst s6  }
0xf: {  	[smem:$0x3FAC] =	sst s7  }
0x10: {  	[smem:$0x3FAD] =	sst s8  }
0x11: {  	[smem:$0x3FAE] =	sst s9;
	s0 =	simm.s32 @!p0 $0x0  }
0x12: {  	s1 =	sld [smem:$0x3F94];
	s0 =	simm.s32 @p0 $0x1  }
0x13: {  	[smem:$0x3FAF] =	sst s0;
	s0 =	simm.s32 @!p1 $0x0  }
0x14: {  	s2 =	sld [smem:$0x3F93];
	s0 =	simm.s32 @p1 $0x1  }
0x15: {  	[smem:$0x3FB0] =	sst s0;
	s0 =	simm.s32 @!p2 $0x0  }
0x16: {  	s3 =	sld [smem:$0x3FDB];
	s0 =	simm.s32 @p2 $0x1  }
0x17: {  	s4 =	simm.s32 $0x1BF5;
	[smem:$0x3FB2] =	sst s0  }
0x18: {  	s0 =	sld [smem:$0x3F95];
	_ =	swait.ge [sflag:s4], $0x0  }
0x19: {  	s7 =	sld [smem:$0x3F96]  }
0x1a: {  	s8 =	sadd.s32 $0xFFFFE003, lr  }
0x1b: {  	s9 =	sadd.s32 $0xFFFFFEF7, lr;
	s5 =	simm.s32 $0xFFFFFFFF;
	p2 =	slt.u32 s8, $0xFFFFF086  }
0x1c: {  	p1 =	slt.u32 s9, $0xF7A;
	s5 =	simm.s32 @!p2 $0x0  }
0x1d: {  	s5 =	simm.s32 @p1 $0x1;
	p0 =	seq.s32 s7, s2  }
0x1e: {  	s7 =	smul.u32 @!p0 $0xF7A, s2;
	p2 =	seq.s32 @!p0 s5, $0x0  }
0x1f: {  	s9 =	smul.u32 $0xF7A, s1;
	s8 =	simm.s32 @!p0 $0x1BF5;
	p2 =	por !p2, p0  }
0x20: {  	[sflag:s8] =	ssyncset.s32 @!p0 $0xFFFFF086;
	s6 =	sadd.s32 @!p0 s3, s7;
	s7 =	simm.s32 @!p0 $0x108  }
0x21: {  	s3 =	sadd.s32 s3, s9;
	s6 =	sadd.s32 @!p0 $0x88, s6;
	s7 =	simm.s32 @p2 $0x1082  }
0x22: {  	[simem:s7], [sflag:s8] =	dma.local @!p0 [hbm:s6], $0xF7A  }
0x23: {  	s9 =	sor.u32 $0xD0000000, s2;
	s6 =	simm.s32 $0x108;
	_ =	swait.ge @!p0 [sflag:s8], $0x0  }
0x24: {  	s3 =	sadd.s32 $0x88, s3;
	s6 =	simm.s32 @!p1 $0x1082;
	[sflag:s4] =	ssyncset.s32 $0xFFFFF086  }
0x25: {  	[simem:s6], [sflag:s4] =	dma.local [hbm:s3], $0xF7A  }
0x26: {  	[smem:$0x3F96] =	sst s1;
	(tag) =	ssettag s2;
	_ =	strace s9  }
0x27: {  	s1 =	sld [smem:$0x3FA6]  }
0x28: {  	s2 =	sld [smem:$0x3FA7]  }
0x29: {  	s4 =	sld [smem:$0x3FA9]  }
0x2a: {  	p0 =	seq.s32 s5, $0x0;
	s5 =	sld [smem:$0x3FAA]  }
0x2b: {  	s6 =	sld [smem:$0x3FAB]  }
0x2c: {  	s7 =	sld [smem:$0x3FAC]  }
0x2d: {  	s3 =	simm.s32 $0x108;
	s8 =	sld [smem:$0x3FAD]  }
0x2e: {  	s3 =	simm.s32 @!p0 $0x1082;
	s9 =	sld [smem:$0x3FAE]  }
0x2f: {  	lr =	sadd.s32 s0, s3;
	s0 =	sld [smem:$0x3FA5]  }
0x30: {  	s3 =	sld [smem:$0x3FA8]  }
0x31: {  	[smem:$0x3FB1] =	sst s10  }
0x32: {  	s10 =	sld [smem:$0x3FAF];
	_ =	sdelay $0x3  }
0x33: {  	p0 =	seq.s32 s10, $0x1;
	s10 =	sld [smem:$0x3FB1];
	_ =	sdelay $0x3  }
0x34: {  	[smem:$0x3FB1] =	sst s10  }
0x35: {  	s10 =	sld [smem:$0x3FB0];
	_ =	sdelay $0x3  }
0x36: {  	p1 =	seq.s32 s10, $0x1;
	s10 =	sld [smem:$0x3FB1];
	_ =	sdelay $0x3  }
0x37: {  	[smem:$0x3FB1] =	sst s10  }
0x38: {  	s10 =	sld [smem:$0x3FB2]  }
0x39: {  	_ = 	snop;
	(pc) =	sbr.ind lr, $3  }
0x3a: {  	_ = 	snop  }
0x3b: {  	_ = 	snop  }
0x3c: {  	p2 =	seq.s32 s10, $0x1;
	s10 =	sld [smem:$0x3FB1]  }
0x3d: {  	_ =	shalt  }
0x3e: {  	_ =	shalt  }
0x3f: {  	_ =	shalt  }
0x40: {  	_ =	shalt  }
0x41: {  	_ =	shalt  }
0x42: {  	_ =	shalt  }
0x43: {  	_ =	shalt  }
0x44: {  	_ =	shalt  }
0x45: {  	_ =	shalt  }
0x46: {  	_ =	shalt  }
0x47: {  	_ =	shalt  }
0x48: {  	_ =	shalt  }
0x49: {  	_ =	shalt  }
0x4a: {  	_ =	shalt  }
0x4b: {  	_ =	shalt  }
0x4c: {  	_ =	shalt  }
0x4d: {  	_ =	shalt  }
0x4e: {  	_ =	shalt  }
0x4f: {  	_ =	shalt  }
0x50: {  	_ =	shalt  }
0x51: {  	_ =	shalt  }
0x52: {  	_ =	shalt  }
0x53: {  	_ =	shalt  }
0x54: {  	_ =	shalt  }
0x55: {  	_ =	shalt  }
0x56: {  	_ =	shalt  }
0x57: {  	_ =	shalt  }
0x58: {  	_ =	shalt  }
0x59: {  	_ =	shalt  }
0x5a: {  	_ =	shalt  }
0x5b: {  	_ =	shalt  }
0x5c: {  	_ =	shalt  }
0x5d: {  	_ =	shalt  }
0x5e: {  	_ =	shalt  }
0x5f: {  	_ =	shalt  }
0x60: {  	_ =	shalt  }
0x61: {  	_ =	shalt  }
0x62: {  	_ =	shalt  }
0x63: {  	_ =	shalt  }
0x64: {  	_ =	shalt  }
0x65: {  	_ =	shalt  }
0x66: {  	_ =	shalt  }
0x67: {  	_ =	shalt  }
0x68: {  	_ =	shalt  }
0x69: {  	_ =	shalt  }
0x6a: {  	_ =	shalt  }
0x6b: {  	_ =	shalt  }
0x6c: {  	_ =	shalt  }
0x6d: {  	_ =	shalt  }
0x6e: {  	_ =	shalt  }
0x6f: {  	_ =	shalt  }
0x70: {  	_ =	shalt  }
0x71: {  	_ =	shalt  }
0x72: {  	_ =	shalt  }
0x73: {  	_ =	shalt  }
0x74: {  	_ =	shalt  }
0x75: {  	_ =	shalt  }
0x76: {  	_ =	shalt  }
0x77: {  	_ =	shalt  }
0x78: {  	_ =	shalt  }
0x79: {  	_ =	shalt  }
0x7a: {  	_ =	shalt  }
0x7b: {  	_ =	shalt  }
0x7c: {  	_ =	shalt  }
0x7d: {  	_ =	shalt  }
0x7e: {  	_ =	shalt  }
0x7f: {  	_ =	shalt  }
0x80: {  	_ =	shalt  }
0x81: {  	_ =	shalt  }
0x82: {  	_ =	shalt  }
0x83: {  	_ =	shalt  }
0x84: {  	_ =	shalt  }
0x85: {  	_ =	shalt  }
0x86: {  	_ =	shalt  }
0x87: {  	_ =	shalt  }
.Lfunc_end0:
.L_simem_size_0:
called_computation.1_lowered:
.L_overlay_start_0:
0x88: {  	s2 =	sld [smem:$0x3FD9]  }
0x89: {  	s3 =	sld [smem:$0x3FFE];
	_ =	sdelay $0x1  }
0x8a: {  	s1 =	srdreg.scid  }
0x8b: {  	s0 =	sand.u32 $0x1, s1  }
0x8c: {  	s17 =	sshll.u32 s0, $0xA;
	s2 =	sadd.s32 s3, s2  }
0x8d: {  	s2 =	sadd.s32 s2, s17  }
0x8e: {  	[smem:$0x3FBD] =	sst s2  }
0x8f: {  	_ = 	snop  }
0x90: {  	s18 =	sld [smem:$0x3FD0];
	(tm) =	ssettm $0x1  }
0x91: {  	s19 =	sld [smem:$0x3FFB];
	_ =	sdelay $0x3  }
0x92: {  	_ =	strace s19  }
0x93: {  	s2 =	sld [smem:$0x3FFC];
	_ =	sdelay $0x3  }
0x94: {  	_ =	strace s2  }
0x95: {  	s2 =	sld [smem:$0x3FFD];
	_ =	sdelay $0x3  }
0x96: {  	_ =	strace s2  }
0x97: {  	_ =	strace $0x8FFFFFFF  }
0x98: {  	s20 =	sld [smem:$0x3FDB];
	_ =	sdelay $0x1  }
0x99: {  	s4 =	simm.s32 $_scs_section_size  }
0x9a: {  	s5 =	simm.s32 $_size__tile_overlayer_lowered;
	s6 =	simm.s32 $_tile_overlayer_lowered  }
0x9b: {  	s7 =	simm.s32 $0x1BFF;
	s21 =	sshll.u32 s6, $0x1;
	s4 =	sadd.s32 s4, s20  }
0x9c: {  	s22 =	simm.s32 $0x0;
	s5 =	sshll.u32 s5, $0x1;
	s6 =	sadd.s32 s21, s4  }
0x9d: {  	[timem:s22], [sflag:s7] =	dma.local [hbm:s6], s5  }
0x9e: {  	_ =	swait.ge [sflag:s7], s5  }
0x9f: {  	s5 =	ssub.s32 $0x0, s5;
	[sflag:s7] =	ssyncset.done $0x0  }
0xa0: {  	[sflag:s7] =	ssyncadd.s32 s5;
	_ =	sdelay $0x1  }
0xa1: {  	s23 =	simm.s32 $0x1B8B  }
0xa2: {  	_ =	swait.ge [sflag:s23], $0x1  }
0xa3: {  	[sflag:s23] =	ssyncset.done $0x0  }
0xa4: {  	[sflag:s23] =	ssyncadd.s32 $0xFFFFFFFF  }
0xa5: {  	s5 =	sld [smem:$0x0]  }
0xa6: {  	s6 =	sand.u32 $0xFFFFFFFE, s1  }
0xa7: {  	p0 =	sne.s32 s1, s6  }
0xa8: {  	s6 =	sshll.u32 @p0 s6, $0xE  }
0xa9: {  	s6 =	sadd.s32 @p0 $0x11B8D, s6;
	s7 =	sshll.u32 @p0 s5, $0x11  }
0xaa: {  	s6 =	sor.u32 @p0 s7, s6  }
0xab: {  	[sflag:s6] =	ssyncadd.remote.s32 @p0 $0x1;
	_ =	sdelay $0x1  }
0xac: {  	s6 =	simm.s32 @p0 $0x1B8D  }
0xad: {  	_ =	swait.eq @p0 [sflag:s6], $0x1  }
0xae: {  	[sflag:s6] =	ssyncadd.s32 @p0 $0xFFFFFFFF  }
0xaf: {  	s7 =	sshll.u32 @!p0 s1, $0xE  }
0xb0: {  	s7 =	sor.u32 @!p0 $0x4000, s7;
	s6 =	simm.s32 @!p0 $0x1B8D  }
0xb1: {  	s5 =	sshll.u32 @!p0 s5, $0x11;
	s7 =	sadd.s32 @!p0 $0x11B8D, s7;
	_ =	swait.eq @!p0 [sflag:s6], $0x1  }
0xb2: {  	s5 =	sor.u32 @!p0 s5, s7;
	[sflag:s6] =	ssyncadd.s32 @!p0 $0xFFFFFFFF  }
0xb3: {  	s25 =	simm.s32 $0x1B8E;
	s24 =	sld [smem:$0x3FFE];
	[sflag:s5] =	ssyncadd.remote.s32 @!p0 $0x1  }
0xb4: {  	s26 =	simm.s32 $execute0_lowered;
	[smem:$0x3FD2] =	sst s25  }
0xb5: {  	s6 =	sshll.u32 s26, $0x1;
	_ =	strace $0x80000049;
	[dreg:$0x1] =	wrdreg $0xFFFFFFFF  }
0xb6: {  	s28 =	simm.s32 $_size_execute0_lowered;
	s4 =	sadd.s32 s4, s6;
	[dreg:$0x0] =	wrdreg $0x0  }
0xb7: {  	s6 =	sshll.u32 s28, $0x1;
	[dreg:$0x2] =	wrdreg s4  }
0xb8: {  	[dreg:$0x3] =	wrdreg s6  }
0xb9: {  	[dreg:$0x4] =	wrdreg $0xC0  }
0xba: {  	_ =	task [dreg:s22], $0x5FFFF  }
0xbb: {  	[dreg:$0x1] =	wrdreg $0xFFFFFFFF  }
0xbc: {  	[dreg:$0x0] =	wrdreg $0x60  }
0xbd: {  	[dreg:$0x2] =	wrdreg s18  }
0xbe: {  	[dreg:$0x3] =	wrdreg s24  }
0xbf: {  	[dreg:$0x4] =	wrdreg $0xA8000  }
0xc0: {  	[dreg:$0x5] =	wrdreg $0x9  }
0xc1: {  	_ =	task.clear_ibuf [dreg:s22], $0x6FFFF;
	_ =	strace $0x90000049  }
0xc2: {  	s29 =	simm.s32 $0x9;
	_ =	strace $0x8000004B  }
0xc3: {  	_ =	swait.ge [sflag:s29], $0x1  }
0xc4: {  	[sflag:s29] =	ssyncadd.s32 $0xFFFFFFFF  }
0xc5: {  	_ =	strace $0x9000004B  }
0xc6: {  	_ =	sfence  }
0xc7: {  	s30 =	sld [smem:$0x0];
	_ =	sdelay $0x2  }
0xc8: {  	s31 =	sshll.u32 s1, $0xD;
	s1 =	sshrl.u32 s1, $0x2  }
0xc9: {  	s4 =	sand.u32 $0x4000, s31;
	s1 =	sadd.s32 s1, s30  }
0xca: {  	s0 =	sor.u32 s4, s0;
	s1 =	sshll.u32 s1, $0x11  }
0xcb: {  	s0 =	sor.u32 s1, s0  }
0xcc: {  	s0 =	sadd.s32 $0x8F2B, s0  }
0xcd: {  	[sflag:s0] =	ssyncadd.remote.s32 $0x1  }
0xce: {  	_ =	sfence.sel $0xFFFF  }
0xcf: {  	[dreg:$0x0] =	wrdreg $0xFFFFFFFF;
	(pc) =	sbr.abs _section_cstart, $3  }
0xd0: {  	[dreg:$0x1] =	wrdreg $0xFFFFFFFF  }
0xd1: {  	_ =	task.clear_ibuf [dreg:s22], $0x2FFFF;
	_ =	strace $0x9FFFFFFF  }
0xd2: {  	(tm) =	ssettm $0x7FFFFFFF  }
0xd3: {  	_ =	shalt  }
tec
execute0_lowered:
.L_overlay_start_1:
0x0: {  	(tag) =	ssettag $0x1  }
0x1: {  	s1 =	rddreg [dreg:$0x0]  }
0x2: {  	s10 =	rddreg [dreg:$0x1]  }
0x3: {  	s2 =	rddreg [dreg:$0x2]  }
0x4: {  	s3 =	srdreg.scid;
	s0 =	rddreg [dreg:$0x3];
	s4 =	simm.s32 $0x0  }
0x5: {  	s16 =	simm.s32 $0x69000;
	s17 =	simm.s32 $0x2800;
	s18 =	simm.s32 $0x1  }
0x6: {  	s19 =	simm.s32 $0x6800;
	s20 =	simm.s32 $0x2;
	s21 =	simm.s32 $0x1380  }
0x7: {  	s22 =	simm.s32 $0x2700;
	s23 =	simm.s32 $0x2780;
	s24 =	simm.s32 $0x0  }
0x8: {  	s5 =	sand.u32 $0x1, s3;
	s3 =	stileid.u32;
	[smem:$0x7FF] =	sst s4  }
0x9: {  	s8 =	sadd.s32 $0x2D000, s10;
	s13 =	sadd.s32 $0x37000, s10;
	s6 =	smul.u32 $0x140000, s5  }
0xa: {  	s7 =	smul.u32 $0x14000, s3;
	_ =	strace $0x8000004A;
	s25 =	sshll.u32 s3, $0x1  }
0xb: {  	s9 =	ssub.s32 $0x2, s5;
	s11 =	smul.u32 $0x50000, s3;
	p0 =	seq.s32 s5, $0x1  }
0xc: {  	s28 =	smul.u32 $0x2800, s3;
	s31 =	sshll.u32 s3, $0x6;
	s12 =	sshrl.u32 s9, $0x1  }
0xd: {  	s16 =	simm.s32 @!p0 $0x41000;
	s6 =	sadd.s32 s7, s6;
	s7 =	sor.u32 s5, s25  }
0xe: {  	s12 =	ssub.s32 s9, s12;
	s26 =	sshrl.u32 s11, $0x2;
	s30 =	sadd.s32 s16, s10  }
0xf: {  	s16 =	simm.s32 $0x80;
	s6 =	sshrl.u32 s6, $0x3;
	s7 =	smul.u32 $0x2800, s7  }
0x10: {  	s15 =	sadd.s32 s26, s2;
	s11 =	sadd.s32 s30, s28;
	s14 =	sadd.s32 s6, s10  }
0x11: {  	s10 =	smax.u32 s12, $0x1;
	s12 =	sor.u32 $0x1C03, s31;
	s7 =	sshrl.u32 s7, $0x3  }
0x12: {  	s9 =	sadd.s32 $0x91000, s14;
	s14 =	simm.s32 $0x3;
	s29 =	sadd.s32 $0x280, s7  }
0x13: {  	s5 =	sadd.s32 s8, s7;
	s6 =	sadd.s32 s13, s7;
	s7 =	sadd.s32 s8, s29  }
0x14: {  	s8 =	sadd.s32 s13, s29;
	s13 =	sshrl.u32 s15, $0x3;
	s15 =	simm.s32 $0x1400  }
.LBB2_1:
0x15: {  	[spmem:s13], [sflag:s12] =	dma.local [hbm:s11], $0x2800  }
0x16: {  	_ =	swait.ge [sflag:s14], $0x2800  }
0x17: {  	[sflag:s14] =	ssyncset.done $0x0  }
0x18: {  	[sflag:s14] =	ssyncadd.s32 $0xFFFFD800  }
0x19: {  	[bflag:$0x0] =	sbarrier.arrive $0xFFFF  }
0x1a: {  	[tilespmem:s4], [sflag:$0x3] =	stream.linear.gather [hbm4b:s5+s4], $0x1400, $0x38;
	[tilespmem:$0x1E800] =	vst v63  }
0x1b: {  	_ =	swait.ge [sflag:s14], $0x1400  }
0x1c: {  	[sflag:s14] =	ssyncset.done $0x0  }
0x1d: {  	[sflag:s14] =	ssyncadd.s32 $0xFFFFEC00  }
0x1e: {  	[tilespmem:s15], [sflag:$0x3] =	stream.linear.gather [hbm4b:s6+s4], $0x1400, $0x38;
	[tilespmem:$0x1E800] =	vst v63  }
0x1f: {  	_ =	swait.ge [sflag:s14], $0x1400  }
0x20: {  	[sflag:s14] =	ssyncset.done $0x0  }
0x21: {  	[sflag:s14] =	ssyncadd.s32 $0xFFFFEC00  }
0x22: {  	[tilespmem:s17], [sflag:$0x1] =	stream.indirect.gather [hbm4b:s1+s16], $0x80, s4, s16, $0xb8;
	[tilespmem:$0x1E800] =	vst v63  }
0x23: {  	_ =	swait.ge [sflag:s18], $0x4000  }
0x24: {  	[sflag:s18] =	ssyncset.done $0x0  }
0x25: {  	s25 =	simm.s32 $0x80;
	[sflag:s18] =	ssyncadd.s32 $0xFFFFC000  }
0x26: {  	[tilespmem:s19], [sflag:$0x2] =	stream.indirect.gather [hbm4b:s1+s16], $0x80, s25, s16, $0xb8;
	[tilespmem:$0x1E800] =	vst v63  }
0x27: {  	s29 =	simm.s32 $0x1400  }
0x28: {  	[spmem:s2] =	stream.indirect.scatter.add.f32 [tilespmem:s17], [sflag:$0x3], $0x80, s29, s16, $0xb8;
	[tilespmem:$0x1E800] =	vst v63  }
0x29: {  	_ =	swait.ge [sflag:s14], $0x4000  }
0x2a: {  	[sflag:s14] =	ssyncset.done $0x0  }
0x2b: {  	[sflag:s14] =	ssyncadd.s32 $0xFFFFC000  }
0x2c: {  	_ =	swait.ge [sflag:s20], $0x4000  }
0x2d: {  	[sflag:s20] =	ssyncset.done $0x0  }
0x2e: {  	s30 =	simm.s32 $0x100;
	[sflag:s20] =	ssyncadd.s32 $0xFFFFC000  }
0x2f: {  	[tilespmem:s17], [sflag:$0x1] =	stream.indirect.gather [hbm4b:s1+s16], $0x80, s30, s16, $0xb8;
	[tilespmem:$0x1E800] =	vst v63  }
0x30: {  	s31 =	simm.s32 $0x1480  }
0x31: {  	[spmem:s2] =	stream.indirect.scatter.add.f32 [tilespmem:s19], [sflag:$0x3], $0x80, s31, s16, $0xb8;
	[tilespmem:$0x1E800] =	vst v63  }
0x32: {  	_ =	swait.ge [sflag:s14], $0x4000  }
0x33: {  	s25 =	simm.s32 $0x400;
	[sflag:s14] =	ssyncset.done $0x0  }
.LBB2_2:
0x34: {  	p0 =	sne.s32 s25, $0x4800  }
0x35: {  	[sflag:s14] =	ssyncadd.s32 $0xFFFFC000;
	s26 =	smov.u32 s25;
	s25 =	sadd.s32 $0x400, s25  }
0x36: {  	_ = 	snop  }
0x37: {  	_ =	swait.ge [sflag:s18], $0x4000  }
0x38: {  	s26 =	sshra.s32 s26, $0x2;
	[sflag:s18] =	ssyncset.done $0x0  }
0x39: {  	s28 =	sadd.s32 $0x80, s26;
	[sflag:s18] =	ssyncadd.s32 $0xFFFFC000  }
0x3a: {  	[tilespmem:s19], [sflag:$0x2] =	stream.indirect.gather [hbm4b:s1+s16], $0x80, s28, s16, $0xb8;
	[tilespmem:$0x1E800] =	vst v63  }
0x3b: {  	s28 =	sadd.s32 $0x1400, s26  }
0x3c: {  	[spmem:s2] =	stream.indirect.scatter.add.f32 [tilespmem:s17], [sflag:$0x3], $0x80, s28, s16, $0xb8;
	[tilespmem:$0x1E800] =	vst v63  }
0x3d: {  	_ =	swait.ge [sflag:s14], $0x4000  }
0x3e: {  	[sflag:s14] =	ssyncset.done $0x0  }
0x3f: {  	[sflag:s14] =	ssyncadd.s32 $0xFFFFC000  }
0x40: {  	_ =	swait.ge [sflag:s20], $0x4000  }
0x41: {  	[sflag:s20] =	ssyncset.done $0x0  }
0x42: {  	s28 =	sadd.s32 $0x100, s26;
	[sflag:s20] =	ssyncadd.s32 $0xFFFFC000  }
0x43: {  	[tilespmem:s17], [sflag:$0x1] =	stream.indirect.gather [hbm4b:s1+s16], $0x80, s28, s16, $0xb8;
	[tilespmem:$0x1E800] =	vst v63  }
.Ltmp0:
0x44: {  	_ = 	snop;
	(pc) =	sbr.rel @p0 .LBB2_2-.Ltmp0, $4  }
0x45: {  	s26 =	sadd.s32 $0x1480, s26  }
0x46: {  	[spmem:s2] =	stream.indirect.scatter.add.f32 [tilespmem:s19], [sflag:$0x3], $0x80, s26, s16, $0xb8;
	[tilespmem:$0x1E800] =	vst v63  }
0x47: {  	_ =	swait.ge [sflag:s14], $0x4000  }
0x48: {  	[sflag:s14] =	ssyncset.done $0x0  }
0x49: {  	[sflag:s14] =	ssyncadd.s32 $0xFFFFC000  }
0x4a: {  	_ =	swait.ge [sflag:s18], $0x4000  }
0x4b: {  	[sflag:s18] =	ssyncset.done $0x0  }
0x4c: {  	[sflag:s18] =	ssyncadd.s32 $0xFFFFC000  }
0x4d: {  	[tilespmem:s19], [sflag:$0x2] =	stream.indirect.gather [hbm4b:s1+s16], $0x80, s21, s16, $0xb8;
	[tilespmem:$0x1E800] =	vst v63  }
0x4e: {  	_ = 	snop  }
0x4f: {  	[spmem:s2] =	stream.indirect.scatter.add.f32 [tilespmem:s17], [sflag:$0x3], $0x80, s22, s16, $0xb8;
	[tilespmem:$0x1E800] =	vst v63  }
0x50: {  	_ =	swait.ge [sflag:s14], $0x4000  }
0x51: {  	[sflag:s14] =	ssyncset.done $0x0  }
0x52: {  	[sflag:s14] =	ssyncadd.s32 $0xFFFFC000  }
0x53: {  	_ =	swait.ge [sflag:s20], $0x4000  }
0x54: {  	[sflag:s20] =	ssyncset.done $0x0  }
0x55: {  	[sflag:s20] =	ssyncadd.s32 $0xFFFFC000  }
0x56: {  	[spmem:s2] =	stream.indirect.scatter.add.f32 [tilespmem:s19], [sflag:$0x3], $0x80, s23, s16, $0xb8;
	[tilespmem:$0x1E800] =	vst v63  }
0x57: {  	_ =	swait.ge [sflag:s14], $0x4000  }
0x58: {  	[sflag:s14] =	ssyncset.done $0x0  }
0x59: {  	s25 =	simm.s32 $0x0;
	[sflag:s14] =	ssyncadd.s32 $0xFFFFC000  }
0x5a: {  	[tilespmem:s25], [sflag:$0x3] =	stream.linear.gather [hbm4b:s7+s25], $0x1400, $0x38;
	[tilespmem:$0x1E800] =	vst v63  }
0x5b: {  	_ =	swait.ge [sflag:s14], $0x1400  }
0x5c: {  	[sflag:s14] =	ssyncset.done $0x0  }
0x5d: {  	[sflag:s14] =	ssyncadd.s32 $0xFFFFEC00  }
0x5e: {  	[tilespmem:s15], [sflag:$0x3] =	stream.linear.gather [hbm4b:s8+s25], $0x1400, $0x38;
	[tilespmem:$0x1E800] =	vst v63  }
0x5f: {  	_ =	swait.ge [sflag:s14], $0x1400  }
0x60: {  	[sflag:s14] =	ssyncset.done $0x0  }
0x61: {  	[sflag:s14] =	ssyncadd.s32 $0xFFFFEC00  }
0x62: {  	[tilespmem:s17], [sflag:$0x1] =	stream.indirect.gather [hbm4b:s1+s16], $0x80, s25, s16, $0xb8;
	[tilespmem:$0x1E800] =	vst v63  }
0x63: {  	_ =	swait.ge [sflag:s18], $0x4000  }
0x64: {  	[sflag:s18] =	ssyncset.done $0x0  }
0x65: {  	s28 =	simm.s32 $0x80;
	[sflag:s18] =	ssyncadd.s32 $0xFFFFC000  }
0x66: {  	[tilespmem:s19], [sflag:$0x2] =	stream.indirect.gather [hbm4b:s1+s16], $0x80, s28, s16, $0xb8;
	[tilespmem:$0x1E800] =	vst v63  }
0x67: {  	s29 =	simm.s32 $0x1400  }
0x68: {  	[spmem:s2] =	stream.indirect.scatter.add.f32 [tilespmem:s17], [sflag:$0x3], $0x80, s29, s16, $0xb8;
	[tilespmem:$0x1E800] =	vst v63  }
0x69: {  	_ =	swait.ge [sflag:s14], $0x4000  }
0x6a: {  	[sflag:s14] =	ssyncset.done $0x0  }
0x6b: {  	[sflag:s14] =	ssyncadd.s32 $0xFFFFC000  }
0x6c: {  	_ =	swait.ge [sflag:s20], $0x4000  }
0x6d: {  	[sflag:s20] =	ssyncset.done $0x0  }
0x6e: {  	s30 =	simm.s32 $0x100;
	[sflag:s20] =	ssyncadd.s32 $0xFFFFC000  }
0x6f: {  	[tilespmem:s17], [sflag:$0x1] =	stream.indirect.gather [hbm4b:s1+s16], $0x80, s30, s16, $0xb8;
	[tilespmem:$0x1E800] =	vst v63  }
0x70: {  	s31 =	simm.s32 $0x1480  }
0x71: {  	[spmem:s2] =	stream.indirect.scatter.add.f32 [tilespmem:s19], [sflag:$0x3], $0x80, s31, s16, $0xb8;
	[tilespmem:$0x1E800] =	vst v63  }
0x72: {  	_ =	swait.ge [sflag:s14], $0x4000  }
0x73: {  	s25 =	simm.s32 $0x400;
	[sflag:s14] =	ssyncset.done $0x0  }
.LBB2_4:
0x74: {  	p0 =	sne.s32 s25, $0x4800  }
0x75: {  	[sflag:s14] =	ssyncadd.s32 $0xFFFFC000;
	s26 =	smov.u32 s25;
	s25 =	sadd.s32 $0x400, s25  }
0x76: {  	_ = 	snop  }
0x77: {  	_ =	swait.ge [sflag:s18], $0x4000  }
0x78: {  	s26 =	sshra.s32 s26, $0x2;
	[sflag:s18] =	ssyncset.done $0x0  }
0x79: {  	s28 =	sadd.s32 $0x80, s26;
	[sflag:s18] =	ssyncadd.s32 $0xFFFFC000  }
0x7a: {  	[tilespmem:s19], [sflag:$0x2] =	stream.indirect.gather [hbm4b:s1+s16], $0x80, s28, s16, $0xb8;
	[tilespmem:$0x1E800] =	vst v63  }
0x7b: {  	s28 =	sadd.s32 $0x1400, s26  }
0x7c: {  	[spmem:s2] =	stream.indirect.scatter.add.f32 [tilespmem:s17], [sflag:$0x3], $0x80, s28, s16, $0xb8;
	[tilespmem:$0x1E800] =	vst v63  }
0x7d: {  	_ =	swait.ge [sflag:s14], $0x4000  }
0x7e: {  	[sflag:s14] =	ssyncset.done $0x0  }
0x7f: {  	[sflag:s14] =	ssyncadd.s32 $0xFFFFC000  }
0x80: {  	_ =	swait.ge [sflag:s20], $0x4000  }
0x81: {  	[sflag:s20] =	ssyncset.done $0x0  }
0x82: {  	s28 =	sadd.s32 $0x100, s26;
	[sflag:s20] =	ssyncadd.s32 $0xFFFFC000  }
0x83: {  	[tilespmem:s17], [sflag:$0x1] =	stream.indirect.gather [hbm4b:s1+s16], $0x80, s28, s16, $0xb8;
	[tilespmem:$0x1E800] =	vst v63  }
.Ltmp1:
0x84: {  	_ = 	snop;
	(pc) =	sbr.rel @p0 .LBB2_4-.Ltmp1, $4  }
0x85: {  	s26 =	sadd.s32 $0x1480, s26  }
0x86: {  	[spmem:s2] =	stream.indirect.scatter.add.f32 [tilespmem:s19], [sflag:$0x3], $0x80, s26, s16, $0xb8;
	[tilespmem:$0x1E800] =	vst v63  }
0x87: {  	_ =	swait.ge [sflag:s14], $0x4000  }
0x88: {  	[sflag:s14] =	ssyncset.done $0x0  }
0x89: {  	[sflag:s14] =	ssyncadd.s32 $0xFFFFC000  }
0x8a: {  	_ =	swait.ge [sflag:s18], $0x4000  }
0x8b: {  	[sflag:s18] =	ssyncset.done $0x0  }
0x8c: {  	[sflag:s18] =	ssyncadd.s32 $0xFFFFC000  }
0x8d: {  	[tilespmem:s19], [sflag:$0x2] =	stream.indirect.gather [hbm4b:s1+s16], $0x80, s21, s16, $0xb8;
	[tilespmem:$0x1E800] =	vst v63  }
0x8e: {  	_ = 	snop  }
0x8f: {  	[spmem:s2] =	stream.indirect.scatter.add.f32 [tilespmem:s17], [sflag:$0x3], $0x80, s22, s16, $0xb8;
	[tilespmem:$0x1E800] =	vst v63  }
0x90: {  	_ =	swait.ge [sflag:s14], $0x4000  }
0x91: {  	[sflag:s14] =	ssyncset.done $0x0  }
0x92: {  	[sflag:s14] =	ssyncadd.s32 $0xFFFFC000  }
0x93: {  	_ =	swait.ge [sflag:s20], $0x4000  }
0x94: {  	[sflag:s20] =	ssyncset.done $0x0  }
0x95: {  	[sflag:s20] =	ssyncadd.s32 $0xFFFFC000  }
0x96: {  	[spmem:s2] =	stream.indirect.scatter.add.f32 [tilespmem:s19], [sflag:$0x3], $0x80, s23, s16, $0xb8;
	[tilespmem:$0x1E800] =	vst v63  }
0x97: {  	_ =	swait.ge [sflag:s14], $0x4000  }
0x98: {  	s24 =	sadd.s32 $0x1, s24;
	[sflag:s14] =	ssyncset.done $0x0  }
0x99: {  	p0 =	sne.s32 s24, s10;
	[sflag:s14] =	ssyncadd.s32 $0xFFFFC000  }
.Ltmp2:
0x9a: {  	[bflag:$0x0] =	sbarrier.arrive $0xFFFF;
	(pc) =	sbr.rel @p0 .LBB2_1-.Ltmp2, $4  }
0x9b: {  	[hbm:s9], [sflag:s12] =	dma.local [spmem:s13], $0x2800  }
0x9c: {  	_ =	swait.ge [sflag:s14], $0x2800  }
0x9d: {  	[sflag:s14] =	ssyncset.done $0x0  }
0x9e: {  	[sflag:s14] =	ssyncadd.s32 $0xFFFFD800  }
0x9f: {  	_ =	sfence.sel $0x180000  }
0xa0: {  	[bflag:$0x0] =	sbarrier.arrive $0xFFFF  }
0xa1: {  	p0 =	sne.s32 s3, $0x0;
	_ =	strace $0x9000004A  }
0xa2: {  	s0 =	sadd.s32 @!p0 $0x100000, s0;
	[bflag:$0x2] =	sbarrier.arrive $0xFFFF  }
0xa3: {  	[sflag:s0] =	ssyncadd.tile.s32 @!p0 $0x1;
	_ =	shalt  }
.Lfunc_end2:
_tile_overlayer_lowered:
.L_overlay_start_2:
0xa4: {  	(tag) =	ssettag $0x2  }
0xa5: {  	s0 =	rddreg [dreg:$0x0];
	s2 =	stileid.u32  }
0xa6: {  	s1 =	rddreg [dreg:$0x1];
	p0 =	sne.s32 s2, $0x0  }
0xa7: {  	s3 =	rddreg [dreg:$0x2];
	[bflag:$0x3] =	sbarrier.arrive $0xFFFF;
	s2 =	simm.s32 @!p0 $0x1C03  }
0xa8: {  	[timem:s3], [sflag:s2] =	dma.local @!p0 [hbm:s0], s1  }
0xa9: {  	s0 =	simm.s32 @!p0 $0x3  }
0xaa: {  	_ =	swait.ge @!p0 [sflag:s0], s1  }
0xab: {  	s1 =	ssub.s32 @!p0 $0x0, s1;
	[sflag:s0] =	ssyncset.done @!p0 $0x0  }
0xac: {  	[sflag:s0] =	ssyncadd.s32 @!p0 s1  }
0xad: {  	[bflag:$0x3] =	sbarrier.arrive $0xFFFF  }
0xae: {  	_ =	shalt  }

// kernel: kernel.20.cloned.1.call-start
scs
__scs_entry_jumppad:
0x0: {  	(pc) =	sbr.rel $0x88, $3  }
0x1: {  	(tag) =	ssettag $0x0;
	lr =	simm.s32 $0x1  }
0x2: {  	[smem:$0x3F96] =	sst lr;
	_ =	strace $0xD0000000  }
0x3: {  	_ = 	snop  }
0x4: {  	_ = 	snop  }
0x5: {  	_ = 	snop  }
0x6: {  	_ = 	snop  }
0x7: {  	_ = 	snop  }
__scs_overlays_trampoline_lowered:
0x8: {  	[smem:$0x3FA5] =	sst s0  }
0x9: {  	[smem:$0x3FA6] =	sst s1  }
0xa: {  	[smem:$0x3FA7] =	sst s2  }
0xb: {  	[smem:$0x3FA8] =	sst s3  }
0xc: {  	[smem:$0x3FA9] =	sst s4  }
0xd: {  	[smem:$0x3FAA] =	sst s5  }
0xe: {  	[smem:$0x3FAB] =	sst s6  }
0xf: {  	[smem:$0x3FAC] =	sst s7  }
0x10: {  	[smem:$0x3FAD] =	sst s8  }
0x11: {  	[smem:$0x3FAE] =	sst s9;
	s0 =	simm.s32 @!p0 $0x0  }
0x12: {  	s1 =	sld [smem:$0x3F94];
	s0 =	simm.s32 @p0 $0x1  }
0x13: {  	[smem:$0x3FAF] =	sst s0;
	s0 =	simm.s32 @!p1 $0x0  }
0x14: {  	s2 =	sld [smem:$0x3F93];
	s0 =	simm.s32 @p1 $0x1  }
0x15: {  	[smem:$0x3FB0] =	sst s0;
	s0 =	simm.s32 @!p2 $0x0  }
0x16: {  	s3 =	sld [smem:$0x3FDB];
	s0 =	simm.s32 @p2 $0x1  }
0x17: {  	s4 =	simm.s32 $0x1BF5;
	[smem:$0x3FB2] =	sst s0  }
0x18: {  	s0 =	sld [smem:$0x3F95];
	_ =	swait.ge [sflag:s4], $0x0  }
0x19: {  	s7 =	sld [smem:$0x3F96]  }
0x1a: {  	s8 =	sadd.s32 $0xFFFFE003, lr  }
0x1b: {  	s9 =	sadd.s32 $0xFFFFFEF7, lr;
	s5 =	simm.s32 $0xFFFFFFFF;
	p2 =	slt.u32 s8, $0xFFFFF086  }
0x1c: {  	p1 =	slt.u32 s9, $0xF7A;
	s5 =	simm.s32 @!p2 $0x0  }
0x1d: {  	s5 =	simm.s32 @p1 $0x1;
	p0 =	seq.s32 s7, s2  }
0x1e: {  	s7 =	smul.u32 @!p0 $0xF7A, s2;
	p2 =	seq.s32 @!p0 s5, $0x0  }
0x1f: {  	s9 =	smul.u32 $0xF7A, s1;
	s8 =	simm.s32 @!p0 $0x1BF5;
	p2 =	por !p2, p0  }
0x20: {  	[sflag:s8] =	ssyncset.s32 @!p0 $0xFFFFF086;
	s6 =	sadd.s32 @!p0 s3, s7;
	s7 =	simm.s32 @!p0 $0x108  }
0x21: {  	s3 =	sadd.s32 s3, s9;
	s6 =	sadd.s32 @!p0 $0x88, s6;
	s7 =	simm.s32 @p2 $0x1082  }
0x22: {  	[simem:s7], [sflag:s8] =	dma.local @!p0 [hbm:s6], $0xF7A  }
0x23: {  	s9 =	sor.u32 $0xD0000000, s2;
	s6 =	simm.s32 $0x108;
	_ =	swait.ge @!p0 [sflag:s8], $0x0  }
0x24: {  	s3 =	sadd.s32 $0x88, s3;
	s6 =	simm.s32 @!p1 $0x1082;
	[sflag:s4] =	ssyncset.s32 $0xFFFFF086  }
0x25: {  	[simem:s6], [sflag:s4] =	dma.local [hbm:s3], $0xF7A  }
0x26: {  	[smem:$0x3F96] =	sst s1;
	(tag) =	ssettag s2;
	_ =	strace s9  }
0x27: {  	s1 =	sld [smem:$0x3FA6]  }
0x28: {  	s2 =	sld [smem:$0x3FA7]  }
0x29: {  	s4 =	sld [smem:$0x3FA9]  }
0x2a: {  	p0 =	seq.s32 s5, $0x0;
	s5 =	sld [smem:$0x3FAA]  }
0x2b: {  	s6 =	sld [smem:$0x3FAB]  }
0x2c: {  	s7 =	sld [smem:$0x3FAC]  }
0x2d: {  	s3 =	simm.s32 $0x108;
	s8 =	sld [smem:$0x3FAD]  }
0x2e: {  	s3 =	simm.s32 @!p0 $0x1082;
	s9 =	sld [smem:$0x3FAE]  }
0x2f: {  	lr =	sadd.s32 s0, s3;
	s0 =	sld [smem:$0x3FA5]  }
0x30: {  	s3 =	sld [smem:$0x3FA8]  }
0x31: {  	[smem:$0x3FB1] =	sst s10  }
0x32: {  	s10 =	sld [smem:$0x3FAF];
	_ =	sdelay $0x3  }
0x33: {  	p0 =	seq.s32 s10, $0x1;
	s10 =	sld [smem:$0x3FB1];
	_ =	sdelay $0x3  }
0x34: {  	[smem:$0x3FB1] =	sst s10  }
0x35: {  	s10 =	sld [smem:$0x3FB0];
	_ =	sdelay $0x3  }
0x36: {  	p1 =	seq.s32 s10, $0x1;
	s10 =	sld [smem:$0x3FB1];
	_ =	sdelay $0x3  }
0x37: {  	[smem:$0x3FB1] =	sst s10  }
0x38: {  	s10 =	sld [smem:$0x3FB2]  }
0x39: {  	_ = 	snop;
	(pc) =	sbr.ind lr, $3  }
0x3a: {  	_ = 	snop  }
0x3b: {  	_ = 	snop  }
0x3c: {  	p2 =	seq.s32 s10, $0x1;
	s10 =	sld [smem:$0x3FB1]  }
0x3d: {  	_ =	shalt  }
0x3e: {  	_ =	shalt  }
0x3f: {  	_ =	shalt  }
0x40: {  	_ =	shalt  }
0x41: {  	_ =	shalt  }
0x42: {  	_ =	shalt  }
0x43: {  	_ =	shalt  }
0x44: {  	_ =	shalt  }
0x45: {  	_ =	shalt  }
0x46: {  	_ =	shalt  }
0x47: {  	_ =	shalt  }
0x48: {  	_ =	shalt  }
0x49: {  	_ =	shalt  }
0x4a: {  	_ =	shalt  }
0x4b: {  	_ =	shalt  }
0x4c: {  	_ =	shalt  }
0x4d: {  	_ =	shalt  }
0x4e: {  	_ =	shalt  }
0x4f: {  	_ =	shalt  }
0x50: {  	_ =	shalt  }
0x51: {  	_ =	shalt  }
0x52: {  	_ =	shalt  }
0x53: {  	_ =	shalt  }
0x54: {  	_ =	shalt  }
0x55: {  	_ =	shalt  }
0x56: {  	_ =	shalt  }
0x57: {  	_ =	shalt  }
0x58: {  	_ =	shalt  }
0x59: {  	_ =	shalt  }
0x5a: {  	_ =	shalt  }
0x5b: {  	_ =	shalt  }
0x5c: {  	_ =	shalt  }
0x5d: {  	_ =	shalt  }
0x5e: {  	_ =	shalt  }
0x5f: {  	_ =	shalt  }
0x60: {  	_ =	shalt  }
0x61: {  	_ =	shalt  }
0x62: {  	_ =	shalt  }
0x63: {  	_ =	shalt  }
0x64: {  	_ =	shalt  }
0x65: {  	_ =	shalt  }
0x66: {  	_ =	shalt  }
0x67: {  	_ =	shalt  }
0x68: {  	_ =	shalt  }
0x69: {  	_ =	shalt  }
0x6a: {  	_ =	shalt  }
0x6b: {  	_ =	shalt  }
0x6c: {  	_ =	shalt  }
0x6d: {  	_ =	shalt  }
0x6e: {  	_ =	shalt  }
0x6f: {  	_ =	shalt  }
0x70: {  	_ =	shalt  }
0x71: {  	_ =	shalt  }
0x72: {  	_ =	shalt  }
0x73: {  	_ =	shalt  }
0x74: {  	_ =	shalt  }
0x75: {  	_ =	shalt  }
0x76: {  	_ =	shalt  }
0x77: {  	_ =	shalt  }
0x78: {  	_ =	shalt  }
0x79: {  	_ =	shalt  }
0x7a: {  	_ =	shalt  }
0x7b: {  	_ =	shalt  }
0x7c: {  	_ =	shalt  }
0x7d: {  	_ =	shalt  }
0x7e: {  	_ =	shalt  }
0x7f: {  	_ =	shalt  }
0x80: {  	_ =	shalt  }
0x81: {  	_ =	shalt  }
0x82: {  	_ =	shalt  }
0x83: {  	_ =	shalt  }
0x84: {  	_ =	shalt  }
0x85: {  	_ =	shalt  }
0x86: {  	_ =	shalt  }
0x87: {  	_ =	shalt  }
.Lfunc_end0:
.L_simem_size_0:
called_computation.2_lowered:
.L_overlay_start_0:
0x88: {  	s2 =	sld [smem:$0x3FD9]  }
0x89: {  	s3 =	sld [smem:$0x3FFE];
	_ =	sdelay $0x1  }
0x8a: {  	s1 =	srdreg.scid  }
0x8b: {  	s0 =	sand.u32 $0x1, s1  }
0x8c: {  	s17 =	sshll.u32 s0, $0xA;
	s2 =	sadd.s32 s3, s2  }
0x8d: {  	s2 =	sadd.s32 s2, s17  }
0x8e: {  	[smem:$0x3FBD] =	sst s2  }
0x8f: {  	_ = 	snop  }
0x90: {  	(tm) =	ssettm $0x1  }
0x91: {  	s18 =	sld [smem:$0x3FFB];
	_ =	sdelay $0x3  }
0x92: {  	_ =	strace s18  }
0x93: {  	s2 =	sld [smem:$0x3FFC];
	_ =	sdelay $0x3  }
0x94: {  	_ =	strace s2  }
0x95: {  	s2 =	sld [smem:$0x3FFD];
	_ =	sdelay $0x3  }
0x96: {  	_ =	strace s2  }
0x97: {  	_ =	strace $0x8FFFFFFF  }
0x98: {  	s19 =	sld [smem:$0x3FDB];
	_ =	sdelay $0x1  }
0x99: {  	s20 =	simm.s32 $_scs_section_size  }
0x9a: {  	s4 =	simm.s32 $_size__tile_overlayer_lowered;
	s5 =	simm.s32 $_tile_overlayer_lowered  }
0x9b: {  	s6 =	simm.s32 $0x1BFF;
	s21 =	sshll.u32 s5, $0x1;
	s3 =	sadd.s32 s20, s19  }
0x9c: {  	s22 =	simm.s32 $0x0;
	s4 =	sshll.u32 s4, $0x1;
	s5 =	sadd.s32 s21, s3  }
0x9d: {  	[timem:s22], [sflag:s6] =	dma.local [hbm:s5], s4  }
0x9e: {  	_ =	swait.ge [sflag:s6], s4  }
0x9f: {  	s4 =	ssub.s32 $0x0, s4;
	[sflag:s6] =	ssyncset.done $0x0  }
0xa0: {  	[sflag:s6] =	ssyncadd.s32 s4;
	_ =	sdelay $0x1  }
0xa1: {  	s23 =	simm.s32 $0x1B8B  }
0xa2: {  	_ =	swait.ge [sflag:s23], $0x1  }
0xa3: {  	[sflag:s23] =	ssyncset.done $0x0  }
0xa4: {  	[sflag:s23] =	ssyncadd.s32 $0xFFFFFFFF  }
0xa5: {  	s4 =	sld [smem:$0x0]  }
0xa6: {  	s5 =	sand.u32 $0xFFFFFFFE, s1  }
0xa7: {  	p0 =	sne.s32 s1, s5  }
0xa8: {  	s5 =	sshll.u32 @p0 s5, $0xE  }
0xa9: {  	s5 =	sadd.s32 @p0 $0x11B8D, s5;
	s6 =	sshll.u32 @p0 s4, $0x11  }
0xaa: {  	s5 =	sor.u32 @p0 s6, s5  }
0xab: {  	[sflag:s5] =	ssyncadd.remote.s32 @p0 $0x1;
	_ =	sdelay $0x1  }
0xac: {  	s5 =	simm.s32 @p0 $0x1B8D  }
0xad: {  	_ =	swait.eq @p0 [sflag:s5], $0x1  }
0xae: {  	[sflag:s5] =	ssyncadd.s32 @p0 $0xFFFFFFFF  }
0xaf: {  	s6 =	sshll.u32 @!p0 s1, $0xE  }
0xb0: {  	s6 =	sor.u32 @!p0 $0x4000, s6;
	s5 =	simm.s32 @!p0 $0x1B8D  }
0xb1: {  	s4 =	sshll.u32 @!p0 s4, $0x11;
	s6 =	sadd.s32 @!p0 $0x11B8D, s6;
	_ =	swait.eq @!p0 [sflag:s5], $0x1  }
0xb2: {  	s4 =	sor.u32 @!p0 s4, s6;
	[sflag:s5] =	ssyncadd.s32 @!p0 $0xFFFFFFFF  }
0xb3: {  	s25 =	simm.s32 $0x1B8E;
	s24 =	sld [smem:$0x3FFE];
	[sflag:s4] =	ssyncadd.remote.s32 @!p0 $0x1  }
0xb4: {  	s26 =	simm.s32 $execute0_lowered;
	[smem:$0x3FD2] =	sst s25  }
0xb5: {  	s5 =	sshll.u32 s26, $0x1;
	_ =	strace $0x8000004C;
	[dreg:$0x1] =	wrdreg $0xFFFFFFFF  }
0xb6: {  	s28 =	simm.s32 $_size_execute0_lowered;
	s3 =	sadd.s32 s3, s5;
	[dreg:$0x0] =	wrdreg $0x0  }
0xb7: {  	s5 =	sshll.u32 s28, $0x1;
	[dreg:$0x2] =	wrdreg s3  }
0xb8: {  	[dreg:$0x3] =	wrdreg s5  }
0xb9: {  	[dreg:$0x4] =	wrdreg $0xC0  }
0xba: {  	_ =	task [dreg:s22], $0x5FFFF  }
0xbb: {  	[dreg:$0x1] =	wrdreg $0xFFFFFFFF  }
0xbc: {  	[dreg:$0x0] =	wrdreg $0x60  }
0xbd: {  	[dreg:$0x2] =	wrdreg s24  }
0xbe: {  	[dreg:$0x3] =	wrdreg $0xA8000  }
0xbf: {  	[dreg:$0x4] =	wrdreg $0xA  }
0xc0: {  	_ =	task.clear_ibuf [dreg:s22], $0x5FFFF;
	_ =	strace $0x9000004C  }
0xc1: {  	s29 =	simm.s32 $0xA;
	_ =	strace $0x8000004E  }
0xc2: {  	_ =	swait.ge [sflag:s29], $0x1  }
0xc3: {  	[sflag:s29] =	ssyncadd.s32 $0xFFFFFFFF  }
0xc4: {  	_ =	strace $0x9000004E  }
0xc5: {  	_ =	sfence  }
0xc6: {  	s30 =	sld [smem:$0x0];
	_ =	sdelay $0x2  }
0xc7: {  	s31 =	sshll.u32 s1, $0xD;
	s1 =	sshrl.u32 s1, $0x2  }
0xc8: {  	s4 =	sand.u32 $0x4000, s31;
	s1 =	sadd.s32 s1, s30  }
0xc9: {  	s0 =	sor.u32 s4, s0;
	s1 =	sshll.u32 s1, $0x11  }
0xca: {  	s0 =	sor.u32 s1, s0  }
0xcb: {  	s0 =	sadd.s32 $0x8F2B, s0  }
0xcc: {  	[sflag:s0] =	ssyncadd.remote.s32 $0x1  }
0xcd: {  	_ =	sfence.sel $0xFFFF  }
0xce: {  	[dreg:$0x0] =	wrdreg $0xFFFFFFFF;
	(pc) =	sbr.abs _section_cstart, $3  }
0xcf: {  	[dreg:$0x1] =	wrdreg $0xFFFFFFFF  }
0xd0: {  	_ =	task.clear_ibuf [dreg:s22], $0x2FFFF;
	_ =	strace $0x9FFFFFFF  }
0xd1: {  	(tm) =	ssettm $0x7FFFFFFF  }
tec
execute0_lowered:
.L_overlay_start_1:
0x0: {  	(tag) =	ssettag $0x1  }
0x1: {  	s5 =	rddreg [dreg:$0x0]  }
0x2: {  	s1 =	rddreg [dreg:$0x1]  }
0x3: {  	s0 =	rddreg [dreg:$0x2]  }
0x4: {  	s3 =	simm.s32 $0x0;
	s2 =	srdreg.scid;
	s16 =	simm.s32 $0x80  }
0x5: {  	s17 =	simm.s32 $0x2800;
	s18 =	simm.s32 $0x1;
	s19 =	simm.s32 $0x6800  }
0x6: {  	s20 =	simm.s32 $0x2;
	s21 =	simm.s32 $0x1380;
	s22 =	simm.s32 $0x2700  }
0x7: {  	s23 =	simm.s32 $0x2780;
	s24 =	simm.s32 $0x0;
	[smem:$0x7FF] =	sst s3  }
0x8: {  	s6 =	sand.u32 $0x1, s2;
	s2 =	stileid.u32;
	s4 =	sadd.s32 $0x5000, s5  }
0x9: {  	s10 =	sadd.s32 $0x69000, s5;
	s9 =	sadd.s32 $0xE1000, s5;
	s7 =	smul.u32 $0x140000, s6  }
0xa: {  	s11 =	sadd.s32 $0x37000, s5;
	_ =	strace $0x8000004D;
	s8 =	smul.u32 $0x14000, s2  }
0xb: {  	s26 =	sshll.u32 s2, $0x1;
	s12 =	ssub.s32 $0x2, s6;
	s13 =	smul.u32 $0x50000, s2  }
0xc: {  	p0 =	seq.s32 s6, $0x1;
	s30 =	smul.u32 $0x2800, s2;
	s31 =	sshll.u32 s2, $0x6  }
0xd: {  	s14 =	sshrl.u32 s12, $0x1;
	s7 =	sadd.s32 s8, s7;
	s8 =	sor.u32 s6, s26  }
0xe: {  	s12 =	ssub.s32 s12, s14;
	s28 =	sshrl.u32 s13, $0x2;
	s8 =	smul.u32 $0x2800, s8  }
0xf: {  	s14 =	simm.s32 $0x3;
	s7 =	sshrl.u32 s7, $0x3;
	s13 =	sadd.s32 s28, s1  }
0x10: {  	s15 =	sadd.s32 s7, s5;
	s13 =	sshrl.u32 s13, $0x3;
	s29 =	sshrl.u32 s8, $0x3  }
0x11: {  	s5 =	sadd.s32 s9, s29;
	s8 =	sadd.s32 $0x280, s29;
	s6 =	sadd.s32 s11, s29  }
0x12: {  	s7 =	sadd.s32 s9, s8;
	s8 =	sadd.s32 s11, s8;
	s11 =	smov.u32 s4  }
0x13: {  	s9 =	sadd.s32 $0xEB000, s15;
	s15 =	simm.s32 $0x1400;
	s11 =	smov.u32 @p0 s10  }
0x14: {  	s10 =	smax.u32 s12, $0x1;
	s12 =	sor.u32 $0x1C03, s31;
	s11 =	sadd.s32 s11, s30  }
.LBB2_1:
0x15: {  	[spmem:s13], [sflag:s12] =	dma.local [hbm:s11], $0x2800  }
0x16: {  	_ =	swait.ge [sflag:s14], $0x2800  }
0x17: {  	[sflag:s14] =	ssyncset.done $0x0  }
0x18: {  	[sflag:s14] =	ssyncadd.s32 $0xFFFFD800  }
0x19: {  	[bflag:$0x0] =	sbarrier.arrive $0xFFFF  }
0x1a: {  	[tilespmem:s3], [sflag:$0x3] =	stream.linear.gather [hbm4b:s5+s3], $0x1400, $0x38;
	[tilespmem:$0x1E800] =	vst v63  }
0x1b: {  	_ =	swait.ge [sflag:s14], $0x1400  }
0x1c: {  	[sflag:s14] =	ssyncset.done $0x0  }
0x1d: {  	[sflag:s14] =	ssyncadd.s32 $0xFFFFEC00  }
0x1e: {  	[tilespmem:s15], [sflag:$0x3] =	stream.linear.gather [hbm4b:s6+s3], $0x1400, $0x38;
	[tilespmem:$0x1E800] =	vst v63  }
0x1f: {  	_ =	swait.ge [sflag:s14], $0x1400  }
0x20: {  	[sflag:s14] =	ssyncset.done $0x0  }
0x21: {  	[sflag:s14] =	ssyncadd.s32 $0xFFFFEC00  }
0x22: {  	[tilespmem:s17], [sflag:$0x1] =	stream.indirect.gather [hbm4b:s4+s16], $0x80, s3, s16, $0xb8;
	[tilespmem:$0x1E800] =	vst v63  }
0x23: {  	_ =	swait.ge [sflag:s18], $0x4000  }
0x24: {  	[sflag:s18] =	ssyncset.done $0x0  }
0x25: {  	s25 =	simm.s32 $0x80;
	[sflag:s18] =	ssyncadd.s32 $0xFFFFC000  }
0x26: {  	[tilespmem:s19], [sflag:$0x2] =	stream.indirect.gather [hbm4b:s4+s16], $0x80, s25, s16, $0xb8;
	[tilespmem:$0x1E800] =	vst v63  }
0x27: {  	s29 =	simm.s32 $0x1400  }
0x28: {  	[spmem:s1] =	stream.indirect.scatter.add.f32 [tilespmem:s17], [sflag:$0x3], $0x80, s29, s16, $0xb8;
	[tilespmem:$0x1E800] =	vst v63  }
0x29: {  	_ =	swait.ge [sflag:s14], $0x4000  }
0x2a: {  	[sflag:s14] =	ssyncset.done $0x0  }
0x2b: {  	[sflag:s14] =	ssyncadd.s32 $0xFFFFC000  }
0x2c: {  	_ =	swait.ge [sflag:s20], $0x4000  }
0x2d: {  	[sflag:s20] =	ssyncset.done $0x0  }
0x2e: {  	s30 =	simm.s32 $0x100;
	[sflag:s20] =	ssyncadd.s32 $0xFFFFC000  }
0x2f: {  	[tilespmem:s17], [sflag:$0x1] =	stream.indirect.gather [hbm4b:s4+s16], $0x80, s30, s16, $0xb8;
	[tilespmem:$0x1E800] =	vst v63  }
0x30: {  	s31 =	simm.s32 $0x1480  }
0x31: {  	[spmem:s1] =	stream.indirect.scatter.add.f32 [tilespmem:s19], [sflag:$0x3], $0x80, s31, s16, $0xb8;
	[tilespmem:$0x1E800] =	vst v63  }
0x32: {  	_ =	swait.ge [sflag:s14], $0x4000  }
0x33: {  	s25 =	simm.s32 $0x400;
	[sflag:s14] =	ssyncset.done $0x0  }
.LBB2_2:
0x34: {  	p0 =	sne.s32 s25, $0x4800  }
0x35: {  	[sflag:s14] =	ssyncadd.s32 $0xFFFFC000;
	s26 =	smov.u32 s25;
	s25 =	sadd.s32 $0x400, s25  }
0x36: {  	_ = 	snop  }
0x37: {  	_ =	swait.ge [sflag:s18], $0x4000  }
0x38: {  	s26 =	sshra.s32 s26, $0x2;
	[sflag:s18] =	ssyncset.done $0x0  }
0x39: {  	s28 =	sadd.s32 $0x80, s26;
	[sflag:s18] =	ssyncadd.s32 $0xFFFFC000  }
0x3a: {  	[tilespmem:s19], [sflag:$0x2] =	stream.indirect.gather [hbm4b:s4+s16], $0x80, s28, s16, $0xb8;
	[tilespmem:$0x1E800] =	vst v63  }
0x3b: {  	s28 =	sadd.s32 $0x1400, s26  }
0x3c: {  	[spmem:s1] =	stream.indirect.scatter.add.f32 [tilespmem:s17], [sflag:$0x3], $0x80, s28, s16, $0xb8;
	[tilespmem:$0x1E800] =	vst v63  }
0x3d: {  	_ =	swait.ge [sflag:s14], $0x4000  }
0x3e: {  	[sflag:s14] =	ssyncset.done $0x0  }
0x3f: {  	[sflag:s14] =	ssyncadd.s32 $0xFFFFC000  }
0x40: {  	_ =	swait.ge [sflag:s20], $0x4000  }
0x41: {  	[sflag:s20] =	ssyncset.done $0x0  }
0x42: {  	s28 =	sadd.s32 $0x100, s26;
	[sflag:s20] =	ssyncadd.s32 $0xFFFFC000  }
0x43: {  	[tilespmem:s17], [sflag:$0x1] =	stream.indirect.gather [hbm4b:s4+s16], $0x80, s28, s16, $0xb8;
	[tilespmem:$0x1E800] =	vst v63  }
.Ltmp0:
0x44: {  	_ = 	snop;
	(pc) =	sbr.rel @p0 .LBB2_2-.Ltmp0, $4  }
0x45: {  	s26 =	sadd.s32 $0x1480, s26  }
0x46: {  	[spmem:s1] =	stream.indirect.scatter.add.f32 [tilespmem:s19], [sflag:$0x3], $0x80, s26, s16, $0xb8;
	[tilespmem:$0x1E800] =	vst v63  }
0x47: {  	_ =	swait.ge [sflag:s14], $0x4000  }
0x48: {  	[sflag:s14] =	ssyncset.done $0x0  }
0x49: {  	[sflag:s14] =	ssyncadd.s32 $0xFFFFC000  }
0x4a: {  	_ =	swait.ge [sflag:s18], $0x4000  }
0x4b: {  	[sflag:s18] =	ssyncset.done $0x0  }
0x4c: {  	[sflag:s18] =	ssyncadd.s32 $0xFFFFC000  }
0x4d: {  	[tilespmem:s19], [sflag:$0x2] =	stream.indirect.gather [hbm4b:s4+s16], $0x80, s21, s16, $0xb8;
	[tilespmem:$0x1E800] =	vst v63  }
0x4e: {  	_ = 	snop  }
0x4f: {  	[spmem:s1] =	stream.indirect.scatter.add.f32 [tilespmem:s17], [sflag:$0x3], $0x80, s22, s16, $0xb8;
	[tilespmem:$0x1E800] =	vst v63  }
0x50: {  	_ =	swait.ge [sflag:s14], $0x4000  }
0x51: {  	[sflag:s14] =	ssyncset.done $0x0  }
0x52: {  	[sflag:s14] =	ssyncadd.s32 $0xFFFFC000  }
0x53: {  	_ =	swait.ge [sflag:s20], $0x4000  }
0x54: {  	[sflag:s20] =	ssyncset.done $0x0  }
0x55: {  	[sflag:s20] =	ssyncadd.s32 $0xFFFFC000  }
0x56: {  	[spmem:s1] =	stream.indirect.scatter.add.f32 [tilespmem:s19], [sflag:$0x3], $0x80, s23, s16, $0xb8;
	[tilespmem:$0x1E800] =	vst v63  }
0x57: {  	_ =	swait.ge [sflag:s14], $0x4000  }
0x58: {  	[sflag:s14] =	ssyncset.done $0x0  }
0x59: {  	s25 =	simm.s32 $0x0;
	[sflag:s14] =	ssyncadd.s32 $0xFFFFC000  }
0x5a: {  	[tilespmem:s25], [sflag:$0x3] =	stream.linear.gather [hbm4b:s7+s25], $0x1400, $0x38;
	[tilespmem:$0x1E800] =	vst v63  }
0x5b: {  	_ =	swait.ge [sflag:s14], $0x1400  }
0x5c: {  	[sflag:s14] =	ssyncset.done $0x0  }
0x5d: {  	[sflag:s14] =	ssyncadd.s32 $0xFFFFEC00  }
0x5e: {  	[tilespmem:s15], [sflag:$0x3] =	stream.linear.gather [hbm4b:s8+s25], $0x1400, $0x38;
	[tilespmem:$0x1E800] =	vst v63  }
0x5f: {  	_ =	swait.ge [sflag:s14], $0x1400  }
0x60: {  	[sflag:s14] =	ssyncset.done $0x0  }
0x61: {  	[sflag:s14] =	ssyncadd.s32 $0xFFFFEC00  }
0x62: {  	[tilespmem:s17], [sflag:$0x1] =	stream.indirect.gather [hbm4b:s4+s16], $0x80, s25, s16, $0xb8;
	[tilespmem:$0x1E800] =	vst v63  }
0x63: {  	_ =	swait.ge [sflag:s18], $0x4000  }
0x64: {  	[sflag:s18] =	ssyncset.done $0x0  }
0x65: {  	s28 =	simm.s32 $0x80;
	[sflag:s18] =	ssyncadd.s32 $0xFFFFC000  }
0x66: {  	[tilespmem:s19], [sflag:$0x2] =	stream.indirect.gather [hbm4b:s4+s16], $0x80, s28, s16, $0xb8;
	[tilespmem:$0x1E800] =	vst v63  }
0x67: {  	s29 =	simm.s32 $0x1400  }
0x68: {  	[spmem:s1] =	stream.indirect.scatter.add.f32 [tilespmem:s17], [sflag:$0x3], $0x80, s29, s16, $0xb8;
	[tilespmem:$0x1E800] =	vst v63  }
0x69: {  	_ =	swait.ge [sflag:s14], $0x4000  }
0x6a: {  	[sflag:s14] =	ssyncset.done $0x0  }
0x6b: {  	[sflag:s14] =	ssyncadd.s32 $0xFFFFC000  }
0x6c: {  	_ =	swait.ge [sflag:s20], $0x4000  }
0x6d: {  	[sflag:s20] =	ssyncset.done $0x0  }
0x6e: {  	s30 =	simm.s32 $0x100;
	[sflag:s20] =	ssyncadd.s32 $0xFFFFC000  }
0x6f: {  	[tilespmem:s17], [sflag:$0x1] =	stream.indirect.gather [hbm4b:s4+s16], $0x80, s30, s16, $0xb8;
	[tilespmem:$0x1E800] =	vst v63  }
0x70: {  	s31 =	simm.s32 $0x1480  }
0x71: {  	[spmem:s1] =	stream.indirect.scatter.add.f32 [tilespmem:s19], [sflag:$0x3], $0x80, s31, s16, $0xb8;
	[tilespmem:$0x1E800] =	vst v63  }
0x72: {  	_ =	swait.ge [sflag:s14], $0x4000  }
0x73: {  	s25 =	simm.s32 $0x400;
	[sflag:s14] =	ssyncset.done $0x0  }
.LBB2_4:
0x74: {  	p0 =	sne.s32 s25, $0x4800  }
0x75: {  	[sflag:s14] =	ssyncadd.s32 $0xFFFFC000;
	s26 =	smov.u32 s25;
	s25 =	sadd.s32 $0x400, s25  }
0x76: {  	_ = 	snop  }
0x77: {  	_ =	swait.ge [sflag:s18], $0x4000  }
0x78: {  	s26 =	sshra.s32 s26, $0x2;
	[sflag:s18] =	ssyncset.done $0x0  }
0x79: {  	s28 =	sadd.s32 $0x80, s26;
	[sflag:s18] =	ssyncadd.s32 $0xFFFFC000  }
0x7a: {  	[tilespmem:s19], [sflag:$0x2] =	stream.indirect.gather [hbm4b:s4+s16], $0x80, s28, s16, $0xb8;
	[tilespmem:$0x1E800] =	vst v63  }
0x7b: {  	s28 =	sadd.s32 $0x1400, s26  }
0x7c: {  	[spmem:s1] =	stream.indirect.scatter.add.f32 [tilespmem:s17], [sflag:$0x3], $0x80, s28, s16, $0xb8;
	[tilespmem:$0x1E800] =	vst v63  }
0x7d: {  	_ =	swait.ge [sflag:s14], $0x4000  }
0x7e: {  	[sflag:s14] =	ssyncset.done $0x0  }
0x7f: {  	[sflag:s14] =	ssyncadd.s32 $0xFFFFC000  }
0x80: {  	_ =	swait.ge [sflag:s20], $0x4000  }
0x81: {  	[sflag:s20] =	ssyncset.done $0x0  }
0x82: {  	s28 =	sadd.s32 $0x100, s26;
	[sflag:s20] =	ssyncadd.s32 $0xFFFFC000  }
0x83: {  	[tilespmem:s17], [sflag:$0x1] =	stream.indirect.gather [hbm4b:s4+s16], $0x80, s28, s16, $0xb8;
	[tilespmem:$0x1E800] =	vst v63  }
.Ltmp1:
0x84: {  	_ = 	snop;
	(pc) =	sbr.rel @p0 .LBB2_4-.Ltmp1, $4  }
0x85: {  	s26 =	sadd.s32 $0x1480, s26  }
0x86: {  	[spmem:s1] =	stream.indirect.scatter.add.f32 [tilespmem:s19], [sflag:$0x3], $0x80, s26, s16, $0xb8;
	[tilespmem:$0x1E800] =	vst v63  }
0x87: {  	_ =	swait.ge [sflag:s14], $0x4000  }
0x88: {  	[sflag:s14] =	ssyncset.done $0x0  }
0x89: {  	[sflag:s14] =	ssyncadd.s32 $0xFFFFC000  }
0x8a: {  	_ =	swait.ge [sflag:s18], $0x4000  }
0x8b: {  	[sflag:s18] =	ssyncset.done $0x0  }
0x8c: {  	[sflag:s18] =	ssyncadd.s32 $0xFFFFC000  }
0x8d: {  	[tilespmem:s19], [sflag:$0x2] =	stream.indirect.gather [hbm4b:s4+s16], $0x80, s21, s16, $0xb8;
	[tilespmem:$0x1E800] =	vst v63  }
0x8e: {  	_ = 	snop  }
0x8f: {  	[spmem:s1] =	stream.indirect.scatter.add.f32 [tilespmem:s17], [sflag:$0x3], $0x80, s22, s16, $0xb8;
	[tilespmem:$0x1E800] =	vst v63  }
0x90: {  	_ =	swait.ge [sflag:s14], $0x4000  }
0x91: {  	[sflag:s14] =	ssyncset.done $0x0  }
0x92: {  	[sflag:s14] =	ssyncadd.s32 $0xFFFFC000  }
0x93: {  	_ =	swait.ge [sflag:s20], $0x4000  }
0x94: {  	[sflag:s20] =	ssyncset.done $0x0  }
0x95: {  	[sflag:s20] =	ssyncadd.s32 $0xFFFFC000  }
0x96: {  	[spmem:s1] =	stream.indirect.scatter.add.f32 [tilespmem:s19], [sflag:$0x3], $0x80, s23, s16, $0xb8;
	[tilespmem:$0x1E800] =	vst v63  }
0x97: {  	_ =	swait.ge [sflag:s14], $0x4000  }
0x98: {  	s24 =	sadd.s32 $0x1, s24;
	[sflag:s14] =	ssyncset.done $0x0  }
0x99: {  	p0 =	sne.s32 s24, s10;
	[sflag:s14] =	ssyncadd.s32 $0xFFFFC000  }
.Ltmp2:
0x9a: {  	[bflag:$0x0] =	sbarrier.arrive $0xFFFF;
	(pc) =	sbr.rel @p0 .LBB2_1-.Ltmp2, $4  }
0x9b: {  	[hbm:s9], [sflag:s12] =	dma.local [spmem:s13], $0x2800  }
0x9c: {  	_ =	swait.ge [sflag:s14], $0x2800  }
0x9d: {  	[sflag:s14] =	ssyncset.done $0x0  }
0x9e: {  	[sflag:s14] =	ssyncadd.s32 $0xFFFFD800  }
0x9f: {  	_ =	sfence.sel $0x180000  }
0xa0: {  	[bflag:$0x0] =	sbarrier.arrive $0xFFFF  }
0xa1: {  	p0 =	sne.s32 s2, $0x0;
	_ =	strace $0x9000004D  }
0xa2: {  	s0 =	sadd.s32 @!p0 $0x100000, s0;
	[bflag:$0x2] =	sbarrier.arrive $0xFFFF  }
0xa3: {  	[sflag:s0] =	ssyncadd.tile.s32 @!p0 $0x1;
	_ =	shalt  }
.Lfunc_end2:
_tile_overlayer_lowered:
.L_overlay_start_2:
0xa4: {  	(tag) =	ssettag $0x2  }
0xa5: {  	s0 =	rddreg [dreg:$0x0];
	s2 =	stileid.u32  }
0xa6: {  	s1 =	rddreg [dreg:$0x1];
	p0 =	sne.s32 s2, $0x0  }
0xa7: {  	s3 =	rddreg [dreg:$0x2];
	[bflag:$0x3] =	sbarrier.arrive $0xFFFF;
	s2 =	simm.s32 @!p0 $0x1C03  }
0xa8: {  	[timem:s3], [sflag:s2] =	dma.local @!p0 [hbm:s0], s1  }
0xa9: {  	s0 =	simm.s32 @!p0 $0x3  }
0xaa: {  	_ =	swait.ge @!p0 [sflag:s0], s1  }
0xab: {  	s1 =	ssub.s32 @!p0 $0x0, s1;
	[sflag:s0] =	ssyncset.done @!p0 $0x0  }
0xac: {  	[sflag:s0] =	ssyncadd.s32 @!p0 s1  }
0xad: {  	[bflag:$0x3] =	sbarrier.arrive $0xFFFF  }
0xae: {  	_ =	shalt  }

// kernel: kernel.23.cloned.1.call-start
scs
__scs_entry_jumppad:
0x0: {  	(pc) =	sbr.rel $0x88, $3  }
0x1: {  	(tag) =	ssettag $0x0;
	lr =	simm.s32 $0x1  }
0x2: {  	[smem:$0x3F96] =	sst lr;
	_ =	strace $0xD0000000  }
0x3: {  	_ = 	snop  }
0x4: {  	_ = 	snop  }
0x5: {  	_ = 	snop  }
0x6: {  	_ = 	snop  }
0x7: {  	_ = 	snop  }
__scs_overlays_trampoline_lowered:
0x8: {  	[smem:$0x3FA5] =	sst s0  }
0x9: {  	[smem:$0x3FA6] =	sst s1  }
0xa: {  	[smem:$0x3FA7] =	sst s2  }
0xb: {  	[smem:$0x3FA8] =	sst s3  }
0xc: {  	[smem:$0x3FA9] =	sst s4  }
0xd: {  	[smem:$0x3FAA] =	sst s5  }
0xe: {  	[smem:$0x3FAB] =	sst s6  }
0xf: {  	[smem:$0x3FAC] =	sst s7  }
0x10: {  	[smem:$0x3FAD] =	sst s8  }
0x11: {  	[smem:$0x3FAE] =	sst s9;
	s0 =	simm.s32 @!p0 $0x0  }
0x12: {  	s1 =	sld [smem:$0x3F94];
	s0 =	simm.s32 @p0 $0x1  }
0x13: {  	[smem:$0x3FAF] =	sst s0;
	s0 =	simm.s32 @!p1 $0x0  }
0x14: {  	s2 =	sld [smem:$0x3F93];
	s0 =	simm.s32 @p1 $0x1  }
0x15: {  	[smem:$0x3FB0] =	sst s0;
	s0 =	simm.s32 @!p2 $0x0  }
0x16: {  	s3 =	sld [smem:$0x3FDB];
	s0 =	simm.s32 @p2 $0x1  }
0x17: {  	s4 =	simm.s32 $0x1BF5;
	[smem:$0x3FB2] =	sst s0  }
0x18: {  	s0 =	sld [smem:$0x3F95];
	_ =	swait.ge [sflag:s4], $0x0  }
0x19: {  	s7 =	sld [smem:$0x3F96]  }
0x1a: {  	s8 =	sadd.s32 $0xFFFFE003, lr  }
0x1b: {  	s9 =	sadd.s32 $0xFFFFFEF7, lr;
	s5 =	simm.s32 $0xFFFFFFFF;
	p2 =	slt.u32 s8, $0xFFFFF086  }
0x1c: {  	p1 =	slt.u32 s9, $0xF7A;
	s5 =	simm.s32 @!p2 $0x0  }
0x1d: {  	s5 =	simm.s32 @p1 $0x1;
	p0 =	seq.s32 s7, s2  }
0x1e: {  	s7 =	smul.u32 @!p0 $0xF7A, s2;
	p2 =	seq.s32 @!p0 s5, $0x0  }
0x1f: {  	s9 =	smul.u32 $0xF7A, s1;
	s8 =	simm.s32 @!p0 $0x1BF5;
	p2 =	por !p2, p0  }
0x20: {  	[sflag:s8] =	ssyncset.s32 @!p0 $0xFFFFF086;
	s6 =	sadd.s32 @!p0 s3, s7;
	s7 =	simm.s32 @!p0 $0x108  }
0x21: {  	s3 =	sadd.s32 s3, s9;
	s6 =	sadd.s32 @!p0 $0x88, s6;
	s7 =	simm.s32 @p2 $0x1082  }
0x22: {  	[simem:s7], [sflag:s8] =	dma.local @!p0 [hbm:s6], $0xF7A  }
0x23: {  	s9 =	sor.u32 $0xD0000000, s2;
	s6 =	simm.s32 $0x108;
	_ =	swait.ge @!p0 [sflag:s8], $0x0  }
0x24: {  	s3 =	sadd.s32 $0x88, s3;
	s6 =	simm.s32 @!p1 $0x1082;
	[sflag:s4] =	ssyncset.s32 $0xFFFFF086  }
0x25: {  	[simem:s6], [sflag:s4] =	dma.local [hbm:s3], $0xF7A  }
0x26: {  	[smem:$0x3F96] =	sst s1;
	(tag) =	ssettag s2;
	_ =	strace s9  }
0x27: {  	s1 =	sld [smem:$0x3FA6]  }
0x28: {  	s2 =	sld [smem:$0x3FA7]  }
0x29: {  	s4 =	sld [smem:$0x3FA9]  }
0x2a: {  	p0 =	seq.s32 s5, $0x0;
	s5 =	sld [smem:$0x3FAA]  }
0x2b: {  	s6 =	sld [smem:$0x3FAB]  }
0x2c: {  	s7 =	sld [smem:$0x3FAC]  }
0x2d: {  	s3 =	simm.s32 $0x108;
	s8 =	sld [smem:$0x3FAD]  }
0x2e: {  	s3 =	simm.s32 @!p0 $0x1082;
	s9 =	sld [smem:$0x3FAE]  }
0x2f: {  	lr =	sadd.s32 s0, s3;
	s0 =	sld [smem:$0x3FA5]  }
0x30: {  	s3 =	sld [smem:$0x3FA8]  }
0x31: {  	[smem:$0x3FB1] =	sst s10  }
0x32: {  	s10 =	sld [smem:$0x3FAF];
	_ =	sdelay $0x3  }
0x33: {  	p0 =	seq.s32 s10, $0x1;
	s10 =	sld [smem:$0x3FB1];
	_ =	sdelay $0x3  }
0x34: {  	[smem:$0x3FB1] =	sst s10  }
0x35: {  	s10 =	sld [smem:$0x3FB0];
	_ =	sdelay $0x3  }
0x36: {  	p1 =	seq.s32 s10, $0x1;
	s10 =	sld [smem:$0x3FB1];
	_ =	sdelay $0x3  }
0x37: {  	[smem:$0x3FB1] =	sst s10  }
0x38: {  	s10 =	sld [smem:$0x3FB2]  }
0x39: {  	_ = 	snop;
	(pc) =	sbr.ind lr, $3  }
0x3a: {  	_ = 	snop  }
0x3b: {  	_ = 	snop  }
0x3c: {  	p2 =	seq.s32 s10, $0x1;
	s10 =	sld [smem:$0x3FB1]  }
0x3d: {  	_ =	shalt  }
0x3e: {  	_ =	shalt  }
0x3f: {  	_ =	shalt  }
0x40: {  	_ =	shalt  }
0x41: {  	_ =	shalt  }
0x42: {  	_ =	shalt  }
0x43: {  	_ =	shalt  }
0x44: {  	_ =	shalt  }
0x45: {  	_ =	shalt  }
0x46: {  	_ =	shalt  }
0x47: {  	_ =	shalt  }
0x48: {  	_ =	shalt  }
0x49: {  	_ =	shalt  }
0x4a: {  	_ =	shalt  }
0x4b: {  	_ =	shalt  }
0x4c: {  	_ =	shalt  }
0x4d: {  	_ =	shalt  }
0x4e: {  	_ =	shalt  }
0x4f: {  	_ =	shalt  }
0x50: {  	_ =	shalt  }
0x51: {  	_ =	shalt  }
0x52: {  	_ =	shalt  }
0x53: {  	_ =	shalt  }
0x54: {  	_ =	shalt  }
0x55: {  	_ =	shalt  }
0x56: {  	_ =	shalt  }
0x57: {  	_ =	shalt  }
0x58: {  	_ =	shalt  }
0x59: {  	_ =	shalt  }
0x5a: {  	_ =	shalt  }
0x5b: {  	_ =	shalt  }
0x5c: {  	_ =	shalt  }
0x5d: {  	_ =	shalt  }
0x5e: {  	_ =	shalt  }
0x5f: {  	_ =	shalt  }
0x60: {  	_ =	shalt  }
0x61: {  	_ =	shalt  }
0x62: {  	_ =	shalt  }
0x63: {  	_ =	shalt  }
0x64: {  	_ =	shalt  }
0x65: {  	_ =	shalt  }
0x66: {  	_ =	shalt  }
0x67: {  	_ =	shalt  }
0x68: {  	_ =	shalt  }
0x69: {  	_ =	shalt  }
0x6a: {  	_ =	shalt  }
0x6b: {  	_ =	shalt  }
0x6c: {  	_ =	shalt  }
0x6d: {  	_ =	shalt  }
0x6e: {  	_ =	shalt  }
0x6f: {  	_ =	shalt  }
0x70: {  	_ =	shalt  }
0x71: {  	_ =	shalt  }
0x72: {  	_ =	shalt  }
0x73: {  	_ =	shalt  }
0x74: {  	_ =	shalt  }
0x75: {  	_ =	shalt  }
0x76: {  	_ =	shalt  }
0x77: {  	_ =	shalt  }
0x78: {  	_ =	shalt  }
0x79: {  	_ =	shalt  }
0x7a: {  	_ =	shalt  }
0x7b: {  	_ =	shalt  }
0x7c: {  	_ =	shalt  }
0x7d: {  	_ =	shalt  }
0x7e: {  	_ =	shalt  }
0x7f: {  	_ =	shalt  }
0x80: {  	_ =	shalt  }
0x81: {  	_ =	shalt  }
0x82: {  	_ =	shalt  }
0x83: {  	_ =	shalt  }
0x84: {  	_ =	shalt  }
0x85: {  	_ =	shalt  }
0x86: {  	_ =	shalt  }
0x87: {  	_ =	shalt  }
.Lfunc_end0:
.L_simem_size_0:
called_computation.3_lowered:
.L_overlay_start_0:
0x88: {  	s2 =	sld [smem:$0x3FD9]  }
0x89: {  	s3 =	sld [smem:$0x3FFE];
	_ =	sdelay $0x1  }
0x8a: {  	s1 =	srdreg.scid  }
0x8b: {  	s0 =	sand.u32 $0x1, s1  }
0x8c: {  	s16 =	sshll.u32 s0, $0xA;
	s2 =	sadd.s32 s3, s2  }
0x8d: {  	s2 =	sadd.s32 s2, s16  }
0x8e: {  	[smem:$0x3FBD] =	sst s2  }
0x8f: {  	_ = 	snop  }
0x90: {  	(tm) =	ssettm $0x1  }
0x91: {  	s17 =	sld [smem:$0x3FFB];
	_ =	sdelay $0x3  }
0x92: {  	_ =	strace s17  }
0x93: {  	s2 =	sld [smem:$0x3FFC];
	_ =	sdelay $0x3  }
0x94: {  	_ =	strace s2  }
0x95: {  	s2 =	sld [smem:$0x3FFD];
	_ =	sdelay $0x3  }
0x96: {  	_ =	strace s2  }
0x97: {  	_ =	strace $0x8FFFFFFF  }
0x98: {  	s18 =	sld [smem:$0x3FDB];
	_ =	sdelay $0x1  }
0x99: {  	s19 =	simm.s32 $_scs_section_size  }
0x9a: {  	s4 =	simm.s32 $_size__tile_overlayer_lowered;
	s5 =	simm.s32 $_tile_overlayer_lowered  }
0x9b: {  	s22 =	simm.s32 $0x1BFF;
	s21 =	sshll.u32 s5, $0x1;
	s2 =	sadd.s32 s19, s18  }
0x9c: {  	s6 =	simm.s32 $0x0;
	s20 =	sshll.u32 s4, $0x1;
	s4 =	sadd.s32 s21, s2  }
0x9d: {  	[timem:s6], [sflag:s22] =	dma.local [hbm:s4], s20  }
0x9e: {  	_ =	swait.ge [sflag:s22], s20  }
0x9f: {  	s3 =	ssub.s32 $0x0, s20;
	[sflag:s22] =	ssyncset.done $0x0  }
0xa0: {  	[sflag:s22] =	ssyncadd.s32 s3;
	_ =	sdelay $0x1  }
0xa1: {  	s23 =	simm.s32 $0x1B8B  }
0xa2: {  	_ =	swait.ge [sflag:s23], $0x1  }
0xa3: {  	[sflag:s23] =	ssyncset.done $0x0  }
0xa4: {  	s25 =	simm.s32 $0x1B8E;
	s24 =	sld [smem:$0x3FFE];
	[sflag:s23] =	ssyncadd.s32 $0xFFFFFFFF  }
0xa5: {  	s26 =	simm.s32 $execute0_lowered;
	[smem:$0x3FD2] =	sst s25  }
0xa6: {  	s4 =	sshll.u32 s26, $0x1;
	_ =	strace $0x8000004F;
	[dreg:$0x1] =	wrdreg $0xFFFFFFFF  }
0xa7: {  	s28 =	simm.s32 $_size_execute0_lowered;
	s2 =	sadd.s32 s2, s4;
	[dreg:$0x0] =	wrdreg $0x0  }
0xa8: {  	s4 =	sshll.u32 s28, $0x1;
	[dreg:$0x2] =	wrdreg s2  }
0xa9: {  	[dreg:$0x3] =	wrdreg s4  }
0xaa: {  	[dreg:$0x4] =	wrdreg $0xC0  }
0xab: {  	_ =	task [dreg:s6], $0x5FFFF  }
0xac: {  	[dreg:$0x1] =	wrdreg $0xFFFFFFFF  }
0xad: {  	[dreg:$0x0] =	wrdreg $0x60  }
0xae: {  	[dreg:$0x2] =	wrdreg s24  }
0xaf: {  	[dreg:$0x3] =	wrdreg $0xA8000  }
0xb0: {  	[dreg:$0x4] =	wrdreg $0x9  }
0xb1: {  	_ =	task.clear_ibuf [dreg:s6], $0x5FFFF;
	_ =	strace $0x9000004F  }
0xb2: {  	s29 =	simm.s32 $0x9;
	_ =	strace $0x80000051  }
0xb3: {  	_ =	swait.ge [sflag:s29], $0x1  }
0xb4: {  	[sflag:s29] =	ssyncadd.s32 $0xFFFFFFFF  }
0xb5: {  	_ =	strace $0x90000051  }
0xb6: {  	_ =	sfence  }
0xb7: {  	s30 =	sld [smem:$0x0];
	_ =	sdelay $0x2  }
0xb8: {  	s31 =	sshll.u32 s1, $0xD;
	s1 =	sshrl.u32 s1, $0x2  }
0xb9: {  	s3 =	sand.u32 $0x4000, s31;
	s1 =	sadd.s32 s1, s30  }
0xba: {  	s0 =	sor.u32 s3, s0;
	s1 =	sshll.u32 s1, $0x11  }
0xbb: {  	s0 =	sor.u32 s1, s0  }
0xbc: {  	s0 =	sadd.s32 $0x8F2B, s0  }
0xbd: {  	[sflag:s0] =	ssyncadd.remote.s32 $0x1  }
0xbe: {  	_ =	sfence.sel $0xFFFF  }
0xbf: {  	[dreg:$0x0] =	wrdreg $0xFFFFFFFF;
	(pc) =	sbr.abs _section_cstart, $3  }
0xc0: {  	[dreg:$0x1] =	wrdreg $0xFFFFFFFF  }
0xc1: {  	_ =	task.clear_ibuf [dreg:s6], $0x2FFFF;
	_ =	strace $0x9FFFFFFF  }
0xc2: {  	(tm) =	ssettm $0x7FFFFFFF  }
0xc3: {  	_ =	shalt  }
tec
execute0_lowered:
.L_overlay_start_1:
0x0: {  	(tag) =	ssettag $0x1  }
0x1: {  	s5 =	rddreg [dreg:$0x0]  }
0x2: {  	s1 =	rddreg [dreg:$0x1]  }
0x3: {  	s0 =	rddreg [dreg:$0x2]  }
0x4: {  	s3 =	simm.s32 $0x0;
	s2 =	srdreg.scid;
	s16 =	simm.s32 $0x80  }
0x5: {  	s17 =	simm.s32 $0x2800;
	s18 =	simm.s32 $0x1;
	s19 =	simm.s32 $0x6800  }
0x6: {  	s20 =	simm.s32 $0x2;
	s21 =	simm.s32 $0x1380;
	s22 =	simm.s32 $0x2700  }
0x7: {  	s23 =	simm.s32 $0x2780;
	s24 =	simm.s32 $0x0;
	[smem:$0x7FF] =	sst s3  }
0x8: {  	s6 =	sand.u32 $0x1, s2;
	s2 =	stileid.u32;
	s4 =	sadd.s32 $0x41000, s5  }
0x9: {  	s10 =	sadd.s32 $0x69000, s5;
	s9 =	sadd.s32 $0xE1000, s5;
	s7 =	smul.u32 $0x140000, s6  }
0xa: {  	s11 =	sadd.s32 $0x37000, s5;
	_ =	strace $0x80000050;
	s8 =	smul.u32 $0x14000, s2  }
0xb: {  	s26 =	sshll.u32 s2, $0x1;
	s12 =	ssub.s32 $0x2, s6;
	s13 =	smul.u32 $0x50000, s2  }
0xc: {  	p0 =	seq.s32 s6, $0x1;
	s30 =	smul.u32 $0x2800, s2;
	s31 =	sshll.u32 s2, $0x6  }
0xd: {  	s14 =	sshrl.u32 s12, $0x1;
	s7 =	sadd.s32 s8, s7;
	s8 =	sor.u32 s6, s26  }
0xe: {  	s12 =	ssub.s32 s12, s14;
	s28 =	sshrl.u32 s13, $0x2;
	s8 =	smul.u32 $0x2800, s8  }
0xf: {  	s14 =	simm.s32 $0x3;
	s7 =	sshrl.u32 s7, $0x3;
	s13 =	sadd.s32 s28, s1  }
0x10: {  	s15 =	sadd.s32 s7, s5;
	s13 =	sshrl.u32 s13, $0x3;
	s29 =	sshrl.u32 s8, $0x3  }
0x11: {  	s5 =	sadd.s32 s9, s29;
	s8 =	sadd.s32 $0x280, s29;
	s6 =	sadd.s32 s11, s29  }
0x12: {  	s7 =	sadd.s32 s9, s8;
	s8 =	sadd.s32 s11, s8;
	s11 =	smov.u32 s4  }
0x13: {  	s9 =	sadd.s32 $0x91000, s15;
	s15 =	simm.s32 $0x1400;
	s11 =	smov.u32 @p0 s10  }
0x14: {  	s10 =	smax.u32 s12, $0x1;
	s12 =	sor.u32 $0x1C03, s31;
	s11 =	sadd.s32 s11, s30  }
.LBB2_1:
0x15: {  	[spmem:s13], [sflag:s12] =	dma.local [hbm:s11], $0x2800  }
0x16: {  	_ =	swait.ge [sflag:s14], $0x2800  }
0x17: {  	[sflag:s14] =	ssyncset.done $0x0  }
0x18: {  	[sflag:s14] =	ssyncadd.s32 $0xFFFFD800  }
0x19: {  	[bflag:$0x0] =	sbarrier.arrive $0xFFFF  }
0x1a: {  	[tilespmem:s3], [sflag:$0x3] =	stream.linear.gather [hbm4b:s5+s3], $0x1400, $0x38;
	[tilespmem:$0x1E800] =	vst v63  }
0x1b: {  	_ =	swait.ge [sflag:s14], $0x1400  }
0x1c: {  	[sflag:s14] =	ssyncset.done $0x0  }
0x1d: {  	[sflag:s14] =	ssyncadd.s32 $0xFFFFEC00  }
0x1e: {  	[tilespmem:s15], [sflag:$0x3] =	stream.linear.gather [hbm4b:s6+s3], $0x1400, $0x38;
	[tilespmem:$0x1E800] =	vst v63  }
0x1f: {  	_ =	swait.ge [sflag:s14], $0x1400  }
0x20: {  	[sflag:s14] =	ssyncset.done $0x0  }
0x21: {  	[sflag:s14] =	ssyncadd.s32 $0xFFFFEC00  }
0x22: {  	[tilespmem:s17], [sflag:$0x1] =	stream.indirect.gather [hbm4b:s4+s16], $0x80, s3, s16, $0xb8;
	[tilespmem:$0x1E800] =	vst v63  }
0x23: {  	_ =	swait.ge [sflag:s18], $0x4000  }
0x24: {  	[sflag:s18] =	ssyncset.done $0x0  }
0x25: {  	s25 =	simm.s32 $0x80;
	[sflag:s18] =	ssyncadd.s32 $0xFFFFC000  }
0x26: {  	[tilespmem:s19], [sflag:$0x2] =	stream.indirect.gather [hbm4b:s4+s16], $0x80, s25, s16, $0xb8;
	[tilespmem:$0x1E800] =	vst v63  }
0x27: {  	s29 =	simm.s32 $0x1400  }
0x28: {  	[spmem:s1] =	stream.indirect.scatter.add.f32 [tilespmem:s17], [sflag:$0x3], $0x80, s29, s16, $0xb8;
	[tilespmem:$0x1E800] =	vst v63  }
0x29: {  	_ =	swait.ge [sflag:s14], $0x4000  }
0x2a: {  	[sflag:s14] =	ssyncset.done $0x0  }
0x2b: {  	[sflag:s14] =	ssyncadd.s32 $0xFFFFC000  }
0x2c: {  	_ =	swait.ge [sflag:s20], $0x4000  }
0x2d: {  	[sflag:s20] =	ssyncset.done $0x0  }
0x2e: {  	s30 =	simm.s32 $0x100;
	[sflag:s20] =	ssyncadd.s32 $0xFFFFC000  }
0x2f: {  	[tilespmem:s17], [sflag:$0x1] =	stream.indirect.gather [hbm4b:s4+s16], $0x80, s30, s16, $0xb8;
	[tilespmem:$0x1E800] =	vst v63  }
0x30: {  	s31 =	simm.s32 $0x1480  }
0x31: {  	[spmem:s1] =	stream.indirect.scatter.add.f32 [tilespmem:s19], [sflag:$0x3], $0x80, s31, s16, $0xb8;
	[tilespmem:$0x1E800] =	vst v63  }
0x32: {  	_ =	swait.ge [sflag:s14], $0x4000  }
0x33: {  	s25 =	simm.s32 $0x400;
	[sflag:s14] =	ssyncset.done $0x0  }
.LBB2_2:
0x34: {  	p0 =	sne.s32 s25, $0x4800  }
0x35: {  	[sflag:s14] =	ssyncadd.s32 $0xFFFFC000;
	s26 =	smov.u32 s25;
	s25 =	sadd.s32 $0x400, s25  }
0x36: {  	_ = 	snop  }
0x37: {  	_ =	swait.ge [sflag:s18], $0x4000  }
0x38: {  	s26 =	sshra.s32 s26, $0x2;
	[sflag:s18] =	ssyncset.done $0x0  }
0x39: {  	s28 =	sadd.s32 $0x80, s26;
	[sflag:s18] =	ssyncadd.s32 $0xFFFFC000  }
0x3a: {  	[tilespmem:s19], [sflag:$0x2] =	stream.indirect.gather [hbm4b:s4+s16], $0x80, s28, s16, $0xb8;
	[tilespmem:$0x1E800] =	vst v63  }
0x3b: {  	s28 =	sadd.s32 $0x1400, s26  }
0x3c: {  	[spmem:s1] =	stream.indirect.scatter.add.f32 [tilespmem:s17], [sflag:$0x3], $0x80, s28, s16, $0xb8;
	[tilespmem:$0x1E800] =	vst v63  }
0x3d: {  	_ =	swait.ge [sflag:s14], $0x4000  }
0x3e: {  	[sflag:s14] =	ssyncset.done $0x0  }
0x3f: {  	[sflag:s14] =	ssyncadd.s32 $0xFFFFC000  }
0x40: {  	_ =	swait.ge [sflag:s20], $0x4000  }
0x41: {  	[sflag:s20] =	ssyncset.done $0x0  }
0x42: {  	s28 =	sadd.s32 $0x100, s26;
	[sflag:s20] =	ssyncadd.s32 $0xFFFFC000  }
0x43: {  	[tilespmem:s17], [sflag:$0x1] =	stream.indirect.gather [hbm4b:s4+s16], $0x80, s28, s16, $0xb8;
	[tilespmem:$0x1E800] =	vst v63  }
.Ltmp0:
0x44: {  	_ = 	snop;
	(pc) =	sbr.rel @p0 .LBB2_2-.Ltmp0, $4  }
0x45: {  	s26 =	sadd.s32 $0x1480, s26  }
0x46: {  	[spmem:s1] =	stream.indirect.scatter.add.f32 [tilespmem:s19], [sflag:$0x3], $0x80, s26, s16, $0xb8;
	[tilespmem:$0x1E800] =	vst v63  }
0x47: {  	_ =	swait.ge [sflag:s14], $0x4000  }
0x48: {  	[sflag:s14] =	ssyncset.done $0x0  }
0x49: {  	[sflag:s14] =	ssyncadd.s32 $0xFFFFC000  }
0x4a: {  	_ =	swait.ge [sflag:s18], $0x4000  }
0x4b: {  	[sflag:s18] =	ssyncset.done $0x0  }
0x4c: {  	[sflag:s18] =	ssyncadd.s32 $0xFFFFC000  }
0x4d: {  	[tilespmem:s19], [sflag:$0x2] =	stream.indirect.gather [hbm4b:s4+s16], $0x80, s21, s16, $0xb8;
	[tilespmem:$0x1E800] =	vst v63  }
0x4e: {  	_ = 	snop  }
0x4f: {  	[spmem:s1] =	stream.indirect.scatter.add.f32 [tilespmem:s17], [sflag:$0x3], $0x80, s22, s16, $0xb8;
	[tilespmem:$0x1E800] =	vst v63  }
0x50: {  	_ =	swait.ge [sflag:s14], $0x4000  }
0x51: {  	[sflag:s14] =	ssyncset.done $0x0  }
0x52: {  	[sflag:s14] =	ssyncadd.s32 $0xFFFFC000  }
0x53: {  	_ =	swait.ge [sflag:s20], $0x4000  }
0x54: {  	[sflag:s20] =	ssyncset.done $0x0  }
0x55: {  	[sflag:s20] =	ssyncadd.s32 $0xFFFFC000  }
0x56: {  	[spmem:s1] =	stream.indirect.scatter.add.f32 [tilespmem:s19], [sflag:$0x3], $0x80, s23, s16, $0xb8;
	[tilespmem:$0x1E800] =	vst v63  }
0x57: {  	_ =	swait.ge [sflag:s14], $0x4000  }
0x58: {  	[sflag:s14] =	ssyncset.done $0x0  }
0x59: {  	s25 =	simm.s32 $0x0;
	[sflag:s14] =	ssyncadd.s32 $0xFFFFC000  }
0x5a: {  	[tilespmem:s25], [sflag:$0x3] =	stream.linear.gather [hbm4b:s7+s25], $0x1400, $0x38;
	[tilespmem:$0x1E800] =	vst v63  }
0x5b: {  	_ =	swait.ge [sflag:s14], $0x1400  }
0x5c: {  	[sflag:s14] =	ssyncset.done $0x0  }
0x5d: {  	[sflag:s14] =	ssyncadd.s32 $0xFFFFEC00  }
0x5e: {  	[tilespmem:s15], [sflag:$0x3] =	stream.linear.gather [hbm4b:s8+s25], $0x1400, $0x38;
	[tilespmem:$0x1E800] =	vst v63  }
0x5f: {  	_ =	swait.ge [sflag:s14], $0x1400  }
0x60: {  	[sflag:s14] =	ssyncset.done $0x0  }
0x61: {  	[sflag:s14] =	ssyncadd.s32 $0xFFFFEC00  }
0x62: {  	[tilespmem:s17], [sflag:$0x1] =	stream.indirect.gather [hbm4b:s4+s16], $0x80, s25, s16, $0xb8;
	[tilespmem:$0x1E800] =	vst v63  }
0x63: {  	_ =	swait.ge [sflag:s18], $0x4000  }
0x64: {  	[sflag:s18] =	ssyncset.done $0x0  }
0x65: {  	s28 =	simm.s32 $0x80;
	[sflag:s18] =	ssyncadd.s32 $0xFFFFC000  }
0x66: {  	[tilespmem:s19], [sflag:$0x2] =	stream.indirect.gather [hbm4b:s4+s16], $0x80, s28, s16, $0xb8;
	[tilespmem:$0x1E800] =	vst v63  }
0x67: {  	s29 =	simm.s32 $0x1400  }
0x68: {  	[spmem:s1] =	stream.indirect.scatter.add.f32 [tilespmem:s17], [sflag:$0x3], $0x80, s29, s16, $0xb8;
	[tilespmem:$0x1E800] =	vst v63  }
0x69: {  	_ =	swait.ge [sflag:s14], $0x4000  }
0x6a: {  	[sflag:s14] =	ssyncset.done $0x0  }
0x6b: {  	[sflag:s14] =	ssyncadd.s32 $0xFFFFC000  }
0x6c: {  	_ =	swait.ge [sflag:s20], $0x4000  }
0x6d: {  	[sflag:s20] =	ssyncset.done $0x0  }
0x6e: {  	s30 =	simm.s32 $0x100;
	[sflag:s20] =	ssyncadd.s32 $0xFFFFC000  }
0x6f: {  	[tilespmem:s17], [sflag:$0x1] =	stream.indirect.gather [hbm4b:s4+s16], $0x80, s30, s16, $0xb8;
	[tilespmem:$0x1E800] =	vst v63  }
0x70: {  	s31 =	simm.s32 $0x1480  }
0x71: {  	[spmem:s1] =	stream.indirect.scatter.add.f32 [tilespmem:s19], [sflag:$0x3], $0x80, s31, s16, $0xb8;
	[tilespmem:$0x1E800] =	vst v63  }
0x72: {  	_ =	swait.ge [sflag:s14], $0x4000  }
0x73: {  	s25 =	simm.s32 $0x400;
	[sflag:s14] =	ssyncset.done $0x0  }
.LBB2_4:
0x74: {  	p0 =	sne.s32 s25, $0x4800  }
0x75: {  	[sflag:s14] =	ssyncadd.s32 $0xFFFFC000;
	s26 =	smov.u32 s25;
	s25 =	sadd.s32 $0x400, s25  }
0x76: {  	_ = 	snop  }
0x77: {  	_ =	swait.ge [sflag:s18], $0x4000  }
0x78: {  	s26 =	sshra.s32 s26, $0x2;
	[sflag:s18] =	ssyncset.done $0x0  }
0x79: {  	s28 =	sadd.s32 $0x80, s26;
	[sflag:s18] =	ssyncadd.s32 $0xFFFFC000  }
0x7a: {  	[tilespmem:s19], [sflag:$0x2] =	stream.indirect.gather [hbm4b:s4+s16], $0x80, s28, s16, $0xb8;
	[tilespmem:$0x1E800] =	vst v63  }
0x7b: {  	s28 =	sadd.s32 $0x1400, s26  }
0x7c: {  	[spmem:s1] =	stream.indirect.scatter.add.f32 [tilespmem:s17], [sflag:$0x3], $0x80, s28, s16, $0xb8;
	[tilespmem:$0x1E800] =	vst v63  }
0x7d: {  	_ =	swait.ge [sflag:s14], $0x4000  }
0x7e: {  	[sflag:s14] =	ssyncset.done $0x0  }
0x7f: {  	[sflag:s14] =	ssyncadd.s32 $0xFFFFC000  }
0x80: {  	_ =	swait.ge [sflag:s20], $0x4000  }
0x81: {  	[sflag:s20] =	ssyncset.done $0x0  }
0x82: {  	s28 =	sadd.s32 $0x100, s26;
	[sflag:s20] =	ssyncadd.s32 $0xFFFFC000  }
0x83: {  	[tilespmem:s17], [sflag:$0x1] =	stream.indirect.gather [hbm4b:s4+s16], $0x80, s28, s16, $0xb8;
	[tilespmem:$0x1E800] =	vst v63  }
.Ltmp1:
0x84: {  	_ = 	snop;
	(pc) =	sbr.rel @p0 .LBB2_4-.Ltmp1, $4  }
0x85: {  	s26 =	sadd.s32 $0x1480, s26  }
0x86: {  	[spmem:s1] =	stream.indirect.scatter.add.f32 [tilespmem:s19], [sflag:$0x3], $0x80, s26, s16, $0xb8;
	[tilespmem:$0x1E800] =	vst v63  }
0x87: {  	_ =	swait.ge [sflag:s14], $0x4000  }
0x88: {  	[sflag:s14] =	ssyncset.done $0x0  }
0x89: {  	[sflag:s14] =	ssyncadd.s32 $0xFFFFC000  }
0x8a: {  	_ =	swait.ge [sflag:s18], $0x4000  }
0x8b: {  	[sflag:s18] =	ssyncset.done $0x0  }
0x8c: {  	[sflag:s18] =	ssyncadd.s32 $0xFFFFC000  }
0x8d: {  	[tilespmem:s19], [sflag:$0x2] =	stream.indirect.gather [hbm4b:s4+s16], $0x80, s21, s16, $0xb8;
	[tilespmem:$0x1E800] =	vst v63  }
0x8e: {  	_ = 	snop  }
0x8f: {  	[spmem:s1] =	stream.indirect.scatter.add.f32 [tilespmem:s17], [sflag:$0x3], $0x80, s22, s16, $0xb8;
	[tilespmem:$0x1E800] =	vst v63  }
0x90: {  	_ =	swait.ge [sflag:s14], $0x4000  }
0x91: {  	[sflag:s14] =	ssyncset.done $0x0  }
0x92: {  	[sflag:s14] =	ssyncadd.s32 $0xFFFFC000  }
0x93: {  	_ =	swait.ge [sflag:s20], $0x4000  }
0x94: {  	[sflag:s20] =	ssyncset.done $0x0  }
0x95: {  	[sflag:s20] =	ssyncadd.s32 $0xFFFFC000  }
0x96: {  	[spmem:s1] =	stream.indirect.scatter.add.f32 [tilespmem:s19], [sflag:$0x3], $0x80, s23, s16, $0xb8;
	[tilespmem:$0x1E800] =	vst v63  }
0x97: {  	_ =	swait.ge [sflag:s14], $0x4000  }
0x98: {  	s24 =	sadd.s32 $0x1, s24;
	[sflag:s14] =	ssyncset.done $0x0  }
0x99: {  	p0 =	sne.s32 s24, s10;
	[sflag:s14] =	ssyncadd.s32 $0xFFFFC000  }
.Ltmp2:
0x9a: {  	[bflag:$0x0] =	sbarrier.arrive $0xFFFF;
	(pc) =	sbr.rel @p0 .LBB2_1-.Ltmp2, $4  }
0x9b: {  	[hbm:s9], [sflag:s12] =	dma.local [spmem:s13], $0x2800  }
0x9c: {  	_ =	swait.ge [sflag:s14], $0x2800  }
0x9d: {  	[sflag:s14] =	ssyncset.done $0x0  }
0x9e: {  	[sflag:s14] =	ssyncadd.s32 $0xFFFFD800  }
0x9f: {  	_ =	sfence.sel $0x180000  }
0xa0: {  	[bflag:$0x0] =	sbarrier.arrive $0xFFFF  }
0xa1: {  	p0 =	sne.s32 s2, $0x0;
	_ =	strace $0x90000050  }
0xa2: {  	s0 =	sadd.s32 @!p0 $0x100000, s0;
	[bflag:$0x2] =	sbarrier.arrive $0xFFFF  }
0xa3: {  	[sflag:s0] =	ssyncadd.tile.s32 @!p0 $0x1;
	_ =	shalt  }
.Lfunc_end2:
_tile_overlayer_lowered:
.L_overlay_start_2:
0xa4: {  	(tag) =	ssettag $0x2  }
0xa5: {  	s0 =	rddreg [dreg:$0x0];
	s2 =	stileid.u32  }
0xa6: {  	s1 =	rddreg [dreg:$0x1];
	p0 =	sne.s32 s2, $0x0  }
0xa7: {  	s3 =	rddreg [dreg:$0x2];
	[bflag:$0x3] =	sbarrier.arrive $0xFFFF;
	s2 =	simm.s32 @!p0 $0x1C03  }
0xa8: {  	[timem:s3], [sflag:s2] =	dma.local @!p0 [hbm:s0], s1  }
0xa9: {  	s0 =	simm.s32 @!p0 $0x3  }
0xaa: {  	_ =	swait.ge @!p0 [sflag:s0], s1  }
0xab: {  	s1 =	ssub.s32 @!p0 $0x0, s1;
	[sflag:s0] =	ssyncset.done @!p0 $0x0  }
0xac: {  	[sflag:s0] =	ssyncadd.s32 @!p0 s1  }
0xad: {  	[bflag:$0x3] =	sbarrier.arrive $0xFFFF  }
0xae: {  	_ =	shalt  }

// kernel: kernel.26.cloned.1.call-start
scs
__scs_entry_jumppad:
0x0: {  	(pc) =	sbr.rel $0x88, $3  }
0x1: {  	(tag) =	ssettag $0x0;
	lr =	simm.s32 $0x1  }
0x2: {  	[smem:$0x3F96] =	sst lr;
	_ =	strace $0xD0000000  }
0x3: {  	_ = 	snop  }
0x4: {  	_ = 	snop  }
0x5: {  	_ = 	snop  }
0x6: {  	_ = 	snop  }
0x7: {  	_ = 	snop  }
__scs_overlays_trampoline_lowered:
0x8: {  	[smem:$0x3FA5] =	sst s0  }
0x9: {  	[smem:$0x3FA6] =	sst s1  }
0xa: {  	[smem:$0x3FA7] =	sst s2  }
0xb: {  	[smem:$0x3FA8] =	sst s3  }
0xc: {  	[smem:$0x3FA9] =	sst s4  }
0xd: {  	[smem:$0x3FAA] =	sst s5  }
0xe: {  	[smem:$0x3FAB] =	sst s6  }
0xf: {  	[smem:$0x3FAC] =	sst s7  }
0x10: {  	[smem:$0x3FAD] =	sst s8  }
0x11: {  	[smem:$0x3FAE] =	sst s9;
	s0 =	simm.s32 @!p0 $0x0  }
0x12: {  	s1 =	sld [smem:$0x3F94];
	s0 =	simm.s32 @p0 $0x1  }
0x13: {  	[smem:$0x3FAF] =	sst s0;
	s0 =	simm.s32 @!p1 $0x0  }
0x14: {  	s2 =	sld [smem:$0x3F93];
	s0 =	simm.s32 @p1 $0x1  }
0x15: {  	[smem:$0x3FB0] =	sst s0;
	s0 =	simm.s32 @!p2 $0x0  }
0x16: {  	s3 =	sld [smem:$0x3FDB];
	s0 =	simm.s32 @p2 $0x1  }
0x17: {  	s4 =	simm.s32 $0x1BF5;
	[smem:$0x3FB2] =	sst s0  }
0x18: {  	s0 =	sld [smem:$0x3F95];
	_ =	swait.ge [sflag:s4], $0x0  }
0x19: {  	s7 =	sld [smem:$0x3F96]  }
0x1a: {  	s8 =	sadd.s32 $0xFFFFE003, lr  }
0x1b: {  	s9 =	sadd.s32 $0xFFFFFEF7, lr;
	s5 =	simm.s32 $0xFFFFFFFF;
	p2 =	slt.u32 s8, $0xFFFFF086  }
0x1c: {  	p1 =	slt.u32 s9, $0xF7A;
	s5 =	simm.s32 @!p2 $0x0  }
0x1d: {  	s5 =	simm.s32 @p1 $0x1;
	p0 =	seq.s32 s7, s2  }
0x1e: {  	s7 =	smul.u32 @!p0 $0xF7A, s2;
	p2 =	seq.s32 @!p0 s5, $0x0  }
0x1f: {  	s9 =	smul.u32 $0xF7A, s1;
	s8 =	simm.s32 @!p0 $0x1BF5;
	p2 =	por !p2, p0  }
0x20: {  	[sflag:s8] =	ssyncset.s32 @!p0 $0xFFFFF086;
	s6 =	sadd.s32 @!p0 s3, s7;
	s7 =	simm.s32 @!p0 $0x108  }
0x21: {  	s3 =	sadd.s32 s3, s9;
	s6 =	sadd.s32 @!p0 $0x88, s6;
	s7 =	simm.s32 @p2 $0x1082  }
0x22: {  	[simem:s7], [sflag:s8] =	dma.local @!p0 [hbm:s6], $0xF7A  }
0x23: {  	s9 =	sor.u32 $0xD0000000, s2;
	s6 =	simm.s32 $0x108;
	_ =	swait.ge @!p0 [sflag:s8], $0x0  }
0x24: {  	s3 =	sadd.s32 $0x88, s3;
	s6 =	simm.s32 @!p1 $0x1082;
	[sflag:s4] =	ssyncset.s32 $0xFFFFF086  }
0x25: {  	[simem:s6], [sflag:s4] =	dma.local [hbm:s3], $0xF7A  }
0x26: {  	[smem:$0x3F96] =	sst s1;
	(tag) =	ssettag s2;
	_ =	strace s9  }
0x27: {  	s1 =	sld [smem:$0x3FA6]  }
0x28: {  	s2 =	sld [smem:$0x3FA7]  }
0x29: {  	s4 =	sld [smem:$0x3FA9]  }
0x2a: {  	p0 =	seq.s32 s5, $0x0;
	s5 =	sld [smem:$0x3FAA]  }
0x2b: {  	s6 =	sld [smem:$0x3FAB]  }
0x2c: {  	s7 =	sld [smem:$0x3FAC]  }
0x2d: {  	s3 =	simm.s32 $0x108;
	s8 =	sld [smem:$0x3FAD]  }
0x2e: {  	s3 =	simm.s32 @!p0 $0x1082;
	s9 =	sld [smem:$0x3FAE]  }
0x2f: {  	lr =	sadd.s32 s0, s3;
	s0 =	sld [smem:$0x3FA5]  }
0x30: {  	s3 =	sld [smem:$0x3FA8]  }
0x31: {  	[smem:$0x3FB1] =	sst s10  }
0x32: {  	s10 =	sld [smem:$0x3FAF];
	_ =	sdelay $0x3  }
0x33: {  	p0 =	seq.s32 s10, $0x1;
	s10 =	sld [smem:$0x3FB1];
	_ =	sdelay $0x3  }
0x34: {  	[smem:$0x3FB1] =	sst s10  }
0x35: {  	s10 =	sld [smem:$0x3FB0];
	_ =	sdelay $0x3  }
0x36: {  	p1 =	seq.s32 s10, $0x1;
	s10 =	sld [smem:$0x3FB1];
	_ =	sdelay $0x3  }
0x37: {  	[smem:$0x3FB1] =	sst s10  }
0x38: {  	s10 =	sld [smem:$0x3FB2]  }
0x39: {  	_ = 	snop;
	(pc) =	sbr.ind lr, $3  }
0x3a: {  	_ = 	snop  }
0x3b: {  	_ = 	snop  }
0x3c: {  	p2 =	seq.s32 s10, $0x1;
	s10 =	sld [smem:$0x3FB1]  }
0x3d: {  	_ =	shalt  }
0x3e: {  	_ =	shalt  }
0x3f: {  	_ =	shalt  }
0x40: {  	_ =	shalt  }
0x41: {  	_ =	shalt  }
0x42: {  	_ =	shalt  }
0x43: {  	_ =	shalt  }
0x44: {  	_ =	shalt  }
0x45: {  	_ =	shalt  }
0x46: {  	_ =	shalt  }
0x47: {  	_ =	shalt  }
0x48: {  	_ =	shalt  }
0x49: {  	_ =	shalt  }
0x4a: {  	_ =	shalt  }
0x4b: {  	_ =	shalt  }
0x4c: {  	_ =	shalt  }
0x4d: {  	_ =	shalt  }
0x4e: {  	_ =	shalt  }
0x4f: {  	_ =	shalt  }
0x50: {  	_ =	shalt  }
0x51: {  	_ =	shalt  }
0x52: {  	_ =	shalt  }
0x53: {  	_ =	shalt  }
0x54: {  	_ =	shalt  }
0x55: {  	_ =	shalt  }
0x56: {  	_ =	shalt  }
0x57: {  	_ =	shalt  }
0x58: {  	_ =	shalt  }
0x59: {  	_ =	shalt  }
0x5a: {  	_ =	shalt  }
0x5b: {  	_ =	shalt  }
0x5c: {  	_ =	shalt  }
0x5d: {  	_ =	shalt  }
0x5e: {  	_ =	shalt  }
0x5f: {  	_ =	shalt  }
0x60: {  	_ =	shalt  }
0x61: {  	_ =	shalt  }
0x62: {  	_ =	shalt  }
0x63: {  	_ =	shalt  }
0x64: {  	_ =	shalt  }
0x65: {  	_ =	shalt  }
0x66: {  	_ =	shalt  }
0x67: {  	_ =	shalt  }
0x68: {  	_ =	shalt  }
0x69: {  	_ =	shalt  }
0x6a: {  	_ =	shalt  }
0x6b: {  	_ =	shalt  }
0x6c: {  	_ =	shalt  }
0x6d: {  	_ =	shalt  }
0x6e: {  	_ =	shalt  }
0x6f: {  	_ =	shalt  }
0x70: {  	_ =	shalt  }
0x71: {  	_ =	shalt  }
0x72: {  	_ =	shalt  }
0x73: {  	_ =	shalt  }
0x74: {  	_ =	shalt  }
0x75: {  	_ =	shalt  }
0x76: {  	_ =	shalt  }
0x77: {  	_ =	shalt  }
0x78: {  	_ =	shalt  }
0x79: {  	_ =	shalt  }
0x7a: {  	_ =	shalt  }
0x7b: {  	_ =	shalt  }
0x7c: {  	_ =	shalt  }
0x7d: {  	_ =	shalt  }
0x7e: {  	_ =	shalt  }
0x7f: {  	_ =	shalt  }
0x80: {  	_ =	shalt  }
0x81: {  	_ =	shalt  }
0x82: {  	_ =	shalt  }
0x83: {  	_ =	shalt  }
0x84: {  	_ =	shalt  }
0x85: {  	_ =	shalt  }
0x86: {  	_ =	shalt  }
0x87: {  	_ =	shalt  }
.Lfunc_end0:
.L_simem_size_0:
called_computation.4_lowered:
.L_overlay_start_0:
0x88: {  	s2 =	sld [smem:$0x3FD9]  }
0x89: {  	s3 =	sld [smem:$0x3FFE];
	_ =	sdelay $0x1  }
0x8a: {  	s1 =	srdreg.scid  }
0x8b: {  	s0 =	sand.u32 $0x1, s1  }
0x8c: {  	s16 =	sshll.u32 s0, $0xA;
	s2 =	sadd.s32 s3, s2  }
0x8d: {  	s2 =	sadd.s32 s2, s16  }
0x8e: {  	[smem:$0x3FBD] =	sst s2  }
0x8f: {  	_ = 	snop  }
0x90: {  	(tm) =	ssettm $0x1  }
0x91: {  	s17 =	sld [smem:$0x3FFB];
	_ =	sdelay $0x3  }
0x92: {  	_ =	strace s17  }
0x93: {  	s2 =	sld [smem:$0x3FFC];
	_ =	sdelay $0x3  }
0x94: {  	_ =	strace s2  }
0x95: {  	s2 =	sld [smem:$0x3FFD];
	_ =	sdelay $0x3  }
0x96: {  	_ =	strace s2  }
0x97: {  	_ =	strace $0x8FFFFFFF  }
0x98: {  	s18 =	sld [smem:$0x3FDB];
	_ =	sdelay $0x1  }
0x99: {  	s19 =	simm.s32 $_scs_section_size  }
0x9a: {  	s4 =	simm.s32 $_size__tile_overlayer_lowered;
	s5 =	simm.s32 $_tile_overlayer_lowered  }
0x9b: {  	s22 =	simm.s32 $0x1BFF;
	s21 =	sshll.u32 s5, $0x1;
	s2 =	sadd.s32 s19, s18  }
0x9c: {  	s6 =	simm.s32 $0x0;
	s20 =	sshll.u32 s4, $0x1;
	s4 =	sadd.s32 s21, s2  }
0x9d: {  	[timem:s6], [sflag:s22] =	dma.local [hbm:s4], s20  }
0x9e: {  	_ =	swait.ge [sflag:s22], s20  }
0x9f: {  	s3 =	ssub.s32 $0x0, s20;
	[sflag:s22] =	ssyncset.done $0x0  }
0xa0: {  	[sflag:s22] =	ssyncadd.s32 s3;
	_ =	sdelay $0x1  }
0xa1: {  	s23 =	simm.s32 $0x1B8B  }
0xa2: {  	_ =	swait.ge [sflag:s23], $0x1  }
0xa3: {  	[sflag:s23] =	ssyncset.done $0x0  }
0xa4: {  	s25 =	simm.s32 $0x1B8E;
	s24 =	sld [smem:$0x3FFE];
	[sflag:s23] =	ssyncadd.s32 $0xFFFFFFFF  }
0xa5: {  	s26 =	simm.s32 $execute0_lowered;
	[smem:$0x3FD2] =	sst s25  }
0xa6: {  	s4 =	sshll.u32 s26, $0x1;
	_ =	strace $0x80000052;
	[dreg:$0x1] =	wrdreg $0xFFFFFFFF  }
0xa7: {  	s28 =	simm.s32 $_size_execute0_lowered;
	s2 =	sadd.s32 s2, s4;
	[dreg:$0x0] =	wrdreg $0x0  }
0xa8: {  	s4 =	sshll.u32 s28, $0x1;
	[dreg:$0x2] =	wrdreg s2  }
0xa9: {  	[dreg:$0x3] =	wrdreg s4  }
0xaa: {  	[dreg:$0x4] =	wrdreg $0xC0  }
0xab: {  	_ =	task [dreg:s6], $0x5FFFF  }
0xac: {  	[dreg:$0x1] =	wrdreg $0xFFFFFFFF  }
0xad: {  	[dreg:$0x0] =	wrdreg $0x60  }
0xae: {  	[dreg:$0x2] =	wrdreg s24  }
0xaf: {  	[dreg:$0x3] =	wrdreg $0xA8000  }
0xb0: {  	[dreg:$0x4] =	wrdreg $0x9  }
0xb1: {  	_ =	task.clear_ibuf [dreg:s6], $0x5FFFF;
	_ =	strace $0x90000052  }
0xb2: {  	s29 =	simm.s32 $0x9;
	_ =	strace $0x80000054  }
0xb3: {  	_ =	swait.ge [sflag:s29], $0x1  }
0xb4: {  	[sflag:s29] =	ssyncadd.s32 $0xFFFFFFFF  }
0xb5: {  	_ =	strace $0x90000054  }
0xb6: {  	_ =	sfence  }
0xb7: {  	s30 =	sld [smem:$0x0];
	_ =	sdelay $0x2  }
0xb8: {  	s31 =	sshll.u32 s1, $0xD;
	s1 =	sshrl.u32 s1, $0x2  }
0xb9: {  	s3 =	sand.u32 $0x4000, s31;
	s1 =	sadd.s32 s1, s30  }
0xba: {  	s0 =	sor.u32 s3, s0;
	s1 =	sshll.u32 s1, $0x11  }
0xbb: {  	s0 =	sor.u32 s1, s0  }
0xbc: {  	s0 =	sadd.s32 $0x8F2B, s0  }
0xbd: {  	[sflag:s0] =	ssyncadd.remote.s32 $0x1  }
0xbe: {  	_ =	sfence.sel $0xFFFF  }
0xbf: {  	[dreg:$0x0] =	wrdreg $0xFFFFFFFF;
	(pc) =	sbr.abs _section_cstart, $3  }
0xc0: {  	[dreg:$0x1] =	wrdreg $0xFFFFFFFF  }
0xc1: {  	_ =	task.clear_ibuf [dreg:s6], $0x2FFFF;
	_ =	strace $0x9FFFFFFF  }
0xc2: {  	(tm) =	ssettm $0x7FFFFFFF  }
0xc3: {  	_ =	shalt  }
tec
execute0_lowered:
.L_overlay_start_1:
0x0: {  	(tag) =	ssettag $0x1  }
0x1: {  	s5 =	rddreg [dreg:$0x0]  }
0x2: {  	s1 =	rddreg [dreg:$0x1]  }
0x3: {  	s0 =	rddreg [dreg:$0x2]  }
0x4: {  	s3 =	simm.s32 $0x0;
	s2 =	srdreg.scid;
	s16 =	simm.s32 $0x80  }
0x5: {  	s17 =	simm.s32 $0x2800;
	s18 =	simm.s32 $0x1;
	s19 =	simm.s32 $0x6800  }
0x6: {  	s20 =	simm.s32 $0x2;
	s21 =	simm.s32 $0x1380;
	s22 =	simm.s32 $0x2700  }
0x7: {  	s23 =	simm.s32 $0x2780;
	s24 =	simm.s32 $0x0;
	[smem:$0x7FF] =	sst s3  }
0x8: {  	s6 =	sand.u32 $0x1, s2;
	s2 =	stileid.u32;
	s4 =	sadd.s32 $0x41000, s5  }
0x9: {  	s10 =	sadd.s32 $0x69000, s5;
	s9 =	sadd.s32 $0xE1000, s5;
	s7 =	smul.u32 $0x140000, s6  }
0xa: {  	s11 =	sadd.s32 $0x37000, s5;
	_ =	strace $0x80000053;
	s8 =	smul.u32 $0x14000, s2  }
0xb: {  	s26 =	sshll.u32 s2, $0x1;
	s12 =	ssub.s32 $0x2, s6;
	s13 =	smul.u32 $0x50000, s2  }
0xc: {  	p0 =	seq.s32 s6, $0x1;
	s30 =	smul.u32 $0x2800, s2;
	s31 =	sshll.u32 s2, $0x6  }
0xd: {  	s14 =	sshrl.u32 s12, $0x1;
	s7 =	sadd.s32 s8, s7;
	s8 =	sor.u32 s6, s26  }
0xe: {  	s12 =	ssub.s32 s12, s14;
	s28 =	sshrl.u32 s13, $0x2;
	s8 =	smul.u32 $0x2800, s8  }
0xf: {  	s14 =	simm.s32 $0x3;
	s7 =	sshrl.u32 s7, $0x3;
	s13 =	sadd.s32 s28, s1  }
0x10: {  	s15 =	sadd.s32 s7, s5;
	s13 =	sshrl.u32 s13, $0x3;
	s29 =	sshrl.u32 s8, $0x3  }
0x11: {  	s5 =	sadd.s32 s9, s29;
	s8 =	sadd.s32 $0x280, s29;
	s6 =	sadd.s32 s11, s29  }
0x12: {  	s7 =	sadd.s32 s9, s8;
	s8 =	sadd.s32 s11, s8;
	s11 =	smov.u32 s4  }
0x13: {  	s9 =	sadd.s32 $0x91000, s15;
	s15 =	simm.s32 $0x1400;
	s11 =	smov.u32 @p0 s10  }
0x14: {  	s10 =	smax.u32 s12, $0x1;
	s12 =	sor.u32 $0x1C03, s31;
	s11 =	sadd.s32 s11, s30  }
.LBB2_1:
0x15: {  	[spmem:s13], [sflag:s12] =	dma.local [hbm:s11], $0x2800  }
0x16: {  	_ =	swait.ge [sflag:s14], $0x2800  }
0x17: {  	[sflag:s14] =	ssyncset.done $0x0  }
0x18: {  	[sflag:s14] =	ssyncadd.s32 $0xFFFFD800  }
0x19: {  	[bflag:$0x0] =	sbarrier.arrive $0xFFFF  }
0x1a: {  	[tilespmem:s3], [sflag:$0x3] =	stream.linear.gather [hbm4b:s5+s3], $0x1400, $0x38;
	[tilespmem:$0x1E800] =	vst v63  }
0x1b: {  	_ =	swait.ge [sflag:s14], $0x1400  }
0x1c: {  	[sflag:s14] =	ssyncset.done $0x0  }
0x1d: {  	[sflag:s14] =	ssyncadd.s32 $0xFFFFEC00  }
0x1e: {  	[tilespmem:s15], [sflag:$0x3] =	stream.linear.gather [hbm4b:s6+s3], $0x1400, $0x38;
	[tilespmem:$0x1E800] =	vst v63  }
0x1f: {  	_ =	swait.ge [sflag:s14], $0x1400  }
0x20: {  	[sflag:s14] =	ssyncset.done $0x0  }
0x21: {  	[sflag:s14] =	ssyncadd.s32 $0xFFFFEC00  }
0x22: {  	[tilespmem:s17], [sflag:$0x1] =	stream.indirect.gather [hbm4b:s4+s16], $0x80, s3, s16, $0xb8;
	[tilespmem:$0x1E800] =	vst v63  }
0x23: {  	_ =	swait.ge [sflag:s18], $0x4000  }
0x24: {  	[sflag:s18] =	ssyncset.done $0x0  }
0x25: {  	s25 =	simm.s32 $0x80;
	[sflag:s18] =	ssyncadd.s32 $0xFFFFC000  }
0x26: {  	[tilespmem:s19], [sflag:$0x2] =	stream.indirect.gather [hbm4b:s4+s16], $0x80, s25, s16, $0xb8;
	[tilespmem:$0x1E800] =	vst v63  }
0x27: {  	s29 =	simm.s32 $0x1400  }
0x28: {  	[spmem:s1] =	stream.indirect.scatter.add.f32 [tilespmem:s17], [sflag:$0x3], $0x80, s29, s16, $0xb8;
	[tilespmem:$0x1E800] =	vst v63  }
0x29: {  	_ =	swait.ge [sflag:s14], $0x4000  }
0x2a: {  	[sflag:s14] =	ssyncset.done $0x0  }
0x2b: {  	[sflag:s14] =	ssyncadd.s32 $0xFFFFC000  }
0x2c: {  	_ =	swait.ge [sflag:s20], $0x4000  }
0x2d: {  	[sflag:s20] =	ssyncset.done $0x0  }
0x2e: {  	s30 =	simm.s32 $0x100;
	[sflag:s20] =	ssyncadd.s32 $0xFFFFC000  }
0x2f: {  	[tilespmem:s17], [sflag:$0x1] =	stream.indirect.gather [hbm4b:s4+s16], $0x80, s30, s16, $0xb8;
	[tilespmem:$0x1E800] =	vst v63  }
0x30: {  	s31 =	simm.s32 $0x1480  }
0x31: {  	[spmem:s1] =	stream.indirect.scatter.add.f32 [tilespmem:s19], [sflag:$0x3], $0x80, s31, s16, $0xb8;
	[tilespmem:$0x1E800] =	vst v63  }
0x32: {  	_ =	swait.ge [sflag:s14], $0x4000  }
0x33: {  	s25 =	simm.s32 $0x400;
	[sflag:s14] =	ssyncset.done $0x0  }
.LBB2_2:
0x34: {  	p0 =	sne.s32 s25, $0x4800  }
0x35: {  	[sflag:s14] =	ssyncadd.s32 $0xFFFFC000;
	s26 =	smov.u32 s25;
	s25 =	sadd.s32 $0x400, s25  }
0x36: {  	_ = 	snop  }
0x37: {  	_ =	swait.ge [sflag:s18], $0x4000  }
0x38: {  	s26 =	sshra.s32 s26, $0x2;
	[sflag:s18] =	ssyncset.done $0x0  }
0x39: {  	s28 =	sadd.s32 $0x80, s26;
	[sflag:s18] =	ssyncadd.s32 $0xFFFFC000  }
0x3a: {  	[tilespmem:s19], [sflag:$0x2] =	stream.indirect.gather [hbm4b:s4+s16], $0x80, s28, s16, $0xb8;
	[tilespmem:$0x1E800] =	vst v63  }
0x3b: {  	s28 =	sadd.s32 $0x1400, s26  }
0x3c: {  	[spmem:s1] =	stream.indirect.scatter.add.f32 [tilespmem:s17], [sflag:$0x3], $0x80, s28, s16, $0xb8;
	[tilespmem:$0x1E800] =	vst v63  }
0x3d: {  	_ =	swait.ge [sflag:s14], $0x4000  }
0x3e: {  	[sflag:s14] =	ssyncset.done $0x0  }
0x3f: {  	[sflag:s14] =	ssyncadd.s32 $0xFFFFC000  }
0x40: {  	_ =	swait.ge [sflag:s20], $0x4000  }
0x41: {  	[sflag:s20] =	ssyncset.done $0x0  }
0x42: {  	s28 =	sadd.s32 $0x100, s26;
	[sflag:s20] =	ssyncadd.s32 $0xFFFFC000  }
0x43: {  	[tilespmem:s17], [sflag:$0x1] =	stream.indirect.gather [hbm4b:s4+s16], $0x80, s28, s16, $0xb8;
	[tilespmem:$0x1E800] =	vst v63  }
.Ltmp0:
0x44: {  	_ = 	snop;
	(pc) =	sbr.rel @p0 .LBB2_2-.Ltmp0, $4  }
0x45: {  	s26 =	sadd.s32 $0x1480, s26  }
0x46: {  	[spmem:s1] =	stream.indirect.scatter.add.f32 [tilespmem:s19], [sflag:$0x3], $0x80, s26, s16, $0xb8;
	[tilespmem:$0x1E800] =	vst v63  }
0x47: {  	_ =	swait.ge [sflag:s14], $0x4000  }
0x48: {  	[sflag:s14] =	ssyncset.done $0x0  }
0x49: {  	[sflag:s14] =	ssyncadd.s32 $0xFFFFC000  }
0x4a: {  	_ =	swait.ge [sflag:s18], $0x4000  }
0x4b: {  	[sflag:s18] =	ssyncset.done $0x0  }
0x4c: {  	[sflag:s18] =	ssyncadd.s32 $0xFFFFC000  }
0x4d: {  	[tilespmem:s19], [sflag:$0x2] =	stream.indirect.gather [hbm4b:s4+s16], $0x80, s21, s16, $0xb8;
	[tilespmem:$0x1E800] =	vst v63  }
0x4e: {  	_ = 	snop  }
0x4f: {  	[spmem:s1] =	stream.indirect.scatter.add.f32 [tilespmem:s17], [sflag:$0x3], $0x80, s22, s16, $0xb8;
	[tilespmem:$0x1E800] =	vst v63  }
0x50: {  	_ =	swait.ge [sflag:s14], $0x4000  }
0x51: {  	[sflag:s14] =	ssyncset.done $0x0  }
0x52: {  	[sflag:s14] =	ssyncadd.s32 $0xFFFFC000  }
0x53: {  	_ =	swait.ge [sflag:s20], $0x4000  }
0x54: {  	[sflag:s20] =	ssyncset.done $0x0  }
0x55: {  	[sflag:s20] =	ssyncadd.s32 $0xFFFFC000  }
0x56: {  	[spmem:s1] =	stream.indirect.scatter.add.f32 [tilespmem:s19], [sflag:$0x3], $0x80, s23, s16, $0xb8;
	[tilespmem:$0x1E800] =	vst v63  }
0x57: {  	_ =	swait.ge [sflag:s14], $0x4000  }
0x58: {  	[sflag:s14] =	ssyncset.done $0x0  }
0x59: {  	s25 =	simm.s32 $0x0;
	[sflag:s14] =	ssyncadd.s32 $0xFFFFC000  }
0x5a: {  	[tilespmem:s25], [sflag:$0x3] =	stream.linear.gather [hbm4b:s7+s25], $0x1400, $0x38;
	[tilespmem:$0x1E800] =	vst v63  }
0x5b: {  	_ =	swait.ge [sflag:s14], $0x1400  }
0x5c: {  	[sflag:s14] =	ssyncset.done $0x0  }
0x5d: {  	[sflag:s14] =	ssyncadd.s32 $0xFFFFEC00  }
0x5e: {  	[tilespmem:s15], [sflag:$0x3] =	stream.linear.gather [hbm4b:s8+s25], $0x1400, $0x38;
	[tilespmem:$0x1E800] =	vst v63  }
0x5f: {  	_ =	swait.ge [sflag:s14], $0x1400  }
0x60: {  	[sflag:s14] =	ssyncset.done $0x0  }
0x61: {  	[sflag:s14] =	ssyncadd.s32 $0xFFFFEC00  }
0x62: {  	[tilespmem:s17], [sflag:$0x1] =	stream.indirect.gather [hbm4b:s4+s16], $0x80, s25, s16, $0xb8;
	[tilespmem:$0x1E800] =	vst v63  }
0x63: {  	_ =	swait.ge [sflag:s18], $0x4000  }
0x64: {  	[sflag:s18] =	ssyncset.done $0x0  }
0x65: {  	s28 =	simm.s32 $0x80;
	[sflag:s18] =	ssyncadd.s32 $0xFFFFC000  }
0x66: {  	[tilespmem:s19], [sflag:$0x2] =	stream.indirect.gather [hbm4b:s4+s16], $0x80, s28, s16, $0xb8;
	[tilespmem:$0x1E800] =	vst v63  }
0x67: {  	s29 =	simm.s32 $0x1400  }
0x68: {  	[spmem:s1] =	stream.indirect.scatter.add.f32 [tilespmem:s17], [sflag:$0x3], $0x80, s29, s16, $0xb8;
	[tilespmem:$0x1E800] =	vst v63  }
0x69: {  	_ =	swait.ge [sflag:s14], $0x4000  }
0x6a: {  	[sflag:s14] =	ssyncset.done $0x0  }
0x6b: {  	[sflag:s14] =	ssyncadd.s32 $0xFFFFC000  }
0x6c: {  	_ =	swait.ge [sflag:s20], $0x4000  }
0x6d: {  	[sflag:s20] =	ssyncset.done $0x0  }
0x6e: {  	s30 =	simm.s32 $0x100;
	[sflag:s20] =	ssyncadd.s32 $0xFFFFC000  }
0x6f: {  	[tilespmem:s17], [sflag:$0x1] =	stream.indirect.gather [hbm4b:s4+s16], $0x80, s30, s16, $0xb8;
	[tilespmem:$0x1E800] =	vst v63  }
0x70: {  	s31 =	simm.s32 $0x1480  }
0x71: {  	[spmem:s1] =	stream.indirect.scatter.add.f32 [tilespmem:s19], [sflag:$0x3], $0x80, s31, s16, $0xb8;
	[tilespmem:$0x1E800] =	vst v63  }
0x72: {  	_ =	swait.ge [sflag:s14], $0x4000  }
0x73: {  	s25 =	simm.s32 $0x400;
	[sflag:s14] =	ssyncset.done $0x0  }
.LBB2_4:
0x74: {  	p0 =	sne.s32 s25, $0x4800  }
0x75: {  	[sflag:s14] =	ssyncadd.s32 $0xFFFFC000;
	s26 =	smov.u32 s25;
	s25 =	sadd.s32 $0x400, s25  }
0x76: {  	_ = 	snop  }
0x77: {  	_ =	swait.ge [sflag:s18], $0x4000  }
0x78: {  	s26 =	sshra.s32 s26, $0x2;
	[sflag:s18] =	ssyncset.done $0x0  }
0x79: {  	s28 =	sadd.s32 $0x80, s26;
	[sflag:s18] =	ssyncadd.s32 $0xFFFFC000  }
0x7a: {  	[tilespmem:s19], [sflag:$0x2] =	stream.indirect.gather [hbm4b:s4+s16], $0x80, s28, s16, $0xb8;
	[tilespmem:$0x1E800] =	vst v63  }
0x7b: {  	s28 =	sadd.s32 $0x1400, s26  }
0x7c: {  	[spmem:s1] =	stream.indirect.scatter.add.f32 [tilespmem:s17], [sflag:$0x3], $0x80, s28, s16, $0xb8;
	[tilespmem:$0x1E800] =	vst v63  }
0x7d: {  	_ =	swait.ge [sflag:s14], $0x4000  }
0x7e: {  	[sflag:s14] =	ssyncset.done $0x0  }
0x7f: {  	[sflag:s14] =	ssyncadd.s32 $0xFFFFC000  }
0x80: {  	_ =	swait.ge [sflag:s20], $0x4000  }
0x81: {  	[sflag:s20] =	ssyncset.done $0x0  }
0x82: {  	s28 =	sadd.s32 $0x100, s26;
	[sflag:s20] =	ssyncadd.s32 $0xFFFFC000  }
0x83: {  	[tilespmem:s17], [sflag:$0x1] =	stream.indirect.gather [hbm4b:s4+s16], $0x80, s28, s16, $0xb8;
	[tilespmem:$0x1E800] =	vst v63  }
.Ltmp1:
0x84: {  	_ = 	snop;
	(pc) =	sbr.rel @p0 .LBB2_4-.Ltmp1, $4  }
0x85: {  	s26 =	sadd.s32 $0x1480, s26  }
0x86: {  	[spmem:s1] =	stream.indirect.scatter.add.f32 [tilespmem:s19], [sflag:$0x3], $0x80, s26, s16, $0xb8;
	[tilespmem:$0x1E800] =	vst v63  }
0x87: {  	_ =	swait.ge [sflag:s14], $0x4000  }
0x88: {  	[sflag:s14] =	ssyncset.done $0x0  }
0x89: {  	[sflag:s14] =	ssyncadd.s32 $0xFFFFC000  }
0x8a: {  	_ =	swait.ge [sflag:s18], $0x4000  }
0x8b: {  	[sflag:s18] =	ssyncset.done $0x0  }
0x8c: {  	[sflag:s18] =	ssyncadd.s32 $0xFFFFC000  }
0x8d: {  	[tilespmem:s19], [sflag:$0x2] =	stream.indirect.gather [hbm4b:s4+s16], $0x80, s21, s16, $0xb8;
	[tilespmem:$0x1E800] =	vst v63  }
0x8e: {  	_ = 	snop  }
0x8f: {  	[spmem:s1] =	stream.indirect.scatter.add.f32 [tilespmem:s17], [sflag:$0x3], $0x80, s22, s16, $0xb8;
	[tilespmem:$0x1E800] =	vst v63  }
0x90: {  	_ =	swait.ge [sflag:s14], $0x4000  }
0x91: {  	[sflag:s14] =	ssyncset.done $0x0  }
0x92: {  	[sflag:s14] =	ssyncadd.s32 $0xFFFFC000  }
0x93: {  	_ =	swait.ge [sflag:s20], $0x4000  }
0x94: {  	[sflag:s20] =	ssyncset.done $0x0  }
0x95: {  	[sflag:s20] =	ssyncadd.s32 $0xFFFFC000  }
0x96: {  	[spmem:s1] =	stream.indirect.scatter.add.f32 [tilespmem:s19], [sflag:$0x3], $0x80, s23, s16, $0xb8;
	[tilespmem:$0x1E800] =	vst v63  }
0x97: {  	_ =	swait.ge [sflag:s14], $0x4000  }
0x98: {  	s24 =	sadd.s32 $0x1, s24;
	[sflag:s14] =	ssyncset.done $0x0  }
0x99: {  	p0 =	sne.s32 s24, s10;
	[sflag:s14] =	ssyncadd.s32 $0xFFFFC000  }
.Ltmp2:
0x9a: {  	[bflag:$0x0] =	sbarrier.arrive $0xFFFF;
	(pc) =	sbr.rel @p0 .LBB2_1-.Ltmp2, $4  }
0x9b: {  	[hbm:s9], [sflag:s12] =	dma.local [spmem:s13], $0x2800  }
0x9c: {  	_ =	swait.ge [sflag:s14], $0x2800  }
0x9d: {  	[sflag:s14] =	ssyncset.done $0x0  }
0x9e: {  	[sflag:s14] =	ssyncadd.s32 $0xFFFFD800  }
0x9f: {  	_ =	sfence.sel $0x180000  }
0xa0: {  	[bflag:$0x0] =	sbarrier.arrive $0xFFFF  }
0xa1: {  	p0 =	sne.s32 s2, $0x0;
	_ =	strace $0x90000053  }
0xa2: {  	s0 =	sadd.s32 @!p0 $0x100000, s0;
	[bflag:$0x2] =	sbarrier.arrive $0xFFFF  }
0xa3: {  	[sflag:s0] =	ssyncadd.tile.s32 @!p0 $0x1;
	_ =	shalt  }
.Lfunc_end2:
_tile_overlayer_lowered:
.L_overlay_start_2:
0xa4: {  	(tag) =	ssettag $0x2  }
0xa5: {  	s0 =	rddreg [dreg:$0x0];
	s2 =	stileid.u32  }
0xa6: {  	s1 =	rddreg [dreg:$0x1];
	p0 =	sne.s32 s2, $0x0  }
0xa7: {  	s3 =	rddreg [dreg:$0x2];
	[bflag:$0x3] =	sbarrier.arrive $0xFFFF;
	s2 =	simm.s32 @!p0 $0x1C03  }
0xa8: {  	[timem:s3], [sflag:s2] =	dma.local @!p0 [hbm:s0], s1  }
0xa9: {  	s0 =	simm.s32 @!p0 $0x3  }
0xaa: {  	_ =	swait.ge @!p0 [sflag:s0], s1  }
0xab: {  	s1 =	ssub.s32 @!p0 $0x0, s1;
	[sflag:s0] =	ssyncset.done @!p0 $0x0  }
0xac: {  	[sflag:s0] =	ssyncadd.s32 @!p0 s1  }
0xad: {  	[bflag:$0x3] =	sbarrier.arrive $0xFFFF  }
0xae: {  	_ =	shalt  }

// kernel: kernel.29.cloned.1.call-start
scs
__scs_entry_jumppad:
0x0: {  	(pc) =	sbr.rel $0x88, $3  }
0x1: {  	(tag) =	ssettag $0x0;
	lr =	simm.s32 $0x1  }
0x2: {  	[smem:$0x3F96] =	sst lr;
	_ =	strace $0xD0000000  }
0x3: {  	_ = 	snop  }
0x4: {  	_ = 	snop  }
0x5: {  	_ = 	snop  }
0x6: {  	_ = 	snop  }
0x7: {  	_ = 	snop  }
__scs_overlays_trampoline_lowered:
0x8: {  	[smem:$0x3FA5] =	sst s0  }
0x9: {  	[smem:$0x3FA6] =	sst s1  }
0xa: {  	[smem:$0x3FA7] =	sst s2  }
0xb: {  	[smem:$0x3FA8] =	sst s3  }
0xc: {  	[smem:$0x3FA9] =	sst s4  }
0xd: {  	[smem:$0x3FAA] =	sst s5  }
0xe: {  	[smem:$0x3FAB] =	sst s6  }
0xf: {  	[smem:$0x3FAC] =	sst s7  }
0x10: {  	[smem:$0x3FAD] =	sst s8  }
0x11: {  	[smem:$0x3FAE] =	sst s9;
	s0 =	simm.s32 @!p0 $0x0  }
0x12: {  	s1 =	sld [smem:$0x3F94];
	s0 =	simm.s32 @p0 $0x1  }
0x13: {  	[smem:$0x3FAF] =	sst s0;
	s0 =	simm.s32 @!p1 $0x0  }
0x14: {  	s2 =	sld [smem:$0x3F93];
	s0 =	simm.s32 @p1 $0x1  }
0x15: {  	[smem:$0x3FB0] =	sst s0;
	s0 =	simm.s32 @!p2 $0x0  }
0x16: {  	s3 =	sld [smem:$0x3FDB];
	s0 =	simm.s32 @p2 $0x1  }
0x17: {  	s4 =	simm.s32 $0x1BF5;
	[smem:$0x3FB2] =	sst s0  }
0x18: {  	s0 =	sld [smem:$0x3F95];
	_ =	swait.ge [sflag:s4], $0x0  }
0x19: {  	s7 =	sld [smem:$0x3F96]  }
0x1a: {  	s8 =	sadd.s32 $0xFFFFE003, lr  }
0x1b: {  	s9 =	sadd.s32 $0xFFFFFEF7, lr;
	s5 =	simm.s32 $0xFFFFFFFF;
	p2 =	slt.u32 s8, $0xFFFFF086  }
0x1c: {  	p1 =	slt.u32 s9, $0xF7A;
	s5 =	simm.s32 @!p2 $0x0  }
0x1d: {  	s5 =	simm.s32 @p1 $0x1;
	p0 =	seq.s32 s7, s2  }
0x1e: {  	s7 =	smul.u32 @!p0 $0xF7A, s2;
	p2 =	seq.s32 @!p0 s5, $0x0  }
0x1f: {  	s9 =	smul.u32 $0xF7A, s1;
	s8 =	simm.s32 @!p0 $0x1BF5;
	p2 =	por !p2, p0  }
0x20: {  	[sflag:s8] =	ssyncset.s32 @!p0 $0xFFFFF086;
	s6 =	sadd.s32 @!p0 s3, s7;
	s7 =	simm.s32 @!p0 $0x108  }
0x21: {  	s3 =	sadd.s32 s3, s9;
	s6 =	sadd.s32 @!p0 $0x88, s6;
	s7 =	simm.s32 @p2 $0x1082  }
0x22: {  	[simem:s7], [sflag:s8] =	dma.local @!p0 [hbm:s6], $0xF7A  }
0x23: {  	s9 =	sor.u32 $0xD0000000, s2;
	s6 =	simm.s32 $0x108;
	_ =	swait.ge @!p0 [sflag:s8], $0x0  }
0x24: {  	s3 =	sadd.s32 $0x88, s3;
	s6 =	simm.s32 @!p1 $0x1082;
	[sflag:s4] =	ssyncset.s32 $0xFFFFF086  }
0x25: {  	[simem:s6], [sflag:s4] =	dma.local [hbm:s3], $0xF7A  }
0x26: {  	[smem:$0x3F96] =	sst s1;
	(tag) =	ssettag s2;
	_ =	strace s9  }
0x27: {  	s1 =	sld [smem:$0x3FA6]  }
0x28: {  	s2 =	sld [smem:$0x3FA7]  }
0x29: {  	s4 =	sld [smem:$0x3FA9]  }
0x2a: {  	p0 =	seq.s32 s5, $0x0;
	s5 =	sld [smem:$0x3FAA]  }
0x2b: {  	s6 =	sld [smem:$0x3FAB]  }
0x2c: {  	s7 =	sld [smem:$0x3FAC]  }
0x2d: {  	s3 =	simm.s32 $0x108;
	s8 =	sld [smem:$0x3FAD]  }
0x2e: {  	s3 =	simm.s32 @!p0 $0x1082;
	s9 =	sld [smem:$0x3FAE]  }
0x2f: {  	lr =	sadd.s32 s0, s3;
	s0 =	sld [smem:$0x3FA5]  }
0x30: {  	s3 =	sld [smem:$0x3FA8]  }
0x31: {  	[smem:$0x3FB1] =	sst s10  }
0x32: {  	s10 =	sld [smem:$0x3FAF];
	_ =	sdelay $0x3  }
0x33: {  	p0 =	seq.s32 s10, $0x1;
	s10 =	sld [smem:$0x3FB1];
	_ =	sdelay $0x3  }
0x34: {  	[smem:$0x3FB1] =	sst s10  }
0x35: {  	s10 =	sld [smem:$0x3FB0];
	_ =	sdelay $0x3  }
0x36: {  	p1 =	seq.s32 s10, $0x1;
	s10 =	sld [smem:$0x3FB1];
	_ =	sdelay $0x3  }
0x37: {  	[smem:$0x3FB1] =	sst s10  }
0x38: {  	s10 =	sld [smem:$0x3FB2]  }
0x39: {  	_ = 	snop;
	(pc) =	sbr.ind lr, $3  }
0x3a: {  	_ = 	snop  }
0x3b: {  	_ = 	snop  }
0x3c: {  	p2 =	seq.s32 s10, $0x1;
	s10 =	sld [smem:$0x3FB1]  }
0x3d: {  	_ =	shalt  }
0x3e: {  	_ =	shalt  }
0x3f: {  	_ =	shalt  }
0x40: {  	_ =	shalt  }
0x41: {  	_ =	shalt  }
0x42: {  	_ =	shalt  }
0x43: {  	_ =	shalt  }
0x44: {  	_ =	shalt  }
0x45: {  	_ =	shalt  }
0x46: {  	_ =	shalt  }
0x47: {  	_ =	shalt  }
0x48: {  	_ =	shalt  }
0x49: {  	_ =	shalt  }
0x4a: {  	_ =	shalt  }
0x4b: {  	_ =	shalt  }
0x4c: {  	_ =	shalt  }
0x4d: {  	_ =	shalt  }
0x4e: {  	_ =	shalt  }
0x4f: {  	_ =	shalt  }
0x50: {  	_ =	shalt  }
0x51: {  	_ =	shalt  }
0x52: {  	_ =	shalt  }
0x53: {  	_ =	shalt  }
0x54: {  	_ =	shalt  }
0x55: {  	_ =	shalt  }
0x56: {  	_ =	shalt  }
0x57: {  	_ =	shalt  }
0x58: {  	_ =	shalt  }
0x59: {  	_ =	shalt  }
0x5a: {  	_ =	shalt  }
0x5b: {  	_ =	shalt  }
0x5c: {  	_ =	shalt  }
0x5d: {  	_ =	shalt  }
0x5e: {  	_ =	shalt  }
0x5f: {  	_ =	shalt  }
0x60: {  	_ =	shalt  }
0x61: {  	_ =	shalt  }
0x62: {  	_ =	shalt  }
0x63: {  	_ =	shalt  }
0x64: {  	_ =	shalt  }
0x65: {  	_ =	shalt  }
0x66: {  	_ =	shalt  }
0x67: {  	_ =	shalt  }
0x68: {  	_ =	shalt  }
0x69: {  	_ =	shalt  }
0x6a: {  	_ =	shalt  }
0x6b: {  	_ =	shalt  }
0x6c: {  	_ =	shalt  }
0x6d: {  	_ =	shalt  }
0x6e: {  	_ =	shalt  }
0x6f: {  	_ =	shalt  }
0x70: {  	_ =	shalt  }
0x71: {  	_ =	shalt  }
0x72: {  	_ =	shalt  }
0x73: {  	_ =	shalt  }
0x74: {  	_ =	shalt  }
0x75: {  	_ =	shalt  }
0x76: {  	_ =	shalt  }
0x77: {  	_ =	shalt  }
0x78: {  	_ =	shalt  }
0x79: {  	_ =	shalt  }
0x7a: {  	_ =	shalt  }
0x7b: {  	_ =	shalt  }
0x7c: {  	_ =	shalt  }
0x7d: {  	_ =	shalt  }
0x7e: {  	_ =	shalt  }
0x7f: {  	_ =	shalt  }
0x80: {  	_ =	shalt  }
0x81: {  	_ =	shalt  }
0x82: {  	_ =	shalt  }
0x83: {  	_ =	shalt  }
0x84: {  	_ =	shalt  }
0x85: {  	_ =	shalt  }
0x86: {  	_ =	shalt  }
0x87: {  	_ =	shalt  }
.Lfunc_end0:
.L_simem_size_0:
called_computation.5_lowered:
.L_overlay_start_0:
0x88: {  	s2 =	sld [smem:$0x3FD9]  }
0x89: {  	s3 =	sld [smem:$0x3FFE];
	_ =	sdelay $0x1  }
0x8a: {  	s1 =	srdreg.scid  }
0x8b: {  	s0 =	sand.u32 $0x1, s1  }
0x8c: {  	s16 =	sshll.u32 s0, $0xA;
	s2 =	sadd.s32 s3, s2  }
0x8d: {  	s2 =	sadd.s32 s2, s16  }
0x8e: {  	[smem:$0x3FBD] =	sst s2  }
0x8f: {  	_ = 	snop  }
0x90: {  	(tm) =	ssettm $0x1  }
0x91: {  	s17 =	sld [smem:$0x3FFB];
	_ =	sdelay $0x3  }
0x92: {  	_ =	strace s17  }
0x93: {  	s2 =	sld [smem:$0x3FFC];
	_ =	sdelay $0x3  }
0x94: {  	_ =	strace s2  }
0x95: {  	s2 =	sld [smem:$0x3FFD];
	_ =	sdelay $0x3  }
0x96: {  	_ =	strace s2  }
0x97: {  	_ =	strace $0x8FFFFFFF  }
0x98: {  	s18 =	sld [smem:$0x3FDB];
	_ =	sdelay $0x1  }
0x99: {  	s19 =	simm.s32 $_scs_section_size  }
0x9a: {  	s4 =	simm.s32 $_size__tile_overlayer_lowered;
	s5 =	simm.s32 $_tile_overlayer_lowered  }
0x9b: {  	s22 =	simm.s32 $0x1BFF;
	s21 =	sshll.u32 s5, $0x1;
	s2 =	sadd.s32 s19, s18  }
0x9c: {  	s6 =	simm.s32 $0x0;
	s20 =	sshll.u32 s4, $0x1;
	s4 =	sadd.s32 s21, s2  }
0x9d: {  	[timem:s6], [sflag:s22] =	dma.local [hbm:s4], s20  }
0x9e: {  	_ =	swait.ge [sflag:s22], s20  }
0x9f: {  	s3 =	ssub.s32 $0x0, s20;
	[sflag:s22] =	ssyncset.done $0x0  }
0xa0: {  	[sflag:s22] =	ssyncadd.s32 s3;
	_ =	sdelay $0x1  }
0xa1: {  	s23 =	simm.s32 $0x1B8B  }
0xa2: {  	_ =	swait.ge [sflag:s23], $0x1  }
0xa3: {  	[sflag:s23] =	ssyncset.done $0x0  }
0xa4: {  	s25 =	simm.s32 $0x1B8E;
	s24 =	sld [smem:$0x3FFE];
	[sflag:s23] =	ssyncadd.s32 $0xFFFFFFFF  }
0xa5: {  	s26 =	simm.s32 $execute0_lowered;
	[smem:$0x3FD2] =	sst s25  }
0xa6: {  	s4 =	sshll.u32 s26, $0x1;
	_ =	strace $0x80000055;
	[dreg:$0x1] =	wrdreg $0xFFFFFFFF  }
0xa7: {  	s28 =	simm.s32 $_size_execute0_lowered;
	s2 =	sadd.s32 s2, s4;
	[dreg:$0x0] =	wrdreg $0x0  }
0xa8: {  	s4 =	sshll.u32 s28, $0x1;
	[dreg:$0x2] =	wrdreg s2  }
0xa9: {  	[dreg:$0x3] =	wrdreg s4  }
0xaa: {  	[dreg:$0x4] =	wrdreg $0xC0  }
0xab: {  	_ =	task [dreg:s6], $0x5FFFF  }
0xac: {  	[dreg:$0x1] =	wrdreg $0xFFFFFFFF  }
0xad: {  	[dreg:$0x0] =	wrdreg $0x60  }
0xae: {  	[dreg:$0x2] =	wrdreg s24  }
0xaf: {  	[dreg:$0x3] =	wrdreg $0xA8000  }
0xb0: {  	[dreg:$0x4] =	wrdreg $0x9  }
0xb1: {  	_ =	task.clear_ibuf [dreg:s6], $0x5FFFF;
	_ =	strace $0x90000055  }
0xb2: {  	s29 =	simm.s32 $0x9;
	_ =	strace $0x80000057  }
0xb3: {  	_ =	swait.ge [sflag:s29], $0x1  }
0xb4: {  	[sflag:s29] =	ssyncadd.s32 $0xFFFFFFFF  }
0xb5: {  	_ =	strace $0x90000057  }
0xb6: {  	_ =	sfence  }
0xb7: {  	s30 =	sld [smem:$0x0];
	_ =	sdelay $0x2  }
0xb8: {  	s31 =	sshll.u32 s1, $0xD;
	s1 =	sshrl.u32 s1, $0x2  }
0xb9: {  	s3 =	sand.u32 $0x4000, s31;
	s1 =	sadd.s32 s1, s30  }
0xba: {  	s0 =	sor.u32 s3, s0;
	s1 =	sshll.u32 s1, $0x11  }
0xbb: {  	s0 =	sor.u32 s1, s0  }
0xbc: {  	s0 =	sadd.s32 $0x8F2B, s0  }
0xbd: {  	[sflag:s0] =	ssyncadd.remote.s32 $0x1  }
0xbe: {  	_ =	sfence.sel $0xFFFF  }
0xbf: {  	[dreg:$0x0] =	wrdreg $0xFFFFFFFF;
	(pc) =	sbr.abs _section_cstart, $3  }
0xc0: {  	[dreg:$0x1] =	wrdreg $0xFFFFFFFF  }
0xc1: {  	_ =	task.clear_ibuf [dreg:s6], $0x2FFFF;
	_ =	strace $0x9FFFFFFF  }
0xc2: {  	(tm) =	ssettm $0x7FFFFFFF  }
0xc3: {  	_ =	shalt  }
tec
execute0_lowered:
.L_overlay_start_1:
0x0: {  	(tag) =	ssettag $0x1  }
0x1: {  	s5 =	rddreg [dreg:$0x0]  }
0x2: {  	s1 =	rddreg [dreg:$0x1]  }
0x3: {  	s0 =	rddreg [dreg:$0x2]  }
0x4: {  	s3 =	simm.s32 $0x0;
	s2 =	srdreg.scid;
	s16 =	simm.s32 $0x80  }
0x5: {  	s17 =	simm.s32 $0x2800;
	s18 =	simm.s32 $0x1;
	s19 =	simm.s32 $0x6800  }
0x6: {  	s20 =	simm.s32 $0x2;
	s21 =	simm.s32 $0x1380;
	s22 =	simm.s32 $0x2700  }
0x7: {  	s23 =	simm.s32 $0x2780;
	s24 =	simm.s32 $0x0;
	[smem:$0x7FF] =	sst s3  }
0x8: {  	s6 =	sand.u32 $0x1, s2;
	s2 =	stileid.u32;
	s4 =	sadd.s32 $0x41000, s5  }
0x9: {  	s10 =	sadd.s32 $0x69000, s5;
	s9 =	sadd.s32 $0xE1000, s5;
	s7 =	smul.u32 $0x140000, s6  }
0xa: {  	s11 =	sadd.s32 $0x37000, s5;
	_ =	strace $0x80000056;
	s8 =	smul.u32 $0x14000, s2  }
0xb: {  	s26 =	sshll.u32 s2, $0x1;
	s12 =	ssub.s32 $0x2, s6;
	s13 =	smul.u32 $0x50000, s2  }
0xc: {  	p0 =	seq.s32 s6, $0x1;
	s30 =	smul.u32 $0x2800, s2;
	s31 =	sshll.u32 s2, $0x6  }
0xd: {  	s14 =	sshrl.u32 s12, $0x1;
	s7 =	sadd.s32 s8, s7;
	s8 =	sor.u32 s6, s26  }
0xe: {  	s12 =	ssub.s32 s12, s14;
	s28 =	sshrl.u32 s13, $0x2;
	s8 =	smul.u32 $0x2800, s8  }
0xf: {  	s14 =	simm.s32 $0x3;
	s7 =	sshrl.u32 s7, $0x3;
	s13 =	sadd.s32 s28, s1  }
0x10: {  	s15 =	sadd.s32 s7, s5;
	s13 =	sshrl.u32 s13, $0x3;
	s29 =	sshrl.u32 s8, $0x3  }
0x11: {  	s5 =	sadd.s32 s9, s29;
	s8 =	sadd.s32 $0x280, s29;
	s6 =	sadd.s32 s11, s29  }
0x12: {  	s7 =	sadd.s32 s9, s8;
	s8 =	sadd.s32 s11, s8;
	s11 =	smov.u32 s4  }
0x13: {  	s9 =	sadd.s32 $0x91000, s15;
	s15 =	simm.s32 $0x1400;
	s11 =	smov.u32 @p0 s10  }
0x14: {  	s10 =	smax.u32 s12, $0x1;
	s12 =	sor.u32 $0x1C03, s31;
	s11 =	sadd.s32 s11, s30  }
.LBB2_1:
0x15: {  	[spmem:s13], [sflag:s12] =	dma.local [hbm:s11], $0x2800  }
0x16: {  	_ =	swait.ge [sflag:s14], $0x2800  }
0x17: {  	[sflag:s14] =	ssyncset.done $0x0  }
0x18: {  	[sflag:s14] =	ssyncadd.s32 $0xFFFFD800  }
0x19: {  	[bflag:$0x0] =	sbarrier.arrive $0xFFFF  }
0x1a: {  	[tilespmem:s3], [sflag:$0x3] =	stream.linear.gather [hbm4b:s5+s3], $0x1400, $0x38;
	[tilespmem:$0x1E800] =	vst v63  }
0x1b: {  	_ =	swait.ge [sflag:s14], $0x1400  }
0x1c: {  	[sflag:s14] =	ssyncset.done $0x0  }
0x1d: {  	[sflag:s14] =	ssyncadd.s32 $0xFFFFEC00  }
0x1e: {  	[tilespmem:s15], [sflag:$0x3] =	stream.linear.gather [hbm4b:s6+s3], $0x1400, $0x38;
	[tilespmem:$0x1E800] =	vst v63  }
0x1f: {  	_ =	swait.ge [sflag:s14], $0x1400  }
0x20: {  	[sflag:s14] =	ssyncset.done $0x0  }
0x21: {  	[sflag:s14] =	ssyncadd.s32 $0xFFFFEC00  }
0x22: {  	[tilespmem:s17], [sflag:$0x1] =	stream.indirect.gather [hbm4b:s4+s16], $0x80, s3, s16, $0xb8;
	[tilespmem:$0x1E800] =	vst v63  }
0x23: {  	_ =	swait.ge [sflag:s18], $0x4000  }
0x24: {  	[sflag:s18] =	ssyncset.done $0x0  }
0x25: {  	s25 =	simm.s32 $0x80;
	[sflag:s18] =	ssyncadd.s32 $0xFFFFC000  }
0x26: {  	[tilespmem:s19], [sflag:$0x2] =	stream.indirect.gather [hbm4b:s4+s16], $0x80, s25, s16, $0xb8;
	[tilespmem:$0x1E800] =	vst v63  }
0x27: {  	s29 =	simm.s32 $0x1400  }
0x28: {  	[spmem:s1] =	stream.indirect.scatter.add.f32 [tilespmem:s17], [sflag:$0x3], $0x80, s29, s16, $0xb8;
	[tilespmem:$0x1E800] =	vst v63  }
0x29: {  	_ =	swait.ge [sflag:s14], $0x4000  }
0x2a: {  	[sflag:s14] =	ssyncset.done $0x0  }
0x2b: {  	[sflag:s14] =	ssyncadd.s32 $0xFFFFC000  }
0x2c: {  	_ =	swait.ge [sflag:s20], $0x4000  }
0x2d: {  	[sflag:s20] =	ssyncset.done $0x0  }
0x2e: {  	s30 =	simm.s32 $0x100;
	[sflag:s20] =	ssyncadd.s32 $0xFFFFC000  }
0x2f: {  	[tilespmem:s17], [sflag:$0x1] =	stream.indirect.gather [hbm4b:s4+s16], $0x80, s30, s16, $0xb8;
	[tilespmem:$0x1E800] =	vst v63  }
0x30: {  	s31 =	simm.s32 $0x1480  }
0x31: {  	[spmem:s1] =	stream.indirect.scatter.add.f32 [tilespmem:s19], [sflag:$0x3], $0x80, s31, s16, $0xb8;
	[tilespmem:$0x1E800] =	vst v63  }
0x32: {  	_ =	swait.ge [sflag:s14], $0x4000  }
0x33: {  	s25 =	simm.s32 $0x400;
	[sflag:s14] =	ssyncset.done $0x0  }
.LBB2_2:
0x34: {  	p0 =	sne.s32 s25, $0x4800  }
0x35: {  	[sflag:s14] =	ssyncadd.s32 $0xFFFFC000;
	s26 =	smov.u32 s25;
	s25 =	sadd.s32 $0x400, s25  }
0x36: {  	_ = 	snop  }
0x37: {  	_ =	swait.ge [sflag:s18], $0x4000  }
0x38: {  	s26 =	sshra.s32 s26, $0x2;
	[sflag:s18] =	ssyncset.done $0x0  }
0x39: {  	s28 =	sadd.s32 $0x80, s26;
	[sflag:s18] =	ssyncadd.s32 $0xFFFFC000  }
0x3a: {  	[tilespmem:s19], [sflag:$0x2] =	stream.indirect.gather [hbm4b:s4+s16], $0x80, s28, s16, $0xb8;
	[tilespmem:$0x1E800] =	vst v63  }
0x3b: {  	s28 =	sadd.s32 $0x1400, s26  }
0x3c: {  	[spmem:s1] =	stream.indirect.scatter.add.f32 [tilespmem:s17], [sflag:$0x3], $0x80, s28, s16, $0xb8;
	[tilespmem:$0x1E800] =	vst v63  }
0x3d: {  	_ =	swait.ge [sflag:s14], $0x4000  }
0x3e: {  	[sflag:s14] =	ssyncset.done $0x0  }
0x3f: {  	[sflag:s14] =	ssyncadd.s32 $0xFFFFC000  }
0x40: {  	_ =	swait.ge [sflag:s20], $0x4000  }
0x41: {  	[sflag:s20] =	ssyncset.done $0x0  }
0x42: {  	s28 =	sadd.s32 $0x100, s26;
	[sflag:s20] =	ssyncadd.s32 $0xFFFFC000  }
0x43: {  	[tilespmem:s17], [sflag:$0x1] =	stream.indirect.gather [hbm4b:s4+s16], $0x80, s28, s16, $0xb8;
	[tilespmem:$0x1E800] =	vst v63  }
.Ltmp0:
0x44: {  	_ = 	snop;
	(pc) =	sbr.rel @p0 .LBB2_2-.Ltmp0, $4  }
0x45: {  	s26 =	sadd.s32 $0x1480, s26  }
0x46: {  	[spmem:s1] =	stream.indirect.scatter.add.f32 [tilespmem:s19], [sflag:$0x3], $0x80, s26, s16, $0xb8;
	[tilespmem:$0x1E800] =	vst v63  }
0x47: {  	_ =	swait.ge [sflag:s14], $0x4000  }
0x48: {  	[sflag:s14] =	ssyncset.done $0x0  }
0x49: {  	[sflag:s14] =	ssyncadd.s32 $0xFFFFC000  }
0x4a: {  	_ =	swait.ge [sflag:s18], $0x4000  }
0x4b: {  	[sflag:s18] =	ssyncset.done $0x0  }
0x4c: {  	[sflag:s18] =	ssyncadd.s32 $0xFFFFC000  }
0x4d: {  	[tilespmem:s19], [sflag:$0x2] =	stream.indirect.gather [hbm4b:s4+s16], $0x80, s21, s16, $0xb8;
	[tilespmem:$0x1E800] =	vst v63  }
0x4e: {  	_ = 	snop  }
0x4f: {  	[spmem:s1] =	stream.indirect.scatter.add.f32 [tilespmem:s17], [sflag:$0x3], $0x80, s22, s16, $0xb8;
	[tilespmem:$0x1E800] =	vst v63  }
0x50: {  	_ =	swait.ge [sflag:s14], $0x4000  }
0x51: {  	[sflag:s14] =	ssyncset.done $0x0  }
0x52: {  	[sflag:s14] =	ssyncadd.s32 $0xFFFFC000  }
0x53: {  	_ =	swait.ge [sflag:s20], $0x4000  }
0x54: {  	[sflag:s20] =	ssyncset.done $0x0  }
0x55: {  	[sflag:s20] =	ssyncadd.s32 $0xFFFFC000  }
0x56: {  	[spmem:s1] =	stream.indirect.scatter.add.f32 [tilespmem:s19], [sflag:$0x3], $0x80, s23, s16, $0xb8;
	[tilespmem:$0x1E800] =	vst v63  }
0x57: {  	_ =	swait.ge [sflag:s14], $0x4000  }
0x58: {  	[sflag:s14] =	ssyncset.done $0x0  }
0x59: {  	s25 =	simm.s32 $0x0;
	[sflag:s14] =	ssyncadd.s32 $0xFFFFC000  }
0x5a: {  	[tilespmem:s25], [sflag:$0x3] =	stream.linear.gather [hbm4b:s7+s25], $0x1400, $0x38;
	[tilespmem:$0x1E800] =	vst v63  }
0x5b: {  	_ =	swait.ge [sflag:s14], $0x1400  }
0x5c: {  	[sflag:s14] =	ssyncset.done $0x0  }
0x5d: {  	[sflag:s14] =	ssyncadd.s32 $0xFFFFEC00  }
0x5e: {  	[tilespmem:s15], [sflag:$0x3] =	stream.linear.gather [hbm4b:s8+s25], $0x1400, $0x38;
	[tilespmem:$0x1E800] =	vst v63  }
0x5f: {  	_ =	swait.ge [sflag:s14], $0x1400  }
0x60: {  	[sflag:s14] =	ssyncset.done $0x0  }
0x61: {  	[sflag:s14] =	ssyncadd.s32 $0xFFFFEC00  }
0x62: {  	[tilespmem:s17], [sflag:$0x1] =	stream.indirect.gather [hbm4b:s4+s16], $0x80, s25, s16, $0xb8;
	[tilespmem:$0x1E800] =	vst v63  }
0x63: {  	_ =	swait.ge [sflag:s18], $0x4000  }
0x64: {  	[sflag:s18] =	ssyncset.done $0x0  }
0x65: {  	s28 =	simm.s32 $0x80;
	[sflag:s18] =	ssyncadd.s32 $0xFFFFC000  }
0x66: {  	[tilespmem:s19], [sflag:$0x2] =	stream.indirect.gather [hbm4b:s4+s16], $0x80, s28, s16, $0xb8;
	[tilespmem:$0x1E800] =	vst v63  }
0x67: {  	s29 =	simm.s32 $0x1400  }
0x68: {  	[spmem:s1] =	stream.indirect.scatter.add.f32 [tilespmem:s17], [sflag:$0x3], $0x80, s29, s16, $0xb8;
	[tilespmem:$0x1E800] =	vst v63  }
0x69: {  	_ =	swait.ge [sflag:s14], $0x4000  }
0x6a: {  	[sflag:s14] =	ssyncset.done $0x0  }
0x6b: {  	[sflag:s14] =	ssyncadd.s32 $0xFFFFC000  }
0x6c: {  	_ =	swait.ge [sflag:s20], $0x4000  }
0x6d: {  	[sflag:s20] =	ssyncset.done $0x0  }
0x6e: {  	s30 =	simm.s32 $0x100;
	[sflag:s20] =	ssyncadd.s32 $0xFFFFC000  }
0x6f: {  	[tilespmem:s17], [sflag:$0x1] =	stream.indirect.gather [hbm4b:s4+s16], $0x80, s30, s16, $0xb8;
	[tilespmem:$0x1E800] =	vst v63  }
0x70: {  	s31 =	simm.s32 $0x1480  }
0x71: {  	[spmem:s1] =	stream.indirect.scatter.add.f32 [tilespmem:s19], [sflag:$0x3], $0x80, s31, s16, $0xb8;
	[tilespmem:$0x1E800] =	vst v63  }
0x72: {  	_ =	swait.ge [sflag:s14], $0x4000  }
0x73: {  	s25 =	simm.s32 $0x400;
	[sflag:s14] =	ssyncset.done $0x0  }
.LBB2_4:
0x74: {  	p0 =	sne.s32 s25, $0x4800  }
0x75: {  	[sflag:s14] =	ssyncadd.s32 $0xFFFFC000;
	s26 =	smov.u32 s25;
	s25 =	sadd.s32 $0x400, s25  }
0x76: {  	_ = 	snop  }
0x77: {  	_ =	swait.ge [sflag:s18], $0x4000  }
0x78: {  	s26 =	sshra.s32 s26, $0x2;
	[sflag:s18] =	ssyncset.done $0x0  }
0x79: {  	s28 =	sadd.s32 $0x80, s26;
	[sflag:s18] =	ssyncadd.s32 $0xFFFFC000  }
0x7a: {  	[tilespmem:s19], [sflag:$0x2] =	stream.indirect.gather [hbm4b:s4+s16], $0x80, s28, s16, $0xb8;
	[tilespmem:$0x1E800] =	vst v63  }
0x7b: {  	s28 =	sadd.s32 $0x1400, s26  }
0x7c: {  	[spmem:s1] =	stream.indirect.scatter.add.f32 [tilespmem:s17], [sflag:$0x3], $0x80, s28, s16, $0xb8;
	[tilespmem:$0x1E800] =	vst v63  }
0x7d: {  	_ =	swait.ge [sflag:s14], $0x4000  }
0x7e: {  	[sflag:s14] =	ssyncset.done $0x0  }
0x7f: {  	[sflag:s14] =	ssyncadd.s32 $0xFFFFC000  }
0x80: {  	_ =	swait.ge [sflag:s20], $0x4000  }
0x81: {  	[sflag:s20] =	ssyncset.done $0x0  }
0x82: {  	s28 =	sadd.s32 $0x100, s26;
	[sflag:s20] =	ssyncadd.s32 $0xFFFFC000  }
0x83: {  	[tilespmem:s17], [sflag:$0x1] =	stream.indirect.gather [hbm4b:s4+s16], $0x80, s28, s16, $0xb8;
	[tilespmem:$0x1E800] =	vst v63  }
.Ltmp1:
0x84: {  	_ = 	snop;
	(pc) =	sbr.rel @p0 .LBB2_4-.Ltmp1, $4  }
0x85: {  	s26 =	sadd.s32 $0x1480, s26  }
0x86: {  	[spmem:s1] =	stream.indirect.scatter.add.f32 [tilespmem:s19], [sflag:$0x3], $0x80, s26, s16, $0xb8;
	[tilespmem:$0x1E800] =	vst v63  }
0x87: {  	_ =	swait.ge [sflag:s14], $0x4000  }
0x88: {  	[sflag:s14] =	ssyncset.done $0x0  }
0x89: {  	[sflag:s14] =	ssyncadd.s32 $0xFFFFC000  }
0x8a: {  	_ =	swait.ge [sflag:s18], $0x4000  }
0x8b: {  	[sflag:s18] =	ssyncset.done $0x0  }
0x8c: {  	[sflag:s18] =	ssyncadd.s32 $0xFFFFC000  }
0x8d: {  	[tilespmem:s19], [sflag:$0x2] =	stream.indirect.gather [hbm4b:s4+s16], $0x80, s21, s16, $0xb8;
	[tilespmem:$0x1E800] =	vst v63  }
0x8e: {  	_ = 	snop  }
0x8f: {  	[spmem:s1] =	stream.indirect.scatter.add.f32 [tilespmem:s17], [sflag:$0x3], $0x80, s22, s16, $0xb8;
	[tilespmem:$0x1E800] =	vst v63  }
0x90: {  	_ =	swait.ge [sflag:s14], $0x4000  }
0x91: {  	[sflag:s14] =	ssyncset.done $0x0  }
0x92: {  	[sflag:s14] =	ssyncadd.s32 $0xFFFFC000  }
0x93: {  	_ =	swait.ge [sflag:s20], $0x4000  }
0x94: {  	[sflag:s20] =	ssyncset.done $0x0  }
0x95: {  	[sflag:s20] =	ssyncadd.s32 $0xFFFFC000  }
0x96: {  	[spmem:s1] =	stream.indirect.scatter.add.f32 [tilespmem:s19], [sflag:$0x3], $0x80, s23, s16, $0xb8;
	[tilespmem:$0x1E800] =	vst v63  }
0x97: {  	_ =	swait.ge [sflag:s14], $0x4000  }
0x98: {  	s24 =	sadd.s32 $0x1, s24;
	[sflag:s14] =	ssyncset.done $0x0  }
0x99: {  	p0 =	sne.s32 s24, s10;
	[sflag:s14] =	ssyncadd.s32 $0xFFFFC000  }
.Ltmp2:
0x9a: {  	[bflag:$0x0] =	sbarrier.arrive $0xFFFF;
	(pc) =	sbr.rel @p0 .LBB2_1-.Ltmp2, $4  }
0x9b: {  	[hbm:s9], [sflag:s12] =	dma.local [spmem:s13], $0x2800  }
0x9c: {  	_ =	swait.ge [sflag:s14], $0x2800  }
0x9d: {  	[sflag:s14] =	ssyncset.done $0x0  }
0x9e: {  	[sflag:s14] =	ssyncadd.s32 $0xFFFFD800  }
0x9f: {  	_ =	sfence.sel $0x180000  }
0xa0: {  	[bflag:$0x0] =	sbarrier.arrive $0xFFFF  }
0xa1: {  	p0 =	sne.s32 s2, $0x0;
	_ =	strace $0x90000056  }
0xa2: {  	s0 =	sadd.s32 @!p0 $0x100000, s0;
	[bflag:$0x2] =	sbarrier.arrive $0xFFFF  }
0xa3: {  	[sflag:s0] =	ssyncadd.tile.s32 @!p0 $0x1;
	_ =	shalt  }
.Lfunc_end2:
_tile_overlayer_lowered:
.L_overlay_start_2:
0xa4: {  	(tag) =	ssettag $0x2  }
0xa5: {  	s0 =	rddreg [dreg:$0x0];
	s2 =	stileid.u32  }
0xa6: {  	s1 =	rddreg [dreg:$0x1];
	p0 =	sne.s32 s2, $0x0  }
0xa7: {  	s3 =	rddreg [dreg:$0x2];
	[bflag:$0x3] =	sbarrier.arrive $0xFFFF;
	s2 =	simm.s32 @!p0 $0x1C03  }
0xa8: {  	[timem:s3], [sflag:s2] =	dma.local @!p0 [hbm:s0], s1  }
0xa9: {  	s0 =	simm.s32 @!p0 $0x3  }
0xaa: {  	_ =	swait.ge @!p0 [sflag:s0], s1  }
0xab: {  	s1 =	ssub.s32 @!p0 $0x0, s1;
	[sflag:s0] =	ssyncset.done @!p0 $0x0  }
0xac: {  	[sflag:s0] =	ssyncadd.s32 @!p0 s1  }
0xad: {  	[bflag:$0x3] =	sbarrier.arrive $0xFFFF  }
0xae: {  	_ =	shalt  }

// kernel: kernel.32.cloned.1.call-start
scs
__scs_entry_jumppad:
0x0: {  	(pc) =	sbr.rel $0x88, $3  }
0x1: {  	(tag) =	ssettag $0x0;
	lr =	simm.s32 $0x1  }
0x2: {  	[smem:$0x3F96] =	sst lr;
	_ =	strace $0xD0000000  }
0x3: {  	_ = 	snop  }
0x4: {  	_ = 	snop  }
0x5: {  	_ = 	snop  }
0x6: {  	_ = 	snop  }
0x7: {  	_ = 	snop  }
__scs_overlays_trampoline_lowered:
0x8: {  	[smem:$0x3FA5] =	sst s0  }
0x9: {  	[smem:$0x3FA6] =	sst s1  }
0xa: {  	[smem:$0x3FA7] =	sst s2  }
0xb: {  	[smem:$0x3FA8] =	sst s3  }
0xc: {  	[smem:$0x3FA9] =	sst s4  }
0xd: {  	[smem:$0x3FAA] =	sst s5  }
0xe: {  	[smem:$0x3FAB] =	sst s6  }
0xf: {  	[smem:$0x3FAC] =	sst s7  }
0x10: {  	[smem:$0x3FAD] =	sst s8  }
0x11: {  	[smem:$0x3FAE] =	sst s9;
	s0 =	simm.s32 @!p0 $0x0  }
0x12: {  	s1 =	sld [smem:$0x3F94];
	s0 =	simm.s32 @p0 $0x1  }
0x13: {  	[smem:$0x3FAF] =	sst s0;
	s0 =	simm.s32 @!p1 $0x0  }
0x14: {  	s2 =	sld [smem:$0x3F93];
	s0 =	simm.s32 @p1 $0x1  }
0x15: {  	[smem:$0x3FB0] =	sst s0;
	s0 =	simm.s32 @!p2 $0x0  }
0x16: {  	s3 =	sld [smem:$0x3FDB];
	s0 =	simm.s32 @p2 $0x1  }
0x17: {  	s4 =	simm.s32 $0x1BF5;
	[smem:$0x3FB2] =	sst s0  }
0x18: {  	s0 =	sld [smem:$0x3F95];
	_ =	swait.ge [sflag:s4], $0x0  }
0x19: {  	s7 =	sld [smem:$0x3F96]  }
0x1a: {  	s8 =	sadd.s32 $0xFFFFE003, lr  }
0x1b: {  	s9 =	sadd.s32 $0xFFFFFEF7, lr;
	s5 =	simm.s32 $0xFFFFFFFF;
	p2 =	slt.u32 s8, $0xFFFFF086  }
0x1c: {  	p1 =	slt.u32 s9, $0xF7A;
	s5 =	simm.s32 @!p2 $0x0  }
0x1d: {  	s5 =	simm.s32 @p1 $0x1;
	p0 =	seq.s32 s7, s2  }
0x1e: {  	s7 =	smul.u32 @!p0 $0xF7A, s2;
	p2 =	seq.s32 @!p0 s5, $0x0  }
0x1f: {  	s9 =	smul.u32 $0xF7A, s1;
	s8 =	simm.s32 @!p0 $0x1BF5;
	p2 =	por !p2, p0  }
0x20: {  	[sflag:s8] =	ssyncset.s32 @!p0 $0xFFFFF086;
	s6 =	sadd.s32 @!p0 s3, s7;
	s7 =	simm.s32 @!p0 $0x108  }
0x21: {  	s3 =	sadd.s32 s3, s9;
	s6 =	sadd.s32 @!p0 $0x88, s6;
	s7 =	simm.s32 @p2 $0x1082  }
0x22: {  	[simem:s7], [sflag:s8] =	dma.local @!p0 [hbm:s6], $0xF7A  }
0x23: {  	s9 =	sor.u32 $0xD0000000, s2;
	s6 =	simm.s32 $0x108;
	_ =	swait.ge @!p0 [sflag:s8], $0x0  }
0x24: {  	s3 =	sadd.s32 $0x88, s3;
	s6 =	simm.s32 @!p1 $0x1082;
	[sflag:s4] =	ssyncset.s32 $0xFFFFF086  }
0x25: {  	[simem:s6], [sflag:s4] =	dma.local [hbm:s3], $0xF7A  }
0x26: {  	[smem:$0x3F96] =	sst s1;
	(tag) =	ssettag s2;
	_ =	strace s9  }
0x27: {  	s1 =	sld [smem:$0x3FA6]  }
0x28: {  	s2 =	sld [smem:$0x3FA7]  }
0x29: {  	s4 =	sld [smem:$0x3FA9]  }
0x2a: {  	p0 =	seq.s32 s5, $0x0;
	s5 =	sld [smem:$0x3FAA]  }
0x2b: {  	s6 =	sld [smem:$0x3FAB]  }
0x2c: {  	s7 =	sld [smem:$0x3FAC]  }
0x2d: {  	s3 =	simm.s32 $0x108;
	s8 =	sld [smem:$0x3FAD]  }
0x2e: {  	s3 =	simm.s32 @!p0 $0x1082;
	s9 =	sld [smem:$0x3FAE]  }
0x2f: {  	lr =	sadd.s32 s0, s3;
	s0 =	sld [smem:$0x3FA5]  }
0x30: {  	s3 =	sld [smem:$0x3FA8]  }
0x31: {  	[smem:$0x3FB1] =	sst s10  }
0x32: {  	s10 =	sld [smem:$0x3FAF];
	_ =	sdelay $0x3  }
0x33: {  	p0 =	seq.s32 s10, $0x1;
	s10 =	sld [smem:$0x3FB1];
	_ =	sdelay $0x3  }
0x34: {  	[smem:$0x3FB1] =	sst s10  }
0x35: {  	s10 =	sld [smem:$0x3FB0];
	_ =	sdelay $0x3  }
0x36: {  	p1 =	seq.s32 s10, $0x1;
	s10 =	sld [smem:$0x3FB1];
	_ =	sdelay $0x3  }
0x37: {  	[smem:$0x3FB1] =	sst s10  }
0x38: {  	s10 =	sld [smem:$0x3FB2]  }
0x39: {  	_ = 	snop;
	(pc) =	sbr.ind lr, $3  }
0x3a: {  	_ = 	snop  }
0x3b: {  	_ = 	snop  }
0x3c: {  	p2 =	seq.s32 s10, $0x1;
	s10 =	sld [smem:$0x3FB1]  }
0x3d: {  	_ =	shalt  }
0x3e: {  	_ =	shalt  }
0x3f: {  	_ =	shalt  }
0x40: {  	_ =	shalt  }
0x41: {  	_ =	shalt  }
0x42: {  	_ =	shalt  }
0x43: {  	_ =	shalt  }
0x44: {  	_ =	shalt  }
0x45: {  	_ =	shalt  }
0x46: {  	_ =	shalt  }
0x47: {  	_ =	shalt  }
0x48: {  	_ =	shalt  }
0x49: {  	_ =	shalt  }
0x4a: {  	_ =	shalt  }
0x4b: {  	_ =	shalt  }
0x4c: {  	_ =	shalt  }
0x4d: {  	_ =	shalt  }
0x4e: {  	_ =	shalt  }
0x4f: {  	_ =	shalt  }
0x50: {  	_ =	shalt  }
0x51: {  	_ =	shalt  }
0x52: {  	_ =	shalt  }
0x53: {  	_ =	shalt  }
0x54: {  	_ =	shalt  }
0x55: {  	_ =	shalt  }
0x56: {  	_ =	shalt  }
0x57: {  	_ =	shalt  }
0x58: {  	_ =	shalt  }
0x59: {  	_ =	shalt  }
0x5a: {  	_ =	shalt  }
0x5b: {  	_ =	shalt  }
0x5c: {  	_ =	shalt  }
0x5d: {  	_ =	shalt  }
0x5e: {  	_ =	shalt  }
0x5f: {  	_ =	shalt  }
0x60: {  	_ =	shalt  }
0x61: {  	_ =	shalt  }
0x62: {  	_ =	shalt  }
0x63: {  	_ =	shalt  }
0x64: {  	_ =	shalt  }
0x65: {  	_ =	shalt  }
0x66: {  	_ =	shalt  }
0x67: {  	_ =	shalt  }
0x68: {  	_ =	shalt  }
0x69: {  	_ =	shalt  }
0x6a: {  	_ =	shalt  }
0x6b: {  	_ =	shalt  }
0x6c: {  	_ =	shalt  }
0x6d: {  	_ =	shalt  }
0x6e: {  	_ =	shalt  }
0x6f: {  	_ =	shalt  }
0x70: {  	_ =	shalt  }
0x71: {  	_ =	shalt  }
0x72: {  	_ =	shalt  }
0x73: {  	_ =	shalt  }
0x74: {  	_ =	shalt  }
0x75: {  	_ =	shalt  }
0x76: {  	_ =	shalt  }
0x77: {  	_ =	shalt  }
0x78: {  	_ =	shalt  }
0x79: {  	_ =	shalt  }
0x7a: {  	_ =	shalt  }
0x7b: {  	_ =	shalt  }
0x7c: {  	_ =	shalt  }
0x7d: {  	_ =	shalt  }
0x7e: {  	_ =	shalt  }
0x7f: {  	_ =	shalt  }
0x80: {  	_ =	shalt  }
0x81: {  	_ =	shalt  }
0x82: {  	_ =	shalt  }
0x83: {  	_ =	shalt  }
0x84: {  	_ =	shalt  }
0x85: {  	_ =	shalt  }
0x86: {  	_ =	shalt  }
0x87: {  	_ =	shalt  }
.Lfunc_end0:
.L_simem_size_0:
called_computation.6_lowered:
.L_overlay_start_0:
0x88: {  	s2 =	sld [smem:$0x3FD9]  }
0x89: {  	s3 =	sld [smem:$0x3FFE];
	_ =	sdelay $0x1  }
0x8a: {  	s1 =	srdreg.scid  }
0x8b: {  	s0 =	sand.u32 $0x1, s1  }
0x8c: {  	s16 =	sshll.u32 s0, $0xA;
	s2 =	sadd.s32 s3, s2  }
0x8d: {  	s2 =	sadd.s32 s2, s16  }
0x8e: {  	[smem:$0x3FBD] =	sst s2  }
0x8f: {  	_ = 	snop  }
0x90: {  	(tm) =	ssettm $0x1  }
0x91: {  	s17 =	sld [smem:$0x3FFB];
	_ =	sdelay $0x3  }
0x92: {  	_ =	strace s17  }
0x93: {  	s2 =	sld [smem:$0x3FFC];
	_ =	sdelay $0x3  }
0x94: {  	_ =	strace s2  }
0x95: {  	s2 =	sld [smem:$0x3FFD];
	_ =	sdelay $0x3  }
0x96: {  	_ =	strace s2  }
0x97: {  	_ =	strace $0x8FFFFFFF  }
0x98: {  	s18 =	sld [smem:$0x3FDB];
	_ =	sdelay $0x1  }
0x99: {  	s19 =	simm.s32 $_scs_section_size  }
0x9a: {  	s4 =	simm.s32 $_size__tile_overlayer_lowered;
	s5 =	simm.s32 $_tile_overlayer_lowered  }
0x9b: {  	s22 =	simm.s32 $0x1BFF;
	s21 =	sshll.u32 s5, $0x1;
	s2 =	sadd.s32 s19, s18  }
0x9c: {  	s6 =	simm.s32 $0x0;
	s20 =	sshll.u32 s4, $0x1;
	s4 =	sadd.s32 s21, s2  }
0x9d: {  	[timem:s6], [sflag:s22] =	dma.local [hbm:s4], s20  }
0x9e: {  	_ =	swait.ge [sflag:s22], s20  }
0x9f: {  	s3 =	ssub.s32 $0x0, s20;
	[sflag:s22] =	ssyncset.done $0x0  }
0xa0: {  	[sflag:s22] =	ssyncadd.s32 s3;
	_ =	sdelay $0x1  }
0xa1: {  	s23 =	simm.s32 $0x1B8B  }
0xa2: {  	_ =	swait.ge [sflag:s23], $0x1  }
0xa3: {  	[sflag:s23] =	ssyncset.done $0x0  }
0xa4: {  	s25 =	simm.s32 $0x1B8E;
	s24 =	sld [smem:$0x3FFE];
	[sflag:s23] =	ssyncadd.s32 $0xFFFFFFFF  }
0xa5: {  	s26 =	simm.s32 $execute0_lowered;
	[smem:$0x3FD2] =	sst s25  }
0xa6: {  	s4 =	sshll.u32 s26, $0x1;
	_ =	strace $0x80000058;
	[dreg:$0x1] =	wrdreg $0xFFFFFFFF  }
0xa7: {  	s28 =	simm.s32 $_size_execute0_lowered;
	s2 =	sadd.s32 s2, s4;
	[dreg:$0x0] =	wrdreg $0x0  }
0xa8: {  	s4 =	sshll.u32 s28, $0x1;
	[dreg:$0x2] =	wrdreg s2  }
0xa9: {  	[dreg:$0x3] =	wrdreg s4  }
0xaa: {  	[dreg:$0x4] =	wrdreg $0xC0  }
0xab: {  	_ =	task [dreg:s6], $0x5FFFF  }
0xac: {  	[dreg:$0x1] =	wrdreg $0xFFFFFFFF  }
0xad: {  	[dreg:$0x0] =	wrdreg $0x60  }
0xae: {  	[dreg:$0x2] =	wrdreg s24  }
0xaf: {  	[dreg:$0x3] =	wrdreg $0xA8000  }
0xb0: {  	[dreg:$0x4] =	wrdreg $0x9  }
0xb1: {  	_ =	task.clear_ibuf [dreg:s6], $0x5FFFF;
	_ =	strace $0x90000058  }
0xb2: {  	s29 =	simm.s32 $0x9;
	_ =	strace $0x8000005A  }
0xb3: {  	_ =	swait.ge [sflag:s29], $0x1  }
0xb4: {  	[sflag:s29] =	ssyncadd.s32 $0xFFFFFFFF  }
0xb5: {  	_ =	strace $0x9000005A  }
0xb6: {  	_ =	sfence  }
0xb7: {  	s30 =	sld [smem:$0x0];
	_ =	sdelay $0x2  }
0xb8: {  	s31 =	sshll.u32 s1, $0xD;
	s1 =	sshrl.u32 s1, $0x2  }
0xb9: {  	s3 =	sand.u32 $0x4000, s31;
	s1 =	sadd.s32 s1, s30  }
0xba: {  	s0 =	sor.u32 s3, s0;
	s1 =	sshll.u32 s1, $0x11  }
0xbb: {  	s0 =	sor.u32 s1, s0  }
0xbc: {  	s0 =	sadd.s32 $0x8F2B, s0  }
0xbd: {  	[sflag:s0] =	ssyncadd.remote.s32 $0x1  }
0xbe: {  	_ =	sfence.sel $0xFFFF  }
0xbf: {  	[dreg:$0x0] =	wrdreg $0xFFFFFFFF;
	(pc) =	sbr.abs _section_cstart, $3  }
0xc0: {  	[dreg:$0x1] =	wrdreg $0xFFFFFFFF  }
0xc1: {  	_ =	task.clear_ibuf [dreg:s6], $0x2FFFF;
	_ =	strace $0x9FFFFFFF  }
0xc2: {  	(tm) =	ssettm $0x7FFFFFFF  }
0xc3: {  	_ =	shalt  }
tec
execute0_lowered:
.L_overlay_start_1:
0x0: {  	(tag) =	ssettag $0x1  }
0x1: {  	s5 =	rddreg [dreg:$0x0]  }
0x2: {  	s1 =	rddreg [dreg:$0x1]  }
0x3: {  	s0 =	rddreg [dreg:$0x2]  }
0x4: {  	s3 =	simm.s32 $0x0;
	s2 =	srdreg.scid;
	s16 =	simm.s32 $0x80  }
0x5: {  	s17 =	simm.s32 $0x2800;
	s18 =	simm.s32 $0x1;
	s19 =	simm.s32 $0x6800  }
0x6: {  	s20 =	simm.s32 $0x2;
	s21 =	simm.s32 $0x1380;
	s22 =	simm.s32 $0x2700  }
0x7: {  	s23 =	simm.s32 $0x2780;
	s24 =	simm.s32 $0x0;
	[smem:$0x7FF] =	sst s3  }
0x8: {  	s6 =	sand.u32 $0x1, s2;
	s2 =	stileid.u32;
	s4 =	sadd.s32 $0x41000, s5  }
0x9: {  	s10 =	sadd.s32 $0x69000, s5;
	s9 =	sadd.s32 $0xE1000, s5;
	s7 =	smul.u32 $0x140000, s6  }
0xa: {  	s11 =	sadd.s32 $0x37000, s5;
	_ =	strace $0x80000059;
	s8 =	smul.u32 $0x14000, s2  }
0xb: {  	s26 =	sshll.u32 s2, $0x1;
	s12 =	ssub.s32 $0x2, s6;
	s13 =	smul.u32 $0x50000, s2  }
0xc: {  	p0 =	seq.s32 s6, $0x1;
	s30 =	smul.u32 $0x2800, s2;
	s31 =	sshll.u32 s2, $0x6  }
0xd: {  	s14 =	sshrl.u32 s12, $0x1;
	s7 =	sadd.s32 s8, s7;
	s8 =	sor.u32 s6, s26  }
0xe: {  	s12 =	ssub.s32 s12, s14;
	s28 =	sshrl.u32 s13, $0x2;
	s8 =	smul.u32 $0x2800, s8  }
0xf: {  	s14 =	simm.s32 $0x3;
	s7 =	sshrl.u32 s7, $0x3;
	s13 =	sadd.s32 s28, s1  }
0x10: {  	s15 =	sadd.s32 s7, s5;
	s13 =	sshrl.u32 s13, $0x3;
	s29 =	sshrl.u32 s8, $0x3  }
0x11: {  	s5 =	sadd.s32 s9, s29;
	s8 =	sadd.s32 $0x280, s29;
	s6 =	sadd.s32 s11, s29  }
0x12: {  	s7 =	sadd.s32 s9, s8;
	s8 =	sadd.s32 s11, s8;
	s11 =	smov.u32 s4  }
0x13: {  	s9 =	sadd.s32 $0x91000, s15;
	s15 =	simm.s32 $0x1400;
	s11 =	smov.u32 @p0 s10  }
0x14: {  	s10 =	smax.u32 s12, $0x1;
	s12 =	sor.u32 $0x1C03, s31;
	s11 =	sadd.s32 s11, s30  }
.LBB2_1:
0x15: {  	[spmem:s13], [sflag:s12] =	dma.local [hbm:s11], $0x2800  }
0x16: {  	_ =	swait.ge [sflag:s14], $0x2800  }
0x17: {  	[sflag:s14] =	ssyncset.done $0x0  }
0x18: {  	[sflag:s14] =	ssyncadd.s32 $0xFFFFD800  }
0x19: {  	[bflag:$0x0] =	sbarrier.arrive $0xFFFF  }
0x1a: {  	[tilespmem:s3], [sflag:$0x3] =	stream.linear.gather [hbm4b:s5+s3], $0x1400, $0x38;
	[tilespmem:$0x1E800] =	vst v63  }
0x1b: {  	_ =	swait.ge [sflag:s14], $0x1400  }
0x1c: {  	[sflag:s14] =	ssyncset.done $0x0  }
0x1d: {  	[sflag:s14] =	ssyncadd.s32 $0xFFFFEC00  }
0x1e: {  	[tilespmem:s15], [sflag:$0x3] =	stream.linear.gather [hbm4b:s6+s3], $0x1400, $0x38;
	[tilespmem:$0x1E800] =	vst v63  }
0x1f: {  	_ =	swait.ge [sflag:s14], $0x1400  }
0x20: {  	[sflag:s14] =	ssyncset.done $0x0  }
0x21: {  	[sflag:s14] =	ssyncadd.s32 $0xFFFFEC00  }
0x22: {  	[tilespmem:s17], [sflag:$0x1] =	stream.indirect.gather [hbm4b:s4+s16], $0x80, s3, s16, $0xb8;
	[tilespmem:$0x1E800] =	vst v63  }
0x23: {  	_ =	swait.ge [sflag:s18], $0x4000  }
0x24: {  	[sflag:s18] =	ssyncset.done $0x0  }
0x25: {  	s25 =	simm.s32 $0x80;
	[sflag:s18] =	ssyncadd.s32 $0xFFFFC000  }
0x26: {  	[tilespmem:s19], [sflag:$0x2] =	stream.indirect.gather [hbm4b:s4+s16], $0x80, s25, s16, $0xb8;
	[tilespmem:$0x1E800] =	vst v63  }
0x27: {  	s29 =	simm.s32 $0x1400  }
0x28: {  	[spmem:s1] =	stream.indirect.scatter.add.f32 [tilespmem:s17], [sflag:$0x3], $0x80, s29, s16, $0xb8;
	[tilespmem:$0x1E800] =	vst v63  }
0x29: {  	_ =	swait.ge [sflag:s14], $0x4000  }
0x2a: {  	[sflag:s14] =	ssyncset.done $0x0  }
0x2b: {  	[sflag:s14] =	ssyncadd.s32 $0xFFFFC000  }
0x2c: {  	_ =	swait.ge [sflag:s20], $0x4000  }
0x2d: {  	[sflag:s20] =	ssyncset.done $0x0  }
0x2e: {  	s30 =	simm.s32 $0x100;
	[sflag:s20] =	ssyncadd.s32 $0xFFFFC000  }
0x2f: {  	[tilespmem:s17], [sflag:$0x1] =	stream.indirect.gather [hbm4b:s4+s16], $0x80, s30, s16, $0xb8;
	[tilespmem:$0x1E800] =	vst v63  }
0x30: {  	s31 =	simm.s32 $0x1480  }
0x31: {  	[spmem:s1] =	stream.indirect.scatter.add.f32 [tilespmem:s19], [sflag:$0x3], $0x80, s31, s16, $0xb8;
	[tilespmem:$0x1E800] =	vst v63  }
0x32: {  	_ =	swait.ge [sflag:s14], $0x4000  }
0x33: {  	s25 =	simm.s32 $0x400;
	[sflag:s14] =	ssyncset.done $0x0  }
.LBB2_2:
0x34: {  	p0 =	sne.s32 s25, $0x4800  }
0x35: {  	[sflag:s14] =	ssyncadd.s32 $0xFFFFC000;
	s26 =	smov.u32 s25;
	s25 =	sadd.s32 $0x400, s25  }
0x36: {  	_ = 	snop  }
0x37: {  	_ =	swait.ge [sflag:s18], $0x4000  }
0x38: {  	s26 =	sshra.s32 s26, $0x2;
	[sflag:s18] =	ssyncset.done $0x0  }
0x39: {  	s28 =	sadd.s32 $0x80, s26;
	[sflag:s18] =	ssyncadd.s32 $0xFFFFC000  }
0x3a: {  	[tilespmem:s19], [sflag:$0x2] =	stream.indirect.gather [hbm4b:s4+s16], $0x80, s28, s16, $0xb8;
	[tilespmem:$0x1E800] =	vst v63  }
0x3b: {  	s28 =	sadd.s32 $0x1400, s26  }
0x3c: {  	[spmem:s1] =	stream.indirect.scatter.add.f32 [tilespmem:s17], [sflag:$0x3], $0x80, s28, s16, $0xb8;
	[tilespmem:$0x1E800] =	vst v63  }
0x3d: {  	_ =	swait.ge [sflag:s14], $0x4000  }
0x3e: {  	[sflag:s14] =	ssyncset.done $0x0  }
0x3f: {  	[sflag:s14] =	ssyncadd.s32 $0xFFFFC000  }
0x40: {  	_ =	swait.ge [sflag:s20], $0x4000  }
0x41: {  	[sflag:s20] =	ssyncset.done $0x0  }
0x42: {  	s28 =	sadd.s32 $0x100, s26;
	[sflag:s20] =	ssyncadd.s32 $0xFFFFC000  }
0x43: {  	[tilespmem:s17], [sflag:$0x1] =	stream.indirect.gather [hbm4b:s4+s16], $0x80, s28, s16, $0xb8;
	[tilespmem:$0x1E800] =	vst v63  }
.Ltmp0:
0x44: {  	_ = 	snop;
	(pc) =	sbr.rel @p0 .LBB2_2-.Ltmp0, $4  }
0x45: {  	s26 =	sadd.s32 $0x1480, s26  }
0x46: {  	[spmem:s1] =	stream.indirect.scatter.add.f32 [tilespmem:s19], [sflag:$0x3], $0x80, s26, s16, $0xb8;
	[tilespmem:$0x1E800] =	vst v63  }
0x47: {  	_ =	swait.ge [sflag:s14], $0x4000  }
0x48: {  	[sflag:s14] =	ssyncset.done $0x0  }
0x49: {  	[sflag:s14] =	ssyncadd.s32 $0xFFFFC000  }
0x4a: {  	_ =	swait.ge [sflag:s18], $0x4000  }
0x4b: {  	[sflag:s18] =	ssyncset.done $0x0  }
0x4c: {  	[sflag:s18] =	ssyncadd.s32 $0xFFFFC000  }
0x4d: {  	[tilespmem:s19], [sflag:$0x2] =	stream.indirect.gather [hbm4b:s4+s16], $0x80, s21, s16, $0xb8;
	[tilespmem:$0x1E800] =	vst v63  }
0x4e: {  	_ = 	snop  }
0x4f: {  	[spmem:s1] =	stream.indirect.scatter.add.f32 [tilespmem:s17], [sflag:$0x3], $0x80, s22, s16, $0xb8;
	[tilespmem:$0x1E800] =	vst v63  }
0x50: {  	_ =	swait.ge [sflag:s14], $0x4000  }
0x51: {  	[sflag:s14] =	ssyncset.done $0x0  }
0x52: {  	[sflag:s14] =	ssyncadd.s32 $0xFFFFC000  }
0x53: {  	_ =	swait.ge [sflag:s20], $0x4000  }
0x54: {  	[sflag:s20] =	ssyncset.done $0x0  }
0x55: {  	[sflag:s20] =	ssyncadd.s32 $0xFFFFC000  }
0x56: {  	[spmem:s1] =	stream.indirect.scatter.add.f32 [tilespmem:s19], [sflag:$0x3], $0x80, s23, s16, $0xb8;
	[tilespmem:$0x1E800] =	vst v63  }
0x57: {  	_ =	swait.ge [sflag:s14], $0x4000  }
0x58: {  	[sflag:s14] =	ssyncset.done $0x0  }
0x59: {  	s25 =	simm.s32 $0x0;
	[sflag:s14] =	ssyncadd.s32 $0xFFFFC000  }
0x5a: {  	[tilespmem:s25], [sflag:$0x3] =	stream.linear.gather [hbm4b:s7+s25], $0x1400, $0x38;
	[tilespmem:$0x1E800] =	vst v63  }
0x5b: {  	_ =	swait.ge [sflag:s14], $0x1400  }
0x5c: {  	[sflag:s14] =	ssyncset.done $0x0  }
0x5d: {  	[sflag:s14] =	ssyncadd.s32 $0xFFFFEC00  }
0x5e: {  	[tilespmem:s15], [sflag:$0x3] =	stream.linear.gather [hbm4b:s8+s25], $0x1400, $0x38;
	[tilespmem:$0x1E800] =	vst v63  }
0x5f: {  	_ =	swait.ge [sflag:s14], $0x1400  }
0x60: {  	[sflag:s14] =	ssyncset.done $0x0  }
0x61: {  	[sflag:s14] =	ssyncadd.s32 $0xFFFFEC00  }
0x62: {  	[tilespmem:s17], [sflag:$0x1] =	stream.indirect.gather [hbm4b:s4+s16], $0x80, s25, s16, $0xb8;
	[tilespmem:$0x1E800] =	vst v63  }
0x63: {  	_ =	swait.ge [sflag:s18], $0x4000  }
0x64: {  	[sflag:s18] =	ssyncset.done $0x0  }
0x65: {  	s28 =	simm.s32 $0x80;
	[sflag:s18] =	ssyncadd.s32 $0xFFFFC000  }
0x66: {  	[tilespmem:s19], [sflag:$0x2] =	stream.indirect.gather [hbm4b:s4+s16], $0x80, s28, s16, $0xb8;
	[tilespmem:$0x1E800] =	vst v63  }
0x67: {  	s29 =	simm.s32 $0x1400  }
0x68: {  	[spmem:s1] =	stream.indirect.scatter.add.f32 [tilespmem:s17], [sflag:$0x3], $0x80, s29, s16, $0xb8;
	[tilespmem:$0x1E800] =	vst v63  }
0x69: {  	_ =	swait.ge [sflag:s14], $0x4000  }
0x6a: {  	[sflag:s14] =	ssyncset.done $0x0  }
0x6b: {  	[sflag:s14] =	ssyncadd.s32 $0xFFFFC000  }
0x6c: {  	_ =	swait.ge [sflag:s20], $0x4000  }
0x6d: {  	[sflag:s20] =	ssyncset.done $0x0  }
0x6e: {  	s30 =	simm.s32 $0x100;
	[sflag:s20] =	ssyncadd.s32 $0xFFFFC000  }
0x6f: {  	[tilespmem:s17], [sflag:$0x1] =	stream.indirect.gather [hbm4b:s4+s16], $0x80, s30, s16, $0xb8;
	[tilespmem:$0x1E800] =	vst v63  }
0x70: {  	s31 =	simm.s32 $0x1480  }
0x71: {  	[spmem:s1] =	stream.indirect.scatter.add.f32 [tilespmem:s19], [sflag:$0x3], $0x80, s31, s16, $0xb8;
	[tilespmem:$0x1E800] =	vst v63  }
0x72: {  	_ =	swait.ge [sflag:s14], $0x4000  }
0x73: {  	s25 =	simm.s32 $0x400;
	[sflag:s14] =	ssyncset.done $0x0  }
.LBB2_4:
0x74: {  	p0 =	sne.s32 s25, $0x4800  }
0x75: {  	[sflag:s14] =	ssyncadd.s32 $0xFFFFC000;
	s26 =	smov.u32 s25;
	s25 =	sadd.s32 $0x400, s25  }
0x76: {  	_ = 	snop  }
0x77: {  	_ =	swait.ge [sflag:s18], $0x4000  }
0x78: {  	s26 =	sshra.s32 s26, $0x2;
	[sflag:s18] =	ssyncset.done $0x0  }
0x79: {  	s28 =	sadd.s32 $0x80, s26;
	[sflag:s18] =	ssyncadd.s32 $0xFFFFC000  }
0x7a: {  	[tilespmem:s19], [sflag:$0x2] =	stream.indirect.gather [hbm4b:s4+s16], $0x80, s28, s16, $0xb8;
	[tilespmem:$0x1E800] =	vst v63  }
0x7b: {  	s28 =	sadd.s32 $0x1400, s26  }
0x7c: {  	[spmem:s1] =	stream.indirect.scatter.add.f32 [tilespmem:s17], [sflag:$0x3], $0x80, s28, s16, $0xb8;
	[tilespmem:$0x1E800] =	vst v63  }
0x7d: {  	_ =	swait.ge [sflag:s14], $0x4000  }
0x7e: {  	[sflag:s14] =	ssyncset.done $0x0  }
0x7f: {  	[sflag:s14] =	ssyncadd.s32 $0xFFFFC000  }
0x80: {  	_ =	swait.ge [sflag:s20], $0x4000  }
0x81: {  	[sflag:s20] =	ssyncset.done $0x0  }
0x82: {  	s28 =	sadd.s32 $0x100, s26;
	[sflag:s20] =	ssyncadd.s32 $0xFFFFC000  }
0x83: {  	[tilespmem:s17], [sflag:$0x1] =	stream.indirect.gather [hbm4b:s4+s16], $0x80, s28, s16, $0xb8;
	[tilespmem:$0x1E800] =	vst v63  }
.Ltmp1:
0x84: {  	_ = 	snop;
	(pc) =	sbr.rel @p0 .LBB2_4-.Ltmp1, $4  }
0x85: {  	s26 =	sadd.s32 $0x1480, s26  }
0x86: {  	[spmem:s1] =	stream.indirect.scatter.add.f32 [tilespmem:s19], [sflag:$0x3], $0x80, s26, s16, $0xb8;
	[tilespmem:$0x1E800] =	vst v63  }
0x87: {  	_ =	swait.ge [sflag:s14], $0x4000  }
0x88: {  	[sflag:s14] =	ssyncset.done $0x0  }
0x89: {  	[sflag:s14] =	ssyncadd.s32 $0xFFFFC000  }
0x8a: {  	_ =	swait.ge [sflag:s18], $0x4000  }
0x8b: {  	[sflag:s18] =	ssyncset.done $0x0  }
0x8c: {  	[sflag:s18] =	ssyncadd.s32 $0xFFFFC000  }
0x8d: {  	[tilespmem:s19], [sflag:$0x2] =	stream.indirect.gather [hbm4b:s4+s16], $0x80, s21, s16, $0xb8;
	[tilespmem:$0x1E800] =	vst v63  }
0x8e: {  	_ = 	snop  }
0x8f: {  	[spmem:s1] =	stream.indirect.scatter.add.f32 [tilespmem:s17], [sflag:$0x3], $0x80, s22, s16, $0xb8;
	[tilespmem:$0x1E800] =	vst v63  }
0x90: {  	_ =	swait.ge [sflag:s14], $0x4000  }
0x91: {  	[sflag:s14] =	ssyncset.done $0x0  }
0x92: {  	[sflag:s14] =	ssyncadd.s32 $0xFFFFC000  }
0x93: {  	_ =	swait.ge [sflag:s20], $0x4000  }
0x94: {  	[sflag:s20] =	ssyncset.done $0x0  }
0x95: {  	[sflag:s20] =	ssyncadd.s32 $0xFFFFC000  }
0x96: {  	[spmem:s1] =	stream.indirect.scatter.add.f32 [tilespmem:s19], [sflag:$0x3], $0x80, s23, s16, $0xb8;
	[tilespmem:$0x1E800] =	vst v63  }
0x97: {  	_ =	swait.ge [sflag:s14], $0x4000  }
0x98: {  	s24 =	sadd.s32 $0x1, s24;
	[sflag:s14] =	ssyncset.done $0x0  }
0x99: {  	p0 =	sne.s32 s24, s10;
	[sflag:s14] =	ssyncadd.s32 $0xFFFFC000  }
.Ltmp2:
0x9a: {  	[bflag:$0x0] =	sbarrier.arrive $0xFFFF;
	(pc) =	sbr.rel @p0 .LBB2_1-.Ltmp2, $4  }
0x9b: {  	[hbm:s9], [sflag:s12] =	dma.local [spmem:s13], $0x2800  }
0x9c: {  	_ =	swait.ge [sflag:s14], $0x2800  }
0x9d: {  	[sflag:s14] =	ssyncset.done $0x0  }
0x9e: {  	[sflag:s14] =	ssyncadd.s32 $0xFFFFD800  }
0x9f: {  	_ =	sfence.sel $0x180000  }
0xa0: {  	[bflag:$0x0] =	sbarrier.arrive $0xFFFF  }
0xa1: {  	p0 =	sne.s32 s2, $0x0;
	_ =	strace $0x90000059  }
0xa2: {  	s0 =	sadd.s32 @!p0 $0x100000, s0;
	[bflag:$0x2] =	sbarrier.arrive $0xFFFF  }
0xa3: {  	[sflag:s0] =	ssyncadd.tile.s32 @!p0 $0x1;
	_ =	shalt  }
.Lfunc_end2:
_tile_overlayer_lowered:
.L_overlay_start_2:
0xa4: {  	(tag) =	ssettag $0x2  }
0xa5: {  	s0 =	rddreg [dreg:$0x0];
	s2 =	stileid.u32  }
0xa6: {  	s1 =	rddreg [dreg:$0x1];
	p0 =	sne.s32 s2, $0x0  }
0xa7: {  	s3 =	rddreg [dreg:$0x2];
	[bflag:$0x3] =	sbarrier.arrive $0xFFFF;
	s2 =	simm.s32 @!p0 $0x1C03  }
0xa8: {  	[timem:s3], [sflag:s2] =	dma.local @!p0 [hbm:s0], s1  }
0xa9: {  	s0 =	simm.s32 @!p0 $0x3  }
0xaa: {  	_ =	swait.ge @!p0 [sflag:s0], s1  }
0xab: {  	s1 =	ssub.s32 @!p0 $0x0, s1;
	[sflag:s0] =	ssyncset.done @!p0 $0x0  }
0xac: {  	[sflag:s0] =	ssyncadd.s32 @!p0 s1  }
0xad: {  	[bflag:$0x3] =	sbarrier.arrive $0xFFFF  }
0xae: {  	_ =	shalt  }

</sc_bundles>
